<compile_context>
chip_gen: v7x
topology: tpu7x:2x2x1
jax: 0.10.2.dev20260603
libtpu: 0.0.44.dev20260713+nightly
codegen_flags: <defaults>
</compile_context>

<pallas_src>
import functools

import jax
import jax.numpy as jnp
from jax import lax
from jax.experimental import pallas as pl
from jax.experimental.pallas import tpu as pltpu
from jax.experimental.pallas import tpu_sc as plsc


def _matmul_body(h_ref, w_ref, o_ref):
    o_ref[...] = jnp.dot(h_ref[...], w_ref[0],
                         preferred_element_type=jnp.float32)


def _combine_body(self_ref, m_ref, deg_ref, b_ref, o_ref):
    inv = (1.0 / jnp.maximum(deg_ref[:, 0], 1.0))[:, None]
    o_ref[...] = self_ref[...] + b_ref[0] + m_ref[...] * inv


def kernel(h, edge_index, edge_type, num_nodes, weight, W_self, b_self):
    N, D = h.shape
    R = weight.shape[0]
    E = edge_type.shape[0]

    NS, L = 16, 16
    NW = NS
    CHUNK = 96
    ROWS_PT = (N + NS - 1) // NS + 1
    ROWS_PT = (ROWS_PT + 7) // 8 * 8
    NPAD = ROWS_PT * NS
    TRASH = N

    NCH = -(-E // (NW * CHUNK))
    NCH = (NCH + 3) // 4 * 4
    NCHA = NCH + 4
    EPAD = NW * NCH * CHUNK

    src = edge_index[0]
    dst = edge_index[1]
    npad_e = EPAD - E
    pad_g = (jnp.arange(npad_e, dtype=jnp.int32) * 64) % (R * N)
    pad_d = TRASH + (jnp.arange(npad_e, dtype=jnp.int32) % (NPAD - N))
    gidx = jnp.concatenate([edge_type * N + src, pad_g]).reshape(NW, NCH, CHUNK)
    didx = jnp.concatenate([dst, pad_d]).reshape(NW, NCH, CHUNK)
    gidx = jnp.concatenate(
        [gidx, jnp.zeros((NW, NCHA - NCH, CHUNK), jnp.int32)], axis=1)
    didx = jnp.concatenate(
        [didx, jnp.full((NW, NCHA - NCH, CHUNK), TRASH, jnp.int32)], axis=1)
    idx_hbm_arr = jnp.stack([gidx, didx], axis=2)
    w_cat = jnp.concatenate([weight, W_self[None]], axis=0)

    BN = 1000
    NB = N // BN
    hw_all = pl.pallas_call(
        _matmul_body,
        grid=(NB, R + 1),
        in_specs=[
            pl.BlockSpec((BN, D), lambda j, r: (j, 0)),
            pl.BlockSpec((1, D, D), lambda j, r: (r, 0, 0)),
        ],
        out_specs=pl.BlockSpec((BN, D), lambda j, r: (r * NB + j, 0)),
        out_shape=jax.ShapeDtypeStruct(((R + 1) * N, D), jnp.float32),
    )(h, w_cat)

    mesh = plsc.VectorSubcoreMesh(
        core_axis_name="c", subcore_axis_name="s", num_cores=1)

    @functools.partial(
        pl.kernel,
        mesh=mesh,
        compiler_params=pltpu.CompilerParams(use_tc_tiling_on_sc=False),
        out_type=[
            jax.ShapeDtypeStruct((NPAD, D), jnp.float32),
            jax.ShapeDtypeStruct((NPAD, L), jnp.float32),
        ],
        scratch_types=[
            pltpu.VMEM((2, 2, CHUNK), jnp.int32),
            pltpu.VMEM((2, 2, CHUNK), jnp.int32),
            pltpu.VMEM((CHUNK, D), jnp.float32),
            pltpu.VMEM((CHUNK, D), jnp.float32),
            pltpu.VMEM((CHUNK, L), jnp.float32),
            pltpu.VMEM_SHARED((NPAD, D), jnp.float32),
            pltpu.VMEM_SHARED((NPAD, L), jnp.float32),
            pltpu.SemaphoreType.DMA,
            pltpu.SemaphoreType.DMA,
            pltpu.SemaphoreType.DMA,
            pltpu.SemaphoreType.DMA,
        ],
    )
    def sc_scatter(hw_hbm, idx_hbm, m_out, deg_out,
                   slot0, slot1, buf_a, buf_b, one16_v, m_sh, deg_sh,
                   sem_a, sem_b, sem_i0, sem_i1):
        sid = lax.axis_index("s")
        wid = sid
        base = sid * ROWS_PT

        zeros16 = jnp.zeros((L,), jnp.float32)
        ones16 = jnp.ones((L,), jnp.float32)

        def _fill(buf, val16):
            def _row(i, carry):
                for t in range(D // L):
                    buf[i, pl.ds(t * L, L)] = val16
                return carry
            lax.fori_loop(0, CHUNK, _row, 0)

        _fill(buf_a, zeros16)

        nfull = ROWS_PT // CHUNK
        tail = ROWS_PT - nfull * CHUNK
        nslices = nfull + (1 if tail else 0)

        def _zero_acc():
            for k in range(nfull):
                pltpu.sync_copy(buf_a, m_sh.at[pl.ds(base + k * CHUNK, CHUNK)])
            if tail:
                pltpu.sync_copy(buf_a.at[pl.ds(0, tail)],
                                m_sh.at[pl.ds(base + nfull * CHUNK, tail)])

        def _prime():
            pltpu.async_copy(idx_hbm.at[wid, pl.ds(0, 2)], slot0, sem_i0)
            pltpu.async_copy(idx_hbm.at[wid, pl.ds(2, 2)], slot1, sem_i1)

        def _slot_wait(slot, sem_i):
            pltpu.make_async_copy(
                idx_hbm.at[wid, pl.ds(0, 2)], slot, sem_i).wait()

        def _drain():
            _slot_wait(slot0, sem_i0)
            _slot_wait(slot1, sem_i1)

        def _fill16(val16):
            def _row(i, carry):
                one16_v[i] = val16
                return carry
            lax.fori_loop(0, CHUNK, _row, 0)

        _fill16(zeros16)
        _zero_acc()
        iota16 = lax.iota(jnp.int32, L)
        for k in range(nslices):
            for t in range(CHUNK // L):
                j0 = k * CHUNK + t * L
                vals = jnp.minimum(iota16 + j0, ROWS_PT - 1) + base
                slot0[0, 0, pl.ds(t * L, L)] = vals
            pltpu.sync_copy(one16_v, deg_sh.at[slot0.at[0, 0]])
        plsc.subcore_barrier()
        _prime()

        def _half(c_next, slot, sem_i):
            _slot_wait(slot, sem_i)
            cp_a = pltpu.async_copy(hw_hbm.at[slot.at[0, 0]], buf_a, sem_a)
            cp_b = pltpu.async_copy(hw_hbm.at[slot.at[1, 0]], buf_b, sem_b)
            cp_a.wait()
            pltpu.sync_copy(buf_a, m_sh.at[slot.at[0, 1]], add=True)
            cp_b.wait()
            pltpu.sync_copy(buf_b, m_sh.at[slot.at[1, 1]], add=True)
            pltpu.async_copy(idx_hbm.at[wid, pl.ds(c_next, 2)], slot, sem_i)

        def _body(i, carry):
            c0 = i * 4
            _half(c0 + 4, slot0, sem_i0)
            _half(c0 + 6, slot1, sem_i1)
            return carry

        lax.fori_loop(0, NCH // 4, _body, 0)
        _drain()
        plsc.subcore_barrier()

        def _writeout(dst_hbm):
            for k in range(nslices):
                off = base + k * CHUNK
                rows = CHUNK if k < nfull else tail
                pltpu.sync_copy(m_sh.at[pl.ds(off, rows)],
                                buf_a.at[pl.ds(0, rows)])
                pltpu.sync_copy(buf_a.at[pl.ds(0, rows)],
                                dst_hbm.at[pl.ds(off, rows)])

        _writeout(m_out)
        plsc.subcore_barrier()

        _fill16(ones16)
        plsc.subcore_barrier()
        _prime()

        def _dhalf(c_next, slot, sem_i):
            _slot_wait(slot, sem_i)
            pltpu.sync_copy(one16_v, deg_sh.at[slot.at[0, 1]], add=True)
            pltpu.sync_copy(one16_v, deg_sh.at[slot.at[1, 1]], add=True)
            pltpu.async_copy(idx_hbm.at[wid, pl.ds(c_next, 2)], slot, sem_i)

        def _dbody(i, carry):
            c0 = i * 4
            _dhalf(c0 + 4, slot0, sem_i0)
            _dhalf(c0 + 6, slot1, sem_i1)
            return carry

        lax.fori_loop(0, NCH // 4, _dbody, 0)
        _drain()
        plsc.subcore_barrier()
        for k in range(nslices):
            off = base + k * CHUNK
            rows = CHUNK if k < nfull else tail
            for t in range(CHUNK // L):
                j0 = k * CHUNK + t * L
                vals = jnp.minimum(iota16 + j0, ROWS_PT - 1) + base
                slot0[0, 0, pl.ds(t * L, L)] = vals
            pltpu.sync_copy(deg_sh.at[slot0.at[0, 0]], one16_v)
            pltpu.sync_copy(one16_v.at[pl.ds(0, rows)],
                            deg_out.at[pl.ds(off, rows)])

    m_sum, deg_sum = sc_scatter(hw_all, idx_hbm_arr)

    out = pl.pallas_call(
        _combine_body,
        grid=(NB,),
        in_specs=[
            pl.BlockSpec((BN, D), lambda j: (R * NB + j, 0)),
            pl.BlockSpec((BN, D), lambda j: (j, 0)),
            pl.BlockSpec((BN, L), lambda j: (j, 0)),
            pl.BlockSpec((1, D), lambda j: (0, 0)),
        ],
        out_specs=pl.BlockSpec((BN, D), lambda j: (j, 0)),
        out_shape=jax.ShapeDtypeStruct((N, D), jnp.float32),
    )(hw_all, m_sum, deg_sum, b_self.reshape(1, D))
    return out

# --- scband reference (transcript-rebuilt; emitter-appended) ---
"""Pipeline reference for scband-rgcnlayer-29076928594373 (READ-ONLY COPY).

The authoritative reference and input builder live on the scoring server;
editing this copy changes nothing except your own understanding.
"""

import jax, jax.numpy as jnp
import numpy as np

N = 10000
E = 320000
DIN = 128
DOUT = 128
R = 8


def setup_inputs(seed: int = 0) -> dict:
    key = jax.random.key(seed)
    k1, k2, k3, k4, k5 = jax.random.split(key, 5)
    h = jax.random.normal(k1, (N, DIN), dtype=jnp.float32)
    edge_index = jax.random.randint(k2, (2, E), 0, N, dtype=jnp.int32)
    edge_type = jax.random.randint(k3, (E,), 0, R, dtype=jnp.int32)
    # xavier-uniform-like init for relation weights and self-loop linear
    limit_w = float(np.sqrt(6.0 / (DIN + DOUT)))
    weight = jax.random.uniform(k4, (R, DIN, DOUT), dtype=jnp.float32, minval=-limit_w, maxval=limit_w)
    W_self = jax.random.uniform(k5, (DIN, DOUT), dtype=jnp.float32, minval=-limit_w, maxval=limit_w)
    b_self = jnp.zeros((DOUT,), dtype=jnp.float32)
    return {
        "h": h,
        "edge_index": edge_index,
        "edge_type": edge_type,
        "num_nodes": N,
        "weight": weight,
        "W_self": W_self,
        "b_self": b_self,
    }


def reference(h, edge_index, edge_type, num_nodes, weight, W_self, b_self):
    src = edge_index[0]
    dst = edge_index[1]
    num_segments = h.shape[0]
    valid = (dst < num_nodes).astype(h.dtype)
    # Equivalent to per-relation: msg = h[src_r] @ W[r] == (h @ W[r])[src_r]
    hw = jnp.einsum('nd,rdo->rno', h, weight)  # [R, N, DOUT]
    msg = hw[edge_type, src]                   # per-edge gather of transformed features
    msg = msg * valid[:, None]
    m = jax.ops.segment_sum(msg, dst, num_segments=num_segments)
    deg = jax.ops.segment_sum(valid, dst, num_segments=num_segments)
    deg = jnp.clip(deg, 1.0, None)[:, None]
    m = m / deg
    return h @ W_self + b_self + m

if __name__ == "__main__":
    import jax
    _d = setup_inputs()
    print(jax.jit(kernel)(*tuple(_d.values())))

</pallas_src>

<mosaic_0001>
#map = affine_map<(d0, d1) -> (0, 0)>
#map1 = affine_map<(d0, d1) -> (0, 0, 0, 0)>
module attributes {stable_mosaic.version = 14 : i64} {
  func.func @sc_scatter(%arg0: i32, %arg1: i32, %arg2: memref<90000x128xf32, #tpu.memory_space<hbm>>, %arg3: memref<16x216x2x96xi32, #tpu.memory_space<hbm>>, %arg4: memref<10112x128xf32, #tpu.memory_space<hbm>>, %arg5: memref<10112x16xf32, #tpu.memory_space<hbm>>, %arg6: memref<2x2x96xi32, #tpu.memory_space<vmem>>, %arg7: memref<2x2x96xi32, #tpu.memory_space<vmem>>, %arg8: memref<96x128xf32, #tpu.memory_space<vmem>>, %arg9: memref<96x128xf32, #tpu.memory_space<vmem>>, %arg10: memref<96x16xf32, #tpu.memory_space<vmem>>, %arg11: memref<10112x128xf32, #tpu.memory_space<vmem_shared>>, %arg12: memref<10112x16xf32, #tpu.memory_space<vmem_shared>>, %arg13: memref<!tpu.dma_semaphore, #tpu.memory_space<semaphore_mem>>, %arg14: memref<!tpu.dma_semaphore, #tpu.memory_space<semaphore_mem>>, %arg15: memref<!tpu.dma_semaphore, #tpu.memory_space<semaphore_mem>>, %arg16: memref<!tpu.dma_semaphore, #tpu.memory_space<semaphore_mem>>) attributes {dimension_semantics = [#tpu.dimension_semantics<core_parallel>, #tpu.dimension_semantics<subcore_parallel>], iteration_bounds = array<i64: 1, 16>, scalar_prefetch = 0 : i64, scratch_operands = 11 : i64, tpu.core_type = #tpu.core_type<sc_vector_subcore>, window_params = [{transform_indices = #map}, {transform_indices = #map1}, {transform_indices = #map}, {transform_indices = #map}]} {
    %mul3A = arith.constant 632 : i32
    %mul3A_0 = arith.muli %arg1, %mul3A : i32
    %broadcast_in_dim3A = arith.constant 0.000000e+00 : f32
    %broadcast_in_dim3A_1 = vector.broadcast %broadcast_in_dim3A : f32 to vector<16xf32>
    %broadcast_in_dim3A_2 = arith.constant 1.000000e+00 : f32
    %broadcast_in_dim3A_3 = vector.broadcast %broadcast_in_dim3A_2 : f32 to vector<16xf32>
    %scan3A = arith.constant 0 : i32
    %scan3A_4 = arith.constant 0 : i32
    %scan3A_5 = arith.constant 96 : i32
    %scan3A_6 = arith.addi %scan3A_4, %scan3A_5 : i32
    %scan3A_7 = arith.constant 1 : i32
    scf.for %scan3A_1525 = %scan3A_4 to %scan3A_6 step %scan3A_7  : i32 {
      %swap3A_1526 = arith.index_cast %scan3A_1525 : i32 to index
      %swap3A_1527 = arith.constant 0 : index
      %swap3A_1528 = tpu.vector_load %arg8[%swap3A_1526, %swap3A_1527] {strides = array<i32>} : memref<96x128xf32, #tpu.memory_space<vmem>>, vector<1x16xf32>,
      %swap3A_1529 = vector.shape_cast %swap3A_1528 : vector<1x16xf32> to vector<16xf32>
      %swap3A_1530 = vector.shape_cast %broadcast_in_dim3A_1 : vector<16xf32> to vector<1x16xf32>
      tpu.vector_store %arg8[%swap3A_1526, %swap3A_1527], %swap3A_1530 {strides = array<i32>} : memref<96x128xf32, #tpu.memory_space<vmem>>, vector<1x16xf32>,
      %swap3A_1531 = arith.index_cast %scan3A_1525 : i32 to index
      %swap3A_1532 = arith.constant 16 : index
      %swap3A_1533 = tpu.vector_load %arg8[%swap3A_1531, %swap3A_1532] {strides = array<i32>} : memref<96x128xf32, #tpu.memory_space<vmem>>, vector<1x16xf32>,
      %swap3A_1534 = vector.shape_cast %swap3A_1533 : vector<1x16xf32> to vector<16xf32>
      %swap3A_1535 = vector.shape_cast %broadcast_in_dim3A_1 : vector<16xf32> to vector<1x16xf32>
      tpu.vector_store %arg8[%swap3A_1531, %swap3A_1532], %swap3A_1535 {strides = array<i32>} : memref<96x128xf32, #tpu.memory_space<vmem>>, vector<1x16xf32>,
      %swap3A_1536 = arith.index_cast %scan3A_1525 : i32 to index
      %swap3A_1537 = arith.constant 32 : index
      %swap3A_1538 = tpu.vector_load %arg8[%swap3A_1536, %swap3A_1537] {strides = array<i32>} : memref<96x128xf32, #tpu.memory_space<vmem>>, vector<1x16xf32>,
      %swap3A_1539 = vector.shape_cast %swap3A_1538 : vector<1x16xf32> to vector<16xf32>
      %swap3A_1540 = vector.shape_cast %broadcast_in_dim3A_1 : vector<16xf32> to vector<1x16xf32>
      tpu.vector_store %arg8[%swap3A_1536, %swap3A_1537], %swap3A_1540 {strides = array<i32>} : memref<96x128xf32, #tpu.memory_space<vmem>>, vector<1x16xf32>,
      %swap3A_1541 = arith.index_cast %scan3A_1525 : i32 to index
      %swap3A_1542 = arith.constant 48 : index
      %swap3A_1543 = tpu.vector_load %arg8[%swap3A_1541, %swap3A_1542] {strides = array<i32>} : memref<96x128xf32, #tpu.memory_space<vmem>>, vector<1x16xf32>,
      %swap3A_1544 = vector.shape_cast %swap3A_1543 : vector<1x16xf32> to vector<16xf32>
      %swap3A_1545 = vector.shape_cast %broadcast_in_dim3A_1 : vector<16xf32> to vector<1x16xf32>
      tpu.vector_store %arg8[%swap3A_1541, %swap3A_1542], %swap3A_1545 {strides = array<i32>} : memref<96x128xf32, #tpu.memory_space<vmem>>, vector<1x16xf32>,
      %swap3A_1546 = arith.index_cast %scan3A_1525 : i32 to index
      %swap3A_1547 = arith.constant 64 : index
      %swap3A_1548 = tpu.vector_load %arg8[%swap3A_1546, %swap3A_1547] {strides = array<i32>} : memref<96x128xf32, #tpu.memory_space<vmem>>, vector<1x16xf32>,
      %swap3A_1549 = vector.shape_cast %swap3A_1548 : vector<1x16xf32> to vector<16xf32>
      %swap3A_1550 = vector.shape_cast %broadcast_in_dim3A_1 : vector<16xf32> to vector<1x16xf32>
      tpu.vector_store %arg8[%swap3A_1546, %swap3A_1547], %swap3A_1550 {strides = array<i32>} : memref<96x128xf32, #tpu.memory_space<vmem>>, vector<1x16xf32>,
      %swap3A_1551 = arith.index_cast %scan3A_1525 : i32 to index
      %swap3A_1552 = arith.constant 80 : index
      %swap3A_1553 = tpu.vector_load %arg8[%swap3A_1551, %swap3A_1552] {strides = array<i32>} : memref<96x128xf32, #tpu.memory_space<vmem>>, vector<1x16xf32>,
      %swap3A_1554 = vector.shape_cast %swap3A_1553 : vector<1x16xf32> to vector<16xf32>
      %swap3A_1555 = vector.shape_cast %broadcast_in_dim3A_1 : vector<16xf32> to vector<1x16xf32>
      tpu.vector_store %arg8[%swap3A_1551, %swap3A_1552], %swap3A_1555 {strides = array<i32>} : memref<96x128xf32, #tpu.memory_space<vmem>>, vector<1x16xf32>,
      %swap3A_1556 = arith.index_cast %scan3A_1525 : i32 to index
      %swap3A_1557 = arith.constant 96 : index
      %swap3A_1558 = tpu.vector_load %arg8[%swap3A_1556, %swap3A_1557] {strides = array<i32>} : memref<96x128xf32, #tpu.memory_space<vmem>>, vector<1x16xf32>,
      %swap3A_1559 = vector.shape_cast %swap3A_1558 : vector<1x16xf32> to vector<16xf32>
      %swap3A_1560 = vector.shape_cast %broadcast_in_dim3A_1 : vector<16xf32> to vector<1x16xf32>
      tpu.vector_store %arg8[%swap3A_1556, %swap3A_1557], %swap3A_1560 {strides = array<i32>} : memref<96x128xf32, #tpu.memory_space<vmem>>, vector<1x16xf32>,
      %swap3A_1561 = arith.index_cast %scan3A_1525 : i32 to index
      %swap3A_1562 = arith.constant 112 : index
      %swap3A_1563 = tpu.vector_load %arg8[%swap3A_1561, %swap3A_1562] {strides = array<i32>} : memref<96x128xf32, #tpu.memory_space<vmem>>, vector<1x16xf32>,
      %swap3A_1564 = vector.shape_cast %swap3A_1563 : vector<1x16xf32> to vector<16xf32>
      %swap3A_1565 = vector.shape_cast %broadcast_in_dim3A_1 : vector<16xf32> to vector<1x16xf32>
      tpu.vector_store %arg8[%swap3A_1561, %swap3A_1562], %swap3A_1565 {strides = array<i32>} : memref<96x128xf32, #tpu.memory_space<vmem>>, vector<1x16xf32>,
    }
    %scan3A_8 = arith.constant 96 : i32
    %scan3A_9 = arith.constant 0 : i32
    %scan3A_10 = arith.constant 0 : i32
    %scan3A_11 = arith.constant 96 : i32
    %scan3A_12 = arith.addi %scan3A_10, %scan3A_11 : i32
    %scan3A_13 = arith.constant 1 : i32
    scf.for %scan3A_1525 = %scan3A_10 to %scan3A_12 step %scan3A_13  : i32 {
      %swap3A_1526 = arith.index_cast %scan3A_1525 : i32 to index
      %swap3A_1527 = arith.constant 0 : index
      %swap3A_1528 = tpu.vector_load %arg10[%swap3A_1526, %swap3A_1527] {strides = array<i32>} : memref<96x16xf32, #tpu.memory_space<vmem>>, vector<1x16xf32>,
      %swap3A_1529 = vector.shape_cast %swap3A_1528 : vector<1x16xf32> to vector<16xf32>
      %swap3A_1530 = vector.shape_cast %broadcast_in_dim3A_1 : vector<16xf32> to vector<1x16xf32>
      tpu.vector_store %arg10[%swap3A_1526, %swap3A_1527], %swap3A_1530 {strides = array<i32>} : memref<96x16xf32, #tpu.memory_space<vmem>>, vector<1x16xf32>,
    }
    %scan3A_14 = arith.constant 96 : i32
    %add3A = arith.constant 0 : i32
    %add3A_15 = arith.addi %mul3A_0, %add3A : i32
    "tpu.region"() ({
      %run_scoped3A_1525 = tpu.sem_alloc : memref<!tpu.dma_semaphore, #tpu.memory_space<semaphore_mem>>
      %dma_start3A_1526 = arith.constant 0 : i32
      %dma_start3A_1527 = tpu.memref_slice %arg11[%add3A_15, %dma_start3A_1526] : memref<10112x128xf32, #tpu.memory_space<vmem_shared>> -> memref<96x128xf32, #tpu.memory_space<vmem_shared>>
      %dma_start3A_1528 = arith.constant 0 : i32
      %dma_start3A_1529 = tpu.memref_slice %arg11[%add3A_15, %dma_start3A_1528] : memref<10112x128xf32, #tpu.memory_space<vmem_shared>> -> memref<96x128xf32, #tpu.memory_space<vmem_shared>>
      tpu.enqueue_dma source(%arg8 : memref<96x128xf32, #tpu.memory_space<vmem>>) target(%dma_start3A_1529 : memref<96x128xf32, #tpu.memory_space<vmem_shared>>) target_semaphore(%run_scoped3A_1525 : memref<!tpu.dma_semaphore, #tpu.memory_space<semaphore_mem>>)
      %dma_wait3A_1530 = arith.constant 0 : i32
      %dma_wait3A_1531 = tpu.memref_slice %arg11[%add3A_15, %dma_wait3A_1530] : memref<10112x128xf32, #tpu.memory_space<vmem_shared>> -> memref<96x128xf32, #tpu.memory_space<vmem_shared>>
      %dma_wait3A_1532 = arith.constant 0 : i32
      %dma_wait3A_1533 = tpu.memref_slice %arg11[%add3A_15, %dma_wait3A_1532] : memref<10112x128xf32, #tpu.memory_space<vmem_shared>> -> memref<96x128xf32, #tpu.memory_space<vmem_shared>>
      tpu.wait_dma2 semaphore(%run_scoped3A_1525 : memref<!tpu.dma_semaphore, #tpu.memory_space<semaphore_mem>>) src(%arg8 : memref<96x128xf32, #tpu.memory_space<vmem>>) dst(%dma_wait3A_1533 : memref<96x128xf32, #tpu.memory_space<vmem_shared>>)
      tpu.yield
    }) : () -> ()
    %add3A_16 = arith.constant 96 : i32
    %add3A_17 = arith.addi %mul3A_0, %add3A_16 : i32
    "tpu.region"() ({
      %run_scoped3A_1525 = tpu.sem_alloc : memref<!tpu.dma_semaphore, #tpu.memory_space<semaphore_mem>>
      %dma_start3A_1526 = arith.constant 0 : i32
      %dma_start3A_1527 = tpu.memref_slice %arg11[%add3A_17, %dma_start3A_1526] : memref<10112x128xf32, #tpu.memory_space<vmem_shared>> -> memref<96x128xf32, #tpu.memory_space<vmem_shared>>
      %dma_start3A_1528 = arith.constant 0 : i32
      %dma_start3A_1529 = tpu.memref_slice %arg11[%add3A_17, %dma_start3A_1528] : memref<10112x128xf32, #tpu.memory_space<vmem_shared>> -> memref<96x128xf32, #tpu.memory_space<vmem_shared>>
      tpu.enqueue_dma source(%arg8 : memref<96x128xf32, #tpu.memory_space<vmem>>) target(%dma_start3A_1529 : memref<96x128xf32, #tpu.memory_space<vmem_shared>>) target_semaphore(%run_scoped3A_1525 : memref<!tpu.dma_semaphore, #tpu.memory_space<semaphore_mem>>)
      %dma_wait3A_1530 = arith.constant 0 : i32
      %dma_wait3A_1531 = tpu.memref_slice %arg11[%add3A_17, %dma_wait3A_1530] : memref<10112x128xf32, #tpu.memory_space<vmem_shared>> -> memref<96x128xf32, #tpu.memory_space<vmem_shared>>
      %dma_wait3A_1532 = arith.constant 0 : i32
      %dma_wait3A_1533 = tpu.memref_slice %arg11[%add3A_17, %dma_wait3A_1532] : memref<10112x128xf32, #tpu.memory_space<vmem_shared>> -> memref<96x128xf32, #tpu.memory_space<vmem_shared>>
      tpu.wait_dma2 semaphore(%run_scoped3A_1525 : memref<!tpu.dma_semaphore, #tpu.memory_space<semaphore_mem>>) src(%arg8 : memref<96x128xf32, #tpu.memory_space<vmem>>) dst(%dma_wait3A_1533 : memref<96x128xf32, #tpu.memory_space<vmem_shared>>)
      tpu.yield
    }) : () -> ()
    %add3A_18 = arith.constant 192 : i32
    %add3A_19 = arith.addi %mul3A_0, %add3A_18 : i32
    "tpu.region"() ({
      %run_scoped3A_1525 = tpu.sem_alloc : memref<!tpu.dma_semaphore, #tpu.memory_space<semaphore_mem>>
      %dma_start3A_1526 = arith.constant 0 : i32
      %dma_start3A_1527 = tpu.memref_slice %arg11[%add3A_19, %dma_start3A_1526] : memref<10112x128xf32, #tpu.memory_space<vmem_shared>> -> memref<96x128xf32, #tpu.memory_space<vmem_shared>>
      %dma_start3A_1528 = arith.constant 0 : i32
      %dma_start3A_1529 = tpu.memref_slice %arg11[%add3A_19, %dma_start3A_1528] : memref<10112x128xf32, #tpu.memory_space<vmem_shared>> -> memref<96x128xf32, #tpu.memory_space<vmem_shared>>
      tpu.enqueue_dma source(%arg8 : memref<96x128xf32, #tpu.memory_space<vmem>>) target(%dma_start3A_1529 : memref<96x128xf32, #tpu.memory_space<vmem_shared>>) target_semaphore(%run_scoped3A_1525 : memref<!tpu.dma_semaphore, #tpu.memory_space<semaphore_mem>>)
      %dma_wait3A_1530 = arith.constant 0 : i32
      %dma_wait3A_1531 = tpu.memref_slice %arg11[%add3A_19, %dma_wait3A_1530] : memref<10112x128xf32, #tpu.memory_space<vmem_shared>> -> memref<96x128xf32, #tpu.memory_space<vmem_shared>>
      %dma_wait3A_1532 = arith.constant 0 : i32
      %dma_wait3A_1533 = tpu.memref_slice %arg11[%add3A_19, %dma_wait3A_1532] : memref<10112x128xf32, #tpu.memory_space<vmem_shared>> -> memref<96x128xf32, #tpu.memory_space<vmem_shared>>
      tpu.wait_dma2 semaphore(%run_scoped3A_1525 : memref<!tpu.dma_semaphore, #tpu.memory_space<semaphore_mem>>) src(%arg8 : memref<96x128xf32, #tpu.memory_space<vmem>>) dst(%dma_wait3A_1533 : memref<96x128xf32, #tpu.memory_space<vmem_shared>>)
      tpu.yield
    }) : () -> ()
    %add3A_20 = arith.constant 288 : i32
    %add3A_21 = arith.addi %mul3A_0, %add3A_20 : i32
    "tpu.region"() ({
      %run_scoped3A_1525 = tpu.sem_alloc : memref<!tpu.dma_semaphore, #tpu.memory_space<semaphore_mem>>
      %dma_start3A_1526 = arith.constant 0 : i32
      %dma_start3A_1527 = tpu.memref_slice %arg11[%add3A_21, %dma_start3A_1526] : memref<10112x128xf32, #tpu.memory_space<vmem_shared>> -> memref<96x128xf32, #tpu.memory_space<vmem_shared>>
      %dma_start3A_1528 = arith.constant 0 : i32
      %dma_start3A_1529 = tpu.memref_slice %arg11[%add3A_21, %dma_start3A_1528] : memref<10112x128xf32, #tpu.memory_space<vmem_shared>> -> memref<96x128xf32, #tpu.memory_space<vmem_shared>>
      tpu.enqueue_dma source(%arg8 : memref<96x128xf32, #tpu.memory_space<vmem>>) target(%dma_start3A_1529 : memref<96x128xf32, #tpu.memory_space<vmem_shared>>) target_semaphore(%run_scoped3A_1525 : memref<!tpu.dma_semaphore, #tpu.memory_space<semaphore_mem>>)
      %dma_wait3A_1530 = arith.constant 0 : i32
      %dma_wait3A_1531 = tpu.memref_slice %arg11[%add3A_21, %dma_wait3A_1530] : memref<10112x128xf32, #tpu.memory_space<vmem_shared>> -> memref<96x128xf32, #tpu.memory_space<vmem_shared>>
      %dma_wait3A_1532 = arith.constant 0 : i32
      %dma_wait3A_1533 = tpu.memref_slice %arg11[%add3A_21, %dma_wait3A_1532] : memref<10112x128xf32, #tpu.memory_space<vmem_shared>> -> memref<96x128xf32, #tpu.memory_space<vmem_shared>>
      tpu.wait_dma2 semaphore(%run_scoped3A_1525 : memref<!tpu.dma_semaphore, #tpu.memory_space<semaphore_mem>>) src(%arg8 : memref<96x128xf32, #tpu.memory_space<vmem>>) dst(%dma_wait3A_1533 : memref<96x128xf32, #tpu.memory_space<vmem_shared>>)
      tpu.yield
    }) : () -> ()
    %add3A_22 = arith.constant 384 : i32
    %add3A_23 = arith.addi %mul3A_0, %add3A_22 : i32
    "tpu.region"() ({
      %run_scoped3A_1525 = tpu.sem_alloc : memref<!tpu.dma_semaphore, #tpu.memory_space<semaphore_mem>>
      %dma_start3A_1526 = arith.constant 0 : i32
      %dma_start3A_1527 = tpu.memref_slice %arg11[%add3A_23, %dma_start3A_1526] : memref<10112x128xf32, #tpu.memory_space<vmem_shared>> -> memref<96x128xf32, #tpu.memory_space<vmem_shared>>
      %dma_start3A_1528 = arith.constant 0 : i32
      %dma_start3A_1529 = tpu.memref_slice %arg11[%add3A_23, %dma_start3A_1528] : memref<10112x128xf32, #tpu.memory_space<vmem_shared>> -> memref<96x128xf32, #tpu.memory_space<vmem_shared>>
      tpu.enqueue_dma source(%arg8 : memref<96x128xf32, #tpu.memory_space<vmem>>) target(%dma_start3A_1529 : memref<96x128xf32, #tpu.memory_space<vmem_shared>>) target_semaphore(%run_scoped3A_1525 : memref<!tpu.dma_semaphore, #tpu.memory_space<semaphore_mem>>)
      %dma_wait3A_1530 = arith.constant 0 : i32
      %dma_wait3A_1531 = tpu.memref_slice %arg11[%add3A_23, %dma_wait3A_1530] : memref<10112x128xf32, #tpu.memory_space<vmem_shared>> -> memref<96x128xf32, #tpu.memory_space<vmem_shared>>
      %dma_wait3A_1532 = arith.constant 0 : i32
      %dma_wait3A_1533 = tpu.memref_slice %arg11[%add3A_23, %dma_wait3A_1532] : memref<10112x128xf32, #tpu.memory_space<vmem_shared>> -> memref<96x128xf32, #tpu.memory_space<vmem_shared>>
      tpu.wait_dma2 semaphore(%run_scoped3A_1525 : memref<!tpu.dma_semaphore, #tpu.memory_space<semaphore_mem>>) src(%arg8 : memref<96x128xf32, #tpu.memory_space<vmem>>) dst(%dma_wait3A_1533 : memref<96x128xf32, #tpu.memory_space<vmem_shared>>)
      tpu.yield
    }) : () -> ()
    %add3A_24 = arith.constant 480 : i32
    %add3A_25 = arith.addi %mul3A_0, %add3A_24 : i32
    "tpu.region"() ({
      %run_scoped3A_1525 = tpu.sem_alloc : memref<!tpu.dma_semaphore, #tpu.memory_space<semaphore_mem>>
      %dma_start3A_1526 = arith.constant 0 : i32
      %dma_start3A_1527 = tpu.memref_slice %arg11[%add3A_25, %dma_start3A_1526] : memref<10112x128xf32, #tpu.memory_space<vmem_shared>> -> memref<96x128xf32, #tpu.memory_space<vmem_shared>>
      %dma_start3A_1528 = arith.constant 0 : i32
      %dma_start3A_1529 = tpu.memref_slice %arg11[%add3A_25, %dma_start3A_1528] : memref<10112x128xf32, #tpu.memory_space<vmem_shared>> -> memref<96x128xf32, #tpu.memory_space<vmem_shared>>
      tpu.enqueue_dma source(%arg8 : memref<96x128xf32, #tpu.memory_space<vmem>>) target(%dma_start3A_1529 : memref<96x128xf32, #tpu.memory_space<vmem_shared>>) target_semaphore(%run_scoped3A_1525 : memref<!tpu.dma_semaphore, #tpu.memory_space<semaphore_mem>>)
      %dma_wait3A_1530 = arith.constant 0 : i32
      %dma_wait3A_1531 = tpu.memref_slice %arg11[%add3A_25, %dma_wait3A_1530] : memref<10112x128xf32, #tpu.memory_space<vmem_shared>> -> memref<96x128xf32, #tpu.memory_space<vmem_shared>>
      %dma_wait3A_1532 = arith.constant 0 : i32
      %dma_wait3A_1533 = tpu.memref_slice %arg11[%add3A_25, %dma_wait3A_1532] : memref<10112x128xf32, #tpu.memory_space<vmem_shared>> -> memref<96x128xf32, #tpu.memory_space<vmem_shared>>
      tpu.wait_dma2 semaphore(%run_scoped3A_1525 : memref<!tpu.dma_semaphore, #tpu.memory_space<semaphore_mem>>) src(%arg8 : memref<96x128xf32, #tpu.memory_space<vmem>>) dst(%dma_wait3A_1533 : memref<96x128xf32, #tpu.memory_space<vmem_shared>>)
      tpu.yield
    }) : () -> ()
    %add3A_26 = arith.constant 576 : i32
    %add3A_27 = arith.addi %mul3A_0, %add3A_26 : i32
    "tpu.region"() ({
      %run_scoped3A_1525 = tpu.sem_alloc : memref<!tpu.dma_semaphore, #tpu.memory_space<semaphore_mem>>
      %dma_start3A_1526 = arith.constant 0 : i32
      %dma_start3A_1527 = arith.constant 0 : i32
      %dma_start3A_1528 = tpu.memref_slice %arg8[%dma_start3A_1526, %dma_start3A_1527] : memref<96x128xf32, #tpu.memory_space<vmem>> -> memref<56x128xf32, #tpu.memory_space<vmem>>
      %dma_start3A_1529 = arith.constant 0 : i32
      %dma_start3A_1530 = tpu.memref_slice %arg11[%add3A_27, %dma_start3A_1529] : memref<10112x128xf32, #tpu.memory_space<vmem_shared>> -> memref<56x128xf32, #tpu.memory_space<vmem_shared>>
      %dma_start3A_1531 = arith.constant 0 : i32
      %dma_start3A_1532 = tpu.memref_slice %arg11[%add3A_27, %dma_start3A_1531] : memref<10112x128xf32, #tpu.memory_space<vmem_shared>> -> memref<56x128xf32, #tpu.memory_space<vmem_shared>>
      %dma_start3A_1533 = arith.constant 0 : i32
      %dma_start3A_1534 = arith.constant 0 : i32
      %dma_start3A_1535 = tpu.memref_slice %arg8[%dma_start3A_1533, %dma_start3A_1534] : memref<96x128xf32, #tpu.memory_space<vmem>> -> memref<56x128xf32, #tpu.memory_space<vmem>>
      tpu.enqueue_dma source(%dma_start3A_1535 : memref<56x128xf32, #tpu.memory_space<vmem>>) target(%dma_start3A_1532 : memref<56x128xf32, #tpu.memory_space<vmem_shared>>) target_semaphore(%run_scoped3A_1525 : memref<!tpu.dma_semaphore, #tpu.memory_space<semaphore_mem>>)
      %dma_wait3A_1536 = arith.constant 0 : i32
      %dma_wait3A_1537 = arith.constant 0 : i32
      %dma_wait3A_1538 = tpu.memref_slice %arg8[%dma_wait3A_1536, %dma_wait3A_1537] : memref<96x128xf32, #tpu.memory_space<vmem>> -> memref<56x128xf32, #tpu.memory_space<vmem>>
      %dma_wait3A_1539 = arith.constant 0 : i32
      %dma_wait3A_1540 = tpu.memref_slice %arg11[%add3A_27, %dma_wait3A_1539] : memref<10112x128xf32, #tpu.memory_space<vmem_shared>> -> memref<56x128xf32, #tpu.memory_space<vmem_shared>>
      %dma_wait3A_1541 = arith.constant 0 : i32
      %dma_wait3A_1542 = tpu.memref_slice %arg11[%add3A_27, %dma_wait3A_1541] : memref<10112x128xf32, #tpu.memory_space<vmem_shared>> -> memref<56x128xf32, #tpu.memory_space<vmem_shared>>
      %dma_wait3A_1543 = arith.constant 0 : i32
      %dma_wait3A_1544 = arith.constant 0 : i32
      %dma_wait3A_1545 = tpu.memref_slice %arg8[%dma_wait3A_1543, %dma_wait3A_1544] : memref<96x128xf32, #tpu.memory_space<vmem>> -> memref<56x128xf32, #tpu.memory_space<vmem>>
      tpu.wait_dma2 semaphore(%run_scoped3A_1525 : memref<!tpu.dma_semaphore, #tpu.memory_space<semaphore_mem>>) src(%dma_wait3A_1545 : memref<56x128xf32, #tpu.memory_space<vmem>>) dst(%dma_wait3A_1542 : memref<56x128xf32, #tpu.memory_space<vmem_shared>>)
      tpu.yield
    }) : () -> ()
    %iota3A = tpu.iota {dimensions = array<i32: 0>} : vector<16xi32>
    %add3A_28 = arith.constant 0 : i32
    %add3A_29 = vector.broadcast %add3A_28 : i32 to vector<16xi32>
    %add3A_30 = arith.addi %iota3A, %add3A_29 : vector<16xi32>
    %min3A = arith.constant 631 : i32
    %min3A_31 = vector.broadcast %min3A : i32 to vector<16xi32>
    %min3A_32 = arith.minsi %add3A_30, %min3A_31 : vector<16xi32>
    %add3A_33 = vector.broadcast %mul3A_0 : i32 to vector<16xi32>
    %add3A_34 = arith.addi %min3A_32, %add3A_33 : vector<16xi32>
    %swap3A = arith.constant 0 : i32
    %swap3A_35 = arith.constant 0 : i32
    %swap3A_36 = arith.index_cast %swap3A : i32 to index
    %swap3A_37 = arith.index_cast %swap3A_35 : i32 to index
    %swap3A_38 = arith.constant 0 : index
    %swap3A_39 = tpu.vector_load %arg6[%swap3A_36, %swap3A_37, %swap3A_38] {strides = array<i32>} : memref<2x2x96xi32, #tpu.memory_space<vmem>>, vector<1x1x16xi32>,
    %swap3A_40 = vector.shape_cast %swap3A_39 : vector<1x1x16xi32> to vector<16xi32>
    %swap3A_41 = vector.shape_cast %add3A_34 : vector<16xi32> to vector<1x1x16xi32>
    tpu.vector_store %arg6[%swap3A_36, %swap3A_37, %swap3A_38], %swap3A_41 {strides = array<i32>} : memref<2x2x96xi32, #tpu.memory_space<vmem>>, vector<1x1x16xi32>,
    %add3A_42 = arith.constant 16 : i32
    %add3A_43 = vector.broadcast %add3A_42 : i32 to vector<16xi32>
    %add3A_44 = arith.addi %iota3A, %add3A_43 : vector<16xi32>
    %min3A_45 = arith.constant 631 : i32
    %min3A_46 = vector.broadcast %min3A_45 : i32 to vector<16xi32>
    %min3A_47 = arith.minsi %add3A_44, %min3A_46 : vector<16xi32>
    %add3A_48 = vector.broadcast %mul3A_0 : i32 to vector<16xi32>
    %add3A_49 = arith.addi %min3A_47, %add3A_48 : vector<16xi32>
    %swap3A_50 = arith.constant 0 : i32
    %swap3A_51 = arith.constant 0 : i32
    %swap3A_52 = arith.index_cast %swap3A_50 : i32 to index
    %swap3A_53 = arith.index_cast %swap3A_51 : i32 to index
    %swap3A_54 = arith.constant 16 : index
    %swap3A_55 = tpu.vector_load %arg6[%swap3A_52, %swap3A_53, %swap3A_54] {strides = array<i32>} : memref<2x2x96xi32, #tpu.memory_space<vmem>>, vector<1x1x16xi32>,
    %swap3A_56 = vector.shape_cast %swap3A_55 : vector<1x1x16xi32> to vector<16xi32>
    %swap3A_57 = vector.shape_cast %add3A_49 : vector<16xi32> to vector<1x1x16xi32>
    tpu.vector_store %arg6[%swap3A_52, %swap3A_53, %swap3A_54], %swap3A_57 {strides = array<i32>} : memref<2x2x96xi32, #tpu.memory_space<vmem>>, vector<1x1x16xi32>,
    %add3A_58 = arith.constant 32 : i32
    %add3A_59 = vector.broadcast %add3A_58 : i32 to vector<16xi32>
    %add3A_60 = arith.addi %iota3A, %add3A_59 : vector<16xi32>
    %min3A_61 = arith.constant 631 : i32
    %min3A_62 = vector.broadcast %min3A_61 : i32 to vector<16xi32>
    %min3A_63 = arith.minsi %add3A_60, %min3A_62 : vector<16xi32>
    %add3A_64 = vector.broadcast %mul3A_0 : i32 to vector<16xi32>
    %add3A_65 = arith.addi %min3A_63, %add3A_64 : vector<16xi32>
    %swap3A_66 = arith.constant 0 : i32
    %swap3A_67 = arith.constant 0 : i32
    %swap3A_68 = arith.index_cast %swap3A_66 : i32 to index
    %swap3A_69 = arith.index_cast %swap3A_67 : i32 to index
    %swap3A_70 = arith.constant 32 : index
    %swap3A_71 = tpu.vector_load %arg6[%swap3A_68, %swap3A_69, %swap3A_70] {strides = array<i32>} : memref<2x2x96xi32, #tpu.memory_space<vmem>>, vector<1x1x16xi32>,
    %swap3A_72 = vector.shape_cast %swap3A_71 : vector<1x1x16xi32> to vector<16xi32>
    %swap3A_73 = vector.shape_cast %add3A_65 : vector<16xi32> to vector<1x1x16xi32>
    tpu.vector_store %arg6[%swap3A_68, %swap3A_69, %swap3A_70], %swap3A_73 {strides = array<i32>} : memref<2x2x96xi32, #tpu.memory_space<vmem>>, vector<1x1x16xi32>,
    %add3A_74 = arith.constant 48 : i32
    %add3A_75 = vector.broadcast %add3A_74 : i32 to vector<16xi32>
    %add3A_76 = arith.addi %iota3A, %add3A_75 : vector<16xi32>
    %min3A_77 = arith.constant 631 : i32
    %min3A_78 = vector.broadcast %min3A_77 : i32 to vector<16xi32>
    %min3A_79 = arith.minsi %add3A_76, %min3A_78 : vector<16xi32>
    %add3A_80 = vector.broadcast %mul3A_0 : i32 to vector<16xi32>
    %add3A_81 = arith.addi %min3A_79, %add3A_80 : vector<16xi32>
    %swap3A_82 = arith.constant 0 : i32
    %swap3A_83 = arith.constant 0 : i32
    %swap3A_84 = arith.index_cast %swap3A_82 : i32 to index
    %swap3A_85 = arith.index_cast %swap3A_83 : i32 to index
    %swap3A_86 = arith.constant 48 : index
    %swap3A_87 = tpu.vector_load %arg6[%swap3A_84, %swap3A_85, %swap3A_86] {strides = array<i32>} : memref<2x2x96xi32, #tpu.memory_space<vmem>>, vector<1x1x16xi32>,
    %swap3A_88 = vector.shape_cast %swap3A_87 : vector<1x1x16xi32> to vector<16xi32>
    %swap3A_89 = vector.shape_cast %add3A_81 : vector<16xi32> to vector<1x1x16xi32>
    tpu.vector_store %arg6[%swap3A_84, %swap3A_85, %swap3A_86], %swap3A_89 {strides = array<i32>} : memref<2x2x96xi32, #tpu.memory_space<vmem>>, vector<1x1x16xi32>,
    %add3A_90 = arith.constant 64 : i32
    %add3A_91 = vector.broadcast %add3A_90 : i32 to vector<16xi32>
    %add3A_92 = arith.addi %iota3A, %add3A_91 : vector<16xi32>
    %min3A_93 = arith.constant 631 : i32
    %min3A_94 = vector.broadcast %min3A_93 : i32 to vector<16xi32>
    %min3A_95 = arith.minsi %add3A_92, %min3A_94 : vector<16xi32>
    %add3A_96 = vector.broadcast %mul3A_0 : i32 to vector<16xi32>
    %add3A_97 = arith.addi %min3A_95, %add3A_96 : vector<16xi32>
    %swap3A_98 = arith.constant 0 : i32
    %swap3A_99 = arith.constant 0 : i32
    %swap3A_100 = arith.index_cast %swap3A_98 : i32 to index
    %swap3A_101 = arith.index_cast %swap3A_99 : i32 to index
    %swap3A_102 = arith.constant 64 : index
    %swap3A_103 = tpu.vector_load %arg6[%swap3A_100, %swap3A_101, %swap3A_102] {strides = array<i32>} : memref<2x2x96xi32, #tpu.memory_space<vmem>>, vector<1x1x16xi32>,
    %swap3A_104 = vector.shape_cast %swap3A_103 : vector<1x1x16xi32> to vector<16xi32>
    %swap3A_105 = vector.shape_cast %add3A_97 : vector<16xi32> to vector<1x1x16xi32>
    tpu.vector_store %arg6[%swap3A_100, %swap3A_101, %swap3A_102], %swap3A_105 {strides = array<i32>} : memref<2x2x96xi32, #tpu.memory_space<vmem>>, vector<1x1x16xi32>,
    %add3A_106 = arith.constant 80 : i32
    %add3A_107 = vector.broadcast %add3A_106 : i32 to vector<16xi32>
    %add3A_108 = arith.addi %iota3A, %add3A_107 : vector<16xi32>
    %min3A_109 = arith.constant 631 : i32
    %min3A_110 = vector.broadcast %min3A_109 : i32 to vector<16xi32>
    %min3A_111 = arith.minsi %add3A_108, %min3A_110 : vector<16xi32>
    %add3A_112 = vector.broadcast %mul3A_0 : i32 to vector<16xi32>
    %add3A_113 = arith.addi %min3A_111, %add3A_112 : vector<16xi32>
    %swap3A_114 = arith.constant 0 : i32
    %swap3A_115 = arith.constant 0 : i32
    %swap3A_116 = arith.index_cast %swap3A_114 : i32 to index
    %swap3A_117 = arith.index_cast %swap3A_115 : i32 to index
    %swap3A_118 = arith.constant 80 : index
    %swap3A_119 = tpu.vector_load %arg6[%swap3A_116, %swap3A_117, %swap3A_118] {strides = array<i32>} : memref<2x2x96xi32, #tpu.memory_space<vmem>>, vector<1x1x16xi32>,
    %swap3A_120 = vector.shape_cast %swap3A_119 : vector<1x1x16xi32> to vector<16xi32>
    %swap3A_121 = vector.shape_cast %add3A_113 : vector<16xi32> to vector<1x1x16xi32>
    tpu.vector_store %arg6[%swap3A_116, %swap3A_117, %swap3A_118], %swap3A_121 {strides = array<i32>} : memref<2x2x96xi32, #tpu.memory_space<vmem>>, vector<1x1x16xi32>,
    %run_scoped3A = arith.constant 0 : i32
    %run_scoped3A_122 = arith.constant 0 : i32
    "tpu.region"() ({
      %run_scoped3A_1525 = tpu.sem_alloc : memref<!tpu.dma_semaphore, #tpu.memory_space<semaphore_mem>>
      %dma_start3A_1526 = arith.constant 0 : i32
      %dma_start3A_1527 = tpu.memref_slice %arg6[%run_scoped3A, %run_scoped3A_122, %dma_start3A_1526] : memref<2x2x96xi32, #tpu.memory_space<vmem>> -> memref<1x1x96xi32, #tpu.memory_space<vmem>>
      %dma_start3A_1528 = tpu.memref_squeeze %dma_start3A_1527 : memref<1x1x96xi32, #tpu.memory_space<vmem>> -> memref<96xi32, #tpu.memory_space<vmem>>
      %dma_start3A_1529 = arith.constant 0 : i32
      %dma_start3A_1530 = arith.constant 0 : i32
      %dma_start3A_1531 = tpu.memref_slice %arg12[%dma_start3A_1529, %dma_start3A_1530] : memref<10112x16xf32, #tpu.memory_space<vmem_shared>> -> memref<10112x16xf32, #tpu.memory_space<vmem_shared>>
      tpu.enqueue_indirect_dma source(%arg10 : memref<96x16xf32, #tpu.memory_space<vmem>>) target(%dma_start3A_1531 : memref<10112x16xf32, #tpu.memory_space<vmem_shared>>) offsets(%dma_start3A_1528 : memref<96xi32, #tpu.memory_space<vmem>>) semaphore(%run_scoped3A_1525 : memref<!tpu.dma_semaphore, #tpu.memory_space<semaphore_mem>>)
      %dma_wait3A_1532 = arith.constant 0 : i32
      %dma_wait3A_1533 = tpu.memref_slice %arg6[%run_scoped3A, %run_scoped3A_122, %dma_wait3A_1532] : memref<2x2x96xi32, #tpu.memory_space<vmem>> -> memref<1x1x96xi32, #tpu.memory_space<vmem>>
      %dma_wait3A_1534 = tpu.memref_squeeze %dma_wait3A_1533 : memref<1x1x96xi32, #tpu.memory_space<vmem>> -> memref<96xi32, #tpu.memory_space<vmem>>
      %dma_wait3A_1535 = arith.constant 0 : i32
      %dma_wait3A_1536 = arith.constant 0 : i32
      %dma_wait3A_1537 = tpu.memref_slice %arg12[%dma_wait3A_1535, %dma_wait3A_1536] : memref<10112x16xf32, #tpu.memory_space<vmem_shared>> -> memref<10112x16xf32, #tpu.memory_space<vmem_shared>>
      tpu.wait_indirect_dma semaphore(%run_scoped3A_1525 : memref<!tpu.dma_semaphore, #tpu.memory_space<semaphore_mem>>) src(%arg10 : memref<96x16xf32, #tpu.memory_space<vmem>>) dst(%dma_wait3A_1537 : memref<10112x16xf32, #tpu.memory_space<vmem_shared>>)
      tpu.yield
    }) : () -> ()
    %add3A_123 = arith.constant 96 : i32
    %add3A_124 = vector.broadcast %add3A_123 : i32 to vector<16xi32>
    %add3A_125 = arith.addi %iota3A, %add3A_124 : vector<16xi32>
    %min3A_126 = arith.constant 631 : i32
    %min3A_127 = vector.broadcast %min3A_126 : i32 to vector<16xi32>
    %min3A_128 = arith.minsi %add3A_125, %min3A_127 : vector<16xi32>
    %add3A_129 = vector.broadcast %mul3A_0 : i32 to vector<16xi32>
    %add3A_130 = arith.addi %min3A_128, %add3A_129 : vector<16xi32>
    %swap3A_131 = arith.constant 0 : i32
    %swap3A_132 = arith.constant 0 : i32
    %swap3A_133 = arith.index_cast %swap3A_131 : i32 to index
    %swap3A_134 = arith.index_cast %swap3A_132 : i32 to index
    %swap3A_135 = arith.constant 0 : index
    %swap3A_136 = tpu.vector_load %arg6[%swap3A_133, %swap3A_134, %swap3A_135] {strides = array<i32>} : memref<2x2x96xi32, #tpu.memory_space<vmem>>, vector<1x1x16xi32>,
    %swap3A_137 = vector.shape_cast %swap3A_136 : vector<1x1x16xi32> to vector<16xi32>
    %swap3A_138 = vector.shape_cast %add3A_130 : vector<16xi32> to vector<1x1x16xi32>
    tpu.vector_store %arg6[%swap3A_133, %swap3A_134, %swap3A_135], %swap3A_138 {strides = array<i32>} : memref<2x2x96xi32, #tpu.memory_space<vmem>>, vector<1x1x16xi32>,
    %add3A_139 = arith.constant 112 : i32
    %add3A_140 = vector.broadcast %add3A_139 : i32 to vector<16xi32>
    %add3A_141 = arith.addi %iota3A, %add3A_140 : vector<16xi32>
    %min3A_142 = arith.constant 631 : i32
    %min3A_143 = vector.broadcast %min3A_142 : i32 to vector<16xi32>
    %min3A_144 = arith.minsi %add3A_141, %min3A_143 : vector<16xi32>
    %add3A_145 = vector.broadcast %mul3A_0 : i32 to vector<16xi32>
    %add3A_146 = arith.addi %min3A_144, %add3A_145 : vector<16xi32>
    %swap3A_147 = arith.constant 0 : i32
    %swap3A_148 = arith.constant 0 : i32
    %swap3A_149 = arith.index_cast %swap3A_147 : i32 to index
    %swap3A_150 = arith.index_cast %swap3A_148 : i32 to index
    %swap3A_151 = arith.constant 16 : index
    %swap3A_152 = tpu.vector_load %arg6[%swap3A_149, %swap3A_150, %swap3A_151] {strides = array<i32>} : memref<2x2x96xi32, #tpu.memory_space<vmem>>, vector<1x1x16xi32>,
    %swap3A_153 = vector.shape_cast %swap3A_152 : vector<1x1x16xi32> to vector<16xi32>
    %swap3A_154 = vector.shape_cast %add3A_146 : vector<16xi32> to vector<1x1x16xi32>
    tpu.vector_store %arg6[%swap3A_149, %swap3A_150, %swap3A_151], %swap3A_154 {strides = array<i32>} : memref<2x2x96xi32, #tpu.memory_space<vmem>>, vector<1x1x16xi32>,
    %add3A_155 = arith.constant 128 : i32
    %add3A_156 = vector.broadcast %add3A_155 : i32 to vector<16xi32>
    %add3A_157 = arith.addi %iota3A, %add3A_156 : vector<16xi32>
    %min3A_158 = arith.constant 631 : i32
    %min3A_159 = vector.broadcast %min3A_158 : i32 to vector<16xi32>
    %min3A_160 = arith.minsi %add3A_157, %min3A_159 : vector<16xi32>
    %add3A_161 = vector.broadcast %mul3A_0 : i32 to vector<16xi32>
    %add3A_162 = arith.addi %min3A_160, %add3A_161 : vector<16xi32>
    %swap3A_163 = arith.constant 0 : i32
    %swap3A_164 = arith.constant 0 : i32
    %swap3A_165 = arith.index_cast %swap3A_163 : i32 to index
    %swap3A_166 = arith.index_cast %swap3A_164 : i32 to index
    %swap3A_167 = arith.constant 32 : index
    %swap3A_168 = tpu.vector_load %arg6[%swap3A_165, %swap3A_166, %swap3A_167] {strides = array<i32>} : memref<2x2x96xi32, #tpu.memory_space<vmem>>, vector<1x1x16xi32>,
    %swap3A_169 = vector.shape_cast %swap3A_168 : vector<1x1x16xi32> to vector<16xi32>
    %swap3A_170 = vector.shape_cast %add3A_162 : vector<16xi32> to vector<1x1x16xi32>
    tpu.vector_store %arg6[%swap3A_165, %swap3A_166, %swap3A_167], %swap3A_170 {strides = array<i32>} : memref<2x2x96xi32, #tpu.memory_space<vmem>>, vector<1x1x16xi32>,
    %add3A_171 = arith.constant 144 : i32
    %add3A_172 = vector.broadcast %add3A_171 : i32 to vector<16xi32>
    %add3A_173 = arith.addi %iota3A, %add3A_172 : vector<16xi32>
    %min3A_174 = arith.constant 631 : i32
    %min3A_175 = vector.broadcast %min3A_174 : i32 to vector<16xi32>
    %min3A_176 = arith.minsi %add3A_173, %min3A_175 : vector<16xi32>
    %add3A_177 = vector.broadcast %mul3A_0 : i32 to vector<16xi32>
    %add3A_178 = arith.addi %min3A_176, %add3A_177 : vector<16xi32>
    %swap3A_179 = arith.constant 0 : i32
    %swap3A_180 = arith.constant 0 : i32
    %swap3A_181 = arith.index_cast %swap3A_179 : i32 to index
    %swap3A_182 = arith.index_cast %swap3A_180 : i32 to index
    %swap3A_183 = arith.constant 48 : index
    %swap3A_184 = tpu.vector_load %arg6[%swap3A_181, %swap3A_182, %swap3A_183] {strides = array<i32>} : memref<2x2x96xi32, #tpu.memory_space<vmem>>, vector<1x1x16xi32>,
    %swap3A_185 = vector.shape_cast %swap3A_184 : vector<1x1x16xi32> to vector<16xi32>
    %swap3A_186 = vector.shape_cast %add3A_178 : vector<16xi32> to vector<1x1x16xi32>
    tpu.vector_store %arg6[%swap3A_181, %swap3A_182, %swap3A_183], %swap3A_186 {strides = array<i32>} : memref<2x2x96xi32, #tpu.memory_space<vmem>>, vector<1x1x16xi32>,
    %add3A_187 = arith.constant 160 : i32
    %add3A_188 = vector.broadcast %add3A_187 : i32 to vector<16xi32>
    %add3A_189 = arith.addi %iota3A, %add3A_188 : vector<16xi32>
    %min3A_190 = arith.constant 631 : i32
    %min3A_191 = vector.broadcast %min3A_190 : i32 to vector<16xi32>
    %min3A_192 = arith.minsi %add3A_189, %min3A_191 : vector<16xi32>
    %add3A_193 = vector.broadcast %mul3A_0 : i32 to vector<16xi32>
    %add3A_194 = arith.addi %min3A_192, %add3A_193 : vector<16xi32>
    %swap3A_195 = arith.constant 0 : i32
    %swap3A_196 = arith.constant 0 : i32
    %swap3A_197 = arith.index_cast %swap3A_195 : i32 to index
    %swap3A_198 = arith.index_cast %swap3A_196 : i32 to index
    %swap3A_199 = arith.constant 64 : index
    %swap3A_200 = tpu.vector_load %arg6[%swap3A_197, %swap3A_198, %swap3A_199] {strides = array<i32>} : memref<2x2x96xi32, #tpu.memory_space<vmem>>, vector<1x1x16xi32>,
    %swap3A_201 = vector.shape_cast %swap3A_200 : vector<1x1x16xi32> to vector<16xi32>
    %swap3A_202 = vector.shape_cast %add3A_194 : vector<16xi32> to vector<1x1x16xi32>
    tpu.vector_store %arg6[%swap3A_197, %swap3A_198, %swap3A_199], %swap3A_202 {strides = array<i32>} : memref<2x2x96xi32, #tpu.memory_space<vmem>>, vector<1x1x16xi32>,
    %add3A_203 = arith.constant 176 : i32
    %add3A_204 = vector.broadcast %add3A_203 : i32 to vector<16xi32>
    %add3A_205 = arith.addi %iota3A, %add3A_204 : vector<16xi32>
    %min3A_206 = arith.constant 631 : i32
    %min3A_207 = vector.broadcast %min3A_206 : i32 to vector<16xi32>
    %min3A_208 = arith.minsi %add3A_205, %min3A_207 : vector<16xi32>
    %add3A_209 = vector.broadcast %mul3A_0 : i32 to vector<16xi32>
    %add3A_210 = arith.addi %min3A_208, %add3A_209 : vector<16xi32>
    %swap3A_211 = arith.constant 0 : i32
    %swap3A_212 = arith.constant 0 : i32
    %swap3A_213 = arith.index_cast %swap3A_211 : i32 to index
    %swap3A_214 = arith.index_cast %swap3A_212 : i32 to index
    %swap3A_215 = arith.constant 80 : index
    %swap3A_216 = tpu.vector_load %arg6[%swap3A_213, %swap3A_214, %swap3A_215] {strides = array<i32>} : memref<2x2x96xi32, #tpu.memory_space<vmem>>, vector<1x1x16xi32>,
    %swap3A_217 = vector.shape_cast %swap3A_216 : vector<1x1x16xi32> to vector<16xi32>
    %swap3A_218 = vector.shape_cast %add3A_210 : vector<16xi32> to vector<1x1x16xi32>
    tpu.vector_store %arg6[%swap3A_213, %swap3A_214, %swap3A_215], %swap3A_218 {strides = array<i32>} : memref<2x2x96xi32, #tpu.memory_space<vmem>>, vector<1x1x16xi32>,
    %run_scoped3A_219 = arith.constant 0 : i32
    %run_scoped3A_220 = arith.constant 0 : i32
    "tpu.region"() ({
      %run_scoped3A_1525 = tpu.sem_alloc : memref<!tpu.dma_semaphore, #tpu.memory_space<semaphore_mem>>
      %dma_start3A_1526 = arith.constant 0 : i32
      %dma_start3A_1527 = tpu.memref_slice %arg6[%run_scoped3A_219, %run_scoped3A_220, %dma_start3A_1526] : memref<2x2x96xi32, #tpu.memory_space<vmem>> -> memref<1x1x96xi32, #tpu.memory_space<vmem>>
      %dma_start3A_1528 = tpu.memref_squeeze %dma_start3A_1527 : memref<1x1x96xi32, #tpu.memory_space<vmem>> -> memref<96xi32, #tpu.memory_space<vmem>>
      %dma_start3A_1529 = arith.constant 0 : i32
      %dma_start3A_1530 = arith.constant 0 : i32
      %dma_start3A_1531 = tpu.memref_slice %arg12[%dma_start3A_1529, %dma_start3A_1530] : memref<10112x16xf32, #tpu.memory_space<vmem_shared>> -> memref<10112x16xf32, #tpu.memory_space<vmem_shared>>
      tpu.enqueue_indirect_dma source(%arg10 : memref<96x16xf32, #tpu.memory_space<vmem>>) target(%dma_start3A_1531 : memref<10112x16xf32, #tpu.memory_space<vmem_shared>>) offsets(%dma_start3A_1528 : memref<96xi32, #tpu.memory_space<vmem>>) semaphore(%run_scoped3A_1525 : memref<!tpu.dma_semaphore, #tpu.memory_space<semaphore_mem>>)
      %dma_wait3A_1532 = arith.constant 0 : i32
      %dma_wait3A_1533 = tpu.memref_slice %arg6[%run_scoped3A_219, %run_scoped3A_220, %dma_wait3A_1532] : memref<2x2x96xi32, #tpu.memory_space<vmem>> -> memref<1x1x96xi32, #tpu.memory_space<vmem>>
      %dma_wait3A_1534 = tpu.memref_squeeze %dma_wait3A_1533 : memref<1x1x96xi32, #tpu.memory_space<vmem>> -> memref<96xi32, #tpu.memory_space<vmem>>
      %dma_wait3A_1535 = arith.constant 0 : i32
      %dma_wait3A_1536 = arith.constant 0 : i32
      %dma_wait3A_1537 = tpu.memref_slice %arg12[%dma_wait3A_1535, %dma_wait3A_1536] : memref<10112x16xf32, #tpu.memory_space<vmem_shared>> -> memref<10112x16xf32, #tpu.memory_space<vmem_shared>>
      tpu.wait_indirect_dma semaphore(%run_scoped3A_1525 : memref<!tpu.dma_semaphore, #tpu.memory_space<semaphore_mem>>) src(%arg10 : memref<96x16xf32, #tpu.memory_space<vmem>>) dst(%dma_wait3A_1537 : memref<10112x16xf32, #tpu.memory_space<vmem_shared>>)
      tpu.yield
    }) : () -> ()
    %add3A_221 = arith.constant 192 : i32
    %add3A_222 = vector.broadcast %add3A_221 : i32 to vector<16xi32>
    %add3A_223 = arith.addi %iota3A, %add3A_222 : vector<16xi32>
    %min3A_224 = arith.constant 631 : i32
    %min3A_225 = vector.broadcast %min3A_224 : i32 to vector<16xi32>
    %min3A_226 = arith.minsi %add3A_223, %min3A_225 : vector<16xi32>
    %add3A_227 = vector.broadcast %mul3A_0 : i32 to vector<16xi32>
    %add3A_228 = arith.addi %min3A_226, %add3A_227 : vector<16xi32>
    %swap3A_229 = arith.constant 0 : i32
    %swap3A_230 = arith.constant 0 : i32
    %swap3A_231 = arith.index_cast %swap3A_229 : i32 to index
    %swap3A_232 = arith.index_cast %swap3A_230 : i32 to index
    %swap3A_233 = arith.constant 0 : index
    %swap3A_234 = tpu.vector_load %arg6[%swap3A_231, %swap3A_232, %swap3A_233] {strides = array<i32>} : memref<2x2x96xi32, #tpu.memory_space<vmem>>, vector<1x1x16xi32>,
    %swap3A_235 = vector.shape_cast %swap3A_234 : vector<1x1x16xi32> to vector<16xi32>
    %swap3A_236 = vector.shape_cast %add3A_228 : vector<16xi32> to vector<1x1x16xi32>
    tpu.vector_store %arg6[%swap3A_231, %swap3A_232, %swap3A_233], %swap3A_236 {strides = array<i32>} : memref<2x2x96xi32, #tpu.memory_space<vmem>>, vector<1x1x16xi32>,
    %add3A_237 = arith.constant 208 : i32
    %add3A_238 = vector.broadcast %add3A_237 : i32 to vector<16xi32>
    %add3A_239 = arith.addi %iota3A, %add3A_238 : vector<16xi32>
    %min3A_240 = arith.constant 631 : i32
    %min3A_241 = vector.broadcast %min3A_240 : i32 to vector<16xi32>
    %min3A_242 = arith.minsi %add3A_239, %min3A_241 : vector<16xi32>
    %add3A_243 = vector.broadcast %mul3A_0 : i32 to vector<16xi32>
    %add3A_244 = arith.addi %min3A_242, %add3A_243 : vector<16xi32>
    %swap3A_245 = arith.constant 0 : i32
    %swap3A_246 = arith.constant 0 : i32
    %swap3A_247 = arith.index_cast %swap3A_245 : i32 to index
    %swap3A_248 = arith.index_cast %swap3A_246 : i32 to index
    %swap3A_249 = arith.constant 16 : index
    %swap3A_250 = tpu.vector_load %arg6[%swap3A_247, %swap3A_248, %swap3A_249] {strides = array<i32>} : memref<2x2x96xi32, #tpu.memory_space<vmem>>, vector<1x1x16xi32>,
    %swap3A_251 = vector.shape_cast %swap3A_250 : vector<1x1x16xi32> to vector<16xi32>
    %swap3A_252 = vector.shape_cast %add3A_244 : vector<16xi32> to vector<1x1x16xi32>
    tpu.vector_store %arg6[%swap3A_247, %swap3A_248, %swap3A_249], %swap3A_252 {strides = array<i32>} : memref<2x2x96xi32, #tpu.memory_space<vmem>>, vector<1x1x16xi32>,
    %add3A_253 = arith.constant 224 : i32
    %add3A_254 = vector.broadcast %add3A_253 : i32 to vector<16xi32>
    %add3A_255 = arith.addi %iota3A, %add3A_254 : vector<16xi32>
    %min3A_256 = arith.constant 631 : i32
    %min3A_257 = vector.broadcast %min3A_256 : i32 to vector<16xi32>
    %min3A_258 = arith.minsi %add3A_255, %min3A_257 : vector<16xi32>
    %add3A_259 = vector.broadcast %mul3A_0 : i32 to vector<16xi32>
    %add3A_260 = arith.addi %min3A_258, %add3A_259 : vector<16xi32>
    %swap3A_261 = arith.constant 0 : i32
    %swap3A_262 = arith.constant 0 : i32
    %swap3A_263 = arith.index_cast %swap3A_261 : i32 to index
    %swap3A_264 = arith.index_cast %swap3A_262 : i32 to index
    %swap3A_265 = arith.constant 32 : index
    %swap3A_266 = tpu.vector_load %arg6[%swap3A_263, %swap3A_264, %swap3A_265] {strides = array<i32>} : memref<2x2x96xi32, #tpu.memory_space<vmem>>, vector<1x1x16xi32>,
    %swap3A_267 = vector.shape_cast %swap3A_266 : vector<1x1x16xi32> to vector<16xi32>
    %swap3A_268 = vector.shape_cast %add3A_260 : vector<16xi32> to vector<1x1x16xi32>
    tpu.vector_store %arg6[%swap3A_263, %swap3A_264, %swap3A_265], %swap3A_268 {strides = array<i32>} : memref<2x2x96xi32, #tpu.memory_space<vmem>>, vector<1x1x16xi32>,
    %add3A_269 = arith.constant 240 : i32
    %add3A_270 = vector.broadcast %add3A_269 : i32 to vector<16xi32>
    %add3A_271 = arith.addi %iota3A, %add3A_270 : vector<16xi32>
    %min3A_272 = arith.constant 631 : i32
    %min3A_273 = vector.broadcast %min3A_272 : i32 to vector<16xi32>
    %min3A_274 = arith.minsi %add3A_271, %min3A_273 : vector<16xi32>
    %add3A_275 = vector.broadcast %mul3A_0 : i32 to vector<16xi32>
    %add3A_276 = arith.addi %min3A_274, %add3A_275 : vector<16xi32>
    %swap3A_277 = arith.constant 0 : i32
    %swap3A_278 = arith.constant 0 : i32
    %swap3A_279 = arith.index_cast %swap3A_277 : i32 to index
    %swap3A_280 = arith.index_cast %swap3A_278 : i32 to index
    %swap3A_281 = arith.constant 48 : index
    %swap3A_282 = tpu.vector_load %arg6[%swap3A_279, %swap3A_280, %swap3A_281] {strides = array<i32>} : memref<2x2x96xi32, #tpu.memory_space<vmem>>, vector<1x1x16xi32>,
    %swap3A_283 = vector.shape_cast %swap3A_282 : vector<1x1x16xi32> to vector<16xi32>
    %swap3A_284 = vector.shape_cast %add3A_276 : vector<16xi32> to vector<1x1x16xi32>
    tpu.vector_store %arg6[%swap3A_279, %swap3A_280, %swap3A_281], %swap3A_284 {strides = array<i32>} : memref<2x2x96xi32, #tpu.memory_space<vmem>>, vector<1x1x16xi32>,
    %add3A_285 = arith.constant 256 : i32
    %add3A_286 = vector.broadcast %add3A_285 : i32 to vector<16xi32>
    %add3A_287 = arith.addi %iota3A, %add3A_286 : vector<16xi32>
    %min3A_288 = arith.constant 631 : i32
    %min3A_289 = vector.broadcast %min3A_288 : i32 to vector<16xi32>
    %min3A_290 = arith.minsi %add3A_287, %min3A_289 : vector<16xi32>
    %add3A_291 = vector.broadcast %mul3A_0 : i32 to vector<16xi32>
    %add3A_292 = arith.addi %min3A_290, %add3A_291 : vector<16xi32>
    %swap3A_293 = arith.constant 0 : i32
    %swap3A_294 = arith.constant 0 : i32
    %swap3A_295 = arith.index_cast %swap3A_293 : i32 to index
    %swap3A_296 = arith.index_cast %swap3A_294 : i32 to index
    %swap3A_297 = arith.constant 64 : index
    %swap3A_298 = tpu.vector_load %arg6[%swap3A_295, %swap3A_296, %swap3A_297] {strides = array<i32>} : memref<2x2x96xi32, #tpu.memory_space<vmem>>, vector<1x1x16xi32>,
    %swap3A_299 = vector.shape_cast %swap3A_298 : vector<1x1x16xi32> to vector<16xi32>
    %swap3A_300 = vector.shape_cast %add3A_292 : vector<16xi32> to vector<1x1x16xi32>
    tpu.vector_store %arg6[%swap3A_295, %swap3A_296, %swap3A_297], %swap3A_300 {strides = array<i32>} : memref<2x2x96xi32, #tpu.memory_space<vmem>>, vector<1x1x16xi32>,
    %add3A_301 = arith.constant 272 : i32
    %add3A_302 = vector.broadcast %add3A_301 : i32 to vector<16xi32>
    %add3A_303 = arith.addi %iota3A, %add3A_302 : vector<16xi32>
    %min3A_304 = arith.constant 631 : i32
    %min3A_305 = vector.broadcast %min3A_304 : i32 to vector<16xi32>
    %min3A_306 = arith.minsi %add3A_303, %min3A_305 : vector<16xi32>
    %add3A_307 = vector.broadcast %mul3A_0 : i32 to vector<16xi32>
    %add3A_308 = arith.addi %min3A_306, %add3A_307 : vector<16xi32>
    %swap3A_309 = arith.constant 0 : i32
    %swap3A_310 = arith.constant 0 : i32
    %swap3A_311 = arith.index_cast %swap3A_309 : i32 to index
    %swap3A_312 = arith.index_cast %swap3A_310 : i32 to index
    %swap3A_313 = arith.constant 80 : index
    %swap3A_314 = tpu.vector_load %arg6[%swap3A_311, %swap3A_312, %swap3A_313] {strides = array<i32>} : memref<2x2x96xi32, #tpu.memory_space<vmem>>, vector<1x1x16xi32>,
    %swap3A_315 = vector.shape_cast %swap3A_314 : vector<1x1x16xi32> to vector<16xi32>
    %swap3A_316 = vector.shape_cast %add3A_308 : vector<16xi32> to vector<1x1x16xi32>
    tpu.vector_store %arg6[%swap3A_311, %swap3A_312, %swap3A_313], %swap3A_316 {strides = array<i32>} : memref<2x2x96xi32, #tpu.memory_space<vmem>>, vector<1x1x16xi32>,
    %run_scoped3A_317 = arith.constant 0 : i32
    %run_scoped3A_318 = arith.constant 0 : i32
    "tpu.region"() ({
      %run_scoped3A_1525 = tpu.sem_alloc : memref<!tpu.dma_semaphore, #tpu.memory_space<semaphore_mem>>
      %dma_start3A_1526 = arith.constant 0 : i32
      %dma_start3A_1527 = tpu.memref_slice %arg6[%run_scoped3A_317, %run_scoped3A_318, %dma_start3A_1526] : memref<2x2x96xi32, #tpu.memory_space<vmem>> -> memref<1x1x96xi32, #tpu.memory_space<vmem>>
      %dma_start3A_1528 = tpu.memref_squeeze %dma_start3A_1527 : memref<1x1x96xi32, #tpu.memory_space<vmem>> -> memref<96xi32, #tpu.memory_space<vmem>>
      %dma_start3A_1529 = arith.constant 0 : i32
      %dma_start3A_1530 = arith.constant 0 : i32
      %dma_start3A_1531 = tpu.memref_slice %arg12[%dma_start3A_1529, %dma_start3A_1530] : memref<10112x16xf32, #tpu.memory_space<vmem_shared>> -> memref<10112x16xf32, #tpu.memory_space<vmem_shared>>
      tpu.enqueue_indirect_dma source(%arg10 : memref<96x16xf32, #tpu.memory_space<vmem>>) target(%dma_start3A_1531 : memref<10112x16xf32, #tpu.memory_space<vmem_shared>>) offsets(%dma_start3A_1528 : memref<96xi32, #tpu.memory_space<vmem>>) semaphore(%run_scoped3A_1525 : memref<!tpu.dma_semaphore, #tpu.memory_space<semaphore_mem>>)
      %dma_wait3A_1532 = arith.constant 0 : i32
      %dma_wait3A_1533 = tpu.memref_slice %arg6[%run_scoped3A_317, %run_scoped3A_318, %dma_wait3A_1532] : memref<2x2x96xi32, #tpu.memory_space<vmem>> -> memref<1x1x96xi32, #tpu.memory_space<vmem>>
      %dma_wait3A_1534 = tpu.memref_squeeze %dma_wait3A_1533 : memref<1x1x96xi32, #tpu.memory_space<vmem>> -> memref<96xi32, #tpu.memory_space<vmem>>
      %dma_wait3A_1535 = arith.constant 0 : i32
      %dma_wait3A_1536 = arith.constant 0 : i32
      %dma_wait3A_1537 = tpu.memref_slice %arg12[%dma_wait3A_1535, %dma_wait3A_1536] : memref<10112x16xf32, #tpu.memory_space<vmem_shared>> -> memref<10112x16xf32, #tpu.memory_space<vmem_shared>>
      tpu.wait_indirect_dma semaphore(%run_scoped3A_1525 : memref<!tpu.dma_semaphore, #tpu.memory_space<semaphore_mem>>) src(%arg10 : memref<96x16xf32, #tpu.memory_space<vmem>>) dst(%dma_wait3A_1537 : memref<10112x16xf32, #tpu.memory_space<vmem_shared>>)
      tpu.yield
    }) : () -> ()
    %add3A_319 = arith.constant 288 : i32
    %add3A_320 = vector.broadcast %add3A_319 : i32 to vector<16xi32>
    %add3A_321 = arith.addi %iota3A, %add3A_320 : vector<16xi32>
    %min3A_322 = arith.constant 631 : i32
    %min3A_323 = vector.broadcast %min3A_322 : i32 to vector<16xi32>
    %min3A_324 = arith.minsi %add3A_321, %min3A_323 : vector<16xi32>
    %add3A_325 = vector.broadcast %mul3A_0 : i32 to vector<16xi32>
    %add3A_326 = arith.addi %min3A_324, %add3A_325 : vector<16xi32>
    %swap3A_327 = arith.constant 0 : i32
    %swap3A_328 = arith.constant 0 : i32
    %swap3A_329 = arith.index_cast %swap3A_327 : i32 to index
    %swap3A_330 = arith.index_cast %swap3A_328 : i32 to index
    %swap3A_331 = arith.constant 0 : index
    %swap3A_332 = tpu.vector_load %arg6[%swap3A_329, %swap3A_330, %swap3A_331] {strides = array<i32>} : memref<2x2x96xi32, #tpu.memory_space<vmem>>, vector<1x1x16xi32>,
    %swap3A_333 = vector.shape_cast %swap3A_332 : vector<1x1x16xi32> to vector<16xi32>
    %swap3A_334 = vector.shape_cast %add3A_326 : vector<16xi32> to vector<1x1x16xi32>
    tpu.vector_store %arg6[%swap3A_329, %swap3A_330, %swap3A_331], %swap3A_334 {strides = array<i32>} : memref<2x2x96xi32, #tpu.memory_space<vmem>>, vector<1x1x16xi32>,
    %add3A_335 = arith.constant 304 : i32
    %add3A_336 = vector.broadcast %add3A_335 : i32 to vector<16xi32>
    %add3A_337 = arith.addi %iota3A, %add3A_336 : vector<16xi32>
    %min3A_338 = arith.constant 631 : i32
    %min3A_339 = vector.broadcast %min3A_338 : i32 to vector<16xi32>
    %min3A_340 = arith.minsi %add3A_337, %min3A_339 : vector<16xi32>
    %add3A_341 = vector.broadcast %mul3A_0 : i32 to vector<16xi32>
    %add3A_342 = arith.addi %min3A_340, %add3A_341 : vector<16xi32>
    %swap3A_343 = arith.constant 0 : i32
    %swap3A_344 = arith.constant 0 : i32
    %swap3A_345 = arith.index_cast %swap3A_343 : i32 to index
    %swap3A_346 = arith.index_cast %swap3A_344 : i32 to index
    %swap3A_347 = arith.constant 16 : index
    %swap3A_348 = tpu.vector_load %arg6[%swap3A_345, %swap3A_346, %swap3A_347] {strides = array<i32>} : memref<2x2x96xi32, #tpu.memory_space<vmem>>, vector<1x1x16xi32>,
    %swap3A_349 = vector.shape_cast %swap3A_348 : vector<1x1x16xi32> to vector<16xi32>
    %swap3A_350 = vector.shape_cast %add3A_342 : vector<16xi32> to vector<1x1x16xi32>
    tpu.vector_store %arg6[%swap3A_345, %swap3A_346, %swap3A_347], %swap3A_350 {strides = array<i32>} : memref<2x2x96xi32, #tpu.memory_space<vmem>>, vector<1x1x16xi32>,
    %add3A_351 = arith.constant 320 : i32
    %add3A_352 = vector.broadcast %add3A_351 : i32 to vector<16xi32>
    %add3A_353 = arith.addi %iota3A, %add3A_352 : vector<16xi32>
    %min3A_354 = arith.constant 631 : i32
    %min3A_355 = vector.broadcast %min3A_354 : i32 to vector<16xi32>
    %min3A_356 = arith.minsi %add3A_353, %min3A_355 : vector<16xi32>
    %add3A_357 = vector.broadcast %mul3A_0 : i32 to vector<16xi32>
    %add3A_358 = arith.addi %min3A_356, %add3A_357 : vector<16xi32>
    %swap3A_359 = arith.constant 0 : i32
    %swap3A_360 = arith.constant 0 : i32
    %swap3A_361 = arith.index_cast %swap3A_359 : i32 to index
    %swap3A_362 = arith.index_cast %swap3A_360 : i32 to index
    %swap3A_363 = arith.constant 32 : index
    %swap3A_364 = tpu.vector_load %arg6[%swap3A_361, %swap3A_362, %swap3A_363] {strides = array<i32>} : memref<2x2x96xi32, #tpu.memory_space<vmem>>, vector<1x1x16xi32>,
    %swap3A_365 = vector.shape_cast %swap3A_364 : vector<1x1x16xi32> to vector<16xi32>
    %swap3A_366 = vector.shape_cast %add3A_358 : vector<16xi32> to vector<1x1x16xi32>
    tpu.vector_store %arg6[%swap3A_361, %swap3A_362, %swap3A_363], %swap3A_366 {strides = array<i32>} : memref<2x2x96xi32, #tpu.memory_space<vmem>>, vector<1x1x16xi32>,
    %add3A_367 = arith.constant 336 : i32
    %add3A_368 = vector.broadcast %add3A_367 : i32 to vector<16xi32>
    %add3A_369 = arith.addi %iota3A, %add3A_368 : vector<16xi32>
    %min3A_370 = arith.constant 631 : i32
    %min3A_371 = vector.broadcast %min3A_370 : i32 to vector<16xi32>
    %min3A_372 = arith.minsi %add3A_369, %min3A_371 : vector<16xi32>
    %add3A_373 = vector.broadcast %mul3A_0 : i32 to vector<16xi32>
    %add3A_374 = arith.addi %min3A_372, %add3A_373 : vector<16xi32>
    %swap3A_375 = arith.constant 0 : i32
    %swap3A_376 = arith.constant 0 : i32
    %swap3A_377 = arith.index_cast %swap3A_375 : i32 to index
    %swap3A_378 = arith.index_cast %swap3A_376 : i32 to index
    %swap3A_379 = arith.constant 48 : index
    %swap3A_380 = tpu.vector_load %arg6[%swap3A_377, %swap3A_378, %swap3A_379] {strides = array<i32>} : memref<2x2x96xi32, #tpu.memory_space<vmem>>, vector<1x1x16xi32>,
    %swap3A_381 = vector.shape_cast %swap3A_380 : vector<1x1x16xi32> to vector<16xi32>
    %swap3A_382 = vector.shape_cast %add3A_374 : vector<16xi32> to vector<1x1x16xi32>
    tpu.vector_store %arg6[%swap3A_377, %swap3A_378, %swap3A_379], %swap3A_382 {strides = array<i32>} : memref<2x2x96xi32, #tpu.memory_space<vmem>>, vector<1x1x16xi32>,
    %add3A_383 = arith.constant 352 : i32
    %add3A_384 = vector.broadcast %add3A_383 : i32 to vector<16xi32>
    %add3A_385 = arith.addi %iota3A, %add3A_384 : vector<16xi32>
    %min3A_386 = arith.constant 631 : i32
    %min3A_387 = vector.broadcast %min3A_386 : i32 to vector<16xi32>
    %min3A_388 = arith.minsi %add3A_385, %min3A_387 : vector<16xi32>
    %add3A_389 = vector.broadcast %mul3A_0 : i32 to vector<16xi32>
    %add3A_390 = arith.addi %min3A_388, %add3A_389 : vector<16xi32>
    %swap3A_391 = arith.constant 0 : i32
    %swap3A_392 = arith.constant 0 : i32
    %swap3A_393 = arith.index_cast %swap3A_391 : i32 to index
    %swap3A_394 = arith.index_cast %swap3A_392 : i32 to index
    %swap3A_395 = arith.constant 64 : index
    %swap3A_396 = tpu.vector_load %arg6[%swap3A_393, %swap3A_394, %swap3A_395] {strides = array<i32>} : memref<2x2x96xi32, #tpu.memory_space<vmem>>, vector<1x1x16xi32>,
    %swap3A_397 = vector.shape_cast %swap3A_396 : vector<1x1x16xi32> to vector<16xi32>
    %swap3A_398 = vector.shape_cast %add3A_390 : vector<16xi32> to vector<1x1x16xi32>
    tpu.vector_store %arg6[%swap3A_393, %swap3A_394, %swap3A_395], %swap3A_398 {strides = array<i32>} : memref<2x2x96xi32, #tpu.memory_space<vmem>>, vector<1x1x16xi32>,
    %add3A_399 = arith.constant 368 : i32
    %add3A_400 = vector.broadcast %add3A_399 : i32 to vector<16xi32>
    %add3A_401 = arith.addi %iota3A, %add3A_400 : vector<16xi32>
    %min3A_402 = arith.constant 631 : i32
    %min3A_403 = vector.broadcast %min3A_402 : i32 to vector<16xi32>
    %min3A_404 = arith.minsi %add3A_401, %min3A_403 : vector<16xi32>
    %add3A_405 = vector.broadcast %mul3A_0 : i32 to vector<16xi32>
    %add3A_406 = arith.addi %min3A_404, %add3A_405 : vector<16xi32>
    %swap3A_407 = arith.constant 0 : i32
    %swap3A_408 = arith.constant 0 : i32
    %swap3A_409 = arith.index_cast %swap3A_407 : i32 to index
    %swap3A_410 = arith.index_cast %swap3A_408 : i32 to index
    %swap3A_411 = arith.constant 80 : index
    %swap3A_412 = tpu.vector_load %arg6[%swap3A_409, %swap3A_410, %swap3A_411] {strides = array<i32>} : memref<2x2x96xi32, #tpu.memory_space<vmem>>, vector<1x1x16xi32>,
    %swap3A_413 = vector.shape_cast %swap3A_412 : vector<1x1x16xi32> to vector<16xi32>
    %swap3A_414 = vector.shape_cast %add3A_406 : vector<16xi32> to vector<1x1x16xi32>
    tpu.vector_store %arg6[%swap3A_409, %swap3A_410, %swap3A_411], %swap3A_414 {strides = array<i32>} : memref<2x2x96xi32, #tpu.memory_space<vmem>>, vector<1x1x16xi32>,
    %run_scoped3A_415 = arith.constant 0 : i32
    %run_scoped3A_416 = arith.constant 0 : i32
    "tpu.region"() ({
      %run_scoped3A_1525 = tpu.sem_alloc : memref<!tpu.dma_semaphore, #tpu.memory_space<semaphore_mem>>
      %dma_start3A_1526 = arith.constant 0 : i32
      %dma_start3A_1527 = tpu.memref_slice %arg6[%run_scoped3A_415, %run_scoped3A_416, %dma_start3A_1526] : memref<2x2x96xi32, #tpu.memory_space<vmem>> -> memref<1x1x96xi32, #tpu.memory_space<vmem>>
      %dma_start3A_1528 = tpu.memref_squeeze %dma_start3A_1527 : memref<1x1x96xi32, #tpu.memory_space<vmem>> -> memref<96xi32, #tpu.memory_space<vmem>>
      %dma_start3A_1529 = arith.constant 0 : i32
      %dma_start3A_1530 = arith.constant 0 : i32
      %dma_start3A_1531 = tpu.memref_slice %arg12[%dma_start3A_1529, %dma_start3A_1530] : memref<10112x16xf32, #tpu.memory_space<vmem_shared>> -> memref<10112x16xf32, #tpu.memory_space<vmem_shared>>
      tpu.enqueue_indirect_dma source(%arg10 : memref<96x16xf32, #tpu.memory_space<vmem>>) target(%dma_start3A_1531 : memref<10112x16xf32, #tpu.memory_space<vmem_shared>>) offsets(%dma_start3A_1528 : memref<96xi32, #tpu.memory_space<vmem>>) semaphore(%run_scoped3A_1525 : memref<!tpu.dma_semaphore, #tpu.memory_space<semaphore_mem>>)
      %dma_wait3A_1532 = arith.constant 0 : i32
      %dma_wait3A_1533 = tpu.memref_slice %arg6[%run_scoped3A_415, %run_scoped3A_416, %dma_wait3A_1532] : memref<2x2x96xi32, #tpu.memory_space<vmem>> -> memref<1x1x96xi32, #tpu.memory_space<vmem>>
      %dma_wait3A_1534 = tpu.memref_squeeze %dma_wait3A_1533 : memref<1x1x96xi32, #tpu.memory_space<vmem>> -> memref<96xi32, #tpu.memory_space<vmem>>
      %dma_wait3A_1535 = arith.constant 0 : i32
      %dma_wait3A_1536 = arith.constant 0 : i32
      %dma_wait3A_1537 = tpu.memref_slice %arg12[%dma_wait3A_1535, %dma_wait3A_1536] : memref<10112x16xf32, #tpu.memory_space<vmem_shared>> -> memref<10112x16xf32, #tpu.memory_space<vmem_shared>>
      tpu.wait_indirect_dma semaphore(%run_scoped3A_1525 : memref<!tpu.dma_semaphore, #tpu.memory_space<semaphore_mem>>) src(%arg10 : memref<96x16xf32, #tpu.memory_space<vmem>>) dst(%dma_wait3A_1537 : memref<10112x16xf32, #tpu.memory_space<vmem_shared>>)
      tpu.yield
    }) : () -> ()
    %add3A_417 = arith.constant 384 : i32
    %add3A_418 = vector.broadcast %add3A_417 : i32 to vector<16xi32>
    %add3A_419 = arith.addi %iota3A, %add3A_418 : vector<16xi32>
    %min3A_420 = arith.constant 631 : i32
    %min3A_421 = vector.broadcast %min3A_420 : i32 to vector<16xi32>
    %min3A_422 = arith.minsi %add3A_419, %min3A_421 : vector<16xi32>
    %add3A_423 = vector.broadcast %mul3A_0 : i32 to vector<16xi32>
    %add3A_424 = arith.addi %min3A_422, %add3A_423 : vector<16xi32>
    %swap3A_425 = arith.constant 0 : i32
    %swap3A_426 = arith.constant 0 : i32
    %swap3A_427 = arith.index_cast %swap3A_425 : i32 to index
    %swap3A_428 = arith.index_cast %swap3A_426 : i32 to index
    %swap3A_429 = arith.constant 0 : index
    %swap3A_430 = tpu.vector_load %arg6[%swap3A_427, %swap3A_428, %swap3A_429] {strides = array<i32>} : memref<2x2x96xi32, #tpu.memory_space<vmem>>, vector<1x1x16xi32>,
    %swap3A_431 = vector.shape_cast %swap3A_430 : vector<1x1x16xi32> to vector<16xi32>
    %swap3A_432 = vector.shape_cast %add3A_424 : vector<16xi32> to vector<1x1x16xi32>
    tpu.vector_store %arg6[%swap3A_427, %swap3A_428, %swap3A_429], %swap3A_432 {strides = array<i32>} : memref<2x2x96xi32, #tpu.memory_space<vmem>>, vector<1x1x16xi32>,
    %add3A_433 = arith.constant 400 : i32
    %add3A_434 = vector.broadcast %add3A_433 : i32 to vector<16xi32>
    %add3A_435 = arith.addi %iota3A, %add3A_434 : vector<16xi32>
    %min3A_436 = arith.constant 631 : i32
    %min3A_437 = vector.broadcast %min3A_436 : i32 to vector<16xi32>
    %min3A_438 = arith.minsi %add3A_435, %min3A_437 : vector<16xi32>
    %add3A_439 = vector.broadcast %mul3A_0 : i32 to vector<16xi32>
    %add3A_440 = arith.addi %min3A_438, %add3A_439 : vector<16xi32>
    %swap3A_441 = arith.constant 0 : i32
    %swap3A_442 = arith.constant 0 : i32
    %swap3A_443 = arith.index_cast %swap3A_441 : i32 to index
    %swap3A_444 = arith.index_cast %swap3A_442 : i32 to index
    %swap3A_445 = arith.constant 16 : index
    %swap3A_446 = tpu.vector_load %arg6[%swap3A_443, %swap3A_444, %swap3A_445] {strides = array<i32>} : memref<2x2x96xi32, #tpu.memory_space<vmem>>, vector<1x1x16xi32>,
    %swap3A_447 = vector.shape_cast %swap3A_446 : vector<1x1x16xi32> to vector<16xi32>
    %swap3A_448 = vector.shape_cast %add3A_440 : vector<16xi32> to vector<1x1x16xi32>
    tpu.vector_store %arg6[%swap3A_443, %swap3A_444, %swap3A_445], %swap3A_448 {strides = array<i32>} : memref<2x2x96xi32, #tpu.memory_space<vmem>>, vector<1x1x16xi32>,
    %add3A_449 = arith.constant 416 : i32
    %add3A_450 = vector.broadcast %add3A_449 : i32 to vector<16xi32>
    %add3A_451 = arith.addi %iota3A, %add3A_450 : vector<16xi32>
    %min3A_452 = arith.constant 631 : i32
    %min3A_453 = vector.broadcast %min3A_452 : i32 to vector<16xi32>
    %min3A_454 = arith.minsi %add3A_451, %min3A_453 : vector<16xi32>
    %add3A_455 = vector.broadcast %mul3A_0 : i32 to vector<16xi32>
    %add3A_456 = arith.addi %min3A_454, %add3A_455 : vector<16xi32>
    %swap3A_457 = arith.constant 0 : i32
    %swap3A_458 = arith.constant 0 : i32
    %swap3A_459 = arith.index_cast %swap3A_457 : i32 to index
    %swap3A_460 = arith.index_cast %swap3A_458 : i32 to index
    %swap3A_461 = arith.constant 32 : index
    %swap3A_462 = tpu.vector_load %arg6[%swap3A_459, %swap3A_460, %swap3A_461] {strides = array<i32>} : memref<2x2x96xi32, #tpu.memory_space<vmem>>, vector<1x1x16xi32>,
    %swap3A_463 = vector.shape_cast %swap3A_462 : vector<1x1x16xi32> to vector<16xi32>
    %swap3A_464 = vector.shape_cast %add3A_456 : vector<16xi32> to vector<1x1x16xi32>
    tpu.vector_store %arg6[%swap3A_459, %swap3A_460, %swap3A_461], %swap3A_464 {strides = array<i32>} : memref<2x2x96xi32, #tpu.memory_space<vmem>>, vector<1x1x16xi32>,
    %add3A_465 = arith.constant 432 : i32
    %add3A_466 = vector.broadcast %add3A_465 : i32 to vector<16xi32>
    %add3A_467 = arith.addi %iota3A, %add3A_466 : vector<16xi32>
    %min3A_468 = arith.constant 631 : i32
    %min3A_469 = vector.broadcast %min3A_468 : i32 to vector<16xi32>
    %min3A_470 = arith.minsi %add3A_467, %min3A_469 : vector<16xi32>
    %add3A_471 = vector.broadcast %mul3A_0 : i32 to vector<16xi32>
    %add3A_472 = arith.addi %min3A_470, %add3A_471 : vector<16xi32>
    %swap3A_473 = arith.constant 0 : i32
    %swap3A_474 = arith.constant 0 : i32
    %swap3A_475 = arith.index_cast %swap3A_473 : i32 to index
    %swap3A_476 = arith.index_cast %swap3A_474 : i32 to index
    %swap3A_477 = arith.constant 48 : index
    %swap3A_478 = tpu.vector_load %arg6[%swap3A_475, %swap3A_476, %swap3A_477] {strides = array<i32>} : memref<2x2x96xi32, #tpu.memory_space<vmem>>, vector<1x1x16xi32>,
    %swap3A_479 = vector.shape_cast %swap3A_478 : vector<1x1x16xi32> to vector<16xi32>
    %swap3A_480 = vector.shape_cast %add3A_472 : vector<16xi32> to vector<1x1x16xi32>
    tpu.vector_store %arg6[%swap3A_475, %swap3A_476, %swap3A_477], %swap3A_480 {strides = array<i32>} : memref<2x2x96xi32, #tpu.memory_space<vmem>>, vector<1x1x16xi32>,
    %add3A_481 = arith.constant 448 : i32
    %add3A_482 = vector.broadcast %add3A_481 : i32 to vector<16xi32>
    %add3A_483 = arith.addi %iota3A, %add3A_482 : vector<16xi32>
    %min3A_484 = arith.constant 631 : i32
    %min3A_485 = vector.broadcast %min3A_484 : i32 to vector<16xi32>
    %min3A_486 = arith.minsi %add3A_483, %min3A_485 : vector<16xi32>
    %add3A_487 = vector.broadcast %mul3A_0 : i32 to vector<16xi32>
    %add3A_488 = arith.addi %min3A_486, %add3A_487 : vector<16xi32>
    %swap3A_489 = arith.constant 0 : i32
    %swap3A_490 = arith.constant 0 : i32
    %swap3A_491 = arith.index_cast %swap3A_489 : i32 to index
    %swap3A_492 = arith.index_cast %swap3A_490 : i32 to index
    %swap3A_493 = arith.constant 64 : index
    %swap3A_494 = tpu.vector_load %arg6[%swap3A_491, %swap3A_492, %swap3A_493] {strides = array<i32>} : memref<2x2x96xi32, #tpu.memory_space<vmem>>, vector<1x1x16xi32>,
    %swap3A_495 = vector.shape_cast %swap3A_494 : vector<1x1x16xi32> to vector<16xi32>
    %swap3A_496 = vector.shape_cast %add3A_488 : vector<16xi32> to vector<1x1x16xi32>
    tpu.vector_store %arg6[%swap3A_491, %swap3A_492, %swap3A_493], %swap3A_496 {strides = array<i32>} : memref<2x2x96xi32, #tpu.memory_space<vmem>>, vector<1x1x16xi32>,
    %add3A_497 = arith.constant 464 : i32
    %add3A_498 = vector.broadcast %add3A_497 : i32 to vector<16xi32>
    %add3A_499 = arith.addi %iota3A, %add3A_498 : vector<16xi32>
    %min3A_500 = arith.constant 631 : i32
    %min3A_501 = vector.broadcast %min3A_500 : i32 to vector<16xi32>
    %min3A_502 = arith.minsi %add3A_499, %min3A_501 : vector<16xi32>
    %add3A_503 = vector.broadcast %mul3A_0 : i32 to vector<16xi32>
    %add3A_504 = arith.addi %min3A_502, %add3A_503 : vector<16xi32>
    %swap3A_505 = arith.constant 0 : i32
    %swap3A_506 = arith.constant 0 : i32
    %swap3A_507 = arith.index_cast %swap3A_505 : i32 to index
    %swap3A_508 = arith.index_cast %swap3A_506 : i32 to index
    %swap3A_509 = arith.constant 80 : index
    %swap3A_510 = tpu.vector_load %arg6[%swap3A_507, %swap3A_508, %swap3A_509] {strides = array<i32>} : memref<2x2x96xi32, #tpu.memory_space<vmem>>, vector<1x1x16xi32>,
    %swap3A_511 = vector.shape_cast %swap3A_510 : vector<1x1x16xi32> to vector<16xi32>
    %swap3A_512 = vector.shape_cast %add3A_504 : vector<16xi32> to vector<1x1x16xi32>
    tpu.vector_store %arg6[%swap3A_507, %swap3A_508, %swap3A_509], %swap3A_512 {strides = array<i32>} : memref<2x2x96xi32, #tpu.memory_space<vmem>>, vector<1x1x16xi32>,
    %run_scoped3A_513 = arith.constant 0 : i32
    %run_scoped3A_514 = arith.constant 0 : i32
    "tpu.region"() ({
      %run_scoped3A_1525 = tpu.sem_alloc : memref<!tpu.dma_semaphore, #tpu.memory_space<semaphore_mem>>
      %dma_start3A_1526 = arith.constant 0 : i32
      %dma_start3A_1527 = tpu.memref_slice %arg6[%run_scoped3A_513, %run_scoped3A_514, %dma_start3A_1526] : memref<2x2x96xi32, #tpu.memory_space<vmem>> -> memref<1x1x96xi32, #tpu.memory_space<vmem>>
      %dma_start3A_1528 = tpu.memref_squeeze %dma_start3A_1527 : memref<1x1x96xi32, #tpu.memory_space<vmem>> -> memref<96xi32, #tpu.memory_space<vmem>>
      %dma_start3A_1529 = arith.constant 0 : i32
      %dma_start3A_1530 = arith.constant 0 : i32
      %dma_start3A_1531 = tpu.memref_slice %arg12[%dma_start3A_1529, %dma_start3A_1530] : memref<10112x16xf32, #tpu.memory_space<vmem_shared>> -> memref<10112x16xf32, #tpu.memory_space<vmem_shared>>
      tpu.enqueue_indirect_dma source(%arg10 : memref<96x16xf32, #tpu.memory_space<vmem>>) target(%dma_start3A_1531 : memref<10112x16xf32, #tpu.memory_space<vmem_shared>>) offsets(%dma_start3A_1528 : memref<96xi32, #tpu.memory_space<vmem>>) semaphore(%run_scoped3A_1525 : memref<!tpu.dma_semaphore, #tpu.memory_space<semaphore_mem>>)
      %dma_wait3A_1532 = arith.constant 0 : i32
      %dma_wait3A_1533 = tpu.memref_slice %arg6[%run_scoped3A_513, %run_scoped3A_514, %dma_wait3A_1532] : memref<2x2x96xi32, #tpu.memory_space<vmem>> -> memref<1x1x96xi32, #tpu.memory_space<vmem>>
      %dma_wait3A_1534 = tpu.memref_squeeze %dma_wait3A_1533 : memref<1x1x96xi32, #tpu.memory_space<vmem>> -> memref<96xi32, #tpu.memory_space<vmem>>
      %dma_wait3A_1535 = arith.constant 0 : i32
      %dma_wait3A_1536 = arith.constant 0 : i32
      %dma_wait3A_1537 = tpu.memref_slice %arg12[%dma_wait3A_1535, %dma_wait3A_1536] : memref<10112x16xf32, #tpu.memory_space<vmem_shared>> -> memref<10112x16xf32, #tpu.memory_space<vmem_shared>>
      tpu.wait_indirect_dma semaphore(%run_scoped3A_1525 : memref<!tpu.dma_semaphore, #tpu.memory_space<semaphore_mem>>) src(%arg10 : memref<96x16xf32, #tpu.memory_space<vmem>>) dst(%dma_wait3A_1537 : memref<10112x16xf32, #tpu.memory_space<vmem_shared>>)
      tpu.yield
    }) : () -> ()
    %add3A_515 = arith.constant 480 : i32
    %add3A_516 = vector.broadcast %add3A_515 : i32 to vector<16xi32>
    %add3A_517 = arith.addi %iota3A, %add3A_516 : vector<16xi32>
    %min3A_518 = arith.constant 631 : i32
    %min3A_519 = vector.broadcast %min3A_518 : i32 to vector<16xi32>
    %min3A_520 = arith.minsi %add3A_517, %min3A_519 : vector<16xi32>
    %add3A_521 = vector.broadcast %mul3A_0 : i32 to vector<16xi32>
    %add3A_522 = arith.addi %min3A_520, %add3A_521 : vector<16xi32>
    %swap3A_523 = arith.constant 0 : i32
    %swap3A_524 = arith.constant 0 : i32
    %swap3A_525 = arith.index_cast %swap3A_523 : i32 to index
    %swap3A_526 = arith.index_cast %swap3A_524 : i32 to index
    %swap3A_527 = arith.constant 0 : index
    %swap3A_528 = tpu.vector_load %arg6[%swap3A_525, %swap3A_526, %swap3A_527] {strides = array<i32>} : memref<2x2x96xi32, #tpu.memory_space<vmem>>, vector<1x1x16xi32>,
    %swap3A_529 = vector.shape_cast %swap3A_528 : vector<1x1x16xi32> to vector<16xi32>
    %swap3A_530 = vector.shape_cast %add3A_522 : vector<16xi32> to vector<1x1x16xi32>
    tpu.vector_store %arg6[%swap3A_525, %swap3A_526, %swap3A_527], %swap3A_530 {strides = array<i32>} : memref<2x2x96xi32, #tpu.memory_space<vmem>>, vector<1x1x16xi32>,
    %add3A_531 = arith.constant 496 : i32
    %add3A_532 = vector.broadcast %add3A_531 : i32 to vector<16xi32>
    %add3A_533 = arith.addi %iota3A, %add3A_532 : vector<16xi32>
    %min3A_534 = arith.constant 631 : i32
    %min3A_535 = vector.broadcast %min3A_534 : i32 to vector<16xi32>
    %min3A_536 = arith.minsi %add3A_533, %min3A_535 : vector<16xi32>
    %add3A_537 = vector.broadcast %mul3A_0 : i32 to vector<16xi32>
    %add3A_538 = arith.addi %min3A_536, %add3A_537 : vector<16xi32>
    %swap3A_539 = arith.constant 0 : i32
    %swap3A_540 = arith.constant 0 : i32
    %swap3A_541 = arith.index_cast %swap3A_539 : i32 to index
    %swap3A_542 = arith.index_cast %swap3A_540 : i32 to index
    %swap3A_543 = arith.constant 16 : index
    %swap3A_544 = tpu.vector_load %arg6[%swap3A_541, %swap3A_542, %swap3A_543] {strides = array<i32>} : memref<2x2x96xi32, #tpu.memory_space<vmem>>, vector<1x1x16xi32>,
    %swap3A_545 = vector.shape_cast %swap3A_544 : vector<1x1x16xi32> to vector<16xi32>
    %swap3A_546 = vector.shape_cast %add3A_538 : vector<16xi32> to vector<1x1x16xi32>
    tpu.vector_store %arg6[%swap3A_541, %swap3A_542, %swap3A_543], %swap3A_546 {strides = array<i32>} : memref<2x2x96xi32, #tpu.memory_space<vmem>>, vector<1x1x16xi32>,
    %add3A_547 = arith.constant 512 : i32
    %add3A_548 = vector.broadcast %add3A_547 : i32 to vector<16xi32>
    %add3A_549 = arith.addi %iota3A, %add3A_548 : vector<16xi32>
    %min3A_550 = arith.constant 631 : i32
    %min3A_551 = vector.broadcast %min3A_550 : i32 to vector<16xi32>
    %min3A_552 = arith.minsi %add3A_549, %min3A_551 : vector<16xi32>
    %add3A_553 = vector.broadcast %mul3A_0 : i32 to vector<16xi32>
    %add3A_554 = arith.addi %min3A_552, %add3A_553 : vector<16xi32>
    %swap3A_555 = arith.constant 0 : i32
    %swap3A_556 = arith.constant 0 : i32
    %swap3A_557 = arith.index_cast %swap3A_555 : i32 to index
    %swap3A_558 = arith.index_cast %swap3A_556 : i32 to index
    %swap3A_559 = arith.constant 32 : index
    %swap3A_560 = tpu.vector_load %arg6[%swap3A_557, %swap3A_558, %swap3A_559] {strides = array<i32>} : memref<2x2x96xi32, #tpu.memory_space<vmem>>, vector<1x1x16xi32>,
    %swap3A_561 = vector.shape_cast %swap3A_560 : vector<1x1x16xi32> to vector<16xi32>
    %swap3A_562 = vector.shape_cast %add3A_554 : vector<16xi32> to vector<1x1x16xi32>
    tpu.vector_store %arg6[%swap3A_557, %swap3A_558, %swap3A_559], %swap3A_562 {strides = array<i32>} : memref<2x2x96xi32, #tpu.memory_space<vmem>>, vector<1x1x16xi32>,
    %add3A_563 = arith.constant 528 : i32
    %add3A_564 = vector.broadcast %add3A_563 : i32 to vector<16xi32>
    %add3A_565 = arith.addi %iota3A, %add3A_564 : vector<16xi32>
    %min3A_566 = arith.constant 631 : i32
    %min3A_567 = vector.broadcast %min3A_566 : i32 to vector<16xi32>
    %min3A_568 = arith.minsi %add3A_565, %min3A_567 : vector<16xi32>
    %add3A_569 = vector.broadcast %mul3A_0 : i32 to vector<16xi32>
    %add3A_570 = arith.addi %min3A_568, %add3A_569 : vector<16xi32>
    %swap3A_571 = arith.constant 0 : i32
    %swap3A_572 = arith.constant 0 : i32
    %swap3A_573 = arith.index_cast %swap3A_571 : i32 to index
    %swap3A_574 = arith.index_cast %swap3A_572 : i32 to index
    %swap3A_575 = arith.constant 48 : index
    %swap3A_576 = tpu.vector_load %arg6[%swap3A_573, %swap3A_574, %swap3A_575] {strides = array<i32>} : memref<2x2x96xi32, #tpu.memory_space<vmem>>, vector<1x1x16xi32>,
    %swap3A_577 = vector.shape_cast %swap3A_576 : vector<1x1x16xi32> to vector<16xi32>
    %swap3A_578 = vector.shape_cast %add3A_570 : vector<16xi32> to vector<1x1x16xi32>
    tpu.vector_store %arg6[%swap3A_573, %swap3A_574, %swap3A_575], %swap3A_578 {strides = array<i32>} : memref<2x2x96xi32, #tpu.memory_space<vmem>>, vector<1x1x16xi32>,
    %add3A_579 = arith.constant 544 : i32
    %add3A_580 = vector.broadcast %add3A_579 : i32 to vector<16xi32>
    %add3A_581 = arith.addi %iota3A, %add3A_580 : vector<16xi32>
    %min3A_582 = arith.constant 631 : i32
    %min3A_583 = vector.broadcast %min3A_582 : i32 to vector<16xi32>
    %min3A_584 = arith.minsi %add3A_581, %min3A_583 : vector<16xi32>
    %add3A_585 = vector.broadcast %mul3A_0 : i32 to vector<16xi32>
    %add3A_586 = arith.addi %min3A_584, %add3A_585 : vector<16xi32>
    %swap3A_587 = arith.constant 0 : i32
    %swap3A_588 = arith.constant 0 : i32
    %swap3A_589 = arith.index_cast %swap3A_587 : i32 to index
    %swap3A_590 = arith.index_cast %swap3A_588 : i32 to index
    %swap3A_591 = arith.constant 64 : index
    %swap3A_592 = tpu.vector_load %arg6[%swap3A_589, %swap3A_590, %swap3A_591] {strides = array<i32>} : memref<2x2x96xi32, #tpu.memory_space<vmem>>, vector<1x1x16xi32>,
    %swap3A_593 = vector.shape_cast %swap3A_592 : vector<1x1x16xi32> to vector<16xi32>
    %swap3A_594 = vector.shape_cast %add3A_586 : vector<16xi32> to vector<1x1x16xi32>
    tpu.vector_store %arg6[%swap3A_589, %swap3A_590, %swap3A_591], %swap3A_594 {strides = array<i32>} : memref<2x2x96xi32, #tpu.memory_space<vmem>>, vector<1x1x16xi32>,
    %add3A_595 = arith.constant 560 : i32
    %add3A_596 = vector.broadcast %add3A_595 : i32 to vector<16xi32>
    %add3A_597 = arith.addi %iota3A, %add3A_596 : vector<16xi32>
    %min3A_598 = arith.constant 631 : i32
    %min3A_599 = vector.broadcast %min3A_598 : i32 to vector<16xi32>
    %min3A_600 = arith.minsi %add3A_597, %min3A_599 : vector<16xi32>
    %add3A_601 = vector.broadcast %mul3A_0 : i32 to vector<16xi32>
    %add3A_602 = arith.addi %min3A_600, %add3A_601 : vector<16xi32>
    %swap3A_603 = arith.constant 0 : i32
    %swap3A_604 = arith.constant 0 : i32
    %swap3A_605 = arith.index_cast %swap3A_603 : i32 to index
    %swap3A_606 = arith.index_cast %swap3A_604 : i32 to index
    %swap3A_607 = arith.constant 80 : index
    %swap3A_608 = tpu.vector_load %arg6[%swap3A_605, %swap3A_606, %swap3A_607] {strides = array<i32>} : memref<2x2x96xi32, #tpu.memory_space<vmem>>, vector<1x1x16xi32>,
    %swap3A_609 = vector.shape_cast %swap3A_608 : vector<1x1x16xi32> to vector<16xi32>
    %swap3A_610 = vector.shape_cast %add3A_602 : vector<16xi32> to vector<1x1x16xi32>
    tpu.vector_store %arg6[%swap3A_605, %swap3A_606, %swap3A_607], %swap3A_610 {strides = array<i32>} : memref<2x2x96xi32, #tpu.memory_space<vmem>>, vector<1x1x16xi32>,
    %run_scoped3A_611 = arith.constant 0 : i32
    %run_scoped3A_612 = arith.constant 0 : i32
    "tpu.region"() ({
      %run_scoped3A_1525 = tpu.sem_alloc : memref<!tpu.dma_semaphore, #tpu.memory_space<semaphore_mem>>
      %dma_start3A_1526 = arith.constant 0 : i32
      %dma_start3A_1527 = tpu.memref_slice %arg6[%run_scoped3A_611, %run_scoped3A_612, %dma_start3A_1526] : memref<2x2x96xi32, #tpu.memory_space<vmem>> -> memref<1x1x96xi32, #tpu.memory_space<vmem>>
      %dma_start3A_1528 = tpu.memref_squeeze %dma_start3A_1527 : memref<1x1x96xi32, #tpu.memory_space<vmem>> -> memref<96xi32, #tpu.memory_space<vmem>>
      %dma_start3A_1529 = arith.constant 0 : i32
      %dma_start3A_1530 = arith.constant 0 : i32
      %dma_start3A_1531 = tpu.memref_slice %arg12[%dma_start3A_1529, %dma_start3A_1530] : memref<10112x16xf32, #tpu.memory_space<vmem_shared>> -> memref<10112x16xf32, #tpu.memory_space<vmem_shared>>
      tpu.enqueue_indirect_dma source(%arg10 : memref<96x16xf32, #tpu.memory_space<vmem>>) target(%dma_start3A_1531 : memref<10112x16xf32, #tpu.memory_space<vmem_shared>>) offsets(%dma_start3A_1528 : memref<96xi32, #tpu.memory_space<vmem>>) semaphore(%run_scoped3A_1525 : memref<!tpu.dma_semaphore, #tpu.memory_space<semaphore_mem>>)
      %dma_wait3A_1532 = arith.constant 0 : i32
      %dma_wait3A_1533 = tpu.memref_slice %arg6[%run_scoped3A_611, %run_scoped3A_612, %dma_wait3A_1532] : memref<2x2x96xi32, #tpu.memory_space<vmem>> -> memref<1x1x96xi32, #tpu.memory_space<vmem>>
      %dma_wait3A_1534 = tpu.memref_squeeze %dma_wait3A_1533 : memref<1x1x96xi32, #tpu.memory_space<vmem>> -> memref<96xi32, #tpu.memory_space<vmem>>
      %dma_wait3A_1535 = arith.constant 0 : i32
      %dma_wait3A_1536 = arith.constant 0 : i32
      %dma_wait3A_1537 = tpu.memref_slice %arg12[%dma_wait3A_1535, %dma_wait3A_1536] : memref<10112x16xf32, #tpu.memory_space<vmem_shared>> -> memref<10112x16xf32, #tpu.memory_space<vmem_shared>>
      tpu.wait_indirect_dma semaphore(%run_scoped3A_1525 : memref<!tpu.dma_semaphore, #tpu.memory_space<semaphore_mem>>) src(%arg10 : memref<96x16xf32, #tpu.memory_space<vmem>>) dst(%dma_wait3A_1537 : memref<10112x16xf32, #tpu.memory_space<vmem_shared>>)
      tpu.yield
    }) : () -> ()
    %add3A_613 = arith.constant 576 : i32
    %add3A_614 = vector.broadcast %add3A_613 : i32 to vector<16xi32>
    %add3A_615 = arith.addi %iota3A, %add3A_614 : vector<16xi32>
    %min3A_616 = arith.constant 631 : i32
    %min3A_617 = vector.broadcast %min3A_616 : i32 to vector<16xi32>
    %min3A_618 = arith.minsi %add3A_615, %min3A_617 : vector<16xi32>
    %add3A_619 = vector.broadcast %mul3A_0 : i32 to vector<16xi32>
    %add3A_620 = arith.addi %min3A_618, %add3A_619 : vector<16xi32>
    %swap3A_621 = arith.constant 0 : i32
    %swap3A_622 = arith.constant 0 : i32
    %swap3A_623 = arith.index_cast %swap3A_621 : i32 to index
    %swap3A_624 = arith.index_cast %swap3A_622 : i32 to index
    %swap3A_625 = arith.constant 0 : index
    %swap3A_626 = tpu.vector_load %arg6[%swap3A_623, %swap3A_624, %swap3A_625] {strides = array<i32>} : memref<2x2x96xi32, #tpu.memory_space<vmem>>, vector<1x1x16xi32>,
    %swap3A_627 = vector.shape_cast %swap3A_626 : vector<1x1x16xi32> to vector<16xi32>
    %swap3A_628 = vector.shape_cast %add3A_620 : vector<16xi32> to vector<1x1x16xi32>
    tpu.vector_store %arg6[%swap3A_623, %swap3A_624, %swap3A_625], %swap3A_628 {strides = array<i32>} : memref<2x2x96xi32, #tpu.memory_space<vmem>>, vector<1x1x16xi32>,
    %add3A_629 = arith.constant 592 : i32
    %add3A_630 = vector.broadcast %add3A_629 : i32 to vector<16xi32>
    %add3A_631 = arith.addi %iota3A, %add3A_630 : vector<16xi32>
    %min3A_632 = arith.constant 631 : i32
    %min3A_633 = vector.broadcast %min3A_632 : i32 to vector<16xi32>
    %min3A_634 = arith.minsi %add3A_631, %min3A_633 : vector<16xi32>
    %add3A_635 = vector.broadcast %mul3A_0 : i32 to vector<16xi32>
    %add3A_636 = arith.addi %min3A_634, %add3A_635 : vector<16xi32>
    %swap3A_637 = arith.constant 0 : i32
    %swap3A_638 = arith.constant 0 : i32
    %swap3A_639 = arith.index_cast %swap3A_637 : i32 to index
    %swap3A_640 = arith.index_cast %swap3A_638 : i32 to index
    %swap3A_641 = arith.constant 16 : index
    %swap3A_642 = tpu.vector_load %arg6[%swap3A_639, %swap3A_640, %swap3A_641] {strides = array<i32>} : memref<2x2x96xi32, #tpu.memory_space<vmem>>, vector<1x1x16xi32>,
    %swap3A_643 = vector.shape_cast %swap3A_642 : vector<1x1x16xi32> to vector<16xi32>
    %swap3A_644 = vector.shape_cast %add3A_636 : vector<16xi32> to vector<1x1x16xi32>
    tpu.vector_store %arg6[%swap3A_639, %swap3A_640, %swap3A_641], %swap3A_644 {strides = array<i32>} : memref<2x2x96xi32, #tpu.memory_space<vmem>>, vector<1x1x16xi32>,
    %add3A_645 = arith.constant 608 : i32
    %add3A_646 = vector.broadcast %add3A_645 : i32 to vector<16xi32>
    %add3A_647 = arith.addi %iota3A, %add3A_646 : vector<16xi32>
    %min3A_648 = arith.constant 631 : i32
    %min3A_649 = vector.broadcast %min3A_648 : i32 to vector<16xi32>
    %min3A_650 = arith.minsi %add3A_647, %min3A_649 : vector<16xi32>
    %add3A_651 = vector.broadcast %mul3A_0 : i32 to vector<16xi32>
    %add3A_652 = arith.addi %min3A_650, %add3A_651 : vector<16xi32>
    %swap3A_653 = arith.constant 0 : i32
    %swap3A_654 = arith.constant 0 : i32
    %swap3A_655 = arith.index_cast %swap3A_653 : i32 to index
    %swap3A_656 = arith.index_cast %swap3A_654 : i32 to index
    %swap3A_657 = arith.constant 32 : index
    %swap3A_658 = tpu.vector_load %arg6[%swap3A_655, %swap3A_656, %swap3A_657] {strides = array<i32>} : memref<2x2x96xi32, #tpu.memory_space<vmem>>, vector<1x1x16xi32>,
    %swap3A_659 = vector.shape_cast %swap3A_658 : vector<1x1x16xi32> to vector<16xi32>
    %swap3A_660 = vector.shape_cast %add3A_652 : vector<16xi32> to vector<1x1x16xi32>
    tpu.vector_store %arg6[%swap3A_655, %swap3A_656, %swap3A_657], %swap3A_660 {strides = array<i32>} : memref<2x2x96xi32, #tpu.memory_space<vmem>>, vector<1x1x16xi32>,
    %add3A_661 = arith.constant 624 : i32
    %add3A_662 = vector.broadcast %add3A_661 : i32 to vector<16xi32>
    %add3A_663 = arith.addi %iota3A, %add3A_662 : vector<16xi32>
    %min3A_664 = arith.constant 631 : i32
    %min3A_665 = vector.broadcast %min3A_664 : i32 to vector<16xi32>
    %min3A_666 = arith.minsi %add3A_663, %min3A_665 : vector<16xi32>
    %add3A_667 = vector.broadcast %mul3A_0 : i32 to vector<16xi32>
    %add3A_668 = arith.addi %min3A_666, %add3A_667 : vector<16xi32>
    %swap3A_669 = arith.constant 0 : i32
    %swap3A_670 = arith.constant 0 : i32
    %swap3A_671 = arith.index_cast %swap3A_669 : i32 to index
    %swap3A_672 = arith.index_cast %swap3A_670 : i32 to index
    %swap3A_673 = arith.constant 48 : index
    %swap3A_674 = tpu.vector_load %arg6[%swap3A_671, %swap3A_672, %swap3A_673] {strides = array<i32>} : memref<2x2x96xi32, #tpu.memory_space<vmem>>, vector<1x1x16xi32>,
    %swap3A_675 = vector.shape_cast %swap3A_674 : vector<1x1x16xi32> to vector<16xi32>
    %swap3A_676 = vector.shape_cast %add3A_668 : vector<16xi32> to vector<1x1x16xi32>
    tpu.vector_store %arg6[%swap3A_671, %swap3A_672, %swap3A_673], %swap3A_676 {strides = array<i32>} : memref<2x2x96xi32, #tpu.memory_space<vmem>>, vector<1x1x16xi32>,
    %add3A_677 = arith.constant 640 : i32
    %add3A_678 = vector.broadcast %add3A_677 : i32 to vector<16xi32>
    %add3A_679 = arith.addi %iota3A, %add3A_678 : vector<16xi32>
    %min3A_680 = arith.constant 631 : i32
    %min3A_681 = vector.broadcast %min3A_680 : i32 to vector<16xi32>
    %min3A_682 = arith.minsi %add3A_679, %min3A_681 : vector<16xi32>
    %add3A_683 = vector.broadcast %mul3A_0 : i32 to vector<16xi32>
    %add3A_684 = arith.addi %min3A_682, %add3A_683 : vector<16xi32>
    %swap3A_685 = arith.constant 0 : i32
    %swap3A_686 = arith.constant 0 : i32
    %swap3A_687 = arith.index_cast %swap3A_685 : i32 to index
    %swap3A_688 = arith.index_cast %swap3A_686 : i32 to index
    %swap3A_689 = arith.constant 64 : index
    %swap3A_690 = tpu.vector_load %arg6[%swap3A_687, %swap3A_688, %swap3A_689] {strides = array<i32>} : memref<2x2x96xi32, #tpu.memory_space<vmem>>, vector<1x1x16xi32>,
    %swap3A_691 = vector.shape_cast %swap3A_690 : vector<1x1x16xi32> to vector<16xi32>
    %swap3A_692 = vector.shape_cast %add3A_684 : vector<16xi32> to vector<1x1x16xi32>
    tpu.vector_store %arg6[%swap3A_687, %swap3A_688, %swap3A_689], %swap3A_692 {strides = array<i32>} : memref<2x2x96xi32, #tpu.memory_space<vmem>>, vector<1x1x16xi32>,
    %add3A_693 = arith.constant 656 : i32
    %add3A_694 = vector.broadcast %add3A_693 : i32 to vector<16xi32>
    %add3A_695 = arith.addi %iota3A, %add3A_694 : vector<16xi32>
    %min3A_696 = arith.constant 631 : i32
    %min3A_697 = vector.broadcast %min3A_696 : i32 to vector<16xi32>
    %min3A_698 = arith.minsi %add3A_695, %min3A_697 : vector<16xi32>
    %add3A_699 = vector.broadcast %mul3A_0 : i32 to vector<16xi32>
    %add3A_700 = arith.addi %min3A_698, %add3A_699 : vector<16xi32>
    %swap3A_701 = arith.constant 0 : i32
    %swap3A_702 = arith.constant 0 : i32
    %swap3A_703 = arith.index_cast %swap3A_701 : i32 to index
    %swap3A_704 = arith.index_cast %swap3A_702 : i32 to index
    %swap3A_705 = arith.constant 80 : index
    %swap3A_706 = tpu.vector_load %arg6[%swap3A_703, %swap3A_704, %swap3A_705] {strides = array<i32>} : memref<2x2x96xi32, #tpu.memory_space<vmem>>, vector<1x1x16xi32>,
    %swap3A_707 = vector.shape_cast %swap3A_706 : vector<1x1x16xi32> to vector<16xi32>
    %swap3A_708 = vector.shape_cast %add3A_700 : vector<16xi32> to vector<1x1x16xi32>
    tpu.vector_store %arg6[%swap3A_703, %swap3A_704, %swap3A_705], %swap3A_708 {strides = array<i32>} : memref<2x2x96xi32, #tpu.memory_space<vmem>>, vector<1x1x16xi32>,
    %run_scoped3A_709 = arith.constant 0 : i32
    %run_scoped3A_710 = arith.constant 0 : i32
    "tpu.region"() ({
      %run_scoped3A_1525 = tpu.sem_alloc : memref<!tpu.dma_semaphore, #tpu.memory_space<semaphore_mem>>
      %dma_start3A_1526 = arith.constant 0 : i32
      %dma_start3A_1527 = tpu.memref_slice %arg6[%run_scoped3A_709, %run_scoped3A_710, %dma_start3A_1526] : memref<2x2x96xi32, #tpu.memory_space<vmem>> -> memref<1x1x96xi32, #tpu.memory_space<vmem>>
      %dma_start3A_1528 = tpu.memref_squeeze %dma_start3A_1527 : memref<1x1x96xi32, #tpu.memory_space<vmem>> -> memref<96xi32, #tpu.memory_space<vmem>>
      %dma_start3A_1529 = arith.constant 0 : i32
      %dma_start3A_1530 = arith.constant 0 : i32
      %dma_start3A_1531 = tpu.memref_slice %arg12[%dma_start3A_1529, %dma_start3A_1530] : memref<10112x16xf32, #tpu.memory_space<vmem_shared>> -> memref<10112x16xf32, #tpu.memory_space<vmem_shared>>
      tpu.enqueue_indirect_dma source(%arg10 : memref<96x16xf32, #tpu.memory_space<vmem>>) target(%dma_start3A_1531 : memref<10112x16xf32, #tpu.memory_space<vmem_shared>>) offsets(%dma_start3A_1528 : memref<96xi32, #tpu.memory_space<vmem>>) semaphore(%run_scoped3A_1525 : memref<!tpu.dma_semaphore, #tpu.memory_space<semaphore_mem>>)
      %dma_wait3A_1532 = arith.constant 0 : i32
      %dma_wait3A_1533 = tpu.memref_slice %arg6[%run_scoped3A_709, %run_scoped3A_710, %dma_wait3A_1532] : memref<2x2x96xi32, #tpu.memory_space<vmem>> -> memref<1x1x96xi32, #tpu.memory_space<vmem>>
      %dma_wait3A_1534 = tpu.memref_squeeze %dma_wait3A_1533 : memref<1x1x96xi32, #tpu.memory_space<vmem>> -> memref<96xi32, #tpu.memory_space<vmem>>
      %dma_wait3A_1535 = arith.constant 0 : i32
      %dma_wait3A_1536 = arith.constant 0 : i32
      %dma_wait3A_1537 = tpu.memref_slice %arg12[%dma_wait3A_1535, %dma_wait3A_1536] : memref<10112x16xf32, #tpu.memory_space<vmem_shared>> -> memref<10112x16xf32, #tpu.memory_space<vmem_shared>>
      tpu.wait_indirect_dma semaphore(%run_scoped3A_1525 : memref<!tpu.dma_semaphore, #tpu.memory_space<semaphore_mem>>) src(%arg10 : memref<96x16xf32, #tpu.memory_space<vmem>>) dst(%dma_wait3A_1537 : memref<10112x16xf32, #tpu.memory_space<vmem_shared>>)
      tpu.yield
    }) : () -> ()
    %barrier3A = arith.constant 0 : index
    tpu.barrier barrier_id(%barrier3A)
    %dma_start3A = arith.constant 0 : i32
    %dma_start3A_711 = arith.constant 0 : i32
    %dma_start3A_712 = arith.constant 0 : i32
    %dma_start3A_713 = tpu.memref_slice %arg3[%arg1, %dma_start3A, %dma_start3A_711, %dma_start3A_712] : memref<16x216x2x96xi32, #tpu.memory_space<hbm>> -> memref<1x2x2x96xi32, #tpu.memory_space<hbm>>
    %dma_start3A_714 = tpu.memref_squeeze %dma_start3A_713 : memref<1x2x2x96xi32, #tpu.memory_space<hbm>> -> memref<2x2x96xi32, #tpu.memory_space<hbm>>
    %dma_start3A_715 = arith.constant 0 : i32
    %dma_start3A_716 = arith.constant 0 : i32
    %dma_start3A_717 = arith.constant 0 : i32
    %dma_start3A_718 = tpu.memref_slice %arg3[%arg1, %dma_start3A_715, %dma_start3A_716, %dma_start3A_717] : memref<16x216x2x96xi32, #tpu.memory_space<hbm>> -> memref<1x2x2x96xi32, #tpu.memory_space<hbm>>
    %dma_start3A_719 = tpu.memref_squeeze %dma_start3A_718 : memref<1x2x2x96xi32, #tpu.memory_space<hbm>> -> memref<2x2x96xi32, #tpu.memory_space<hbm>>
    tpu.enqueue_dma source(%dma_start3A_719 : memref<2x2x96xi32, #tpu.memory_space<hbm>>) target(%arg6 : memref<2x2x96xi32, #tpu.memory_space<vmem>>) target_semaphore(%arg15 : memref<!tpu.dma_semaphore, #tpu.memory_space<semaphore_mem>>)
    %dma_start3A_720 = arith.constant 2 : i32
    %dma_start3A_721 = arith.constant 0 : i32
    %dma_start3A_722 = arith.constant 0 : i32
    %dma_start3A_723 = tpu.memref_slice %arg3[%arg1, %dma_start3A_720, %dma_start3A_721, %dma_start3A_722] : memref<16x216x2x96xi32, #tpu.memory_space<hbm>> -> memref<1x2x2x96xi32, #tpu.memory_space<hbm>>
    %dma_start3A_724 = tpu.memref_squeeze %dma_start3A_723 : memref<1x2x2x96xi32, #tpu.memory_space<hbm>> -> memref<2x2x96xi32, #tpu.memory_space<hbm>>
    %dma_start3A_725 = arith.constant 2 : i32
    %dma_start3A_726 = arith.constant 0 : i32
    %dma_start3A_727 = arith.constant 0 : i32
    %dma_start3A_728 = tpu.memref_slice %arg3[%arg1, %dma_start3A_725, %dma_start3A_726, %dma_start3A_727] : memref<16x216x2x96xi32, #tpu.memory_space<hbm>> -> memref<1x2x2x96xi32, #tpu.memory_space<hbm>>
    %dma_start3A_729 = tpu.memref_squeeze %dma_start3A_728 : memref<1x2x2x96xi32, #tpu.memory_space<hbm>> -> memref<2x2x96xi32, #tpu.memory_space<hbm>>
    tpu.enqueue_dma source(%dma_start3A_729 : memref<2x2x96xi32, #tpu.memory_space<hbm>>) target(%arg7 : memref<2x2x96xi32, #tpu.memory_space<vmem>>) target_semaphore(%arg16 : memref<!tpu.dma_semaphore, #tpu.memory_space<semaphore_mem>>)
    %scan3A_730 = arith.constant 0 : i32
    %scan3A_731 = arith.constant 0 : i32
    %scan3A_732 = arith.constant 53 : i32
    %scan3A_733 = arith.addi %scan3A_731, %scan3A_732 : i32
    %scan3A_734 = arith.constant 1 : i32
    scf.for %scan3A_1525 = %scan3A_731 to %scan3A_733 step %scan3A_734  : i32 {
      %mul3A_1526 = arith.constant 4 : i32
      %mul3A_1527 = arith.muli %scan3A_1525, %mul3A_1526 : i32
      %add3A_1528 = arith.constant 4 : i32
      %add3A_1529 = arith.addi %mul3A_1527, %add3A_1528 : i32
      %dma_wait3A_1530 = arith.constant 0 : i32
      %dma_wait3A_1531 = arith.constant 0 : i32
      %dma_wait3A_1532 = arith.constant 0 : i32
      %dma_wait3A_1533 = tpu.memref_slice %arg3[%arg1, %dma_wait3A_1530, %dma_wait3A_1531, %dma_wait3A_1532] : memref<16x216x2x96xi32, #tpu.memory_space<hbm>> -> memref<1x2x2x96xi32, #tpu.memory_space<hbm>>
      %dma_wait3A_1534 = tpu.memref_squeeze %dma_wait3A_1533 : memref<1x2x2x96xi32, #tpu.memory_space<hbm>> -> memref<2x2x96xi32, #tpu.memory_space<hbm>>
      %dma_wait3A_1535 = arith.constant 0 : i32
      %dma_wait3A_1536 = arith.constant 0 : i32
      %dma_wait3A_1537 = arith.constant 0 : i32
      %dma_wait3A_1538 = tpu.memref_slice %arg3[%arg1, %dma_wait3A_1535, %dma_wait3A_1536, %dma_wait3A_1537] : memref<16x216x2x96xi32, #tpu.memory_space<hbm>> -> memref<1x2x2x96xi32, #tpu.memory_space<hbm>>
      %dma_wait3A_1539 = tpu.memref_squeeze %dma_wait3A_1538 : memref<1x2x2x96xi32, #tpu.memory_space<hbm>> -> memref<2x2x96xi32, #tpu.memory_space<hbm>>
      tpu.wait_dma2 semaphore(%arg15 : memref<!tpu.dma_semaphore, #tpu.memory_space<semaphore_mem>>) src(%dma_wait3A_1539 : memref<2x2x96xi32, #tpu.memory_space<hbm>>) dst(%arg6 : memref<2x2x96xi32, #tpu.memory_space<vmem>>)
      %dma_start3A_1540 = arith.constant 0 : i32
      %dma_start3A_1541 = arith.constant 0 : i32
      %dma_start3A_1542 = arith.constant 0 : i32
      %dma_start3A_1543 = tpu.memref_slice %arg6[%dma_start3A_1540, %dma_start3A_1541, %dma_start3A_1542] : memref<2x2x96xi32, #tpu.memory_space<vmem>> -> memref<1x1x96xi32, #tpu.memory_space<vmem>>
      %dma_start3A_1544 = tpu.memref_squeeze %dma_start3A_1543 : memref<1x1x96xi32, #tpu.memory_space<vmem>> -> memref<96xi32, #tpu.memory_space<vmem>>
      %dma_start3A_1545 = arith.constant 0 : i32
      %dma_start3A_1546 = arith.constant 0 : i32
      %dma_start3A_1547 = tpu.memref_slice %arg2[%dma_start3A_1545, %dma_start3A_1546] : memref<90000x128xf32, #tpu.memory_space<hbm>> -> memref<90000x128xf32, #tpu.memory_space<hbm>>
      tpu.enqueue_indirect_dma source(%dma_start3A_1547 : memref<90000x128xf32, #tpu.memory_space<hbm>>) target(%arg8 : memref<96x128xf32, #tpu.memory_space<vmem>>) offsets(%dma_start3A_1544 : memref<96xi32, #tpu.memory_space<vmem>>) semaphore(%arg13 : memref<!tpu.dma_semaphore, #tpu.memory_space<semaphore_mem>>)
      %dma_start3A_1548 = arith.constant 1 : i32
      %dma_start3A_1549 = arith.constant 0 : i32
      %dma_start3A_1550 = arith.constant 0 : i32
      %dma_start3A_1551 = tpu.memref_slice %arg6[%dma_start3A_1548, %dma_start3A_1549, %dma_start3A_1550] : memref<2x2x96xi32, #tpu.memory_space<vmem>> -> memref<1x1x96xi32, #tpu.memory_space<vmem>>
      %dma_start3A_1552 = tpu.memref_squeeze %dma_start3A_1551 : memref<1x1x96xi32, #tpu.memory_space<vmem>> -> memref<96xi32, #tpu.memory_space<vmem>>
      %dma_start3A_1553 = arith.constant 0 : i32
      %dma_start3A_1554 = arith.constant 0 : i32
      %dma_start3A_1555 = tpu.memref_slice %arg2[%dma_start3A_1553, %dma_start3A_1554] : memref<90000x128xf32, #tpu.memory_space<hbm>> -> memref<90000x128xf32, #tpu.memory_space<hbm>>
      tpu.enqueue_indirect_dma source(%dma_start3A_1555 : memref<90000x128xf32, #tpu.memory_space<hbm>>) target(%arg9 : memref<96x128xf32, #tpu.memory_space<vmem>>) offsets(%dma_start3A_1552 : memref<96xi32, #tpu.memory_space<vmem>>) semaphore(%arg14 : memref<!tpu.dma_semaphore, #tpu.memory_space<semaphore_mem>>)
      %dma_wait3A_1556 = arith.constant 0 : i32
      %dma_wait3A_1557 = arith.constant 0 : i32
      %dma_wait3A_1558 = arith.constant 0 : i32
      %dma_wait3A_1559 = tpu.memref_slice %arg6[%dma_wait3A_1556, %dma_wait3A_1557, %dma_wait3A_1558] : memref<2x2x96xi32, #tpu.memory_space<vmem>> -> memref<1x1x96xi32, #tpu.memory_space<vmem>>
      %dma_wait3A_1560 = tpu.memref_squeeze %dma_wait3A_1559 : memref<1x1x96xi32, #tpu.memory_space<vmem>> -> memref<96xi32, #tpu.memory_space<vmem>>
      %dma_wait3A_1561 = arith.constant 0 : i32
      %dma_wait3A_1562 = arith.constant 0 : i32
      %dma_wait3A_1563 = tpu.memref_slice %arg2[%dma_wait3A_1561, %dma_wait3A_1562] : memref<90000x128xf32, #tpu.memory_space<hbm>> -> memref<90000x128xf32, #tpu.memory_space<hbm>>
      tpu.wait_indirect_dma semaphore(%arg13 : memref<!tpu.dma_semaphore, #tpu.memory_space<semaphore_mem>>) src(%dma_wait3A_1563 : memref<90000x128xf32, #tpu.memory_space<hbm>>) dst(%arg8 : memref<96x128xf32, #tpu.memory_space<vmem>>)
      %run_scoped3A_1564 = arith.constant 0 : i32
      %run_scoped3A_1565 = arith.constant 1 : i32
      "tpu.region"() ({
        %run_scoped3A_1640 = tpu.sem_alloc : memref<!tpu.dma_semaphore, #tpu.memory_space<semaphore_mem>>
        %dma_start3A_1641 = arith.constant 0 : i32
        %dma_start3A_1642 = tpu.memref_slice %arg6[%run_scoped3A_1564, %run_scoped3A_1565, %dma_start3A_1641] : memref<2x2x96xi32, #tpu.memory_space<vmem>> -> memref<1x1x96xi32, #tpu.memory_space<vmem>>
        %dma_start3A_1643 = tpu.memref_squeeze %dma_start3A_1642 : memref<1x1x96xi32, #tpu.memory_space<vmem>> -> memref<96xi32, #tpu.memory_space<vmem>>
        %dma_start3A_1644 = arith.constant 0 : i32
        %dma_start3A_1645 = arith.constant 0 : i32
        %dma_start3A_1646 = tpu.memref_slice %arg11[%dma_start3A_1644, %dma_start3A_1645] : memref<10112x128xf32, #tpu.memory_space<vmem_shared>> -> memref<10112x128xf32, #tpu.memory_space<vmem_shared>>
        tpu.enqueue_indirect_dma source(%arg8 : memref<96x128xf32, #tpu.memory_space<vmem>>) target(%dma_start3A_1646 : memref<10112x128xf32, #tpu.memory_space<vmem_shared>>) offsets(%dma_start3A_1643 : memref<96xi32, #tpu.memory_space<vmem>>) semaphore(%run_scoped3A_1640 : memref<!tpu.dma_semaphore, #tpu.memory_space<semaphore_mem>>) {add = true}
        %dma_wait3A_1647 = arith.constant 0 : i32
        %dma_wait3A_1648 = tpu.memref_slice %arg6[%run_scoped3A_1564, %run_scoped3A_1565, %dma_wait3A_1647] : memref<2x2x96xi32, #tpu.memory_space<vmem>> -> memref<1x1x96xi32, #tpu.memory_space<vmem>>
        %dma_wait3A_1649 = tpu.memref_squeeze %dma_wait3A_1648 : memref<1x1x96xi32, #tpu.memory_space<vmem>> -> memref<96xi32, #tpu.memory_space<vmem>>
        %dma_wait3A_1650 = arith.constant 0 : i32
        %dma_wait3A_1651 = arith.constant 0 : i32
        %dma_wait3A_1652 = tpu.memref_slice %arg11[%dma_wait3A_1650, %dma_wait3A_1651] : memref<10112x128xf32, #tpu.memory_space<vmem_shared>> -> memref<10112x128xf32, #tpu.memory_space<vmem_shared>>
        tpu.wait_indirect_dma semaphore(%run_scoped3A_1640 : memref<!tpu.dma_semaphore, #tpu.memory_space<semaphore_mem>>) src(%arg8 : memref<96x128xf32, #tpu.memory_space<vmem>>) dst(%dma_wait3A_1652 : memref<10112x128xf32, #tpu.memory_space<vmem_shared>>)
        tpu.yield
      }) : () -> ()
      %dma_wait3A_1566 = arith.constant 1 : i32
      %dma_wait3A_1567 = arith.constant 0 : i32
      %dma_wait3A_1568 = arith.constant 0 : i32
      %dma_wait3A_1569 = tpu.memref_slice %arg6[%dma_wait3A_1566, %dma_wait3A_1567, %dma_wait3A_1568] : memref<2x2x96xi32, #tpu.memory_space<vmem>> -> memref<1x1x96xi32, #tpu.memory_space<vmem>>
      %dma_wait3A_1570 = tpu.memref_squeeze %dma_wait3A_1569 : memref<1x1x96xi32, #tpu.memory_space<vmem>> -> memref<96xi32, #tpu.memory_space<vmem>>
      %dma_wait3A_1571 = arith.constant 0 : i32
      %dma_wait3A_1572 = arith.constant 0 : i32
      %dma_wait3A_1573 = tpu.memref_slice %arg2[%dma_wait3A_1571, %dma_wait3A_1572] : memref<90000x128xf32, #tpu.memory_space<hbm>> -> memref<90000x128xf32, #tpu.memory_space<hbm>>
      tpu.wait_indirect_dma semaphore(%arg14 : memref<!tpu.dma_semaphore, #tpu.memory_space<semaphore_mem>>) src(%dma_wait3A_1573 : memref<90000x128xf32, #tpu.memory_space<hbm>>) dst(%arg9 : memref<96x128xf32, #tpu.memory_space<vmem>>)
      %run_scoped3A_1574 = arith.constant 1 : i32
      %run_scoped3A_1575 = arith.constant 1 : i32
      "tpu.region"() ({
        %run_scoped3A_1640 = tpu.sem_alloc : memref<!tpu.dma_semaphore, #tpu.memory_space<semaphore_mem>>
        %dma_start3A_1641 = arith.constant 0 : i32
        %dma_start3A_1642 = tpu.memref_slice %arg6[%run_scoped3A_1574, %run_scoped3A_1575, %dma_start3A_1641] : memref<2x2x96xi32, #tpu.memory_space<vmem>> -> memref<1x1x96xi32, #tpu.memory_space<vmem>>
        %dma_start3A_1643 = tpu.memref_squeeze %dma_start3A_1642 : memref<1x1x96xi32, #tpu.memory_space<vmem>> -> memref<96xi32, #tpu.memory_space<vmem>>
        %dma_start3A_1644 = arith.constant 0 : i32
        %dma_start3A_1645 = arith.constant 0 : i32
        %dma_start3A_1646 = tpu.memref_slice %arg11[%dma_start3A_1644, %dma_start3A_1645] : memref<10112x128xf32, #tpu.memory_space<vmem_shared>> -> memref<10112x128xf32, #tpu.memory_space<vmem_shared>>
        tpu.enqueue_indirect_dma source(%arg9 : memref<96x128xf32, #tpu.memory_space<vmem>>) target(%dma_start3A_1646 : memref<10112x128xf32, #tpu.memory_space<vmem_shared>>) offsets(%dma_start3A_1643 : memref<96xi32, #tpu.memory_space<vmem>>) semaphore(%run_scoped3A_1640 : memref<!tpu.dma_semaphore, #tpu.memory_space<semaphore_mem>>) {add = true}
        %dma_wait3A_1647 = arith.constant 0 : i32
        %dma_wait3A_1648 = tpu.memref_slice %arg6[%run_scoped3A_1574, %run_scoped3A_1575, %dma_wait3A_1647] : memref<2x2x96xi32, #tpu.memory_space<vmem>> -> memref<1x1x96xi32, #tpu.memory_space<vmem>>
        %dma_wait3A_1649 = tpu.memref_squeeze %dma_wait3A_1648 : memref<1x1x96xi32, #tpu.memory_space<vmem>> -> memref<96xi32, #tpu.memory_space<vmem>>
        %dma_wait3A_1650 = arith.constant 0 : i32
        %dma_wait3A_1651 = arith.constant 0 : i32
        %dma_wait3A_1652 = tpu.memref_slice %arg11[%dma_wait3A_1650, %dma_wait3A_1651] : memref<10112x128xf32, #tpu.memory_space<vmem_shared>> -> memref<10112x128xf32, #tpu.memory_space<vmem_shared>>
        tpu.wait_indirect_dma semaphore(%run_scoped3A_1640 : memref<!tpu.dma_semaphore, #tpu.memory_space<semaphore_mem>>) src(%arg9 : memref<96x128xf32, #tpu.memory_space<vmem>>) dst(%dma_wait3A_1652 : memref<10112x128xf32, #tpu.memory_space<vmem_shared>>)
        tpu.yield
      }) : () -> ()
      %dma_start3A_1576 = arith.constant 0 : i32
      %dma_start3A_1577 = arith.constant 0 : i32
      %dma_start3A_1578 = tpu.memref_slice %arg3[%arg1, %add3A_1529, %dma_start3A_1576, %dma_start3A_1577] : memref<16x216x2x96xi32, #tpu.memory_space<hbm>> -> memref<1x2x2x96xi32, #tpu.memory_space<hbm>>
      %dma_start3A_1579 = tpu.memref_squeeze %dma_start3A_1578 : memref<1x2x2x96xi32, #tpu.memory_space<hbm>> -> memref<2x2x96xi32, #tpu.memory_space<hbm>>
      %dma_start3A_1580 = arith.constant 0 : i32
      %dma_start3A_1581 = arith.constant 0 : i32
      %dma_start3A_1582 = tpu.memref_slice %arg3[%arg1, %add3A_1529, %dma_start3A_1580, %dma_start3A_1581] : memref<16x216x2x96xi32, #tpu.memory_space<hbm>> -> memref<1x2x2x96xi32, #tpu.memory_space<hbm>>
      %dma_start3A_1583 = tpu.memref_squeeze %dma_start3A_1582 : memref<1x2x2x96xi32, #tpu.memory_space<hbm>> -> memref<2x2x96xi32, #tpu.memory_space<hbm>>
      tpu.enqueue_dma source(%dma_start3A_1583 : memref<2x2x96xi32, #tpu.memory_space<hbm>>) target(%arg6 : memref<2x2x96xi32, #tpu.memory_space<vmem>>) target_semaphore(%arg15 : memref<!tpu.dma_semaphore, #tpu.memory_space<semaphore_mem>>)
      %add3A_1584 = arith.constant 6 : i32
      %add3A_1585 = arith.addi %mul3A_1527, %add3A_1584 : i32
      %dma_wait3A_1586 = arith.constant 0 : i32
      %dma_wait3A_1587 = arith.constant 0 : i32
      %dma_wait3A_1588 = arith.constant 0 : i32
      %dma_wait3A_1589 = tpu.memref_slice %arg3[%arg1, %dma_wait3A_1586, %dma_wait3A_1587, %dma_wait3A_1588] : memref<16x216x2x96xi32, #tpu.memory_space<hbm>> -> memref<1x2x2x96xi32, #tpu.memory_space<hbm>>
      %dma_wait3A_1590 = tpu.memref_squeeze %dma_wait3A_1589 : memref<1x2x2x96xi32, #tpu.memory_space<hbm>> -> memref<2x2x96xi32, #tpu.memory_space<hbm>>
      %dma_wait3A_1591 = arith.constant 0 : i32
      %dma_wait3A_1592 = arith.constant 0 : i32
      %dma_wait3A_1593 = arith.constant 0 : i32
      %dma_wait3A_1594 = tpu.memref_slice %arg3[%arg1, %dma_wait3A_1591, %dma_wait3A_1592, %dma_wait3A_1593] : memref<16x216x2x96xi32, #tpu.memory_space<hbm>> -> memref<1x2x2x96xi32, #tpu.memory_space<hbm>>
      %dma_wait3A_1595 = tpu.memref_squeeze %dma_wait3A_1594 : memref<1x2x2x96xi32, #tpu.memory_space<hbm>> -> memref<2x2x96xi32, #tpu.memory_space<hbm>>
      tpu.wait_dma2 semaphore(%arg16 : memref<!tpu.dma_semaphore, #tpu.memory_space<semaphore_mem>>) src(%dma_wait3A_1595 : memref<2x2x96xi32, #tpu.memory_space<hbm>>) dst(%arg7 : memref<2x2x96xi32, #tpu.memory_space<vmem>>)
      %dma_start3A_1596 = arith.constant 0 : i32
      %dma_start3A_1597 = arith.constant 0 : i32
      %dma_start3A_1598 = arith.constant 0 : i32
      %dma_start3A_1599 = tpu.memref_slice %arg7[%dma_start3A_1596, %dma_start3A_1597, %dma_start3A_1598] : memref<2x2x96xi32, #tpu.memory_space<vmem>> -> memref<1x1x96xi32, #tpu.memory_space<vmem>>
      %dma_start3A_1600 = tpu.memref_squeeze %dma_start3A_1599 : memref<1x1x96xi32, #tpu.memory_space<vmem>> -> memref<96xi32, #tpu.memory_space<vmem>>
      %dma_start3A_1601 = arith.constant 0 : i32
      %dma_start3A_1602 = arith.constant 0 : i32
      %dma_start3A_1603 = tpu.memref_slice %arg2[%dma_start3A_1601, %dma_start3A_1602] : memref<90000x128xf32, #tpu.memory_space<hbm>> -> memref<90000x128xf32, #tpu.memory_space<hbm>>
      tpu.enqueue_indirect_dma source(%dma_start3A_1603 : memref<90000x128xf32, #tpu.memory_space<hbm>>) target(%arg8 : memref<96x128xf32, #tpu.memory_space<vmem>>) offsets(%dma_start3A_1600 : memref<96xi32, #tpu.memory_space<vmem>>) semaphore(%arg13 : memref<!tpu.dma_semaphore, #tpu.memory_space<semaphore_mem>>)
      %dma_start3A_1604 = arith.constant 1 : i32
      %dma_start3A_1605 = arith.constant 0 : i32
      %dma_start3A_1606 = arith.constant 0 : i32
      %dma_start3A_1607 = tpu.memref_slice %arg7[%dma_start3A_1604, %dma_start3A_1605, %dma_start3A_1606] : memref<2x2x96xi32, #tpu.memory_space<vmem>> -> memref<1x1x96xi32, #tpu.memory_space<vmem>>
      %dma_start3A_1608 = tpu.memref_squeeze %dma_start3A_1607 : memref<1x1x96xi32, #tpu.memory_space<vmem>> -> memref<96xi32, #tpu.memory_space<vmem>>
      %dma_start3A_1609 = arith.constant 0 : i32
      %dma_start3A_1610 = arith.constant 0 : i32
      %dma_start3A_1611 = tpu.memref_slice %arg2[%dma_start3A_1609, %dma_start3A_1610] : memref<90000x128xf32, #tpu.memory_space<hbm>> -> memref<90000x128xf32, #tpu.memory_space<hbm>>
      tpu.enqueue_indirect_dma source(%dma_start3A_1611 : memref<90000x128xf32, #tpu.memory_space<hbm>>) target(%arg9 : memref<96x128xf32, #tpu.memory_space<vmem>>) offsets(%dma_start3A_1608 : memref<96xi32, #tpu.memory_space<vmem>>) semaphore(%arg14 : memref<!tpu.dma_semaphore, #tpu.memory_space<semaphore_mem>>)
      %dma_wait3A_1612 = arith.constant 0 : i32
      %dma_wait3A_1613 = arith.constant 0 : i32
      %dma_wait3A_1614 = arith.constant 0 : i32
      %dma_wait3A_1615 = tpu.memref_slice %arg7[%dma_wait3A_1612, %dma_wait3A_1613, %dma_wait3A_1614] : memref<2x2x96xi32, #tpu.memory_space<vmem>> -> memref<1x1x96xi32, #tpu.memory_space<vmem>>
      %dma_wait3A_1616 = tpu.memref_squeeze %dma_wait3A_1615 : memref<1x1x96xi32, #tpu.memory_space<vmem>> -> memref<96xi32, #tpu.memory_space<vmem>>
      %dma_wait3A_1617 = arith.constant 0 : i32
      %dma_wait3A_1618 = arith.constant 0 : i32
      %dma_wait3A_1619 = tpu.memref_slice %arg2[%dma_wait3A_1617, %dma_wait3A_1618] : memref<90000x128xf32, #tpu.memory_space<hbm>> -> memref<90000x128xf32, #tpu.memory_space<hbm>>
      tpu.wait_indirect_dma semaphore(%arg13 : memref<!tpu.dma_semaphore, #tpu.memory_space<semaphore_mem>>) src(%dma_wait3A_1619 : memref<90000x128xf32, #tpu.memory_space<hbm>>) dst(%arg8 : memref<96x128xf32, #tpu.memory_space<vmem>>)
      %run_scoped3A_1620 = arith.constant 0 : i32
      %run_scoped3A_1621 = arith.constant 1 : i32
      "tpu.region"() ({
        %run_scoped3A_1640 = tpu.sem_alloc : memref<!tpu.dma_semaphore, #tpu.memory_space<semaphore_mem>>
        %dma_start3A_1641 = arith.constant 0 : i32
        %dma_start3A_1642 = tpu.memref_slice %arg7[%run_scoped3A_1620, %run_scoped3A_1621, %dma_start3A_1641] : memref<2x2x96xi32, #tpu.memory_space<vmem>> -> memref<1x1x96xi32, #tpu.memory_space<vmem>>
        %dma_start3A_1643 = tpu.memref_squeeze %dma_start3A_1642 : memref<1x1x96xi32, #tpu.memory_space<vmem>> -> memref<96xi32, #tpu.memory_space<vmem>>
        %dma_start3A_1644 = arith.constant 0 : i32
        %dma_start3A_1645 = arith.constant 0 : i32
        %dma_start3A_1646 = tpu.memref_slice %arg11[%dma_start3A_1644, %dma_start3A_1645] : memref<10112x128xf32, #tpu.memory_space<vmem_shared>> -> memref<10112x128xf32, #tpu.memory_space<vmem_shared>>
        tpu.enqueue_indirect_dma source(%arg8 : memref<96x128xf32, #tpu.memory_space<vmem>>) target(%dma_start3A_1646 : memref<10112x128xf32, #tpu.memory_space<vmem_shared>>) offsets(%dma_start3A_1643 : memref<96xi32, #tpu.memory_space<vmem>>) semaphore(%run_scoped3A_1640 : memref<!tpu.dma_semaphore, #tpu.memory_space<semaphore_mem>>) {add = true}
        %dma_wait3A_1647 = arith.constant 0 : i32
        %dma_wait3A_1648 = tpu.memref_slice %arg7[%run_scoped3A_1620, %run_scoped3A_1621, %dma_wait3A_1647] : memref<2x2x96xi32, #tpu.memory_space<vmem>> -> memref<1x1x96xi32, #tpu.memory_space<vmem>>
        %dma_wait3A_1649 = tpu.memref_squeeze %dma_wait3A_1648 : memref<1x1x96xi32, #tpu.memory_space<vmem>> -> memref<96xi32, #tpu.memory_space<vmem>>
        %dma_wait3A_1650 = arith.constant 0 : i32
        %dma_wait3A_1651 = arith.constant 0 : i32
        %dma_wait3A_1652 = tpu.memref_slice %arg11[%dma_wait3A_1650, %dma_wait3A_1651] : memref<10112x128xf32, #tpu.memory_space<vmem_shared>> -> memref<10112x128xf32, #tpu.memory_space<vmem_shared>>
        tpu.wait_indirect_dma semaphore(%run_scoped3A_1640 : memref<!tpu.dma_semaphore, #tpu.memory_space<semaphore_mem>>) src(%arg8 : memref<96x128xf32, #tpu.memory_space<vmem>>) dst(%dma_wait3A_1652 : memref<10112x128xf32, #tpu.memory_space<vmem_shared>>)
        tpu.yield
      }) : () -> ()
      %dma_wait3A_1622 = arith.constant 1 : i32
      %dma_wait3A_1623 = arith.constant 0 : i32
      %dma_wait3A_1624 = arith.constant 0 : i32
      %dma_wait3A_1625 = tpu.memref_slice %arg7[%dma_wait3A_1622, %dma_wait3A_1623, %dma_wait3A_1624] : memref<2x2x96xi32, #tpu.memory_space<vmem>> -> memref<1x1x96xi32, #tpu.memory_space<vmem>>
      %dma_wait3A_1626 = tpu.memref_squeeze %dma_wait3A_1625 : memref<1x1x96xi32, #tpu.memory_space<vmem>> -> memref<96xi32, #tpu.memory_space<vmem>>
      %dma_wait3A_1627 = arith.constant 0 : i32
      %dma_wait3A_1628 = arith.constant 0 : i32
      %dma_wait3A_1629 = tpu.memref_slice %arg2[%dma_wait3A_1627, %dma_wait3A_1628] : memref<90000x128xf32, #tpu.memory_space<hbm>> -> memref<90000x128xf32, #tpu.memory_space<hbm>>
      tpu.wait_indirect_dma semaphore(%arg14 : memref<!tpu.dma_semaphore, #tpu.memory_space<semaphore_mem>>) src(%dma_wait3A_1629 : memref<90000x128xf32, #tpu.memory_space<hbm>>) dst(%arg9 : memref<96x128xf32, #tpu.memory_space<vmem>>)
      %run_scoped3A_1630 = arith.constant 1 : i32
      %run_scoped3A_1631 = arith.constant 1 : i32
      "tpu.region"() ({
        %run_scoped3A_1640 = tpu.sem_alloc : memref<!tpu.dma_semaphore, #tpu.memory_space<semaphore_mem>>
        %dma_start3A_1641 = arith.constant 0 : i32
        %dma_start3A_1642 = tpu.memref_slice %arg7[%run_scoped3A_1630, %run_scoped3A_1631, %dma_start3A_1641] : memref<2x2x96xi32, #tpu.memory_space<vmem>> -> memref<1x1x96xi32, #tpu.memory_space<vmem>>
        %dma_start3A_1643 = tpu.memref_squeeze %dma_start3A_1642 : memref<1x1x96xi32, #tpu.memory_space<vmem>> -> memref<96xi32, #tpu.memory_space<vmem>>
        %dma_start3A_1644 = arith.constant 0 : i32
        %dma_start3A_1645 = arith.constant 0 : i32
        %dma_start3A_1646 = tpu.memref_slice %arg11[%dma_start3A_1644, %dma_start3A_1645] : memref<10112x128xf32, #tpu.memory_space<vmem_shared>> -> memref<10112x128xf32, #tpu.memory_space<vmem_shared>>
        tpu.enqueue_indirect_dma source(%arg9 : memref<96x128xf32, #tpu.memory_space<vmem>>) target(%dma_start3A_1646 : memref<10112x128xf32, #tpu.memory_space<vmem_shared>>) offsets(%dma_start3A_1643 : memref<96xi32, #tpu.memory_space<vmem>>) semaphore(%run_scoped3A_1640 : memref<!tpu.dma_semaphore, #tpu.memory_space<semaphore_mem>>) {add = true}
        %dma_wait3A_1647 = arith.constant 0 : i32
        %dma_wait3A_1648 = tpu.memref_slice %arg7[%run_scoped3A_1630, %run_scoped3A_1631, %dma_wait3A_1647] : memref<2x2x96xi32, #tpu.memory_space<vmem>> -> memref<1x1x96xi32, #tpu.memory_space<vmem>>
        %dma_wait3A_1649 = tpu.memref_squeeze %dma_wait3A_1648 : memref<1x1x96xi32, #tpu.memory_space<vmem>> -> memref<96xi32, #tpu.memory_space<vmem>>
        %dma_wait3A_1650 = arith.constant 0 : i32
        %dma_wait3A_1651 = arith.constant 0 : i32
        %dma_wait3A_1652 = tpu.memref_slice %arg11[%dma_wait3A_1650, %dma_wait3A_1651] : memref<10112x128xf32, #tpu.memory_space<vmem_shared>> -> memref<10112x128xf32, #tpu.memory_space<vmem_shared>>
        tpu.wait_indirect_dma semaphore(%run_scoped3A_1640 : memref<!tpu.dma_semaphore, #tpu.memory_space<semaphore_mem>>) src(%arg9 : memref<96x128xf32, #tpu.memory_space<vmem>>) dst(%dma_wait3A_1652 : memref<10112x128xf32, #tpu.memory_space<vmem_shared>>)
        tpu.yield
      }) : () -> ()
      %dma_start3A_1632 = arith.constant 0 : i32
      %dma_start3A_1633 = arith.constant 0 : i32
      %dma_start3A_1634 = tpu.memref_slice %arg3[%arg1, %add3A_1585, %dma_start3A_1632, %dma_start3A_1633] : memref<16x216x2x96xi32, #tpu.memory_space<hbm>> -> memref<1x2x2x96xi32, #tpu.memory_space<hbm>>
      %dma_start3A_1635 = tpu.memref_squeeze %dma_start3A_1634 : memref<1x2x2x96xi32, #tpu.memory_space<hbm>> -> memref<2x2x96xi32, #tpu.memory_space<hbm>>
      %dma_start3A_1636 = arith.constant 0 : i32
      %dma_start3A_1637 = arith.constant 0 : i32
      %dma_start3A_1638 = tpu.memref_slice %arg3[%arg1, %add3A_1585, %dma_start3A_1636, %dma_start3A_1637] : memref<16x216x2x96xi32, #tpu.memory_space<hbm>> -> memref<1x2x2x96xi32, #tpu.memory_space<hbm>>
      %dma_start3A_1639 = tpu.memref_squeeze %dma_start3A_1638 : memref<1x2x2x96xi32, #tpu.memory_space<hbm>> -> memref<2x2x96xi32, #tpu.memory_space<hbm>>
      tpu.enqueue_dma source(%dma_start3A_1639 : memref<2x2x96xi32, #tpu.memory_space<hbm>>) target(%arg7 : memref<2x2x96xi32, #tpu.memory_space<vmem>>) target_semaphore(%arg16 : memref<!tpu.dma_semaphore, #tpu.memory_space<semaphore_mem>>)
    }
    %scan3A_735 = arith.constant 53 : i32
    %dma_wait3A = arith.constant 0 : i32
    %dma_wait3A_736 = arith.constant 0 : i32
    %dma_wait3A_737 = arith.constant 0 : i32
    %dma_wait3A_738 = tpu.memref_slice %arg3[%arg1, %dma_wait3A, %dma_wait3A_736, %dma_wait3A_737] : memref<16x216x2x96xi32, #tpu.memory_space<hbm>> -> memref<1x2x2x96xi32, #tpu.memory_space<hbm>>
    %dma_wait3A_739 = tpu.memref_squeeze %dma_wait3A_738 : memref<1x2x2x96xi32, #tpu.memory_space<hbm>> -> memref<2x2x96xi32, #tpu.memory_space<hbm>>
    %dma_wait3A_740 = arith.constant 0 : i32
    %dma_wait3A_741 = arith.constant 0 : i32
    %dma_wait3A_742 = arith.constant 0 : i32
    %dma_wait3A_743 = tpu.memref_slice %arg3[%arg1, %dma_wait3A_740, %dma_wait3A_741, %dma_wait3A_742] : memref<16x216x2x96xi32, #tpu.memory_space<hbm>> -> memref<1x2x2x96xi32, #tpu.memory_space<hbm>>
    %dma_wait3A_744 = tpu.memref_squeeze %dma_wait3A_743 : memref<1x2x2x96xi32, #tpu.memory_space<hbm>> -> memref<2x2x96xi32, #tpu.memory_space<hbm>>
    tpu.wait_dma2 semaphore(%arg15 : memref<!tpu.dma_semaphore, #tpu.memory_space<semaphore_mem>>) src(%dma_wait3A_744 : memref<2x2x96xi32, #tpu.memory_space<hbm>>) dst(%arg6 : memref<2x2x96xi32, #tpu.memory_space<vmem>>)
    %dma_wait3A_745 = arith.constant 0 : i32
    %dma_wait3A_746 = arith.constant 0 : i32
    %dma_wait3A_747 = arith.constant 0 : i32
    %dma_wait3A_748 = tpu.memref_slice %arg3[%arg1, %dma_wait3A_745, %dma_wait3A_746, %dma_wait3A_747] : memref<16x216x2x96xi32, #tpu.memory_space<hbm>> -> memref<1x2x2x96xi32, #tpu.memory_space<hbm>>
    %dma_wait3A_749 = tpu.memref_squeeze %dma_wait3A_748 : memref<1x2x2x96xi32, #tpu.memory_space<hbm>> -> memref<2x2x96xi32, #tpu.memory_space<hbm>>
    %dma_wait3A_750 = arith.constant 0 : i32
    %dma_wait3A_751 = arith.constant 0 : i32
    %dma_wait3A_752 = arith.constant 0 : i32
    %dma_wait3A_753 = tpu.memref_slice %arg3[%arg1, %dma_wait3A_750, %dma_wait3A_751, %dma_wait3A_752] : memref<16x216x2x96xi32, #tpu.memory_space<hbm>> -> memref<1x2x2x96xi32, #tpu.memory_space<hbm>>
    %dma_wait3A_754 = tpu.memref_squeeze %dma_wait3A_753 : memref<1x2x2x96xi32, #tpu.memory_space<hbm>> -> memref<2x2x96xi32, #tpu.memory_space<hbm>>
    tpu.wait_dma2 semaphore(%arg16 : memref<!tpu.dma_semaphore, #tpu.memory_space<semaphore_mem>>) src(%dma_wait3A_754 : memref<2x2x96xi32, #tpu.memory_space<hbm>>) dst(%arg7 : memref<2x2x96xi32, #tpu.memory_space<vmem>>)
    %barrier3A_755 = arith.constant 0 : index
    tpu.barrier barrier_id(%barrier3A_755)
    %add3A_756 = arith.constant 0 : i32
    %add3A_757 = arith.addi %mul3A_0, %add3A_756 : i32
    "tpu.region"() ({
      %run_scoped3A_1525 = tpu.sem_alloc : memref<!tpu.dma_semaphore, #tpu.memory_space<semaphore_mem>>
      %dma_start3A_1526 = arith.constant 0 : i32
      %dma_start3A_1527 = arith.constant 0 : i32
      %dma_start3A_1528 = tpu.memref_slice %arg8[%dma_start3A_1526, %dma_start3A_1527] : memref<96x128xf32, #tpu.memory_space<vmem>> -> memref<96x128xf32, #tpu.memory_space<vmem>>
      %dma_start3A_1529 = arith.constant 0 : i32
      %dma_start3A_1530 = tpu.memref_slice %arg11[%add3A_757, %dma_start3A_1529] : memref<10112x128xf32, #tpu.memory_space<vmem_shared>> -> memref<96x128xf32, #tpu.memory_space<vmem_shared>>
      %dma_start3A_1531 = arith.constant 0 : i32
      %dma_start3A_1532 = arith.constant 0 : i32
      %dma_start3A_1533 = tpu.memref_slice %arg8[%dma_start3A_1531, %dma_start3A_1532] : memref<96x128xf32, #tpu.memory_space<vmem>> -> memref<96x128xf32, #tpu.memory_space<vmem>>
      %dma_start3A_1534 = arith.constant 0 : i32
      %dma_start3A_1535 = tpu.memref_slice %arg11[%add3A_757, %dma_start3A_1534] : memref<10112x128xf32, #tpu.memory_space<vmem_shared>> -> memref<96x128xf32, #tpu.memory_space<vmem_shared>>
      tpu.enqueue_dma source(%dma_start3A_1535 : memref<96x128xf32, #tpu.memory_space<vmem_shared>>) target(%dma_start3A_1533 : memref<96x128xf32, #tpu.memory_space<vmem>>) target_semaphore(%run_scoped3A_1525 : memref<!tpu.dma_semaphore, #tpu.memory_space<semaphore_mem>>)
      %dma_wait3A_1536 = arith.constant 0 : i32
      %dma_wait3A_1537 = arith.constant 0 : i32
      %dma_wait3A_1538 = tpu.memref_slice %arg8[%dma_wait3A_1536, %dma_wait3A_1537] : memref<96x128xf32, #tpu.memory_space<vmem>> -> memref<96x128xf32, #tpu.memory_space<vmem>>
      %dma_wait3A_1539 = arith.constant 0 : i32
      %dma_wait3A_1540 = tpu.memref_slice %arg11[%add3A_757, %dma_wait3A_1539] : memref<10112x128xf32, #tpu.memory_space<vmem_shared>> -> memref<96x128xf32, #tpu.memory_space<vmem_shared>>
      %dma_wait3A_1541 = arith.constant 0 : i32
      %dma_wait3A_1542 = arith.constant 0 : i32
      %dma_wait3A_1543 = tpu.memref_slice %arg8[%dma_wait3A_1541, %dma_wait3A_1542] : memref<96x128xf32, #tpu.memory_space<vmem>> -> memref<96x128xf32, #tpu.memory_space<vmem>>
      %dma_wait3A_1544 = arith.constant 0 : i32
      %dma_wait3A_1545 = tpu.memref_slice %arg11[%add3A_757, %dma_wait3A_1544] : memref<10112x128xf32, #tpu.memory_space<vmem_shared>> -> memref<96x128xf32, #tpu.memory_space<vmem_shared>>
      tpu.wait_dma2 semaphore(%run_scoped3A_1525 : memref<!tpu.dma_semaphore, #tpu.memory_space<semaphore_mem>>) src(%dma_wait3A_1545 : memref<96x128xf32, #tpu.memory_space<vmem_shared>>) dst(%dma_wait3A_1543 : memref<96x128xf32, #tpu.memory_space<vmem>>)
      tpu.yield
    }) : () -> ()
    "tpu.region"() ({
      %run_scoped3A_1525 = tpu.sem_alloc : memref<!tpu.dma_semaphore, #tpu.memory_space<semaphore_mem>>
      %dma_start3A_1526 = arith.constant 0 : i32
      %dma_start3A_1527 = arith.constant 0 : i32
      %dma_start3A_1528 = tpu.memref_slice %arg8[%dma_start3A_1526, %dma_start3A_1527] : memref<96x128xf32, #tpu.memory_space<vmem>> -> memref<96x128xf32, #tpu.memory_space<vmem>>
      %dma_start3A_1529 = arith.constant 0 : i32
      %dma_start3A_1530 = tpu.memref_slice %arg4[%add3A_757, %dma_start3A_1529] : memref<10112x128xf32, #tpu.memory_space<hbm>> -> memref<96x128xf32, #tpu.memory_space<hbm>>
      %dma_start3A_1531 = arith.constant 0 : i32
      %dma_start3A_1532 = tpu.memref_slice %arg4[%add3A_757, %dma_start3A_1531] : memref<10112x128xf32, #tpu.memory_space<hbm>> -> memref<96x128xf32, #tpu.memory_space<hbm>>
      %dma_start3A_1533 = arith.constant 0 : i32
      %dma_start3A_1534 = arith.constant 0 : i32
      %dma_start3A_1535 = tpu.memref_slice %arg8[%dma_start3A_1533, %dma_start3A_1534] : memref<96x128xf32, #tpu.memory_space<vmem>> -> memref<96x128xf32, #tpu.memory_space<vmem>>
      tpu.enqueue_dma source(%dma_start3A_1535 : memref<96x128xf32, #tpu.memory_space<vmem>>) target(%dma_start3A_1532 : memref<96x128xf32, #tpu.memory_space<hbm>>) target_semaphore(%run_scoped3A_1525 : memref<!tpu.dma_semaphore, #tpu.memory_space<semaphore_mem>>)
      %dma_wait3A_1536 = arith.constant 0 : i32
      %dma_wait3A_1537 = arith.constant 0 : i32
      %dma_wait3A_1538 = tpu.memref_slice %arg8[%dma_wait3A_1536, %dma_wait3A_1537] : memref<96x128xf32, #tpu.memory_space<vmem>> -> memref<96x128xf32, #tpu.memory_space<vmem>>
      %dma_wait3A_1539 = arith.constant 0 : i32
      %dma_wait3A_1540 = tpu.memref_slice %arg4[%add3A_757, %dma_wait3A_1539] : memref<10112x128xf32, #tpu.memory_space<hbm>> -> memref<96x128xf32, #tpu.memory_space<hbm>>
      %dma_wait3A_1541 = arith.constant 0 : i32
      %dma_wait3A_1542 = tpu.memref_slice %arg4[%add3A_757, %dma_wait3A_1541] : memref<10112x128xf32, #tpu.memory_space<hbm>> -> memref<96x128xf32, #tpu.memory_space<hbm>>
      %dma_wait3A_1543 = arith.constant 0 : i32
      %dma_wait3A_1544 = arith.constant 0 : i32
      %dma_wait3A_1545 = tpu.memref_slice %arg8[%dma_wait3A_1543, %dma_wait3A_1544] : memref<96x128xf32, #tpu.memory_space<vmem>> -> memref<96x128xf32, #tpu.memory_space<vmem>>
      tpu.wait_dma2 semaphore(%run_scoped3A_1525 : memref<!tpu.dma_semaphore, #tpu.memory_space<semaphore_mem>>) src(%dma_wait3A_1545 : memref<96x128xf32, #tpu.memory_space<vmem>>) dst(%dma_wait3A_1542 : memref<96x128xf32, #tpu.memory_space<hbm>>)
      tpu.yield
    }) : () -> ()
    %add3A_758 = arith.constant 96 : i32
    %add3A_759 = arith.addi %mul3A_0, %add3A_758 : i32
    "tpu.region"() ({
      %run_scoped3A_1525 = tpu.sem_alloc : memref<!tpu.dma_semaphore, #tpu.memory_space<semaphore_mem>>
      %dma_start3A_1526 = arith.constant 0 : i32
      %dma_start3A_1527 = arith.constant 0 : i32
      %dma_start3A_1528 = tpu.memref_slice %arg8[%dma_start3A_1526, %dma_start3A_1527] : memref<96x128xf32, #tpu.memory_space<vmem>> -> memref<96x128xf32, #tpu.memory_space<vmem>>
      %dma_start3A_1529 = arith.constant 0 : i32
      %dma_start3A_1530 = tpu.memref_slice %arg11[%add3A_759, %dma_start3A_1529] : memref<10112x128xf32, #tpu.memory_space<vmem_shared>> -> memref<96x128xf32, #tpu.memory_space<vmem_shared>>
      %dma_start3A_1531 = arith.constant 0 : i32
      %dma_start3A_1532 = arith.constant 0 : i32
      %dma_start3A_1533 = tpu.memref_slice %arg8[%dma_start3A_1531, %dma_start3A_1532] : memref<96x128xf32, #tpu.memory_space<vmem>> -> memref<96x128xf32, #tpu.memory_space<vmem>>
      %dma_start3A_1534 = arith.constant 0 : i32
      %dma_start3A_1535 = tpu.memref_slice %arg11[%add3A_759, %dma_start3A_1534] : memref<10112x128xf32, #tpu.memory_space<vmem_shared>> -> memref<96x128xf32, #tpu.memory_space<vmem_shared>>
      tpu.enqueue_dma source(%dma_start3A_1535 : memref<96x128xf32, #tpu.memory_space<vmem_shared>>) target(%dma_start3A_1533 : memref<96x128xf32, #tpu.memory_space<vmem>>) target_semaphore(%run_scoped3A_1525 : memref<!tpu.dma_semaphore, #tpu.memory_space<semaphore_mem>>)
      %dma_wait3A_1536 = arith.constant 0 : i32
      %dma_wait3A_1537 = arith.constant 0 : i32
      %dma_wait3A_1538 = tpu.memref_slice %arg8[%dma_wait3A_1536, %dma_wait3A_1537] : memref<96x128xf32, #tpu.memory_space<vmem>> -> memref<96x128xf32, #tpu.memory_space<vmem>>
      %dma_wait3A_1539 = arith.constant 0 : i32
      %dma_wait3A_1540 = tpu.memref_slice %arg11[%add3A_759, %dma_wait3A_1539] : memref<10112x128xf32, #tpu.memory_space<vmem_shared>> -> memref<96x128xf32, #tpu.memory_space<vmem_shared>>
      %dma_wait3A_1541 = arith.constant 0 : i32
      %dma_wait3A_1542 = arith.constant 0 : i32
      %dma_wait3A_1543 = tpu.memref_slice %arg8[%dma_wait3A_1541, %dma_wait3A_1542] : memref<96x128xf32, #tpu.memory_space<vmem>> -> memref<96x128xf32, #tpu.memory_space<vmem>>
      %dma_wait3A_1544 = arith.constant 0 : i32
      %dma_wait3A_1545 = tpu.memref_slice %arg11[%add3A_759, %dma_wait3A_1544] : memref<10112x128xf32, #tpu.memory_space<vmem_shared>> -> memref<96x128xf32, #tpu.memory_space<vmem_shared>>
      tpu.wait_dma2 semaphore(%run_scoped3A_1525 : memref<!tpu.dma_semaphore, #tpu.memory_space<semaphore_mem>>) src(%dma_wait3A_1545 : memref<96x128xf32, #tpu.memory_space<vmem_shared>>) dst(%dma_wait3A_1543 : memref<96x128xf32, #tpu.memory_space<vmem>>)
      tpu.yield
    }) : () -> ()
    "tpu.region"() ({
      %run_scoped3A_1525 = tpu.sem_alloc : memref<!tpu.dma_semaphore, #tpu.memory_space<semaphore_mem>>
      %dma_start3A_1526 = arith.constant 0 : i32
      %dma_start3A_1527 = arith.constant 0 : i32
      %dma_start3A_1528 = tpu.memref_slice %arg8[%dma_start3A_1526, %dma_start3A_1527] : memref<96x128xf32, #tpu.memory_space<vmem>> -> memref<96x128xf32, #tpu.memory_space<vmem>>
      %dma_start3A_1529 = arith.constant 0 : i32
      %dma_start3A_1530 = tpu.memref_slice %arg4[%add3A_759, %dma_start3A_1529] : memref<10112x128xf32, #tpu.memory_space<hbm>> -> memref<96x128xf32, #tpu.memory_space<hbm>>
      %dma_start3A_1531 = arith.constant 0 : i32
      %dma_start3A_1532 = tpu.memref_slice %arg4[%add3A_759, %dma_start3A_1531] : memref<10112x128xf32, #tpu.memory_space<hbm>> -> memref<96x128xf32, #tpu.memory_space<hbm>>
      %dma_start3A_1533 = arith.constant 0 : i32
      %dma_start3A_1534 = arith.constant 0 : i32
      %dma_start3A_1535 = tpu.memref_slice %arg8[%dma_start3A_1533, %dma_start3A_1534] : memref<96x128xf32, #tpu.memory_space<vmem>> -> memref<96x128xf32, #tpu.memory_space<vmem>>
      tpu.enqueue_dma source(%dma_start3A_1535 : memref<96x128xf32, #tpu.memory_space<vmem>>) target(%dma_start3A_1532 : memref<96x128xf32, #tpu.memory_space<hbm>>) target_semaphore(%run_scoped3A_1525 : memref<!tpu.dma_semaphore, #tpu.memory_space<semaphore_mem>>)
      %dma_wait3A_1536 = arith.constant 0 : i32
      %dma_wait3A_1537 = arith.constant 0 : i32
      %dma_wait3A_1538 = tpu.memref_slice %arg8[%dma_wait3A_1536, %dma_wait3A_1537] : memref<96x128xf32, #tpu.memory_space<vmem>> -> memref<96x128xf32, #tpu.memory_space<vmem>>
      %dma_wait3A_1539 = arith.constant 0 : i32
      %dma_wait3A_1540 = tpu.memref_slice %arg4[%add3A_759, %dma_wait3A_1539] : memref<10112x128xf32, #tpu.memory_space<hbm>> -> memref<96x128xf32, #tpu.memory_space<hbm>>
      %dma_wait3A_1541 = arith.constant 0 : i32
      %dma_wait3A_1542 = tpu.memref_slice %arg4[%add3A_759, %dma_wait3A_1541] : memref<10112x128xf32, #tpu.memory_space<hbm>> -> memref<96x128xf32, #tpu.memory_space<hbm>>
      %dma_wait3A_1543 = arith.constant 0 : i32
      %dma_wait3A_1544 = arith.constant 0 : i32
      %dma_wait3A_1545 = tpu.memref_slice %arg8[%dma_wait3A_1543, %dma_wait3A_1544] : memref<96x128xf32, #tpu.memory_space<vmem>> -> memref<96x128xf32, #tpu.memory_space<vmem>>
      tpu.wait_dma2 semaphore(%run_scoped3A_1525 : memref<!tpu.dma_semaphore, #tpu.memory_space<semaphore_mem>>) src(%dma_wait3A_1545 : memref<96x128xf32, #tpu.memory_space<vmem>>) dst(%dma_wait3A_1542 : memref<96x128xf32, #tpu.memory_space<hbm>>)
      tpu.yield
    }) : () -> ()
    %add3A_760 = arith.constant 192 : i32
    %add3A_761 = arith.addi %mul3A_0, %add3A_760 : i32
    "tpu.region"() ({
      %run_scoped3A_1525 = tpu.sem_alloc : memref<!tpu.dma_semaphore, #tpu.memory_space<semaphore_mem>>
      %dma_start3A_1526 = arith.constant 0 : i32
      %dma_start3A_1527 = arith.constant 0 : i32
      %dma_start3A_1528 = tpu.memref_slice %arg8[%dma_start3A_1526, %dma_start3A_1527] : memref<96x128xf32, #tpu.memory_space<vmem>> -> memref<96x128xf32, #tpu.memory_space<vmem>>
      %dma_start3A_1529 = arith.constant 0 : i32
      %dma_start3A_1530 = tpu.memref_slice %arg11[%add3A_761, %dma_start3A_1529] : memref<10112x128xf32, #tpu.memory_space<vmem_shared>> -> memref<96x128xf32, #tpu.memory_space<vmem_shared>>
      %dma_start3A_1531 = arith.constant 0 : i32
      %dma_start3A_1532 = arith.constant 0 : i32
      %dma_start3A_1533 = tpu.memref_slice %arg8[%dma_start3A_1531, %dma_start3A_1532] : memref<96x128xf32, #tpu.memory_space<vmem>> -> memref<96x128xf32, #tpu.memory_space<vmem>>
      %dma_start3A_1534 = arith.constant 0 : i32
      %dma_start3A_1535 = tpu.memref_slice %arg11[%add3A_761, %dma_start3A_1534] : memref<10112x128xf32, #tpu.memory_space<vmem_shared>> -> memref<96x128xf32, #tpu.memory_space<vmem_shared>>
      tpu.enqueue_dma source(%dma_start3A_1535 : memref<96x128xf32, #tpu.memory_space<vmem_shared>>) target(%dma_start3A_1533 : memref<96x128xf32, #tpu.memory_space<vmem>>) target_semaphore(%run_scoped3A_1525 : memref<!tpu.dma_semaphore, #tpu.memory_space<semaphore_mem>>)
      %dma_wait3A_1536 = arith.constant 0 : i32
      %dma_wait3A_1537 = arith.constant 0 : i32
      %dma_wait3A_1538 = tpu.memref_slice %arg8[%dma_wait3A_1536, %dma_wait3A_1537] : memref<96x128xf32, #tpu.memory_space<vmem>> -> memref<96x128xf32, #tpu.memory_space<vmem>>
      %dma_wait3A_1539 = arith.constant 0 : i32
      %dma_wait3A_1540 = tpu.memref_slice %arg11[%add3A_761, %dma_wait3A_1539] : memref<10112x128xf32, #tpu.memory_space<vmem_shared>> -> memref<96x128xf32, #tpu.memory_space<vmem_shared>>
      %dma_wait3A_1541 = arith.constant 0 : i32
      %dma_wait3A_1542 = arith.constant 0 : i32
      %dma_wait3A_1543 = tpu.memref_slice %arg8[%dma_wait3A_1541, %dma_wait3A_1542] : memref<96x128xf32, #tpu.memory_space<vmem>> -> memref<96x128xf32, #tpu.memory_space<vmem>>
      %dma_wait3A_1544 = arith.constant 0 : i32
      %dma_wait3A_1545 = tpu.memref_slice %arg11[%add3A_761, %dma_wait3A_1544] : memref<10112x128xf32, #tpu.memory_space<vmem_shared>> -> memref<96x128xf32, #tpu.memory_space<vmem_shared>>
      tpu.wait_dma2 semaphore(%run_scoped3A_1525 : memref<!tpu.dma_semaphore, #tpu.memory_space<semaphore_mem>>) src(%dma_wait3A_1545 : memref<96x128xf32, #tpu.memory_space<vmem_shared>>) dst(%dma_wait3A_1543 : memref<96x128xf32, #tpu.memory_space<vmem>>)
      tpu.yield
    }) : () -> ()
    "tpu.region"() ({
      %run_scoped3A_1525 = tpu.sem_alloc : memref<!tpu.dma_semaphore, #tpu.memory_space<semaphore_mem>>
      %dma_start3A_1526 = arith.constant 0 : i32
      %dma_start3A_1527 = arith.constant 0 : i32
      %dma_start3A_1528 = tpu.memref_slice %arg8[%dma_start3A_1526, %dma_start3A_1527] : memref<96x128xf32, #tpu.memory_space<vmem>> -> memref<96x128xf32, #tpu.memory_space<vmem>>
      %dma_start3A_1529 = arith.constant 0 : i32
      %dma_start3A_1530 = tpu.memref_slice %arg4[%add3A_761, %dma_start3A_1529] : memref<10112x128xf32, #tpu.memory_space<hbm>> -> memref<96x128xf32, #tpu.memory_space<hbm>>
      %dma_start3A_1531 = arith.constant 0 : i32
      %dma_start3A_1532 = tpu.memref_slice %arg4[%add3A_761, %dma_start3A_1531] : memref<10112x128xf32, #tpu.memory_space<hbm>> -> memref<96x128xf32, #tpu.memory_space<hbm>>
      %dma_start3A_1533 = arith.constant 0 : i32
      %dma_start3A_1534 = arith.constant 0 : i32
      %dma_start3A_1535 = tpu.memref_slice %arg8[%dma_start3A_1533, %dma_start3A_1534] : memref<96x128xf32, #tpu.memory_space<vmem>> -> memref<96x128xf32, #tpu.memory_space<vmem>>
      tpu.enqueue_dma source(%dma_start3A_1535 : memref<96x128xf32, #tpu.memory_space<vmem>>) target(%dma_start3A_1532 : memref<96x128xf32, #tpu.memory_space<hbm>>) target_semaphore(%run_scoped3A_1525 : memref<!tpu.dma_semaphore, #tpu.memory_space<semaphore_mem>>)
      %dma_wait3A_1536 = arith.constant 0 : i32
      %dma_wait3A_1537 = arith.constant 0 : i32
      %dma_wait3A_1538 = tpu.memref_slice %arg8[%dma_wait3A_1536, %dma_wait3A_1537] : memref<96x128xf32, #tpu.memory_space<vmem>> -> memref<96x128xf32, #tpu.memory_space<vmem>>
      %dma_wait3A_1539 = arith.constant 0 : i32
      %dma_wait3A_1540 = tpu.memref_slice %arg4[%add3A_761, %dma_wait3A_1539] : memref<10112x128xf32, #tpu.memory_space<hbm>> -> memref<96x128xf32, #tpu.memory_space<hbm>>
      %dma_wait3A_1541 = arith.constant 0 : i32
      %dma_wait3A_1542 = tpu.memref_slice %arg4[%add3A_761, %dma_wait3A_1541] : memref<10112x128xf32, #tpu.memory_space<hbm>> -> memref<96x128xf32, #tpu.memory_space<hbm>>
      %dma_wait3A_1543 = arith.constant 0 : i32
      %dma_wait3A_1544 = arith.constant 0 : i32
      %dma_wait3A_1545 = tpu.memref_slice %arg8[%dma_wait3A_1543, %dma_wait3A_1544] : memref<96x128xf32, #tpu.memory_space<vmem>> -> memref<96x128xf32, #tpu.memory_space<vmem>>
      tpu.wait_dma2 semaphore(%run_scoped3A_1525 : memref<!tpu.dma_semaphore, #tpu.memory_space<semaphore_mem>>) src(%dma_wait3A_1545 : memref<96x128xf32, #tpu.memory_space<vmem>>) dst(%dma_wait3A_1542 : memref<96x128xf32, #tpu.memory_space<hbm>>)
      tpu.yield
    }) : () -> ()
    %add3A_762 = arith.constant 288 : i32
    %add3A_763 = arith.addi %mul3A_0, %add3A_762 : i32
    "tpu.region"() ({
      %run_scoped3A_1525 = tpu.sem_alloc : memref<!tpu.dma_semaphore, #tpu.memory_space<semaphore_mem>>
      %dma_start3A_1526 = arith.constant 0 : i32
      %dma_start3A_1527 = arith.constant 0 : i32
      %dma_start3A_1528 = tpu.memref_slice %arg8[%dma_start3A_1526, %dma_start3A_1527] : memref<96x128xf32, #tpu.memory_space<vmem>> -> memref<96x128xf32, #tpu.memory_space<vmem>>
      %dma_start3A_1529 = arith.constant 0 : i32
      %dma_start3A_1530 = tpu.memref_slice %arg11[%add3A_763, %dma_start3A_1529] : memref<10112x128xf32, #tpu.memory_space<vmem_shared>> -> memref<96x128xf32, #tpu.memory_space<vmem_shared>>
      %dma_start3A_1531 = arith.constant 0 : i32
      %dma_start3A_1532 = arith.constant 0 : i32
      %dma_start3A_1533 = tpu.memref_slice %arg8[%dma_start3A_1531, %dma_start3A_1532] : memref<96x128xf32, #tpu.memory_space<vmem>> -> memref<96x128xf32, #tpu.memory_space<vmem>>
      %dma_start3A_1534 = arith.constant 0 : i32
      %dma_start3A_1535 = tpu.memref_slice %arg11[%add3A_763, %dma_start3A_1534] : memref<10112x128xf32, #tpu.memory_space<vmem_shared>> -> memref<96x128xf32, #tpu.memory_space<vmem_shared>>
      tpu.enqueue_dma source(%dma_start3A_1535 : memref<96x128xf32, #tpu.memory_space<vmem_shared>>) target(%dma_start3A_1533 : memref<96x128xf32, #tpu.memory_space<vmem>>) target_semaphore(%run_scoped3A_1525 : memref<!tpu.dma_semaphore, #tpu.memory_space<semaphore_mem>>)
      %dma_wait3A_1536 = arith.constant 0 : i32
      %dma_wait3A_1537 = arith.constant 0 : i32
      %dma_wait3A_1538 = tpu.memref_slice %arg8[%dma_wait3A_1536, %dma_wait3A_1537] : memref<96x128xf32, #tpu.memory_space<vmem>> -> memref<96x128xf32, #tpu.memory_space<vmem>>
      %dma_wait3A_1539 = arith.constant 0 : i32
      %dma_wait3A_1540 = tpu.memref_slice %arg11[%add3A_763, %dma_wait3A_1539] : memref<10112x128xf32, #tpu.memory_space<vmem_shared>> -> memref<96x128xf32, #tpu.memory_space<vmem_shared>>
      %dma_wait3A_1541 = arith.constant 0 : i32
      %dma_wait3A_1542 = arith.constant 0 : i32
      %dma_wait3A_1543 = tpu.memref_slice %arg8[%dma_wait3A_1541, %dma_wait3A_1542] : memref<96x128xf32, #tpu.memory_space<vmem>> -> memref<96x128xf32, #tpu.memory_space<vmem>>
      %dma_wait3A_1544 = arith.constant 0 : i32
      %dma_wait3A_1545 = tpu.memref_slice %arg11[%add3A_763, %dma_wait3A_1544] : memref<10112x128xf32, #tpu.memory_space<vmem_shared>> -> memref<96x128xf32, #tpu.memory_space<vmem_shared>>
      tpu.wait_dma2 semaphore(%run_scoped3A_1525 : memref<!tpu.dma_semaphore, #tpu.memory_space<semaphore_mem>>) src(%dma_wait3A_1545 : memref<96x128xf32, #tpu.memory_space<vmem_shared>>) dst(%dma_wait3A_1543 : memref<96x128xf32, #tpu.memory_space<vmem>>)
      tpu.yield
    }) : () -> ()
    "tpu.region"() ({
      %run_scoped3A_1525 = tpu.sem_alloc : memref<!tpu.dma_semaphore, #tpu.memory_space<semaphore_mem>>
      %dma_start3A_1526 = arith.constant 0 : i32
      %dma_start3A_1527 = arith.constant 0 : i32
      %dma_start3A_1528 = tpu.memref_slice %arg8[%dma_start3A_1526, %dma_start3A_1527] : memref<96x128xf32, #tpu.memory_space<vmem>> -> memref<96x128xf32, #tpu.memory_space<vmem>>
      %dma_start3A_1529 = arith.constant 0 : i32
      %dma_start3A_1530 = tpu.memref_slice %arg4[%add3A_763, %dma_start3A_1529] : memref<10112x128xf32, #tpu.memory_space<hbm>> -> memref<96x128xf32, #tpu.memory_space<hbm>>
      %dma_start3A_1531 = arith.constant 0 : i32
      %dma_start3A_1532 = tpu.memref_slice %arg4[%add3A_763, %dma_start3A_1531] : memref<10112x128xf32, #tpu.memory_space<hbm>> -> memref<96x128xf32, #tpu.memory_space<hbm>>
      %dma_start3A_1533 = arith.constant 0 : i32
      %dma_start3A_1534 = arith.constant 0 : i32
      %dma_start3A_1535 = tpu.memref_slice %arg8[%dma_start3A_1533, %dma_start3A_1534] : memref<96x128xf32, #tpu.memory_space<vmem>> -> memref<96x128xf32, #tpu.memory_space<vmem>>
      tpu.enqueue_dma source(%dma_start3A_1535 : memref<96x128xf32, #tpu.memory_space<vmem>>) target(%dma_start3A_1532 : memref<96x128xf32, #tpu.memory_space<hbm>>) target_semaphore(%run_scoped3A_1525 : memref<!tpu.dma_semaphore, #tpu.memory_space<semaphore_mem>>)
      %dma_wait3A_1536 = arith.constant 0 : i32
      %dma_wait3A_1537 = arith.constant 0 : i32
      %dma_wait3A_1538 = tpu.memref_slice %arg8[%dma_wait3A_1536, %dma_wait3A_1537] : memref<96x128xf32, #tpu.memory_space<vmem>> -> memref<96x128xf32, #tpu.memory_space<vmem>>
      %dma_wait3A_1539 = arith.constant 0 : i32
      %dma_wait3A_1540 = tpu.memref_slice %arg4[%add3A_763, %dma_wait3A_1539] : memref<10112x128xf32, #tpu.memory_space<hbm>> -> memref<96x128xf32, #tpu.memory_space<hbm>>
      %dma_wait3A_1541 = arith.constant 0 : i32
      %dma_wait3A_1542 = tpu.memref_slice %arg4[%add3A_763, %dma_wait3A_1541] : memref<10112x128xf32, #tpu.memory_space<hbm>> -> memref<96x128xf32, #tpu.memory_space<hbm>>
      %dma_wait3A_1543 = arith.constant 0 : i32
      %dma_wait3A_1544 = arith.constant 0 : i32
      %dma_wait3A_1545 = tpu.memref_slice %arg8[%dma_wait3A_1543, %dma_wait3A_1544] : memref<96x128xf32, #tpu.memory_space<vmem>> -> memref<96x128xf32, #tpu.memory_space<vmem>>
      tpu.wait_dma2 semaphore(%run_scoped3A_1525 : memref<!tpu.dma_semaphore, #tpu.memory_space<semaphore_mem>>) src(%dma_wait3A_1545 : memref<96x128xf32, #tpu.memory_space<vmem>>) dst(%dma_wait3A_1542 : memref<96x128xf32, #tpu.memory_space<hbm>>)
      tpu.yield
    }) : () -> ()
    %add3A_764 = arith.constant 384 : i32
    %add3A_765 = arith.addi %mul3A_0, %add3A_764 : i32
    "tpu.region"() ({
      %run_scoped3A_1525 = tpu.sem_alloc : memref<!tpu.dma_semaphore, #tpu.memory_space<semaphore_mem>>
      %dma_start3A_1526 = arith.constant 0 : i32
      %dma_start3A_1527 = arith.constant 0 : i32
      %dma_start3A_1528 = tpu.memref_slice %arg8[%dma_start3A_1526, %dma_start3A_1527] : memref<96x128xf32, #tpu.memory_space<vmem>> -> memref<96x128xf32, #tpu.memory_space<vmem>>
      %dma_start3A_1529 = arith.constant 0 : i32
      %dma_start3A_1530 = tpu.memref_slice %arg11[%add3A_765, %dma_start3A_1529] : memref<10112x128xf32, #tpu.memory_space<vmem_shared>> -> memref<96x128xf32, #tpu.memory_space<vmem_shared>>
      %dma_start3A_1531 = arith.constant 0 : i32
      %dma_start3A_1532 = arith.constant 0 : i32
      %dma_start3A_1533 = tpu.memref_slice %arg8[%dma_start3A_1531, %dma_start3A_1532] : memref<96x128xf32, #tpu.memory_space<vmem>> -> memref<96x128xf32, #tpu.memory_space<vmem>>
      %dma_start3A_1534 = arith.constant 0 : i32
      %dma_start3A_1535 = tpu.memref_slice %arg11[%add3A_765, %dma_start3A_1534] : memref<10112x128xf32, #tpu.memory_space<vmem_shared>> -> memref<96x128xf32, #tpu.memory_space<vmem_shared>>
      tpu.enqueue_dma source(%dma_start3A_1535 : memref<96x128xf32, #tpu.memory_space<vmem_shared>>) target(%dma_start3A_1533 : memref<96x128xf32, #tpu.memory_space<vmem>>) target_semaphore(%run_scoped3A_1525 : memref<!tpu.dma_semaphore, #tpu.memory_space<semaphore_mem>>)
      %dma_wait3A_1536 = arith.constant 0 : i32
      %dma_wait3A_1537 = arith.constant 0 : i32
      %dma_wait3A_1538 = tpu.memref_slice %arg8[%dma_wait3A_1536, %dma_wait3A_1537] : memref<96x128xf32, #tpu.memory_space<vmem>> -> memref<96x128xf32, #tpu.memory_space<vmem>>
      %dma_wait3A_1539 = arith.constant 0 : i32
      %dma_wait3A_1540 = tpu.memref_slice %arg11[%add3A_765, %dma_wait3A_1539] : memref<10112x128xf32, #tpu.memory_space<vmem_shared>> -> memref<96x128xf32, #tpu.memory_space<vmem_shared>>
      %dma_wait3A_1541 = arith.constant 0 : i32
      %dma_wait3A_1542 = arith.constant 0 : i32
      %dma_wait3A_1543 = tpu.memref_slice %arg8[%dma_wait3A_1541, %dma_wait3A_1542] : memref<96x128xf32, #tpu.memory_space<vmem>> -> memref<96x128xf32, #tpu.memory_space<vmem>>
      %dma_wait3A_1544 = arith.constant 0 : i32
      %dma_wait3A_1545 = tpu.memref_slice %arg11[%add3A_765, %dma_wait3A_1544] : memref<10112x128xf32, #tpu.memory_space<vmem_shared>> -> memref<96x128xf32, #tpu.memory_space<vmem_shared>>
      tpu.wait_dma2 semaphore(%run_scoped3A_1525 : memref<!tpu.dma_semaphore, #tpu.memory_space<semaphore_mem>>) src(%dma_wait3A_1545 : memref<96x128xf32, #tpu.memory_space<vmem_shared>>) dst(%dma_wait3A_1543 : memref<96x128xf32, #tpu.memory_space<vmem>>)
      tpu.yield
    }) : () -> ()
    "tpu.region"() ({
      %run_scoped3A_1525 = tpu.sem_alloc : memref<!tpu.dma_semaphore, #tpu.memory_space<semaphore_mem>>
      %dma_start3A_1526 = arith.constant 0 : i32
      %dma_start3A_1527 = arith.constant 0 : i32
      %dma_start3A_1528 = tpu.memref_slice %arg8[%dma_start3A_1526, %dma_start3A_1527] : memref<96x128xf32, #tpu.memory_space<vmem>> -> memref<96x128xf32, #tpu.memory_space<vmem>>
      %dma_start3A_1529 = arith.constant 0 : i32
      %dma_start3A_1530 = tpu.memref_slice %arg4[%add3A_765, %dma_start3A_1529] : memref<10112x128xf32, #tpu.memory_space<hbm>> -> memref<96x128xf32, #tpu.memory_space<hbm>>
      %dma_start3A_1531 = arith.constant 0 : i32
      %dma_start3A_1532 = tpu.memref_slice %arg4[%add3A_765, %dma_start3A_1531] : memref<10112x128xf32, #tpu.memory_space<hbm>> -> memref<96x128xf32, #tpu.memory_space<hbm>>
      %dma_start3A_1533 = arith.constant 0 : i32
      %dma_start3A_1534 = arith.constant 0 : i32
      %dma_start3A_1535 = tpu.memref_slice %arg8[%dma_start3A_1533, %dma_start3A_1534] : memref<96x128xf32, #tpu.memory_space<vmem>> -> memref<96x128xf32, #tpu.memory_space<vmem>>
      tpu.enqueue_dma source(%dma_start3A_1535 : memref<96x128xf32, #tpu.memory_space<vmem>>) target(%dma_start3A_1532 : memref<96x128xf32, #tpu.memory_space<hbm>>) target_semaphore(%run_scoped3A_1525 : memref<!tpu.dma_semaphore, #tpu.memory_space<semaphore_mem>>)
      %dma_wait3A_1536 = arith.constant 0 : i32
      %dma_wait3A_1537 = arith.constant 0 : i32
      %dma_wait3A_1538 = tpu.memref_slice %arg8[%dma_wait3A_1536, %dma_wait3A_1537] : memref<96x128xf32, #tpu.memory_space<vmem>> -> memref<96x128xf32, #tpu.memory_space<vmem>>
      %dma_wait3A_1539 = arith.constant 0 : i32
      %dma_wait3A_1540 = tpu.memref_slice %arg4[%add3A_765, %dma_wait3A_1539] : memref<10112x128xf32, #tpu.memory_space<hbm>> -> memref<96x128xf32, #tpu.memory_space<hbm>>
      %dma_wait3A_1541 = arith.constant 0 : i32
      %dma_wait3A_1542 = tpu.memref_slice %arg4[%add3A_765, %dma_wait3A_1541] : memref<10112x128xf32, #tpu.memory_space<hbm>> -> memref<96x128xf32, #tpu.memory_space<hbm>>
      %dma_wait3A_1543 = arith.constant 0 : i32
      %dma_wait3A_1544 = arith.constant 0 : i32
      %dma_wait3A_1545 = tpu.memref_slice %arg8[%dma_wait3A_1543, %dma_wait3A_1544] : memref<96x128xf32, #tpu.memory_space<vmem>> -> memref<96x128xf32, #tpu.memory_space<vmem>>
      tpu.wait_dma2 semaphore(%run_scoped3A_1525 : memref<!tpu.dma_semaphore, #tpu.memory_space<semaphore_mem>>) src(%dma_wait3A_1545 : memref<96x128xf32, #tpu.memory_space<vmem>>) dst(%dma_wait3A_1542 : memref<96x128xf32, #tpu.memory_space<hbm>>)
      tpu.yield
    }) : () -> ()
    %add3A_766 = arith.constant 480 : i32
    %add3A_767 = arith.addi %mul3A_0, %add3A_766 : i32
    "tpu.region"() ({
      %run_scoped3A_1525 = tpu.sem_alloc : memref<!tpu.dma_semaphore, #tpu.memory_space<semaphore_mem>>
      %dma_start3A_1526 = arith.constant 0 : i32
      %dma_start3A_1527 = arith.constant 0 : i32
      %dma_start3A_1528 = tpu.memref_slice %arg8[%dma_start3A_1526, %dma_start3A_1527] : memref<96x128xf32, #tpu.memory_space<vmem>> -> memref<96x128xf32, #tpu.memory_space<vmem>>
      %dma_start3A_1529 = arith.constant 0 : i32
      %dma_start3A_1530 = tpu.memref_slice %arg11[%add3A_767, %dma_start3A_1529] : memref<10112x128xf32, #tpu.memory_space<vmem_shared>> -> memref<96x128xf32, #tpu.memory_space<vmem_shared>>
      %dma_start3A_1531 = arith.constant 0 : i32
      %dma_start3A_1532 = arith.constant 0 : i32
      %dma_start3A_1533 = tpu.memref_slice %arg8[%dma_start3A_1531, %dma_start3A_1532] : memref<96x128xf32, #tpu.memory_space<vmem>> -> memref<96x128xf32, #tpu.memory_space<vmem>>
      %dma_start3A_1534 = arith.constant 0 : i32
      %dma_start3A_1535 = tpu.memref_slice %arg11[%add3A_767, %dma_start3A_1534] : memref<10112x128xf32, #tpu.memory_space<vmem_shared>> -> memref<96x128xf32, #tpu.memory_space<vmem_shared>>
      tpu.enqueue_dma source(%dma_start3A_1535 : memref<96x128xf32, #tpu.memory_space<vmem_shared>>) target(%dma_start3A_1533 : memref<96x128xf32, #tpu.memory_space<vmem>>) target_semaphore(%run_scoped3A_1525 : memref<!tpu.dma_semaphore, #tpu.memory_space<semaphore_mem>>)
      %dma_wait3A_1536 = arith.constant 0 : i32
      %dma_wait3A_1537 = arith.constant 0 : i32
      %dma_wait3A_1538 = tpu.memref_slice %arg8[%dma_wait3A_1536, %dma_wait3A_1537] : memref<96x128xf32, #tpu.memory_space<vmem>> -> memref<96x128xf32, #tpu.memory_space<vmem>>
      %dma_wait3A_1539 = arith.constant 0 : i32
      %dma_wait3A_1540 = tpu.memref_slice %arg11[%add3A_767, %dma_wait3A_1539] : memref<10112x128xf32, #tpu.memory_space<vmem_shared>> -> memref<96x128xf32, #tpu.memory_space<vmem_shared>>
      %dma_wait3A_1541 = arith.constant 0 : i32
      %dma_wait3A_1542 = arith.constant 0 : i32
      %dma_wait3A_1543 = tpu.memref_slice %arg8[%dma_wait3A_1541, %dma_wait3A_1542] : memref<96x128xf32, #tpu.memory_space<vmem>> -> memref<96x128xf32, #tpu.memory_space<vmem>>
      %dma_wait3A_1544 = arith.constant 0 : i32
      %dma_wait3A_1545 = tpu.memref_slice %arg11[%add3A_767, %dma_wait3A_1544] : memref<10112x128xf32, #tpu.memory_space<vmem_shared>> -> memref<96x128xf32, #tpu.memory_space<vmem_shared>>
      tpu.wait_dma2 semaphore(%run_scoped3A_1525 : memref<!tpu.dma_semaphore, #tpu.memory_space<semaphore_mem>>) src(%dma_wait3A_1545 : memref<96x128xf32, #tpu.memory_space<vmem_shared>>) dst(%dma_wait3A_1543 : memref<96x128xf32, #tpu.memory_space<vmem>>)
      tpu.yield
    }) : () -> ()
    "tpu.region"() ({
      %run_scoped3A_1525 = tpu.sem_alloc : memref<!tpu.dma_semaphore, #tpu.memory_space<semaphore_mem>>
      %dma_start3A_1526 = arith.constant 0 : i32
      %dma_start3A_1527 = arith.constant 0 : i32
      %dma_start3A_1528 = tpu.memref_slice %arg8[%dma_start3A_1526, %dma_start3A_1527] : memref<96x128xf32, #tpu.memory_space<vmem>> -> memref<96x128xf32, #tpu.memory_space<vmem>>
      %dma_start3A_1529 = arith.constant 0 : i32
      %dma_start3A_1530 = tpu.memref_slice %arg4[%add3A_767, %dma_start3A_1529] : memref<10112x128xf32, #tpu.memory_space<hbm>> -> memref<96x128xf32, #tpu.memory_space<hbm>>
      %dma_start3A_1531 = arith.constant 0 : i32
      %dma_start3A_1532 = tpu.memref_slice %arg4[%add3A_767, %dma_start3A_1531] : memref<10112x128xf32, #tpu.memory_space<hbm>> -> memref<96x128xf32, #tpu.memory_space<hbm>>
      %dma_start3A_1533 = arith.constant 0 : i32
      %dma_start3A_1534 = arith.constant 0 : i32
      %dma_start3A_1535 = tpu.memref_slice %arg8[%dma_start3A_1533, %dma_start3A_1534] : memref<96x128xf32, #tpu.memory_space<vmem>> -> memref<96x128xf32, #tpu.memory_space<vmem>>
      tpu.enqueue_dma source(%dma_start3A_1535 : memref<96x128xf32, #tpu.memory_space<vmem>>) target(%dma_start3A_1532 : memref<96x128xf32, #tpu.memory_space<hbm>>) target_semaphore(%run_scoped3A_1525 : memref<!tpu.dma_semaphore, #tpu.memory_space<semaphore_mem>>)
      %dma_wait3A_1536 = arith.constant 0 : i32
      %dma_wait3A_1537 = arith.constant 0 : i32
      %dma_wait3A_1538 = tpu.memref_slice %arg8[%dma_wait3A_1536, %dma_wait3A_1537] : memref<96x128xf32, #tpu.memory_space<vmem>> -> memref<96x128xf32, #tpu.memory_space<vmem>>
      %dma_wait3A_1539 = arith.constant 0 : i32
      %dma_wait3A_1540 = tpu.memref_slice %arg4[%add3A_767, %dma_wait3A_1539] : memref<10112x128xf32, #tpu.memory_space<hbm>> -> memref<96x128xf32, #tpu.memory_space<hbm>>
      %dma_wait3A_1541 = arith.constant 0 : i32
      %dma_wait3A_1542 = tpu.memref_slice %arg4[%add3A_767, %dma_wait3A_1541] : memref<10112x128xf32, #tpu.memory_space<hbm>> -> memref<96x128xf32, #tpu.memory_space<hbm>>
      %dma_wait3A_1543 = arith.constant 0 : i32
      %dma_wait3A_1544 = arith.constant 0 : i32
      %dma_wait3A_1545 = tpu.memref_slice %arg8[%dma_wait3A_1543, %dma_wait3A_1544] : memref<96x128xf32, #tpu.memory_space<vmem>> -> memref<96x128xf32, #tpu.memory_space<vmem>>
      tpu.wait_dma2 semaphore(%run_scoped3A_1525 : memref<!tpu.dma_semaphore, #tpu.memory_space<semaphore_mem>>) src(%dma_wait3A_1545 : memref<96x128xf32, #tpu.memory_space<vmem>>) dst(%dma_wait3A_1542 : memref<96x128xf32, #tpu.memory_space<hbm>>)
      tpu.yield
    }) : () -> ()
    %add3A_768 = arith.constant 576 : i32
    %add3A_769 = arith.addi %mul3A_0, %add3A_768 : i32
    "tpu.region"() ({
      %run_scoped3A_1525 = tpu.sem_alloc : memref<!tpu.dma_semaphore, #tpu.memory_space<semaphore_mem>>
      %dma_start3A_1526 = arith.constant 0 : i32
      %dma_start3A_1527 = arith.constant 0 : i32
      %dma_start3A_1528 = tpu.memref_slice %arg8[%dma_start3A_1526, %dma_start3A_1527] : memref<96x128xf32, #tpu.memory_space<vmem>> -> memref<56x128xf32, #tpu.memory_space<vmem>>
      %dma_start3A_1529 = arith.constant 0 : i32
      %dma_start3A_1530 = tpu.memref_slice %arg11[%add3A_769, %dma_start3A_1529] : memref<10112x128xf32, #tpu.memory_space<vmem_shared>> -> memref<56x128xf32, #tpu.memory_space<vmem_shared>>
      %dma_start3A_1531 = arith.constant 0 : i32
      %dma_start3A_1532 = arith.constant 0 : i32
      %dma_start3A_1533 = tpu.memref_slice %arg8[%dma_start3A_1531, %dma_start3A_1532] : memref<96x128xf32, #tpu.memory_space<vmem>> -> memref<56x128xf32, #tpu.memory_space<vmem>>
      %dma_start3A_1534 = arith.constant 0 : i32
      %dma_start3A_1535 = tpu.memref_slice %arg11[%add3A_769, %dma_start3A_1534] : memref<10112x128xf32, #tpu.memory_space<vmem_shared>> -> memref<56x128xf32, #tpu.memory_space<vmem_shared>>
      tpu.enqueue_dma source(%dma_start3A_1535 : memref<56x128xf32, #tpu.memory_space<vmem_shared>>) target(%dma_start3A_1533 : memref<56x128xf32, #tpu.memory_space<vmem>>) target_semaphore(%run_scoped3A_1525 : memref<!tpu.dma_semaphore, #tpu.memory_space<semaphore_mem>>)
      %dma_wait3A_1536 = arith.constant 0 : i32
      %dma_wait3A_1537 = arith.constant 0 : i32
      %dma_wait3A_1538 = tpu.memref_slice %arg8[%dma_wait3A_1536, %dma_wait3A_1537] : memref<96x128xf32, #tpu.memory_space<vmem>> -> memref<56x128xf32, #tpu.memory_space<vmem>>
      %dma_wait3A_1539 = arith.constant 0 : i32
      %dma_wait3A_1540 = tpu.memref_slice %arg11[%add3A_769, %dma_wait3A_1539] : memref<10112x128xf32, #tpu.memory_space<vmem_shared>> -> memref<56x128xf32, #tpu.memory_space<vmem_shared>>
      %dma_wait3A_1541 = arith.constant 0 : i32
      %dma_wait3A_1542 = arith.constant 0 : i32
      %dma_wait3A_1543 = tpu.memref_slice %arg8[%dma_wait3A_1541, %dma_wait3A_1542] : memref<96x128xf32, #tpu.memory_space<vmem>> -> memref<56x128xf32, #tpu.memory_space<vmem>>
      %dma_wait3A_1544 = arith.constant 0 : i32
      %dma_wait3A_1545 = tpu.memref_slice %arg11[%add3A_769, %dma_wait3A_1544] : memref<10112x128xf32, #tpu.memory_space<vmem_shared>> -> memref<56x128xf32, #tpu.memory_space<vmem_shared>>
      tpu.wait_dma2 semaphore(%run_scoped3A_1525 : memref<!tpu.dma_semaphore, #tpu.memory_space<semaphore_mem>>) src(%dma_wait3A_1545 : memref<56x128xf32, #tpu.memory_space<vmem_shared>>) dst(%dma_wait3A_1543 : memref<56x128xf32, #tpu.memory_space<vmem>>)
      tpu.yield
    }) : () -> ()
    "tpu.region"() ({
      %run_scoped3A_1525 = tpu.sem_alloc : memref<!tpu.dma_semaphore, #tpu.memory_space<semaphore_mem>>
      %dma_start3A_1526 = arith.constant 0 : i32
      %dma_start3A_1527 = arith.constant 0 : i32
      %dma_start3A_1528 = tpu.memref_slice %arg8[%dma_start3A_1526, %dma_start3A_1527] : memref<96x128xf32, #tpu.memory_space<vmem>> -> memref<56x128xf32, #tpu.memory_space<vmem>>
      %dma_start3A_1529 = arith.constant 0 : i32
      %dma_start3A_1530 = tpu.memref_slice %arg4[%add3A_769, %dma_start3A_1529] : memref<10112x128xf32, #tpu.memory_space<hbm>> -> memref<56x128xf32, #tpu.memory_space<hbm>>
      %dma_start3A_1531 = arith.constant 0 : i32
      %dma_start3A_1532 = tpu.memref_slice %arg4[%add3A_769, %dma_start3A_1531] : memref<10112x128xf32, #tpu.memory_space<hbm>> -> memref<56x128xf32, #tpu.memory_space<hbm>>
      %dma_start3A_1533 = arith.constant 0 : i32
      %dma_start3A_1534 = arith.constant 0 : i32
      %dma_start3A_1535 = tpu.memref_slice %arg8[%dma_start3A_1533, %dma_start3A_1534] : memref<96x128xf32, #tpu.memory_space<vmem>> -> memref<56x128xf32, #tpu.memory_space<vmem>>
      tpu.enqueue_dma source(%dma_start3A_1535 : memref<56x128xf32, #tpu.memory_space<vmem>>) target(%dma_start3A_1532 : memref<56x128xf32, #tpu.memory_space<hbm>>) target_semaphore(%run_scoped3A_1525 : memref<!tpu.dma_semaphore, #tpu.memory_space<semaphore_mem>>)
      %dma_wait3A_1536 = arith.constant 0 : i32
      %dma_wait3A_1537 = arith.constant 0 : i32
      %dma_wait3A_1538 = tpu.memref_slice %arg8[%dma_wait3A_1536, %dma_wait3A_1537] : memref<96x128xf32, #tpu.memory_space<vmem>> -> memref<56x128xf32, #tpu.memory_space<vmem>>
      %dma_wait3A_1539 = arith.constant 0 : i32
      %dma_wait3A_1540 = tpu.memref_slice %arg4[%add3A_769, %dma_wait3A_1539] : memref<10112x128xf32, #tpu.memory_space<hbm>> -> memref<56x128xf32, #tpu.memory_space<hbm>>
      %dma_wait3A_1541 = arith.constant 0 : i32
      %dma_wait3A_1542 = tpu.memref_slice %arg4[%add3A_769, %dma_wait3A_1541] : memref<10112x128xf32, #tpu.memory_space<hbm>> -> memref<56x128xf32, #tpu.memory_space<hbm>>
      %dma_wait3A_1543 = arith.constant 0 : i32
      %dma_wait3A_1544 = arith.constant 0 : i32
      %dma_wait3A_1545 = tpu.memref_slice %arg8[%dma_wait3A_1543, %dma_wait3A_1544] : memref<96x128xf32, #tpu.memory_space<vmem>> -> memref<56x128xf32, #tpu.memory_space<vmem>>
      tpu.wait_dma2 semaphore(%run_scoped3A_1525 : memref<!tpu.dma_semaphore, #tpu.memory_space<semaphore_mem>>) src(%dma_wait3A_1545 : memref<56x128xf32, #tpu.memory_space<vmem>>) dst(%dma_wait3A_1542 : memref<56x128xf32, #tpu.memory_space<hbm>>)
      tpu.yield
    }) : () -> ()
    %barrier3A_770 = arith.constant 0 : index
    tpu.barrier barrier_id(%barrier3A_770)
    %scan3A_771 = arith.constant 0 : i32
    %scan3A_772 = arith.constant 0 : i32
    %scan3A_773 = arith.constant 96 : i32
    %scan3A_774 = arith.addi %scan3A_772, %scan3A_773 : i32
    %scan3A_775 = arith.constant 1 : i32
    scf.for %scan3A_1525 = %scan3A_772 to %scan3A_774 step %scan3A_775  : i32 {
      %swap3A_1526 = arith.index_cast %scan3A_1525 : i32 to index
      %swap3A_1527 = arith.constant 0 : index
      %swap3A_1528 = tpu.vector_load %arg10[%swap3A_1526, %swap3A_1527] {strides = array<i32>} : memref<96x16xf32, #tpu.memory_space<vmem>>, vector<1x16xf32>,
      %swap3A_1529 = vector.shape_cast %swap3A_1528 : vector<1x16xf32> to vector<16xf32>
      %swap3A_1530 = vector.shape_cast %broadcast_in_dim3A_3 : vector<16xf32> to vector<1x16xf32>
      tpu.vector_store %arg10[%swap3A_1526, %swap3A_1527], %swap3A_1530 {strides = array<i32>} : memref<96x16xf32, #tpu.memory_space<vmem>>, vector<1x16xf32>,
    }
    %scan3A_776 = arith.constant 96 : i32
    %barrier3A_777 = arith.constant 0 : index
    tpu.barrier barrier_id(%barrier3A_777)
    %dma_start3A_778 = arith.constant 0 : i32
    %dma_start3A_779 = arith.constant 0 : i32
    %dma_start3A_780 = arith.constant 0 : i32
    %dma_start3A_781 = tpu.memref_slice %arg3[%arg1, %dma_start3A_778, %dma_start3A_779, %dma_start3A_780] : memref<16x216x2x96xi32, #tpu.memory_space<hbm>> -> memref<1x2x2x96xi32, #tpu.memory_space<hbm>>
    %dma_start3A_782 = tpu.memref_squeeze %dma_start3A_781 : memref<1x2x2x96xi32, #tpu.memory_space<hbm>> -> memref<2x2x96xi32, #tpu.memory_space<hbm>>
    %dma_start3A_783 = arith.constant 0 : i32
    %dma_start3A_784 = arith.constant 0 : i32
    %dma_start3A_785 = arith.constant 0 : i32
    %dma_start3A_786 = tpu.memref_slice %arg3[%arg1, %dma_start3A_783, %dma_start3A_784, %dma_start3A_785] : memref<16x216x2x96xi32, #tpu.memory_space<hbm>> -> memref<1x2x2x96xi32, #tpu.memory_space<hbm>>
    %dma_start3A_787 = tpu.memref_squeeze %dma_start3A_786 : memref<1x2x2x96xi32, #tpu.memory_space<hbm>> -> memref<2x2x96xi32, #tpu.memory_space<hbm>>
    tpu.enqueue_dma source(%dma_start3A_787 : memref<2x2x96xi32, #tpu.memory_space<hbm>>) target(%arg6 : memref<2x2x96xi32, #tpu.memory_space<vmem>>) target_semaphore(%arg15 : memref<!tpu.dma_semaphore, #tpu.memory_space<semaphore_mem>>)
    %dma_start3A_788 = arith.constant 2 : i32
    %dma_start3A_789 = arith.constant 0 : i32
    %dma_start3A_790 = arith.constant 0 : i32
    %dma_start3A_791 = tpu.memref_slice %arg3[%arg1, %dma_start3A_788, %dma_start3A_789, %dma_start3A_790] : memref<16x216x2x96xi32, #tpu.memory_space<hbm>> -> memref<1x2x2x96xi32, #tpu.memory_space<hbm>>
    %dma_start3A_792 = tpu.memref_squeeze %dma_start3A_791 : memref<1x2x2x96xi32, #tpu.memory_space<hbm>> -> memref<2x2x96xi32, #tpu.memory_space<hbm>>
    %dma_start3A_793 = arith.constant 2 : i32
    %dma_start3A_794 = arith.constant 0 : i32
    %dma_start3A_795 = arith.constant 0 : i32
    %dma_start3A_796 = tpu.memref_slice %arg3[%arg1, %dma_start3A_793, %dma_start3A_794, %dma_start3A_795] : memref<16x216x2x96xi32, #tpu.memory_space<hbm>> -> memref<1x2x2x96xi32, #tpu.memory_space<hbm>>
    %dma_start3A_797 = tpu.memref_squeeze %dma_start3A_796 : memref<1x2x2x96xi32, #tpu.memory_space<hbm>> -> memref<2x2x96xi32, #tpu.memory_space<hbm>>
    tpu.enqueue_dma source(%dma_start3A_797 : memref<2x2x96xi32, #tpu.memory_space<hbm>>) target(%arg7 : memref<2x2x96xi32, #tpu.memory_space<vmem>>) target_semaphore(%arg16 : memref<!tpu.dma_semaphore, #tpu.memory_space<semaphore_mem>>)
    %scan3A_798 = arith.constant 0 : i32
    %scan3A_799 = arith.constant 0 : i32
    %scan3A_800 = arith.constant 53 : i32
    %scan3A_801 = arith.addi %scan3A_799, %scan3A_800 : i32
    %scan3A_802 = arith.constant 1 : i32
    scf.for %scan3A_1525 = %scan3A_799 to %scan3A_801 step %scan3A_802  : i32 {
      %mul3A_1526 = arith.constant 4 : i32
      %mul3A_1527 = arith.muli %scan3A_1525, %mul3A_1526 : i32
      %add3A_1528 = arith.constant 4 : i32
      %add3A_1529 = arith.addi %mul3A_1527, %add3A_1528 : i32
      %dma_wait3A_1530 = arith.constant 0 : i32
      %dma_wait3A_1531 = arith.constant 0 : i32
      %dma_wait3A_1532 = arith.constant 0 : i32
      %dma_wait3A_1533 = tpu.memref_slice %arg3[%arg1, %dma_wait3A_1530, %dma_wait3A_1531, %dma_wait3A_1532] : memref<16x216x2x96xi32, #tpu.memory_space<hbm>> -> memref<1x2x2x96xi32, #tpu.memory_space<hbm>>
      %dma_wait3A_1534 = tpu.memref_squeeze %dma_wait3A_1533 : memref<1x2x2x96xi32, #tpu.memory_space<hbm>> -> memref<2x2x96xi32, #tpu.memory_space<hbm>>
      %dma_wait3A_1535 = arith.constant 0 : i32
      %dma_wait3A_1536 = arith.constant 0 : i32
      %dma_wait3A_1537 = arith.constant 0 : i32
      %dma_wait3A_1538 = tpu.memref_slice %arg3[%arg1, %dma_wait3A_1535, %dma_wait3A_1536, %dma_wait3A_1537] : memref<16x216x2x96xi32, #tpu.memory_space<hbm>> -> memref<1x2x2x96xi32, #tpu.memory_space<hbm>>
      %dma_wait3A_1539 = tpu.memref_squeeze %dma_wait3A_1538 : memref<1x2x2x96xi32, #tpu.memory_space<hbm>> -> memref<2x2x96xi32, #tpu.memory_space<hbm>>
      tpu.wait_dma2 semaphore(%arg15 : memref<!tpu.dma_semaphore, #tpu.memory_space<semaphore_mem>>) src(%dma_wait3A_1539 : memref<2x2x96xi32, #tpu.memory_space<hbm>>) dst(%arg6 : memref<2x2x96xi32, #tpu.memory_space<vmem>>)
      %run_scoped3A_1540 = arith.constant 0 : i32
      %run_scoped3A_1541 = arith.constant 1 : i32
      "tpu.region"() ({
        %run_scoped3A_1576 = tpu.sem_alloc : memref<!tpu.dma_semaphore, #tpu.memory_space<semaphore_mem>>
        %dma_start3A_1577 = arith.constant 0 : i32
        %dma_start3A_1578 = tpu.memref_slice %arg6[%run_scoped3A_1540, %run_scoped3A_1541, %dma_start3A_1577] : memref<2x2x96xi32, #tpu.memory_space<vmem>> -> memref<1x1x96xi32, #tpu.memory_space<vmem>>
        %dma_start3A_1579 = tpu.memref_squeeze %dma_start3A_1578 : memref<1x1x96xi32, #tpu.memory_space<vmem>> -> memref<96xi32, #tpu.memory_space<vmem>>
        %dma_start3A_1580 = arith.constant 0 : i32
        %dma_start3A_1581 = arith.constant 0 : i32
        %dma_start3A_1582 = tpu.memref_slice %arg12[%dma_start3A_1580, %dma_start3A_1581] : memref<10112x16xf32, #tpu.memory_space<vmem_shared>> -> memref<10112x16xf32, #tpu.memory_space<vmem_shared>>
        tpu.enqueue_indirect_dma source(%arg10 : memref<96x16xf32, #tpu.memory_space<vmem>>) target(%dma_start3A_1582 : memref<10112x16xf32, #tpu.memory_space<vmem_shared>>) offsets(%dma_start3A_1579 : memref<96xi32, #tpu.memory_space<vmem>>) semaphore(%run_scoped3A_1576 : memref<!tpu.dma_semaphore, #tpu.memory_space<semaphore_mem>>) {add = true}
        %dma_wait3A_1583 = arith.constant 0 : i32
        %dma_wait3A_1584 = tpu.memref_slice %arg6[%run_scoped3A_1540, %run_scoped3A_1541, %dma_wait3A_1583] : memref<2x2x96xi32, #tpu.memory_space<vmem>> -> memref<1x1x96xi32, #tpu.memory_space<vmem>>
        %dma_wait3A_1585 = tpu.memref_squeeze %dma_wait3A_1584 : memref<1x1x96xi32, #tpu.memory_space<vmem>> -> memref<96xi32, #tpu.memory_space<vmem>>
        %dma_wait3A_1586 = arith.constant 0 : i32
        %dma_wait3A_1587 = arith.constant 0 : i32
        %dma_wait3A_1588 = tpu.memref_slice %arg12[%dma_wait3A_1586, %dma_wait3A_1587] : memref<10112x16xf32, #tpu.memory_space<vmem_shared>> -> memref<10112x16xf32, #tpu.memory_space<vmem_shared>>
        tpu.wait_indirect_dma semaphore(%run_scoped3A_1576 : memref<!tpu.dma_semaphore, #tpu.memory_space<semaphore_mem>>) src(%arg10 : memref<96x16xf32, #tpu.memory_space<vmem>>) dst(%dma_wait3A_1588 : memref<10112x16xf32, #tpu.memory_space<vmem_shared>>)
        tpu.yield
      }) : () -> ()
      %run_scoped3A_1542 = arith.constant 1 : i32
      %run_scoped3A_1543 = arith.constant 1 : i32
      "tpu.region"() ({
        %run_scoped3A_1576 = tpu.sem_alloc : memref<!tpu.dma_semaphore, #tpu.memory_space<semaphore_mem>>
        %dma_start3A_1577 = arith.constant 0 : i32
        %dma_start3A_1578 = tpu.memref_slice %arg6[%run_scoped3A_1542, %run_scoped3A_1543, %dma_start3A_1577] : memref<2x2x96xi32, #tpu.memory_space<vmem>> -> memref<1x1x96xi32, #tpu.memory_space<vmem>>
        %dma_start3A_1579 = tpu.memref_squeeze %dma_start3A_1578 : memref<1x1x96xi32, #tpu.memory_space<vmem>> -> memref<96xi32, #tpu.memory_space<vmem>>
        %dma_start3A_1580 = arith.constant 0 : i32
        %dma_start3A_1581 = arith.constant 0 : i32
        %dma_start3A_1582 = tpu.memref_slice %arg12[%dma_start3A_1580, %dma_start3A_1581] : memref<10112x16xf32, #tpu.memory_space<vmem_shared>> -> memref<10112x16xf32, #tpu.memory_space<vmem_shared>>
        tpu.enqueue_indirect_dma source(%arg10 : memref<96x16xf32, #tpu.memory_space<vmem>>) target(%dma_start3A_1582 : memref<10112x16xf32, #tpu.memory_space<vmem_shared>>) offsets(%dma_start3A_1579 : memref<96xi32, #tpu.memory_space<vmem>>) semaphore(%run_scoped3A_1576 : memref<!tpu.dma_semaphore, #tpu.memory_space<semaphore_mem>>) {add = true}
        %dma_wait3A_1583 = arith.constant 0 : i32
        %dma_wait3A_1584 = tpu.memref_slice %arg6[%run_scoped3A_1542, %run_scoped3A_1543, %dma_wait3A_1583] : memref<2x2x96xi32, #tpu.memory_space<vmem>> -> memref<1x1x96xi32, #tpu.memory_space<vmem>>
        %dma_wait3A_1585 = tpu.memref_squeeze %dma_wait3A_1584 : memref<1x1x96xi32, #tpu.memory_space<vmem>> -> memref<96xi32, #tpu.memory_space<vmem>>
        %dma_wait3A_1586 = arith.constant 0 : i32
        %dma_wait3A_1587 = arith.constant 0 : i32
        %dma_wait3A_1588 = tpu.memref_slice %arg12[%dma_wait3A_1586, %dma_wait3A_1587] : memref<10112x16xf32, #tpu.memory_space<vmem_shared>> -> memref<10112x16xf32, #tpu.memory_space<vmem_shared>>
        tpu.wait_indirect_dma semaphore(%run_scoped3A_1576 : memref<!tpu.dma_semaphore, #tpu.memory_space<semaphore_mem>>) src(%arg10 : memref<96x16xf32, #tpu.memory_space<vmem>>) dst(%dma_wait3A_1588 : memref<10112x16xf32, #tpu.memory_space<vmem_shared>>)
        tpu.yield
      }) : () -> ()
      %dma_start3A_1544 = arith.constant 0 : i32
      %dma_start3A_1545 = arith.constant 0 : i32
      %dma_start3A_1546 = tpu.memref_slice %arg3[%arg1, %add3A_1529, %dma_start3A_1544, %dma_start3A_1545] : memref<16x216x2x96xi32, #tpu.memory_space<hbm>> -> memref<1x2x2x96xi32, #tpu.memory_space<hbm>>
      %dma_start3A_1547 = tpu.memref_squeeze %dma_start3A_1546 : memref<1x2x2x96xi32, #tpu.memory_space<hbm>> -> memref<2x2x96xi32, #tpu.memory_space<hbm>>
      %dma_start3A_1548 = arith.constant 0 : i32
      %dma_start3A_1549 = arith.constant 0 : i32
      %dma_start3A_1550 = tpu.memref_slice %arg3[%arg1, %add3A_1529, %dma_start3A_1548, %dma_start3A_1549] : memref<16x216x2x96xi32, #tpu.memory_space<hbm>> -> memref<1x2x2x96xi32, #tpu.memory_space<hbm>>
      %dma_start3A_1551 = tpu.memref_squeeze %dma_start3A_1550 : memref<1x2x2x96xi32, #tpu.memory_space<hbm>> -> memref<2x2x96xi32, #tpu.memory_space<hbm>>
      tpu.enqueue_dma source(%dma_start3A_1551 : memref<2x2x96xi32, #tpu.memory_space<hbm>>) target(%arg6 : memref<2x2x96xi32, #tpu.memory_space<vmem>>) target_semaphore(%arg15 : memref<!tpu.dma_semaphore, #tpu.memory_space<semaphore_mem>>)
      %add3A_1552 = arith.constant 6 : i32
      %add3A_1553 = arith.addi %mul3A_1527, %add3A_1552 : i32
      %dma_wait3A_1554 = arith.constant 0 : i32
      %dma_wait3A_1555 = arith.constant 0 : i32
      %dma_wait3A_1556 = arith.constant 0 : i32
      %dma_wait3A_1557 = tpu.memref_slice %arg3[%arg1, %dma_wait3A_1554, %dma_wait3A_1555, %dma_wait3A_1556] : memref<16x216x2x96xi32, #tpu.memory_space<hbm>> -> memref<1x2x2x96xi32, #tpu.memory_space<hbm>>
      %dma_wait3A_1558 = tpu.memref_squeeze %dma_wait3A_1557 : memref<1x2x2x96xi32, #tpu.memory_space<hbm>> -> memref<2x2x96xi32, #tpu.memory_space<hbm>>
      %dma_wait3A_1559 = arith.constant 0 : i32
      %dma_wait3A_1560 = arith.constant 0 : i32
      %dma_wait3A_1561 = arith.constant 0 : i32
      %dma_wait3A_1562 = tpu.memref_slice %arg3[%arg1, %dma_wait3A_1559, %dma_wait3A_1560, %dma_wait3A_1561] : memref<16x216x2x96xi32, #tpu.memory_space<hbm>> -> memref<1x2x2x96xi32, #tpu.memory_space<hbm>>
      %dma_wait3A_1563 = tpu.memref_squeeze %dma_wait3A_1562 : memref<1x2x2x96xi32, #tpu.memory_space<hbm>> -> memref<2x2x96xi32, #tpu.memory_space<hbm>>
      tpu.wait_dma2 semaphore(%arg16 : memref<!tpu.dma_semaphore, #tpu.memory_space<semaphore_mem>>) src(%dma_wait3A_1563 : memref<2x2x96xi32, #tpu.memory_space<hbm>>) dst(%arg7 : memref<2x2x96xi32, #tpu.memory_space<vmem>>)
      %run_scoped3A_1564 = arith.constant 0 : i32
      %run_scoped3A_1565 = arith.constant 1 : i32
      "tpu.region"() ({
        %run_scoped3A_1576 = tpu.sem_alloc : memref<!tpu.dma_semaphore, #tpu.memory_space<semaphore_mem>>
        %dma_start3A_1577 = arith.constant 0 : i32
        %dma_start3A_1578 = tpu.memref_slice %arg7[%run_scoped3A_1564, %run_scoped3A_1565, %dma_start3A_1577] : memref<2x2x96xi32, #tpu.memory_space<vmem>> -> memref<1x1x96xi32, #tpu.memory_space<vmem>>
        %dma_start3A_1579 = tpu.memref_squeeze %dma_start3A_1578 : memref<1x1x96xi32, #tpu.memory_space<vmem>> -> memref<96xi32, #tpu.memory_space<vmem>>
        %dma_start3A_1580 = arith.constant 0 : i32
        %dma_start3A_1581 = arith.constant 0 : i32
        %dma_start3A_1582 = tpu.memref_slice %arg12[%dma_start3A_1580, %dma_start3A_1581] : memref<10112x16xf32, #tpu.memory_space<vmem_shared>> -> memref<10112x16xf32, #tpu.memory_space<vmem_shared>>
        tpu.enqueue_indirect_dma source(%arg10 : memref<96x16xf32, #tpu.memory_space<vmem>>) target(%dma_start3A_1582 : memref<10112x16xf32, #tpu.memory_space<vmem_shared>>) offsets(%dma_start3A_1579 : memref<96xi32, #tpu.memory_space<vmem>>) semaphore(%run_scoped3A_1576 : memref<!tpu.dma_semaphore, #tpu.memory_space<semaphore_mem>>) {add = true}
        %dma_wait3A_1583 = arith.constant 0 : i32
        %dma_wait3A_1584 = tpu.memref_slice %arg7[%run_scoped3A_1564, %run_scoped3A_1565, %dma_wait3A_1583] : memref<2x2x96xi32, #tpu.memory_space<vmem>> -> memref<1x1x96xi32, #tpu.memory_space<vmem>>
        %dma_wait3A_1585 = tpu.memref_squeeze %dma_wait3A_1584 : memref<1x1x96xi32, #tpu.memory_space<vmem>> -> memref<96xi32, #tpu.memory_space<vmem>>
        %dma_wait3A_1586 = arith.constant 0 : i32
        %dma_wait3A_1587 = arith.constant 0 : i32
        %dma_wait3A_1588 = tpu.memref_slice %arg12[%dma_wait3A_1586, %dma_wait3A_1587] : memref<10112x16xf32, #tpu.memory_space<vmem_shared>> -> memref<10112x16xf32, #tpu.memory_space<vmem_shared>>
        tpu.wait_indirect_dma semaphore(%run_scoped3A_1576 : memref<!tpu.dma_semaphore, #tpu.memory_space<semaphore_mem>>) src(%arg10 : memref<96x16xf32, #tpu.memory_space<vmem>>) dst(%dma_wait3A_1588 : memref<10112x16xf32, #tpu.memory_space<vmem_shared>>)
        tpu.yield
      }) : () -> ()
      %run_scoped3A_1566 = arith.constant 1 : i32
      %run_scoped3A_1567 = arith.constant 1 : i32
      "tpu.region"() ({
        %run_scoped3A_1576 = tpu.sem_alloc : memref<!tpu.dma_semaphore, #tpu.memory_space<semaphore_mem>>
        %dma_start3A_1577 = arith.constant 0 : i32
        %dma_start3A_1578 = tpu.memref_slice %arg7[%run_scoped3A_1566, %run_scoped3A_1567, %dma_start3A_1577] : memref<2x2x96xi32, #tpu.memory_space<vmem>> -> memref<1x1x96xi32, #tpu.memory_space<vmem>>
        %dma_start3A_1579 = tpu.memref_squeeze %dma_start3A_1578 : memref<1x1x96xi32, #tpu.memory_space<vmem>> -> memref<96xi32, #tpu.memory_space<vmem>>
        %dma_start3A_1580 = arith.constant 0 : i32
        %dma_start3A_1581 = arith.constant 0 : i32
        %dma_start3A_1582 = tpu.memref_slice %arg12[%dma_start3A_1580, %dma_start3A_1581] : memref<10112x16xf32, #tpu.memory_space<vmem_shared>> -> memref<10112x16xf32, #tpu.memory_space<vmem_shared>>
        tpu.enqueue_indirect_dma source(%arg10 : memref<96x16xf32, #tpu.memory_space<vmem>>) target(%dma_start3A_1582 : memref<10112x16xf32, #tpu.memory_space<vmem_shared>>) offsets(%dma_start3A_1579 : memref<96xi32, #tpu.memory_space<vmem>>) semaphore(%run_scoped3A_1576 : memref<!tpu.dma_semaphore, #tpu.memory_space<semaphore_mem>>) {add = true}
        %dma_wait3A_1583 = arith.constant 0 : i32
        %dma_wait3A_1584 = tpu.memref_slice %arg7[%run_scoped3A_1566, %run_scoped3A_1567, %dma_wait3A_1583] : memref<2x2x96xi32, #tpu.memory_space<vmem>> -> memref<1x1x96xi32, #tpu.memory_space<vmem>>
        %dma_wait3A_1585 = tpu.memref_squeeze %dma_wait3A_1584 : memref<1x1x96xi32, #tpu.memory_space<vmem>> -> memref<96xi32, #tpu.memory_space<vmem>>
        %dma_wait3A_1586 = arith.constant 0 : i32
        %dma_wait3A_1587 = arith.constant 0 : i32
        %dma_wait3A_1588 = tpu.memref_slice %arg12[%dma_wait3A_1586, %dma_wait3A_1587] : memref<10112x16xf32, #tpu.memory_space<vmem_shared>> -> memref<10112x16xf32, #tpu.memory_space<vmem_shared>>
        tpu.wait_indirect_dma semaphore(%run_scoped3A_1576 : memref<!tpu.dma_semaphore, #tpu.memory_space<semaphore_mem>>) src(%arg10 : memref<96x16xf32, #tpu.memory_space<vmem>>) dst(%dma_wait3A_1588 : memref<10112x16xf32, #tpu.memory_space<vmem_shared>>)
        tpu.yield
      }) : () -> ()
      %dma_start3A_1568 = arith.constant 0 : i32
      %dma_start3A_1569 = arith.constant 0 : i32
      %dma_start3A_1570 = tpu.memref_slice %arg3[%arg1, %add3A_1553, %dma_start3A_1568, %dma_start3A_1569] : memref<16x216x2x96xi32, #tpu.memory_space<hbm>> -> memref<1x2x2x96xi32, #tpu.memory_space<hbm>>
      %dma_start3A_1571 = tpu.memref_squeeze %dma_start3A_1570 : memref<1x2x2x96xi32, #tpu.memory_space<hbm>> -> memref<2x2x96xi32, #tpu.memory_space<hbm>>
      %dma_start3A_1572 = arith.constant 0 : i32
      %dma_start3A_1573 = arith.constant 0 : i32
      %dma_start3A_1574 = tpu.memref_slice %arg3[%arg1, %add3A_1553, %dma_start3A_1572, %dma_start3A_1573] : memref<16x216x2x96xi32, #tpu.memory_space<hbm>> -> memref<1x2x2x96xi32, #tpu.memory_space<hbm>>
      %dma_start3A_1575 = tpu.memref_squeeze %dma_start3A_1574 : memref<1x2x2x96xi32, #tpu.memory_space<hbm>> -> memref<2x2x96xi32, #tpu.memory_space<hbm>>
      tpu.enqueue_dma source(%dma_start3A_1575 : memref<2x2x96xi32, #tpu.memory_space<hbm>>) target(%arg7 : memref<2x2x96xi32, #tpu.memory_space<vmem>>) target_semaphore(%arg16 : memref<!tpu.dma_semaphore, #tpu.memory_space<semaphore_mem>>)
    }
    %scan3A_803 = arith.constant 53 : i32
    %dma_wait3A_804 = arith.constant 0 : i32
    %dma_wait3A_805 = arith.constant 0 : i32
    %dma_wait3A_806 = arith.constant 0 : i32
    %dma_wait3A_807 = tpu.memref_slice %arg3[%arg1, %dma_wait3A_804, %dma_wait3A_805, %dma_wait3A_806] : memref<16x216x2x96xi32, #tpu.memory_space<hbm>> -> memref<1x2x2x96xi32, #tpu.memory_space<hbm>>
    %dma_wait3A_808 = tpu.memref_squeeze %dma_wait3A_807 : memref<1x2x2x96xi32, #tpu.memory_space<hbm>> -> memref<2x2x96xi32, #tpu.memory_space<hbm>>
    %dma_wait3A_809 = arith.constant 0 : i32
    %dma_wait3A_810 = arith.constant 0 : i32
    %dma_wait3A_811 = arith.constant 0 : i32
    %dma_wait3A_812 = tpu.memref_slice %arg3[%arg1, %dma_wait3A_809, %dma_wait3A_810, %dma_wait3A_811] : memref<16x216x2x96xi32, #tpu.memory_space<hbm>> -> memref<1x2x2x96xi32, #tpu.memory_space<hbm>>
    %dma_wait3A_813 = tpu.memref_squeeze %dma_wait3A_812 : memref<1x2x2x96xi32, #tpu.memory_space<hbm>> -> memref<2x2x96xi32, #tpu.memory_space<hbm>>
    tpu.wait_dma2 semaphore(%arg15 : memref<!tpu.dma_semaphore, #tpu.memory_space<semaphore_mem>>) src(%dma_wait3A_813 : memref<2x2x96xi32, #tpu.memory_space<hbm>>) dst(%arg6 : memref<2x2x96xi32, #tpu.memory_space<vmem>>)
    %dma_wait3A_814 = arith.constant 0 : i32
    %dma_wait3A_815 = arith.constant 0 : i32
    %dma_wait3A_816 = arith.constant 0 : i32
    %dma_wait3A_817 = tpu.memref_slice %arg3[%arg1, %dma_wait3A_814, %dma_wait3A_815, %dma_wait3A_816] : memref<16x216x2x96xi32, #tpu.memory_space<hbm>> -> memref<1x2x2x96xi32, #tpu.memory_space<hbm>>
    %dma_wait3A_818 = tpu.memref_squeeze %dma_wait3A_817 : memref<1x2x2x96xi32, #tpu.memory_space<hbm>> -> memref<2x2x96xi32, #tpu.memory_space<hbm>>
    %dma_wait3A_819 = arith.constant 0 : i32
    %dma_wait3A_820 = arith.constant 0 : i32
    %dma_wait3A_821 = arith.constant 0 : i32
    %dma_wait3A_822 = tpu.memref_slice %arg3[%arg1, %dma_wait3A_819, %dma_wait3A_820, %dma_wait3A_821] : memref<16x216x2x96xi32, #tpu.memory_space<hbm>> -> memref<1x2x2x96xi32, #tpu.memory_space<hbm>>
    %dma_wait3A_823 = tpu.memref_squeeze %dma_wait3A_822 : memref<1x2x2x96xi32, #tpu.memory_space<hbm>> -> memref<2x2x96xi32, #tpu.memory_space<hbm>>
    tpu.wait_dma2 semaphore(%arg16 : memref<!tpu.dma_semaphore, #tpu.memory_space<semaphore_mem>>) src(%dma_wait3A_823 : memref<2x2x96xi32, #tpu.memory_space<hbm>>) dst(%arg7 : memref<2x2x96xi32, #tpu.memory_space<vmem>>)
    %barrier3A_824 = arith.constant 0 : index
    tpu.barrier barrier_id(%barrier3A_824)
    %add3A_825 = arith.constant 0 : i32
    %add3A_826 = arith.addi %mul3A_0, %add3A_825 : i32
    %add3A_827 = arith.constant 0 : i32
    %add3A_828 = vector.broadcast %add3A_827 : i32 to vector<16xi32>
    %add3A_829 = arith.addi %iota3A, %add3A_828 : vector<16xi32>
    %min3A_830 = arith.constant 631 : i32
    %min3A_831 = vector.broadcast %min3A_830 : i32 to vector<16xi32>
    %min3A_832 = arith.minsi %add3A_829, %min3A_831 : vector<16xi32>
    %add3A_833 = vector.broadcast %mul3A_0 : i32 to vector<16xi32>
    %add3A_834 = arith.addi %min3A_832, %add3A_833 : vector<16xi32>
    %swap3A_835 = arith.constant 0 : i32
    %swap3A_836 = arith.constant 0 : i32
    %swap3A_837 = arith.index_cast %swap3A_835 : i32 to index
    %swap3A_838 = arith.index_cast %swap3A_836 : i32 to index
    %swap3A_839 = arith.constant 0 : index
    %swap3A_840 = tpu.vector_load %arg6[%swap3A_837, %swap3A_838, %swap3A_839] {strides = array<i32>} : memref<2x2x96xi32, #tpu.memory_space<vmem>>, vector<1x1x16xi32>,
    %swap3A_841 = vector.shape_cast %swap3A_840 : vector<1x1x16xi32> to vector<16xi32>
    %swap3A_842 = vector.shape_cast %add3A_834 : vector<16xi32> to vector<1x1x16xi32>
    tpu.vector_store %arg6[%swap3A_837, %swap3A_838, %swap3A_839], %swap3A_842 {strides = array<i32>} : memref<2x2x96xi32, #tpu.memory_space<vmem>>, vector<1x1x16xi32>,
    %add3A_843 = arith.constant 16 : i32
    %add3A_844 = vector.broadcast %add3A_843 : i32 to vector<16xi32>
    %add3A_845 = arith.addi %iota3A, %add3A_844 : vector<16xi32>
    %min3A_846 = arith.constant 631 : i32
    %min3A_847 = vector.broadcast %min3A_846 : i32 to vector<16xi32>
    %min3A_848 = arith.minsi %add3A_845, %min3A_847 : vector<16xi32>
    %add3A_849 = vector.broadcast %mul3A_0 : i32 to vector<16xi32>
    %add3A_850 = arith.addi %min3A_848, %add3A_849 : vector<16xi32>
    %swap3A_851 = arith.constant 0 : i32
    %swap3A_852 = arith.constant 0 : i32
    %swap3A_853 = arith.index_cast %swap3A_851 : i32 to index
    %swap3A_854 = arith.index_cast %swap3A_852 : i32 to index
    %swap3A_855 = arith.constant 16 : index
    %swap3A_856 = tpu.vector_load %arg6[%swap3A_853, %swap3A_854, %swap3A_855] {strides = array<i32>} : memref<2x2x96xi32, #tpu.memory_space<vmem>>, vector<1x1x16xi32>,
    %swap3A_857 = vector.shape_cast %swap3A_856 : vector<1x1x16xi32> to vector<16xi32>
    %swap3A_858 = vector.shape_cast %add3A_850 : vector<16xi32> to vector<1x1x16xi32>
    tpu.vector_store %arg6[%swap3A_853, %swap3A_854, %swap3A_855], %swap3A_858 {strides = array<i32>} : memref<2x2x96xi32, #tpu.memory_space<vmem>>, vector<1x1x16xi32>,
    %add3A_859 = arith.constant 32 : i32
    %add3A_860 = vector.broadcast %add3A_859 : i32 to vector<16xi32>
    %add3A_861 = arith.addi %iota3A, %add3A_860 : vector<16xi32>
    %min3A_862 = arith.constant 631 : i32
    %min3A_863 = vector.broadcast %min3A_862 : i32 to vector<16xi32>
    %min3A_864 = arith.minsi %add3A_861, %min3A_863 : vector<16xi32>
    %add3A_865 = vector.broadcast %mul3A_0 : i32 to vector<16xi32>
    %add3A_866 = arith.addi %min3A_864, %add3A_865 : vector<16xi32>
    %swap3A_867 = arith.constant 0 : i32
    %swap3A_868 = arith.constant 0 : i32
    %swap3A_869 = arith.index_cast %swap3A_867 : i32 to index
    %swap3A_870 = arith.index_cast %swap3A_868 : i32 to index
    %swap3A_871 = arith.constant 32 : index
    %swap3A_872 = tpu.vector_load %arg6[%swap3A_869, %swap3A_870, %swap3A_871] {strides = array<i32>} : memref<2x2x96xi32, #tpu.memory_space<vmem>>, vector<1x1x16xi32>,
    %swap3A_873 = vector.shape_cast %swap3A_872 : vector<1x1x16xi32> to vector<16xi32>
    %swap3A_874 = vector.shape_cast %add3A_866 : vector<16xi32> to vector<1x1x16xi32>
    tpu.vector_store %arg6[%swap3A_869, %swap3A_870, %swap3A_871], %swap3A_874 {strides = array<i32>} : memref<2x2x96xi32, #tpu.memory_space<vmem>>, vector<1x1x16xi32>,
    %add3A_875 = arith.constant 48 : i32
    %add3A_876 = vector.broadcast %add3A_875 : i32 to vector<16xi32>
    %add3A_877 = arith.addi %iota3A, %add3A_876 : vector<16xi32>
    %min3A_878 = arith.constant 631 : i32
    %min3A_879 = vector.broadcast %min3A_878 : i32 to vector<16xi32>
    %min3A_880 = arith.minsi %add3A_877, %min3A_879 : vector<16xi32>
    %add3A_881 = vector.broadcast %mul3A_0 : i32 to vector<16xi32>
    %add3A_882 = arith.addi %min3A_880, %add3A_881 : vector<16xi32>
    %swap3A_883 = arith.constant 0 : i32
    %swap3A_884 = arith.constant 0 : i32
    %swap3A_885 = arith.index_cast %swap3A_883 : i32 to index
    %swap3A_886 = arith.index_cast %swap3A_884 : i32 to index
    %swap3A_887 = arith.constant 48 : index
    %swap3A_888 = tpu.vector_load %arg6[%swap3A_885, %swap3A_886, %swap3A_887] {strides = array<i32>} : memref<2x2x96xi32, #tpu.memory_space<vmem>>, vector<1x1x16xi32>,
    %swap3A_889 = vector.shape_cast %swap3A_888 : vector<1x1x16xi32> to vector<16xi32>
    %swap3A_890 = vector.shape_cast %add3A_882 : vector<16xi32> to vector<1x1x16xi32>
    tpu.vector_store %arg6[%swap3A_885, %swap3A_886, %swap3A_887], %swap3A_890 {strides = array<i32>} : memref<2x2x96xi32, #tpu.memory_space<vmem>>, vector<1x1x16xi32>,
    %add3A_891 = arith.constant 64 : i32
    %add3A_892 = vector.broadcast %add3A_891 : i32 to vector<16xi32>
    %add3A_893 = arith.addi %iota3A, %add3A_892 : vector<16xi32>
    %min3A_894 = arith.constant 631 : i32
    %min3A_895 = vector.broadcast %min3A_894 : i32 to vector<16xi32>
    %min3A_896 = arith.minsi %add3A_893, %min3A_895 : vector<16xi32>
    %add3A_897 = vector.broadcast %mul3A_0 : i32 to vector<16xi32>
    %add3A_898 = arith.addi %min3A_896, %add3A_897 : vector<16xi32>
    %swap3A_899 = arith.constant 0 : i32
    %swap3A_900 = arith.constant 0 : i32
    %swap3A_901 = arith.index_cast %swap3A_899 : i32 to index
    %swap3A_902 = arith.index_cast %swap3A_900 : i32 to index
    %swap3A_903 = arith.constant 64 : index
    %swap3A_904 = tpu.vector_load %arg6[%swap3A_901, %swap3A_902, %swap3A_903] {strides = array<i32>} : memref<2x2x96xi32, #tpu.memory_space<vmem>>, vector<1x1x16xi32>,
    %swap3A_905 = vector.shape_cast %swap3A_904 : vector<1x1x16xi32> to vector<16xi32>
    %swap3A_906 = vector.shape_cast %add3A_898 : vector<16xi32> to vector<1x1x16xi32>
    tpu.vector_store %arg6[%swap3A_901, %swap3A_902, %swap3A_903], %swap3A_906 {strides = array<i32>} : memref<2x2x96xi32, #tpu.memory_space<vmem>>, vector<1x1x16xi32>,
    %add3A_907 = arith.constant 80 : i32
    %add3A_908 = vector.broadcast %add3A_907 : i32 to vector<16xi32>
    %add3A_909 = arith.addi %iota3A, %add3A_908 : vector<16xi32>
    %min3A_910 = arith.constant 631 : i32
    %min3A_911 = vector.broadcast %min3A_910 : i32 to vector<16xi32>
    %min3A_912 = arith.minsi %add3A_909, %min3A_911 : vector<16xi32>
    %add3A_913 = vector.broadcast %mul3A_0 : i32 to vector<16xi32>
    %add3A_914 = arith.addi %min3A_912, %add3A_913 : vector<16xi32>
    %swap3A_915 = arith.constant 0 : i32
    %swap3A_916 = arith.constant 0 : i32
    %swap3A_917 = arith.index_cast %swap3A_915 : i32 to index
    %swap3A_918 = arith.index_cast %swap3A_916 : i32 to index
    %swap3A_919 = arith.constant 80 : index
    %swap3A_920 = tpu.vector_load %arg6[%swap3A_917, %swap3A_918, %swap3A_919] {strides = array<i32>} : memref<2x2x96xi32, #tpu.memory_space<vmem>>, vector<1x1x16xi32>,
    %swap3A_921 = vector.shape_cast %swap3A_920 : vector<1x1x16xi32> to vector<16xi32>
    %swap3A_922 = vector.shape_cast %add3A_914 : vector<16xi32> to vector<1x1x16xi32>
    tpu.vector_store %arg6[%swap3A_917, %swap3A_918, %swap3A_919], %swap3A_922 {strides = array<i32>} : memref<2x2x96xi32, #tpu.memory_space<vmem>>, vector<1x1x16xi32>,
    %run_scoped3A_923 = arith.constant 0 : i32
    %run_scoped3A_924 = arith.constant 0 : i32
    "tpu.region"() ({
      %run_scoped3A_1525 = tpu.sem_alloc : memref<!tpu.dma_semaphore, #tpu.memory_space<semaphore_mem>>
      %dma_start3A_1526 = arith.constant 0 : i32
      %dma_start3A_1527 = tpu.memref_slice %arg6[%run_scoped3A_923, %run_scoped3A_924, %dma_start3A_1526] : memref<2x2x96xi32, #tpu.memory_space<vmem>> -> memref<1x1x96xi32, #tpu.memory_space<vmem>>
      %dma_start3A_1528 = tpu.memref_squeeze %dma_start3A_1527 : memref<1x1x96xi32, #tpu.memory_space<vmem>> -> memref<96xi32, #tpu.memory_space<vmem>>
      %dma_start3A_1529 = arith.constant 0 : i32
      %dma_start3A_1530 = arith.constant 0 : i32
      %dma_start3A_1531 = tpu.memref_slice %arg12[%dma_start3A_1529, %dma_start3A_1530] : memref<10112x16xf32, #tpu.memory_space<vmem_shared>> -> memref<10112x16xf32, #tpu.memory_space<vmem_shared>>
      tpu.enqueue_indirect_dma source(%dma_start3A_1531 : memref<10112x16xf32, #tpu.memory_space<vmem_shared>>) target(%arg10 : memref<96x16xf32, #tpu.memory_space<vmem>>) offsets(%dma_start3A_1528 : memref<96xi32, #tpu.memory_space<vmem>>) semaphore(%run_scoped3A_1525 : memref<!tpu.dma_semaphore, #tpu.memory_space<semaphore_mem>>)
      %dma_wait3A_1532 = arith.constant 0 : i32
      %dma_wait3A_1533 = tpu.memref_slice %arg6[%run_scoped3A_923, %run_scoped3A_924, %dma_wait3A_1532] : memref<2x2x96xi32, #tpu.memory_space<vmem>> -> memref<1x1x96xi32, #tpu.memory_space<vmem>>
      %dma_wait3A_1534 = tpu.memref_squeeze %dma_wait3A_1533 : memref<1x1x96xi32, #tpu.memory_space<vmem>> -> memref<96xi32, #tpu.memory_space<vmem>>
      %dma_wait3A_1535 = arith.constant 0 : i32
      %dma_wait3A_1536 = arith.constant 0 : i32
      %dma_wait3A_1537 = tpu.memref_slice %arg12[%dma_wait3A_1535, %dma_wait3A_1536] : memref<10112x16xf32, #tpu.memory_space<vmem_shared>> -> memref<10112x16xf32, #tpu.memory_space<vmem_shared>>
      tpu.wait_indirect_dma semaphore(%run_scoped3A_1525 : memref<!tpu.dma_semaphore, #tpu.memory_space<semaphore_mem>>) src(%dma_wait3A_1537 : memref<10112x16xf32, #tpu.memory_space<vmem_shared>>) dst(%arg10 : memref<96x16xf32, #tpu.memory_space<vmem>>)
      tpu.yield
    }) : () -> ()
    "tpu.region"() ({
      %run_scoped3A_1525 = tpu.sem_alloc : memref<!tpu.dma_semaphore, #tpu.memory_space<semaphore_mem>>
      %dma_start3A_1526 = arith.constant 0 : i32
      %dma_start3A_1527 = arith.constant 0 : i32
      %dma_start3A_1528 = tpu.memref_slice %arg10[%dma_start3A_1526, %dma_start3A_1527] : memref<96x16xf32, #tpu.memory_space<vmem>> -> memref<96x16xf32, #tpu.memory_space<vmem>>
      %dma_start3A_1529 = arith.constant 0 : i32
      %dma_start3A_1530 = tpu.memref_slice %arg5[%add3A_826, %dma_start3A_1529] : memref<10112x16xf32, #tpu.memory_space<hbm>> -> memref<96x16xf32, #tpu.memory_space<hbm>>
      %dma_start3A_1531 = arith.constant 0 : i32
      %dma_start3A_1532 = tpu.memref_slice %arg5[%add3A_826, %dma_start3A_1531] : memref<10112x16xf32, #tpu.memory_space<hbm>> -> memref<96x16xf32, #tpu.memory_space<hbm>>
      %dma_start3A_1533 = arith.constant 0 : i32
      %dma_start3A_1534 = arith.constant 0 : i32
      %dma_start3A_1535 = tpu.memref_slice %arg10[%dma_start3A_1533, %dma_start3A_1534] : memref<96x16xf32, #tpu.memory_space<vmem>> -> memref<96x16xf32, #tpu.memory_space<vmem>>
      tpu.enqueue_dma source(%dma_start3A_1535 : memref<96x16xf32, #tpu.memory_space<vmem>>) target(%dma_start3A_1532 : memref<96x16xf32, #tpu.memory_space<hbm>>) target_semaphore(%run_scoped3A_1525 : memref<!tpu.dma_semaphore, #tpu.memory_space<semaphore_mem>>)
      %dma_wait3A_1536 = arith.constant 0 : i32
      %dma_wait3A_1537 = arith.constant 0 : i32
      %dma_wait3A_1538 = tpu.memref_slice %arg10[%dma_wait3A_1536, %dma_wait3A_1537] : memref<96x16xf32, #tpu.memory_space<vmem>> -> memref<96x16xf32, #tpu.memory_space<vmem>>
      %dma_wait3A_1539 = arith.constant 0 : i32
      %dma_wait3A_1540 = tpu.memref_slice %arg5[%add3A_826, %dma_wait3A_1539] : memref<10112x16xf32, #tpu.memory_space<hbm>> -> memref<96x16xf32, #tpu.memory_space<hbm>>
      %dma_wait3A_1541 = arith.constant 0 : i32
      %dma_wait3A_1542 = tpu.memref_slice %arg5[%add3A_826, %dma_wait3A_1541] : memref<10112x16xf32, #tpu.memory_space<hbm>> -> memref<96x16xf32, #tpu.memory_space<hbm>>
      %dma_wait3A_1543 = arith.constant 0 : i32
      %dma_wait3A_1544 = arith.constant 0 : i32
      %dma_wait3A_1545 = tpu.memref_slice %arg10[%dma_wait3A_1543, %dma_wait3A_1544] : memref<96x16xf32, #tpu.memory_space<vmem>> -> memref<96x16xf32, #tpu.memory_space<vmem>>
      tpu.wait_dma2 semaphore(%run_scoped3A_1525 : memref<!tpu.dma_semaphore, #tpu.memory_space<semaphore_mem>>) src(%dma_wait3A_1545 : memref<96x16xf32, #tpu.memory_space<vmem>>) dst(%dma_wait3A_1542 : memref<96x16xf32, #tpu.memory_space<hbm>>)
      tpu.yield
    }) : () -> ()
    %add3A_925 = arith.constant 96 : i32
    %add3A_926 = arith.addi %mul3A_0, %add3A_925 : i32
    %add3A_927 = arith.constant 96 : i32
    %add3A_928 = vector.broadcast %add3A_927 : i32 to vector<16xi32>
    %add3A_929 = arith.addi %iota3A, %add3A_928 : vector<16xi32>
    %min3A_930 = arith.constant 631 : i32
    %min3A_931 = vector.broadcast %min3A_930 : i32 to vector<16xi32>
    %min3A_932 = arith.minsi %add3A_929, %min3A_931 : vector<16xi32>
    %add3A_933 = vector.broadcast %mul3A_0 : i32 to vector<16xi32>
    %add3A_934 = arith.addi %min3A_932, %add3A_933 : vector<16xi32>
    %swap3A_935 = arith.constant 0 : i32
    %swap3A_936 = arith.constant 0 : i32
    %swap3A_937 = arith.index_cast %swap3A_935 : i32 to index
    %swap3A_938 = arith.index_cast %swap3A_936 : i32 to index
    %swap3A_939 = arith.constant 0 : index
    %swap3A_940 = tpu.vector_load %arg6[%swap3A_937, %swap3A_938, %swap3A_939] {strides = array<i32>} : memref<2x2x96xi32, #tpu.memory_space<vmem>>, vector<1x1x16xi32>,
    %swap3A_941 = vector.shape_cast %swap3A_940 : vector<1x1x16xi32> to vector<16xi32>
    %swap3A_942 = vector.shape_cast %add3A_934 : vector<16xi32> to vector<1x1x16xi32>
    tpu.vector_store %arg6[%swap3A_937, %swap3A_938, %swap3A_939], %swap3A_942 {strides = array<i32>} : memref<2x2x96xi32, #tpu.memory_space<vmem>>, vector<1x1x16xi32>,
    %add3A_943 = arith.constant 112 : i32
    %add3A_944 = vector.broadcast %add3A_943 : i32 to vector<16xi32>
    %add3A_945 = arith.addi %iota3A, %add3A_944 : vector<16xi32>
    %min3A_946 = arith.constant 631 : i32
    %min3A_947 = vector.broadcast %min3A_946 : i32 to vector<16xi32>
    %min3A_948 = arith.minsi %add3A_945, %min3A_947 : vector<16xi32>
    %add3A_949 = vector.broadcast %mul3A_0 : i32 to vector<16xi32>
    %add3A_950 = arith.addi %min3A_948, %add3A_949 : vector<16xi32>
    %swap3A_951 = arith.constant 0 : i32
    %swap3A_952 = arith.constant 0 : i32
    %swap3A_953 = arith.index_cast %swap3A_951 : i32 to index
    %swap3A_954 = arith.index_cast %swap3A_952 : i32 to index
    %swap3A_955 = arith.constant 16 : index
    %swap3A_956 = tpu.vector_load %arg6[%swap3A_953, %swap3A_954, %swap3A_955] {strides = array<i32>} : memref<2x2x96xi32, #tpu.memory_space<vmem>>, vector<1x1x16xi32>,
    %swap3A_957 = vector.shape_cast %swap3A_956 : vector<1x1x16xi32> to vector<16xi32>
    %swap3A_958 = vector.shape_cast %add3A_950 : vector<16xi32> to vector<1x1x16xi32>
    tpu.vector_store %arg6[%swap3A_953, %swap3A_954, %swap3A_955], %swap3A_958 {strides = array<i32>} : memref<2x2x96xi32, #tpu.memory_space<vmem>>, vector<1x1x16xi32>,
    %add3A_959 = arith.constant 128 : i32
    %add3A_960 = vector.broadcast %add3A_959 : i32 to vector<16xi32>
    %add3A_961 = arith.addi %iota3A, %add3A_960 : vector<16xi32>
    %min3A_962 = arith.constant 631 : i32
    %min3A_963 = vector.broadcast %min3A_962 : i32 to vector<16xi32>
    %min3A_964 = arith.minsi %add3A_961, %min3A_963 : vector<16xi32>
    %add3A_965 = vector.broadcast %mul3A_0 : i32 to vector<16xi32>
    %add3A_966 = arith.addi %min3A_964, %add3A_965 : vector<16xi32>
    %swap3A_967 = arith.constant 0 : i32
    %swap3A_968 = arith.constant 0 : i32
    %swap3A_969 = arith.index_cast %swap3A_967 : i32 to index
    %swap3A_970 = arith.index_cast %swap3A_968 : i32 to index
    %swap3A_971 = arith.constant 32 : index
    %swap3A_972 = tpu.vector_load %arg6[%swap3A_969, %swap3A_970, %swap3A_971] {strides = array<i32>} : memref<2x2x96xi32, #tpu.memory_space<vmem>>, vector<1x1x16xi32>,
    %swap3A_973 = vector.shape_cast %swap3A_972 : vector<1x1x16xi32> to vector<16xi32>
    %swap3A_974 = vector.shape_cast %add3A_966 : vector<16xi32> to vector<1x1x16xi32>
    tpu.vector_store %arg6[%swap3A_969, %swap3A_970, %swap3A_971], %swap3A_974 {strides = array<i32>} : memref<2x2x96xi32, #tpu.memory_space<vmem>>, vector<1x1x16xi32>,
    %add3A_975 = arith.constant 144 : i32
    %add3A_976 = vector.broadcast %add3A_975 : i32 to vector<16xi32>
    %add3A_977 = arith.addi %iota3A, %add3A_976 : vector<16xi32>
    %min3A_978 = arith.constant 631 : i32
    %min3A_979 = vector.broadcast %min3A_978 : i32 to vector<16xi32>
    %min3A_980 = arith.minsi %add3A_977, %min3A_979 : vector<16xi32>
    %add3A_981 = vector.broadcast %mul3A_0 : i32 to vector<16xi32>
    %add3A_982 = arith.addi %min3A_980, %add3A_981 : vector<16xi32>
    %swap3A_983 = arith.constant 0 : i32
    %swap3A_984 = arith.constant 0 : i32
    %swap3A_985 = arith.index_cast %swap3A_983 : i32 to index
    %swap3A_986 = arith.index_cast %swap3A_984 : i32 to index
    %swap3A_987 = arith.constant 48 : index
    %swap3A_988 = tpu.vector_load %arg6[%swap3A_985, %swap3A_986, %swap3A_987] {strides = array<i32>} : memref<2x2x96xi32, #tpu.memory_space<vmem>>, vector<1x1x16xi32>,
    %swap3A_989 = vector.shape_cast %swap3A_988 : vector<1x1x16xi32> to vector<16xi32>
    %swap3A_990 = vector.shape_cast %add3A_982 : vector<16xi32> to vector<1x1x16xi32>
    tpu.vector_store %arg6[%swap3A_985, %swap3A_986, %swap3A_987], %swap3A_990 {strides = array<i32>} : memref<2x2x96xi32, #tpu.memory_space<vmem>>, vector<1x1x16xi32>,
    %add3A_991 = arith.constant 160 : i32
    %add3A_992 = vector.broadcast %add3A_991 : i32 to vector<16xi32>
    %add3A_993 = arith.addi %iota3A, %add3A_992 : vector<16xi32>
    %min3A_994 = arith.constant 631 : i32
    %min3A_995 = vector.broadcast %min3A_994 : i32 to vector<16xi32>
    %min3A_996 = arith.minsi %add3A_993, %min3A_995 : vector<16xi32>
    %add3A_997 = vector.broadcast %mul3A_0 : i32 to vector<16xi32>
    %add3A_998 = arith.addi %min3A_996, %add3A_997 : vector<16xi32>
    %swap3A_999 = arith.constant 0 : i32
    %swap3A_1000 = arith.constant 0 : i32
    %swap3A_1001 = arith.index_cast %swap3A_999 : i32 to index
    %swap3A_1002 = arith.index_cast %swap3A_1000 : i32 to index
    %swap3A_1003 = arith.constant 64 : index
    %swap3A_1004 = tpu.vector_load %arg6[%swap3A_1001, %swap3A_1002, %swap3A_1003] {strides = array<i32>} : memref<2x2x96xi32, #tpu.memory_space<vmem>>, vector<1x1x16xi32>,
    %swap3A_1005 = vector.shape_cast %swap3A_1004 : vector<1x1x16xi32> to vector<16xi32>
    %swap3A_1006 = vector.shape_cast %add3A_998 : vector<16xi32> to vector<1x1x16xi32>
    tpu.vector_store %arg6[%swap3A_1001, %swap3A_1002, %swap3A_1003], %swap3A_1006 {strides = array<i32>} : memref<2x2x96xi32, #tpu.memory_space<vmem>>, vector<1x1x16xi32>,
    %add3A_1007 = arith.constant 176 : i32
    %add3A_1008 = vector.broadcast %add3A_1007 : i32 to vector<16xi32>
    %add3A_1009 = arith.addi %iota3A, %add3A_1008 : vector<16xi32>
    %min3A_1010 = arith.constant 631 : i32
    %min3A_1011 = vector.broadcast %min3A_1010 : i32 to vector<16xi32>
    %min3A_1012 = arith.minsi %add3A_1009, %min3A_1011 : vector<16xi32>
    %add3A_1013 = vector.broadcast %mul3A_0 : i32 to vector<16xi32>
    %add3A_1014 = arith.addi %min3A_1012, %add3A_1013 : vector<16xi32>
    %swap3A_1015 = arith.constant 0 : i32
    %swap3A_1016 = arith.constant 0 : i32
    %swap3A_1017 = arith.index_cast %swap3A_1015 : i32 to index
    %swap3A_1018 = arith.index_cast %swap3A_1016 : i32 to index
    %swap3A_1019 = arith.constant 80 : index
    %swap3A_1020 = tpu.vector_load %arg6[%swap3A_1017, %swap3A_1018, %swap3A_1019] {strides = array<i32>} : memref<2x2x96xi32, #tpu.memory_space<vmem>>, vector<1x1x16xi32>,
    %swap3A_1021 = vector.shape_cast %swap3A_1020 : vector<1x1x16xi32> to vector<16xi32>
    %swap3A_1022 = vector.shape_cast %add3A_1014 : vector<16xi32> to vector<1x1x16xi32>
    tpu.vector_store %arg6[%swap3A_1017, %swap3A_1018, %swap3A_1019], %swap3A_1022 {strides = array<i32>} : memref<2x2x96xi32, #tpu.memory_space<vmem>>, vector<1x1x16xi32>,
    %run_scoped3A_1023 = arith.constant 0 : i32
    %run_scoped3A_1024 = arith.constant 0 : i32
    "tpu.region"() ({
      %run_scoped3A_1525 = tpu.sem_alloc : memref<!tpu.dma_semaphore, #tpu.memory_space<semaphore_mem>>
      %dma_start3A_1526 = arith.constant 0 : i32
      %dma_start3A_1527 = tpu.memref_slice %arg6[%run_scoped3A_1023, %run_scoped3A_1024, %dma_start3A_1526] : memref<2x2x96xi32, #tpu.memory_space<vmem>> -> memref<1x1x96xi32, #tpu.memory_space<vmem>>
      %dma_start3A_1528 = tpu.memref_squeeze %dma_start3A_1527 : memref<1x1x96xi32, #tpu.memory_space<vmem>> -> memref<96xi32, #tpu.memory_space<vmem>>
      %dma_start3A_1529 = arith.constant 0 : i32
      %dma_start3A_1530 = arith.constant 0 : i32
      %dma_start3A_1531 = tpu.memref_slice %arg12[%dma_start3A_1529, %dma_start3A_1530] : memref<10112x16xf32, #tpu.memory_space<vmem_shared>> -> memref<10112x16xf32, #tpu.memory_space<vmem_shared>>
      tpu.enqueue_indirect_dma source(%dma_start3A_1531 : memref<10112x16xf32, #tpu.memory_space<vmem_shared>>) target(%arg10 : memref<96x16xf32, #tpu.memory_space<vmem>>) offsets(%dma_start3A_1528 : memref<96xi32, #tpu.memory_space<vmem>>) semaphore(%run_scoped3A_1525 : memref<!tpu.dma_semaphore, #tpu.memory_space<semaphore_mem>>)
      %dma_wait3A_1532 = arith.constant 0 : i32
      %dma_wait3A_1533 = tpu.memref_slice %arg6[%run_scoped3A_1023, %run_scoped3A_1024, %dma_wait3A_1532] : memref<2x2x96xi32, #tpu.memory_space<vmem>> -> memref<1x1x96xi32, #tpu.memory_space<vmem>>
      %dma_wait3A_1534 = tpu.memref_squeeze %dma_wait3A_1533 : memref<1x1x96xi32, #tpu.memory_space<vmem>> -> memref<96xi32, #tpu.memory_space<vmem>>
      %dma_wait3A_1535 = arith.constant 0 : i32
      %dma_wait3A_1536 = arith.constant 0 : i32
      %dma_wait3A_1537 = tpu.memref_slice %arg12[%dma_wait3A_1535, %dma_wait3A_1536] : memref<10112x16xf32, #tpu.memory_space<vmem_shared>> -> memref<10112x16xf32, #tpu.memory_space<vmem_shared>>
      tpu.wait_indirect_dma semaphore(%run_scoped3A_1525 : memref<!tpu.dma_semaphore, #tpu.memory_space<semaphore_mem>>) src(%dma_wait3A_1537 : memref<10112x16xf32, #tpu.memory_space<vmem_shared>>) dst(%arg10 : memref<96x16xf32, #tpu.memory_space<vmem>>)
      tpu.yield
    }) : () -> ()
    "tpu.region"() ({
      %run_scoped3A_1525 = tpu.sem_alloc : memref<!tpu.dma_semaphore, #tpu.memory_space<semaphore_mem>>
      %dma_start3A_1526 = arith.constant 0 : i32
      %dma_start3A_1527 = arith.constant 0 : i32
      %dma_start3A_1528 = tpu.memref_slice %arg10[%dma_start3A_1526, %dma_start3A_1527] : memref<96x16xf32, #tpu.memory_space<vmem>> -> memref<96x16xf32, #tpu.memory_space<vmem>>
      %dma_start3A_1529 = arith.constant 0 : i32
      %dma_start3A_1530 = tpu.memref_slice %arg5[%add3A_926, %dma_start3A_1529] : memref<10112x16xf32, #tpu.memory_space<hbm>> -> memref<96x16xf32, #tpu.memory_space<hbm>>
      %dma_start3A_1531 = arith.constant 0 : i32
      %dma_start3A_1532 = tpu.memref_slice %arg5[%add3A_926, %dma_start3A_1531] : memref<10112x16xf32, #tpu.memory_space<hbm>> -> memref<96x16xf32, #tpu.memory_space<hbm>>
      %dma_start3A_1533 = arith.constant 0 : i32
      %dma_start3A_1534 = arith.constant 0 : i32
      %dma_start3A_1535 = tpu.memref_slice %arg10[%dma_start3A_1533, %dma_start3A_1534] : memref<96x16xf32, #tpu.memory_space<vmem>> -> memref<96x16xf32, #tpu.memory_space<vmem>>
      tpu.enqueue_dma source(%dma_start3A_1535 : memref<96x16xf32, #tpu.memory_space<vmem>>) target(%dma_start3A_1532 : memref<96x16xf32, #tpu.memory_space<hbm>>) target_semaphore(%run_scoped3A_1525 : memref<!tpu.dma_semaphore, #tpu.memory_space<semaphore_mem>>)
      %dma_wait3A_1536 = arith.constant 0 : i32
      %dma_wait3A_1537 = arith.constant 0 : i32
      %dma_wait3A_1538 = tpu.memref_slice %arg10[%dma_wait3A_1536, %dma_wait3A_1537] : memref<96x16xf32, #tpu.memory_space<vmem>> -> memref<96x16xf32, #tpu.memory_space<vmem>>
      %dma_wait3A_1539 = arith.constant 0 : i32
      %dma_wait3A_1540 = tpu.memref_slice %arg5[%add3A_926, %dma_wait3A_1539] : memref<10112x16xf32, #tpu.memory_space<hbm>> -> memref<96x16xf32, #tpu.memory_space<hbm>>
      %dma_wait3A_1541 = arith.constant 0 : i32
      %dma_wait3A_1542 = tpu.memref_slice %arg5[%add3A_926, %dma_wait3A_1541] : memref<10112x16xf32, #tpu.memory_space<hbm>> -> memref<96x16xf32, #tpu.memory_space<hbm>>
      %dma_wait3A_1543 = arith.constant 0 : i32
      %dma_wait3A_1544 = arith.constant 0 : i32
      %dma_wait3A_1545 = tpu.memref_slice %arg10[%dma_wait3A_1543, %dma_wait3A_1544] : memref<96x16xf32, #tpu.memory_space<vmem>> -> memref<96x16xf32, #tpu.memory_space<vmem>>
      tpu.wait_dma2 semaphore(%run_scoped3A_1525 : memref<!tpu.dma_semaphore, #tpu.memory_space<semaphore_mem>>) src(%dma_wait3A_1545 : memref<96x16xf32, #tpu.memory_space<vmem>>) dst(%dma_wait3A_1542 : memref<96x16xf32, #tpu.memory_space<hbm>>)
      tpu.yield
    }) : () -> ()
    %add3A_1025 = arith.constant 192 : i32
    %add3A_1026 = arith.addi %mul3A_0, %add3A_1025 : i32
    %add3A_1027 = arith.constant 192 : i32
    %add3A_1028 = vector.broadcast %add3A_1027 : i32 to vector<16xi32>
    %add3A_1029 = arith.addi %iota3A, %add3A_1028 : vector<16xi32>
    %min3A_1030 = arith.constant 631 : i32
    %min3A_1031 = vector.broadcast %min3A_1030 : i32 to vector<16xi32>
    %min3A_1032 = arith.minsi %add3A_1029, %min3A_1031 : vector<16xi32>
    %add3A_1033 = vector.broadcast %mul3A_0 : i32 to vector<16xi32>
    %add3A_1034 = arith.addi %min3A_1032, %add3A_1033 : vector<16xi32>
    %swap3A_1035 = arith.constant 0 : i32
    %swap3A_1036 = arith.constant 0 : i32
    %swap3A_1037 = arith.index_cast %swap3A_1035 : i32 to index
    %swap3A_1038 = arith.index_cast %swap3A_1036 : i32 to index
    %swap3A_1039 = arith.constant 0 : index
    %swap3A_1040 = tpu.vector_load %arg6[%swap3A_1037, %swap3A_1038, %swap3A_1039] {strides = array<i32>} : memref<2x2x96xi32, #tpu.memory_space<vmem>>, vector<1x1x16xi32>,
    %swap3A_1041 = vector.shape_cast %swap3A_1040 : vector<1x1x16xi32> to vector<16xi32>
    %swap3A_1042 = vector.shape_cast %add3A_1034 : vector<16xi32> to vector<1x1x16xi32>
    tpu.vector_store %arg6[%swap3A_1037, %swap3A_1038, %swap3A_1039], %swap3A_1042 {strides = array<i32>} : memref<2x2x96xi32, #tpu.memory_space<vmem>>, vector<1x1x16xi32>,
    %add3A_1043 = arith.constant 208 : i32
    %add3A_1044 = vector.broadcast %add3A_1043 : i32 to vector<16xi32>
    %add3A_1045 = arith.addi %iota3A, %add3A_1044 : vector<16xi32>
    %min3A_1046 = arith.constant 631 : i32
    %min3A_1047 = vector.broadcast %min3A_1046 : i32 to vector<16xi32>
    %min3A_1048 = arith.minsi %add3A_1045, %min3A_1047 : vector<16xi32>
    %add3A_1049 = vector.broadcast %mul3A_0 : i32 to vector<16xi32>
    %add3A_1050 = arith.addi %min3A_1048, %add3A_1049 : vector<16xi32>
    %swap3A_1051 = arith.constant 0 : i32
    %swap3A_1052 = arith.constant 0 : i32
    %swap3A_1053 = arith.index_cast %swap3A_1051 : i32 to index
    %swap3A_1054 = arith.index_cast %swap3A_1052 : i32 to index
    %swap3A_1055 = arith.constant 16 : index
    %swap3A_1056 = tpu.vector_load %arg6[%swap3A_1053, %swap3A_1054, %swap3A_1055] {strides = array<i32>} : memref<2x2x96xi32, #tpu.memory_space<vmem>>, vector<1x1x16xi32>,
    %swap3A_1057 = vector.shape_cast %swap3A_1056 : vector<1x1x16xi32> to vector<16xi32>
    %swap3A_1058 = vector.shape_cast %add3A_1050 : vector<16xi32> to vector<1x1x16xi32>
    tpu.vector_store %arg6[%swap3A_1053, %swap3A_1054, %swap3A_1055], %swap3A_1058 {strides = array<i32>} : memref<2x2x96xi32, #tpu.memory_space<vmem>>, vector<1x1x16xi32>,
    %add3A_1059 = arith.constant 224 : i32
    %add3A_1060 = vector.broadcast %add3A_1059 : i32 to vector<16xi32>
    %add3A_1061 = arith.addi %iota3A, %add3A_1060 : vector<16xi32>
    %min3A_1062 = arith.constant 631 : i32
    %min3A_1063 = vector.broadcast %min3A_1062 : i32 to vector<16xi32>
    %min3A_1064 = arith.minsi %add3A_1061, %min3A_1063 : vector<16xi32>
    %add3A_1065 = vector.broadcast %mul3A_0 : i32 to vector<16xi32>
    %add3A_1066 = arith.addi %min3A_1064, %add3A_1065 : vector<16xi32>
    %swap3A_1067 = arith.constant 0 : i32
    %swap3A_1068 = arith.constant 0 : i32
    %swap3A_1069 = arith.index_cast %swap3A_1067 : i32 to index
    %swap3A_1070 = arith.index_cast %swap3A_1068 : i32 to index
    %swap3A_1071 = arith.constant 32 : index
    %swap3A_1072 = tpu.vector_load %arg6[%swap3A_1069, %swap3A_1070, %swap3A_1071] {strides = array<i32>} : memref<2x2x96xi32, #tpu.memory_space<vmem>>, vector<1x1x16xi32>,
    %swap3A_1073 = vector.shape_cast %swap3A_1072 : vector<1x1x16xi32> to vector<16xi32>
    %swap3A_1074 = vector.shape_cast %add3A_1066 : vector<16xi32> to vector<1x1x16xi32>
    tpu.vector_store %arg6[%swap3A_1069, %swap3A_1070, %swap3A_1071], %swap3A_1074 {strides = array<i32>} : memref<2x2x96xi32, #tpu.memory_space<vmem>>, vector<1x1x16xi32>,
    %add3A_1075 = arith.constant 240 : i32
    %add3A_1076 = vector.broadcast %add3A_1075 : i32 to vector<16xi32>
    %add3A_1077 = arith.addi %iota3A, %add3A_1076 : vector<16xi32>
    %min3A_1078 = arith.constant 631 : i32
    %min3A_1079 = vector.broadcast %min3A_1078 : i32 to vector<16xi32>
    %min3A_1080 = arith.minsi %add3A_1077, %min3A_1079 : vector<16xi32>
    %add3A_1081 = vector.broadcast %mul3A_0 : i32 to vector<16xi32>
    %add3A_1082 = arith.addi %min3A_1080, %add3A_1081 : vector<16xi32>
    %swap3A_1083 = arith.constant 0 : i32
    %swap3A_1084 = arith.constant 0 : i32
    %swap3A_1085 = arith.index_cast %swap3A_1083 : i32 to index
    %swap3A_1086 = arith.index_cast %swap3A_1084 : i32 to index
    %swap3A_1087 = arith.constant 48 : index
    %swap3A_1088 = tpu.vector_load %arg6[%swap3A_1085, %swap3A_1086, %swap3A_1087] {strides = array<i32>} : memref<2x2x96xi32, #tpu.memory_space<vmem>>, vector<1x1x16xi32>,
    %swap3A_1089 = vector.shape_cast %swap3A_1088 : vector<1x1x16xi32> to vector<16xi32>
    %swap3A_1090 = vector.shape_cast %add3A_1082 : vector<16xi32> to vector<1x1x16xi32>
    tpu.vector_store %arg6[%swap3A_1085, %swap3A_1086, %swap3A_1087], %swap3A_1090 {strides = array<i32>} : memref<2x2x96xi32, #tpu.memory_space<vmem>>, vector<1x1x16xi32>,
    %add3A_1091 = arith.constant 256 : i32
    %add3A_1092 = vector.broadcast %add3A_1091 : i32 to vector<16xi32>
    %add3A_1093 = arith.addi %iota3A, %add3A_1092 : vector<16xi32>
    %min3A_1094 = arith.constant 631 : i32
    %min3A_1095 = vector.broadcast %min3A_1094 : i32 to vector<16xi32>
    %min3A_1096 = arith.minsi %add3A_1093, %min3A_1095 : vector<16xi32>
    %add3A_1097 = vector.broadcast %mul3A_0 : i32 to vector<16xi32>
    %add3A_1098 = arith.addi %min3A_1096, %add3A_1097 : vector<16xi32>
    %swap3A_1099 = arith.constant 0 : i32
    %swap3A_1100 = arith.constant 0 : i32
    %swap3A_1101 = arith.index_cast %swap3A_1099 : i32 to index
    %swap3A_1102 = arith.index_cast %swap3A_1100 : i32 to index
    %swap3A_1103 = arith.constant 64 : index
    %swap3A_1104 = tpu.vector_load %arg6[%swap3A_1101, %swap3A_1102, %swap3A_1103] {strides = array<i32>} : memref<2x2x96xi32, #tpu.memory_space<vmem>>, vector<1x1x16xi32>,
    %swap3A_1105 = vector.shape_cast %swap3A_1104 : vector<1x1x16xi32> to vector<16xi32>
    %swap3A_1106 = vector.shape_cast %add3A_1098 : vector<16xi32> to vector<1x1x16xi32>
    tpu.vector_store %arg6[%swap3A_1101, %swap3A_1102, %swap3A_1103], %swap3A_1106 {strides = array<i32>} : memref<2x2x96xi32, #tpu.memory_space<vmem>>, vector<1x1x16xi32>,
    %add3A_1107 = arith.constant 272 : i32
    %add3A_1108 = vector.broadcast %add3A_1107 : i32 to vector<16xi32>
    %add3A_1109 = arith.addi %iota3A, %add3A_1108 : vector<16xi32>
    %min3A_1110 = arith.constant 631 : i32
    %min3A_1111 = vector.broadcast %min3A_1110 : i32 to vector<16xi32>
    %min3A_1112 = arith.minsi %add3A_1109, %min3A_1111 : vector<16xi32>
    %add3A_1113 = vector.broadcast %mul3A_0 : i32 to vector<16xi32>
    %add3A_1114 = arith.addi %min3A_1112, %add3A_1113 : vector<16xi32>
    %swap3A_1115 = arith.constant 0 : i32
    %swap3A_1116 = arith.constant 0 : i32
    %swap3A_1117 = arith.index_cast %swap3A_1115 : i32 to index
    %swap3A_1118 = arith.index_cast %swap3A_1116 : i32 to index
    %swap3A_1119 = arith.constant 80 : index
    %swap3A_1120 = tpu.vector_load %arg6[%swap3A_1117, %swap3A_1118, %swap3A_1119] {strides = array<i32>} : memref<2x2x96xi32, #tpu.memory_space<vmem>>, vector<1x1x16xi32>,
    %swap3A_1121 = vector.shape_cast %swap3A_1120 : vector<1x1x16xi32> to vector<16xi32>
    %swap3A_1122 = vector.shape_cast %add3A_1114 : vector<16xi32> to vector<1x1x16xi32>
    tpu.vector_store %arg6[%swap3A_1117, %swap3A_1118, %swap3A_1119], %swap3A_1122 {strides = array<i32>} : memref<2x2x96xi32, #tpu.memory_space<vmem>>, vector<1x1x16xi32>,
    %run_scoped3A_1123 = arith.constant 0 : i32
    %run_scoped3A_1124 = arith.constant 0 : i32
    "tpu.region"() ({
      %run_scoped3A_1525 = tpu.sem_alloc : memref<!tpu.dma_semaphore, #tpu.memory_space<semaphore_mem>>
      %dma_start3A_1526 = arith.constant 0 : i32
      %dma_start3A_1527 = tpu.memref_slice %arg6[%run_scoped3A_1123, %run_scoped3A_1124, %dma_start3A_1526] : memref<2x2x96xi32, #tpu.memory_space<vmem>> -> memref<1x1x96xi32, #tpu.memory_space<vmem>>
      %dma_start3A_1528 = tpu.memref_squeeze %dma_start3A_1527 : memref<1x1x96xi32, #tpu.memory_space<vmem>> -> memref<96xi32, #tpu.memory_space<vmem>>
      %dma_start3A_1529 = arith.constant 0 : i32
      %dma_start3A_1530 = arith.constant 0 : i32
      %dma_start3A_1531 = tpu.memref_slice %arg12[%dma_start3A_1529, %dma_start3A_1530] : memref<10112x16xf32, #tpu.memory_space<vmem_shared>> -> memref<10112x16xf32, #tpu.memory_space<vmem_shared>>
      tpu.enqueue_indirect_dma source(%dma_start3A_1531 : memref<10112x16xf32, #tpu.memory_space<vmem_shared>>) target(%arg10 : memref<96x16xf32, #tpu.memory_space<vmem>>) offsets(%dma_start3A_1528 : memref<96xi32, #tpu.memory_space<vmem>>) semaphore(%run_scoped3A_1525 : memref<!tpu.dma_semaphore, #tpu.memory_space<semaphore_mem>>)
      %dma_wait3A_1532 = arith.constant 0 : i32
      %dma_wait3A_1533 = tpu.memref_slice %arg6[%run_scoped3A_1123, %run_scoped3A_1124, %dma_wait3A_1532] : memref<2x2x96xi32, #tpu.memory_space<vmem>> -> memref<1x1x96xi32, #tpu.memory_space<vmem>>
      %dma_wait3A_1534 = tpu.memref_squeeze %dma_wait3A_1533 : memref<1x1x96xi32, #tpu.memory_space<vmem>> -> memref<96xi32, #tpu.memory_space<vmem>>
      %dma_wait3A_1535 = arith.constant 0 : i32
      %dma_wait3A_1536 = arith.constant 0 : i32
      %dma_wait3A_1537 = tpu.memref_slice %arg12[%dma_wait3A_1535, %dma_wait3A_1536] : memref<10112x16xf32, #tpu.memory_space<vmem_shared>> -> memref<10112x16xf32, #tpu.memory_space<vmem_shared>>
      tpu.wait_indirect_dma semaphore(%run_scoped3A_1525 : memref<!tpu.dma_semaphore, #tpu.memory_space<semaphore_mem>>) src(%dma_wait3A_1537 : memref<10112x16xf32, #tpu.memory_space<vmem_shared>>) dst(%arg10 : memref<96x16xf32, #tpu.memory_space<vmem>>)
      tpu.yield
    }) : () -> ()
    "tpu.region"() ({
      %run_scoped3A_1525 = tpu.sem_alloc : memref<!tpu.dma_semaphore, #tpu.memory_space<semaphore_mem>>
      %dma_start3A_1526 = arith.constant 0 : i32
      %dma_start3A_1527 = arith.constant 0 : i32
      %dma_start3A_1528 = tpu.memref_slice %arg10[%dma_start3A_1526, %dma_start3A_1527] : memref<96x16xf32, #tpu.memory_space<vmem>> -> memref<96x16xf32, #tpu.memory_space<vmem>>
      %dma_start3A_1529 = arith.constant 0 : i32
      %dma_start3A_1530 = tpu.memref_slice %arg5[%add3A_1026, %dma_start3A_1529] : memref<10112x16xf32, #tpu.memory_space<hbm>> -> memref<96x16xf32, #tpu.memory_space<hbm>>
      %dma_start3A_1531 = arith.constant 0 : i32
      %dma_start3A_1532 = tpu.memref_slice %arg5[%add3A_1026, %dma_start3A_1531] : memref<10112x16xf32, #tpu.memory_space<hbm>> -> memref<96x16xf32, #tpu.memory_space<hbm>>
      %dma_start3A_1533 = arith.constant 0 : i32
      %dma_start3A_1534 = arith.constant 0 : i32
      %dma_start3A_1535 = tpu.memref_slice %arg10[%dma_start3A_1533, %dma_start3A_1534] : memref<96x16xf32, #tpu.memory_space<vmem>> -> memref<96x16xf32, #tpu.memory_space<vmem>>
      tpu.enqueue_dma source(%dma_start3A_1535 : memref<96x16xf32, #tpu.memory_space<vmem>>) target(%dma_start3A_1532 : memref<96x16xf32, #tpu.memory_space<hbm>>) target_semaphore(%run_scoped3A_1525 : memref<!tpu.dma_semaphore, #tpu.memory_space<semaphore_mem>>)
      %dma_wait3A_1536 = arith.constant 0 : i32
      %dma_wait3A_1537 = arith.constant 0 : i32
      %dma_wait3A_1538 = tpu.memref_slice %arg10[%dma_wait3A_1536, %dma_wait3A_1537] : memref<96x16xf32, #tpu.memory_space<vmem>> -> memref<96x16xf32, #tpu.memory_space<vmem>>
      %dma_wait3A_1539 = arith.constant 0 : i32
      %dma_wait3A_1540 = tpu.memref_slice %arg5[%add3A_1026, %dma_wait3A_1539] : memref<10112x16xf32, #tpu.memory_space<hbm>> -> memref<96x16xf32, #tpu.memory_space<hbm>>
      %dma_wait3A_1541 = arith.constant 0 : i32
      %dma_wait3A_1542 = tpu.memref_slice %arg5[%add3A_1026, %dma_wait3A_1541] : memref<10112x16xf32, #tpu.memory_space<hbm>> -> memref<96x16xf32, #tpu.memory_space<hbm>>
      %dma_wait3A_1543 = arith.constant 0 : i32
      %dma_wait3A_1544 = arith.constant 0 : i32
      %dma_wait3A_1545 = tpu.memref_slice %arg10[%dma_wait3A_1543, %dma_wait3A_1544] : memref<96x16xf32, #tpu.memory_space<vmem>> -> memref<96x16xf32, #tpu.memory_space<vmem>>
      tpu.wait_dma2 semaphore(%run_scoped3A_1525 : memref<!tpu.dma_semaphore, #tpu.memory_space<semaphore_mem>>) src(%dma_wait3A_1545 : memref<96x16xf32, #tpu.memory_space<vmem>>) dst(%dma_wait3A_1542 : memref<96x16xf32, #tpu.memory_space<hbm>>)
      tpu.yield
    }) : () -> ()
    %add3A_1125 = arith.constant 288 : i32
    %add3A_1126 = arith.addi %mul3A_0, %add3A_1125 : i32
    %add3A_1127 = arith.constant 288 : i32
    %add3A_1128 = vector.broadcast %add3A_1127 : i32 to vector<16xi32>
    %add3A_1129 = arith.addi %iota3A, %add3A_1128 : vector<16xi32>
    %min3A_1130 = arith.constant 631 : i32
    %min3A_1131 = vector.broadcast %min3A_1130 : i32 to vector<16xi32>
    %min3A_1132 = arith.minsi %add3A_1129, %min3A_1131 : vector<16xi32>
    %add3A_1133 = vector.broadcast %mul3A_0 : i32 to vector<16xi32>
    %add3A_1134 = arith.addi %min3A_1132, %add3A_1133 : vector<16xi32>
    %swap3A_1135 = arith.constant 0 : i32
    %swap3A_1136 = arith.constant 0 : i32
    %swap3A_1137 = arith.index_cast %swap3A_1135 : i32 to index
    %swap3A_1138 = arith.index_cast %swap3A_1136 : i32 to index
    %swap3A_1139 = arith.constant 0 : index
    %swap3A_1140 = tpu.vector_load %arg6[%swap3A_1137, %swap3A_1138, %swap3A_1139] {strides = array<i32>} : memref<2x2x96xi32, #tpu.memory_space<vmem>>, vector<1x1x16xi32>,
    %swap3A_1141 = vector.shape_cast %swap3A_1140 : vector<1x1x16xi32> to vector<16xi32>
    %swap3A_1142 = vector.shape_cast %add3A_1134 : vector<16xi32> to vector<1x1x16xi32>
    tpu.vector_store %arg6[%swap3A_1137, %swap3A_1138, %swap3A_1139], %swap3A_1142 {strides = array<i32>} : memref<2x2x96xi32, #tpu.memory_space<vmem>>, vector<1x1x16xi32>,
    %add3A_1143 = arith.constant 304 : i32
    %add3A_1144 = vector.broadcast %add3A_1143 : i32 to vector<16xi32>
    %add3A_1145 = arith.addi %iota3A, %add3A_1144 : vector<16xi32>
    %min3A_1146 = arith.constant 631 : i32
    %min3A_1147 = vector.broadcast %min3A_1146 : i32 to vector<16xi32>
    %min3A_1148 = arith.minsi %add3A_1145, %min3A_1147 : vector<16xi32>
    %add3A_1149 = vector.broadcast %mul3A_0 : i32 to vector<16xi32>
    %add3A_1150 = arith.addi %min3A_1148, %add3A_1149 : vector<16xi32>
    %swap3A_1151 = arith.constant 0 : i32
    %swap3A_1152 = arith.constant 0 : i32
    %swap3A_1153 = arith.index_cast %swap3A_1151 : i32 to index
    %swap3A_1154 = arith.index_cast %swap3A_1152 : i32 to index
    %swap3A_1155 = arith.constant 16 : index
    %swap3A_1156 = tpu.vector_load %arg6[%swap3A_1153, %swap3A_1154, %swap3A_1155] {strides = array<i32>} : memref<2x2x96xi32, #tpu.memory_space<vmem>>, vector<1x1x16xi32>,
    %swap3A_1157 = vector.shape_cast %swap3A_1156 : vector<1x1x16xi32> to vector<16xi32>
    %swap3A_1158 = vector.shape_cast %add3A_1150 : vector<16xi32> to vector<1x1x16xi32>
    tpu.vector_store %arg6[%swap3A_1153, %swap3A_1154, %swap3A_1155], %swap3A_1158 {strides = array<i32>} : memref<2x2x96xi32, #tpu.memory_space<vmem>>, vector<1x1x16xi32>,
    %add3A_1159 = arith.constant 320 : i32
    %add3A_1160 = vector.broadcast %add3A_1159 : i32 to vector<16xi32>
    %add3A_1161 = arith.addi %iota3A, %add3A_1160 : vector<16xi32>
    %min3A_1162 = arith.constant 631 : i32
    %min3A_1163 = vector.broadcast %min3A_1162 : i32 to vector<16xi32>
    %min3A_1164 = arith.minsi %add3A_1161, %min3A_1163 : vector<16xi32>
    %add3A_1165 = vector.broadcast %mul3A_0 : i32 to vector<16xi32>
    %add3A_1166 = arith.addi %min3A_1164, %add3A_1165 : vector<16xi32>
    %swap3A_1167 = arith.constant 0 : i32
    %swap3A_1168 = arith.constant 0 : i32
    %swap3A_1169 = arith.index_cast %swap3A_1167 : i32 to index
    %swap3A_1170 = arith.index_cast %swap3A_1168 : i32 to index
    %swap3A_1171 = arith.constant 32 : index
    %swap3A_1172 = tpu.vector_load %arg6[%swap3A_1169, %swap3A_1170, %swap3A_1171] {strides = array<i32>} : memref<2x2x96xi32, #tpu.memory_space<vmem>>, vector<1x1x16xi32>,
    %swap3A_1173 = vector.shape_cast %swap3A_1172 : vector<1x1x16xi32> to vector<16xi32>
    %swap3A_1174 = vector.shape_cast %add3A_1166 : vector<16xi32> to vector<1x1x16xi32>
    tpu.vector_store %arg6[%swap3A_1169, %swap3A_1170, %swap3A_1171], %swap3A_1174 {strides = array<i32>} : memref<2x2x96xi32, #tpu.memory_space<vmem>>, vector<1x1x16xi32>,
    %add3A_1175 = arith.constant 336 : i32
    %add3A_1176 = vector.broadcast %add3A_1175 : i32 to vector<16xi32>
    %add3A_1177 = arith.addi %iota3A, %add3A_1176 : vector<16xi32>
    %min3A_1178 = arith.constant 631 : i32
    %min3A_1179 = vector.broadcast %min3A_1178 : i32 to vector<16xi32>
    %min3A_1180 = arith.minsi %add3A_1177, %min3A_1179 : vector<16xi32>
    %add3A_1181 = vector.broadcast %mul3A_0 : i32 to vector<16xi32>
    %add3A_1182 = arith.addi %min3A_1180, %add3A_1181 : vector<16xi32>
    %swap3A_1183 = arith.constant 0 : i32
    %swap3A_1184 = arith.constant 0 : i32
    %swap3A_1185 = arith.index_cast %swap3A_1183 : i32 to index
    %swap3A_1186 = arith.index_cast %swap3A_1184 : i32 to index
    %swap3A_1187 = arith.constant 48 : index
    %swap3A_1188 = tpu.vector_load %arg6[%swap3A_1185, %swap3A_1186, %swap3A_1187] {strides = array<i32>} : memref<2x2x96xi32, #tpu.memory_space<vmem>>, vector<1x1x16xi32>,
    %swap3A_1189 = vector.shape_cast %swap3A_1188 : vector<1x1x16xi32> to vector<16xi32>
    %swap3A_1190 = vector.shape_cast %add3A_1182 : vector<16xi32> to vector<1x1x16xi32>
    tpu.vector_store %arg6[%swap3A_1185, %swap3A_1186, %swap3A_1187], %swap3A_1190 {strides = array<i32>} : memref<2x2x96xi32, #tpu.memory_space<vmem>>, vector<1x1x16xi32>,
    %add3A_1191 = arith.constant 352 : i32
    %add3A_1192 = vector.broadcast %add3A_1191 : i32 to vector<16xi32>
    %add3A_1193 = arith.addi %iota3A, %add3A_1192 : vector<16xi32>
    %min3A_1194 = arith.constant 631 : i32
    %min3A_1195 = vector.broadcast %min3A_1194 : i32 to vector<16xi32>
    %min3A_1196 = arith.minsi %add3A_1193, %min3A_1195 : vector<16xi32>
    %add3A_1197 = vector.broadcast %mul3A_0 : i32 to vector<16xi32>
    %add3A_1198 = arith.addi %min3A_1196, %add3A_1197 : vector<16xi32>
    %swap3A_1199 = arith.constant 0 : i32
    %swap3A_1200 = arith.constant 0 : i32
    %swap3A_1201 = arith.index_cast %swap3A_1199 : i32 to index
    %swap3A_1202 = arith.index_cast %swap3A_1200 : i32 to index
    %swap3A_1203 = arith.constant 64 : index
    %swap3A_1204 = tpu.vector_load %arg6[%swap3A_1201, %swap3A_1202, %swap3A_1203] {strides = array<i32>} : memref<2x2x96xi32, #tpu.memory_space<vmem>>, vector<1x1x16xi32>,
    %swap3A_1205 = vector.shape_cast %swap3A_1204 : vector<1x1x16xi32> to vector<16xi32>
    %swap3A_1206 = vector.shape_cast %add3A_1198 : vector<16xi32> to vector<1x1x16xi32>
    tpu.vector_store %arg6[%swap3A_1201, %swap3A_1202, %swap3A_1203], %swap3A_1206 {strides = array<i32>} : memref<2x2x96xi32, #tpu.memory_space<vmem>>, vector<1x1x16xi32>,
    %add3A_1207 = arith.constant 368 : i32
    %add3A_1208 = vector.broadcast %add3A_1207 : i32 to vector<16xi32>
    %add3A_1209 = arith.addi %iota3A, %add3A_1208 : vector<16xi32>
    %min3A_1210 = arith.constant 631 : i32
    %min3A_1211 = vector.broadcast %min3A_1210 : i32 to vector<16xi32>
    %min3A_1212 = arith.minsi %add3A_1209, %min3A_1211 : vector<16xi32>
    %add3A_1213 = vector.broadcast %mul3A_0 : i32 to vector<16xi32>
    %add3A_1214 = arith.addi %min3A_1212, %add3A_1213 : vector<16xi32>
    %swap3A_1215 = arith.constant 0 : i32
    %swap3A_1216 = arith.constant 0 : i32
    %swap3A_1217 = arith.index_cast %swap3A_1215 : i32 to index
    %swap3A_1218 = arith.index_cast %swap3A_1216 : i32 to index
    %swap3A_1219 = arith.constant 80 : index
    %swap3A_1220 = tpu.vector_load %arg6[%swap3A_1217, %swap3A_1218, %swap3A_1219] {strides = array<i32>} : memref<2x2x96xi32, #tpu.memory_space<vmem>>, vector<1x1x16xi32>,
    %swap3A_1221 = vector.shape_cast %swap3A_1220 : vector<1x1x16xi32> to vector<16xi32>
    %swap3A_1222 = vector.shape_cast %add3A_1214 : vector<16xi32> to vector<1x1x16xi32>
    tpu.vector_store %arg6[%swap3A_1217, %swap3A_1218, %swap3A_1219], %swap3A_1222 {strides = array<i32>} : memref<2x2x96xi32, #tpu.memory_space<vmem>>, vector<1x1x16xi32>,
    %run_scoped3A_1223 = arith.constant 0 : i32
    %run_scoped3A_1224 = arith.constant 0 : i32
    "tpu.region"() ({
      %run_scoped3A_1525 = tpu.sem_alloc : memref<!tpu.dma_semaphore, #tpu.memory_space<semaphore_mem>>
      %dma_start3A_1526 = arith.constant 0 : i32
      %dma_start3A_1527 = tpu.memref_slice %arg6[%run_scoped3A_1223, %run_scoped3A_1224, %dma_start3A_1526] : memref<2x2x96xi32, #tpu.memory_space<vmem>> -> memref<1x1x96xi32, #tpu.memory_space<vmem>>
      %dma_start3A_1528 = tpu.memref_squeeze %dma_start3A_1527 : memref<1x1x96xi32, #tpu.memory_space<vmem>> -> memref<96xi32, #tpu.memory_space<vmem>>
      %dma_start3A_1529 = arith.constant 0 : i32
      %dma_start3A_1530 = arith.constant 0 : i32
      %dma_start3A_1531 = tpu.memref_slice %arg12[%dma_start3A_1529, %dma_start3A_1530] : memref<10112x16xf32, #tpu.memory_space<vmem_shared>> -> memref<10112x16xf32, #tpu.memory_space<vmem_shared>>
      tpu.enqueue_indirect_dma source(%dma_start3A_1531 : memref<10112x16xf32, #tpu.memory_space<vmem_shared>>) target(%arg10 : memref<96x16xf32, #tpu.memory_space<vmem>>) offsets(%dma_start3A_1528 : memref<96xi32, #tpu.memory_space<vmem>>) semaphore(%run_scoped3A_1525 : memref<!tpu.dma_semaphore, #tpu.memory_space<semaphore_mem>>)
      %dma_wait3A_1532 = arith.constant 0 : i32
      %dma_wait3A_1533 = tpu.memref_slice %arg6[%run_scoped3A_1223, %run_scoped3A_1224, %dma_wait3A_1532] : memref<2x2x96xi32, #tpu.memory_space<vmem>> -> memref<1x1x96xi32, #tpu.memory_space<vmem>>
      %dma_wait3A_1534 = tpu.memref_squeeze %dma_wait3A_1533 : memref<1x1x96xi32, #tpu.memory_space<vmem>> -> memref<96xi32, #tpu.memory_space<vmem>>
      %dma_wait3A_1535 = arith.constant 0 : i32
      %dma_wait3A_1536 = arith.constant 0 : i32
      %dma_wait3A_1537 = tpu.memref_slice %arg12[%dma_wait3A_1535, %dma_wait3A_1536] : memref<10112x16xf32, #tpu.memory_space<vmem_shared>> -> memref<10112x16xf32, #tpu.memory_space<vmem_shared>>
      tpu.wait_indirect_dma semaphore(%run_scoped3A_1525 : memref<!tpu.dma_semaphore, #tpu.memory_space<semaphore_mem>>) src(%dma_wait3A_1537 : memref<10112x16xf32, #tpu.memory_space<vmem_shared>>) dst(%arg10 : memref<96x16xf32, #tpu.memory_space<vmem>>)
      tpu.yield
    }) : () -> ()
    "tpu.region"() ({
      %run_scoped3A_1525 = tpu.sem_alloc : memref<!tpu.dma_semaphore, #tpu.memory_space<semaphore_mem>>
      %dma_start3A_1526 = arith.constant 0 : i32
      %dma_start3A_1527 = arith.constant 0 : i32
      %dma_start3A_1528 = tpu.memref_slice %arg10[%dma_start3A_1526, %dma_start3A_1527] : memref<96x16xf32, #tpu.memory_space<vmem>> -> memref<96x16xf32, #tpu.memory_space<vmem>>
      %dma_start3A_1529 = arith.constant 0 : i32
      %dma_start3A_1530 = tpu.memref_slice %arg5[%add3A_1126, %dma_start3A_1529] : memref<10112x16xf32, #tpu.memory_space<hbm>> -> memref<96x16xf32, #tpu.memory_space<hbm>>
      %dma_start3A_1531 = arith.constant 0 : i32
      %dma_start3A_1532 = tpu.memref_slice %arg5[%add3A_1126, %dma_start3A_1531] : memref<10112x16xf32, #tpu.memory_space<hbm>> -> memref<96x16xf32, #tpu.memory_space<hbm>>
      %dma_start3A_1533 = arith.constant 0 : i32
      %dma_start3A_1534 = arith.constant 0 : i32
      %dma_start3A_1535 = tpu.memref_slice %arg10[%dma_start3A_1533, %dma_start3A_1534] : memref<96x16xf32, #tpu.memory_space<vmem>> -> memref<96x16xf32, #tpu.memory_space<vmem>>
      tpu.enqueue_dma source(%dma_start3A_1535 : memref<96x16xf32, #tpu.memory_space<vmem>>) target(%dma_start3A_1532 : memref<96x16xf32, #tpu.memory_space<hbm>>) target_semaphore(%run_scoped3A_1525 : memref<!tpu.dma_semaphore, #tpu.memory_space<semaphore_mem>>)
      %dma_wait3A_1536 = arith.constant 0 : i32
      %dma_wait3A_1537 = arith.constant 0 : i32
      %dma_wait3A_1538 = tpu.memref_slice %arg10[%dma_wait3A_1536, %dma_wait3A_1537] : memref<96x16xf32, #tpu.memory_space<vmem>> -> memref<96x16xf32, #tpu.memory_space<vmem>>
      %dma_wait3A_1539 = arith.constant 0 : i32
      %dma_wait3A_1540 = tpu.memref_slice %arg5[%add3A_1126, %dma_wait3A_1539] : memref<10112x16xf32, #tpu.memory_space<hbm>> -> memref<96x16xf32, #tpu.memory_space<hbm>>
      %dma_wait3A_1541 = arith.constant 0 : i32
      %dma_wait3A_1542 = tpu.memref_slice %arg5[%add3A_1126, %dma_wait3A_1541] : memref<10112x16xf32, #tpu.memory_space<hbm>> -> memref<96x16xf32, #tpu.memory_space<hbm>>
      %dma_wait3A_1543 = arith.constant 0 : i32
      %dma_wait3A_1544 = arith.constant 0 : i32
      %dma_wait3A_1545 = tpu.memref_slice %arg10[%dma_wait3A_1543, %dma_wait3A_1544] : memref<96x16xf32, #tpu.memory_space<vmem>> -> memref<96x16xf32, #tpu.memory_space<vmem>>
      tpu.wait_dma2 semaphore(%run_scoped3A_1525 : memref<!tpu.dma_semaphore, #tpu.memory_space<semaphore_mem>>) src(%dma_wait3A_1545 : memref<96x16xf32, #tpu.memory_space<vmem>>) dst(%dma_wait3A_1542 : memref<96x16xf32, #tpu.memory_space<hbm>>)
      tpu.yield
    }) : () -> ()
    %add3A_1225 = arith.constant 384 : i32
    %add3A_1226 = arith.addi %mul3A_0, %add3A_1225 : i32
    %add3A_1227 = arith.constant 384 : i32
    %add3A_1228 = vector.broadcast %add3A_1227 : i32 to vector<16xi32>
    %add3A_1229 = arith.addi %iota3A, %add3A_1228 : vector<16xi32>
    %min3A_1230 = arith.constant 631 : i32
    %min3A_1231 = vector.broadcast %min3A_1230 : i32 to vector<16xi32>
    %min3A_1232 = arith.minsi %add3A_1229, %min3A_1231 : vector<16xi32>
    %add3A_1233 = vector.broadcast %mul3A_0 : i32 to vector<16xi32>
    %add3A_1234 = arith.addi %min3A_1232, %add3A_1233 : vector<16xi32>
    %swap3A_1235 = arith.constant 0 : i32
    %swap3A_1236 = arith.constant 0 : i32
    %swap3A_1237 = arith.index_cast %swap3A_1235 : i32 to index
    %swap3A_1238 = arith.index_cast %swap3A_1236 : i32 to index
    %swap3A_1239 = arith.constant 0 : index
    %swap3A_1240 = tpu.vector_load %arg6[%swap3A_1237, %swap3A_1238, %swap3A_1239] {strides = array<i32>} : memref<2x2x96xi32, #tpu.memory_space<vmem>>, vector<1x1x16xi32>,
    %swap3A_1241 = vector.shape_cast %swap3A_1240 : vector<1x1x16xi32> to vector<16xi32>
    %swap3A_1242 = vector.shape_cast %add3A_1234 : vector<16xi32> to vector<1x1x16xi32>
    tpu.vector_store %arg6[%swap3A_1237, %swap3A_1238, %swap3A_1239], %swap3A_1242 {strides = array<i32>} : memref<2x2x96xi32, #tpu.memory_space<vmem>>, vector<1x1x16xi32>,
    %add3A_1243 = arith.constant 400 : i32
    %add3A_1244 = vector.broadcast %add3A_1243 : i32 to vector<16xi32>
    %add3A_1245 = arith.addi %iota3A, %add3A_1244 : vector<16xi32>
    %min3A_1246 = arith.constant 631 : i32
    %min3A_1247 = vector.broadcast %min3A_1246 : i32 to vector<16xi32>
    %min3A_1248 = arith.minsi %add3A_1245, %min3A_1247 : vector<16xi32>
    %add3A_1249 = vector.broadcast %mul3A_0 : i32 to vector<16xi32>
    %add3A_1250 = arith.addi %min3A_1248, %add3A_1249 : vector<16xi32>
    %swap3A_1251 = arith.constant 0 : i32
    %swap3A_1252 = arith.constant 0 : i32
    %swap3A_1253 = arith.index_cast %swap3A_1251 : i32 to index
    %swap3A_1254 = arith.index_cast %swap3A_1252 : i32 to index
    %swap3A_1255 = arith.constant 16 : index
    %swap3A_1256 = tpu.vector_load %arg6[%swap3A_1253, %swap3A_1254, %swap3A_1255] {strides = array<i32>} : memref<2x2x96xi32, #tpu.memory_space<vmem>>, vector<1x1x16xi32>,
    %swap3A_1257 = vector.shape_cast %swap3A_1256 : vector<1x1x16xi32> to vector<16xi32>
    %swap3A_1258 = vector.shape_cast %add3A_1250 : vector<16xi32> to vector<1x1x16xi32>
    tpu.vector_store %arg6[%swap3A_1253, %swap3A_1254, %swap3A_1255], %swap3A_1258 {strides = array<i32>} : memref<2x2x96xi32, #tpu.memory_space<vmem>>, vector<1x1x16xi32>,
    %add3A_1259 = arith.constant 416 : i32
    %add3A_1260 = vector.broadcast %add3A_1259 : i32 to vector<16xi32>
    %add3A_1261 = arith.addi %iota3A, %add3A_1260 : vector<16xi32>
    %min3A_1262 = arith.constant 631 : i32
    %min3A_1263 = vector.broadcast %min3A_1262 : i32 to vector<16xi32>
    %min3A_1264 = arith.minsi %add3A_1261, %min3A_1263 : vector<16xi32>
    %add3A_1265 = vector.broadcast %mul3A_0 : i32 to vector<16xi32>
    %add3A_1266 = arith.addi %min3A_1264, %add3A_1265 : vector<16xi32>
    %swap3A_1267 = arith.constant 0 : i32
    %swap3A_1268 = arith.constant 0 : i32
    %swap3A_1269 = arith.index_cast %swap3A_1267 : i32 to index
    %swap3A_1270 = arith.index_cast %swap3A_1268 : i32 to index
    %swap3A_1271 = arith.constant 32 : index
    %swap3A_1272 = tpu.vector_load %arg6[%swap3A_1269, %swap3A_1270, %swap3A_1271] {strides = array<i32>} : memref<2x2x96xi32, #tpu.memory_space<vmem>>, vector<1x1x16xi32>,
    %swap3A_1273 = vector.shape_cast %swap3A_1272 : vector<1x1x16xi32> to vector<16xi32>
    %swap3A_1274 = vector.shape_cast %add3A_1266 : vector<16xi32> to vector<1x1x16xi32>
    tpu.vector_store %arg6[%swap3A_1269, %swap3A_1270, %swap3A_1271], %swap3A_1274 {strides = array<i32>} : memref<2x2x96xi32, #tpu.memory_space<vmem>>, vector<1x1x16xi32>,
    %add3A_1275 = arith.constant 432 : i32
    %add3A_1276 = vector.broadcast %add3A_1275 : i32 to vector<16xi32>
    %add3A_1277 = arith.addi %iota3A, %add3A_1276 : vector<16xi32>
    %min3A_1278 = arith.constant 631 : i32
    %min3A_1279 = vector.broadcast %min3A_1278 : i32 to vector<16xi32>
    %min3A_1280 = arith.minsi %add3A_1277, %min3A_1279 : vector<16xi32>
    %add3A_1281 = vector.broadcast %mul3A_0 : i32 to vector<16xi32>
    %add3A_1282 = arith.addi %min3A_1280, %add3A_1281 : vector<16xi32>
    %swap3A_1283 = arith.constant 0 : i32
    %swap3A_1284 = arith.constant 0 : i32
    %swap3A_1285 = arith.index_cast %swap3A_1283 : i32 to index
    %swap3A_1286 = arith.index_cast %swap3A_1284 : i32 to index
    %swap3A_1287 = arith.constant 48 : index
    %swap3A_1288 = tpu.vector_load %arg6[%swap3A_1285, %swap3A_1286, %swap3A_1287] {strides = array<i32>} : memref<2x2x96xi32, #tpu.memory_space<vmem>>, vector<1x1x16xi32>,
    %swap3A_1289 = vector.shape_cast %swap3A_1288 : vector<1x1x16xi32> to vector<16xi32>
    %swap3A_1290 = vector.shape_cast %add3A_1282 : vector<16xi32> to vector<1x1x16xi32>
    tpu.vector_store %arg6[%swap3A_1285, %swap3A_1286, %swap3A_1287], %swap3A_1290 {strides = array<i32>} : memref<2x2x96xi32, #tpu.memory_space<vmem>>, vector<1x1x16xi32>,
    %add3A_1291 = arith.constant 448 : i32
    %add3A_1292 = vector.broadcast %add3A_1291 : i32 to vector<16xi32>
    %add3A_1293 = arith.addi %iota3A, %add3A_1292 : vector<16xi32>
    %min3A_1294 = arith.constant 631 : i32
    %min3A_1295 = vector.broadcast %min3A_1294 : i32 to vector<16xi32>
    %min3A_1296 = arith.minsi %add3A_1293, %min3A_1295 : vector<16xi32>
    %add3A_1297 = vector.broadcast %mul3A_0 : i32 to vector<16xi32>
    %add3A_1298 = arith.addi %min3A_1296, %add3A_1297 : vector<16xi32>
    %swap3A_1299 = arith.constant 0 : i32
    %swap3A_1300 = arith.constant 0 : i32
    %swap3A_1301 = arith.index_cast %swap3A_1299 : i32 to index
    %swap3A_1302 = arith.index_cast %swap3A_1300 : i32 to index
    %swap3A_1303 = arith.constant 64 : index
    %swap3A_1304 = tpu.vector_load %arg6[%swap3A_1301, %swap3A_1302, %swap3A_1303] {strides = array<i32>} : memref<2x2x96xi32, #tpu.memory_space<vmem>>, vector<1x1x16xi32>,
    %swap3A_1305 = vector.shape_cast %swap3A_1304 : vector<1x1x16xi32> to vector<16xi32>
    %swap3A_1306 = vector.shape_cast %add3A_1298 : vector<16xi32> to vector<1x1x16xi32>
    tpu.vector_store %arg6[%swap3A_1301, %swap3A_1302, %swap3A_1303], %swap3A_1306 {strides = array<i32>} : memref<2x2x96xi32, #tpu.memory_space<vmem>>, vector<1x1x16xi32>,
    %add3A_1307 = arith.constant 464 : i32
    %add3A_1308 = vector.broadcast %add3A_1307 : i32 to vector<16xi32>
    %add3A_1309 = arith.addi %iota3A, %add3A_1308 : vector<16xi32>
    %min3A_1310 = arith.constant 631 : i32
    %min3A_1311 = vector.broadcast %min3A_1310 : i32 to vector<16xi32>
    %min3A_1312 = arith.minsi %add3A_1309, %min3A_1311 : vector<16xi32>
    %add3A_1313 = vector.broadcast %mul3A_0 : i32 to vector<16xi32>
    %add3A_1314 = arith.addi %min3A_1312, %add3A_1313 : vector<16xi32>
    %swap3A_1315 = arith.constant 0 : i32
    %swap3A_1316 = arith.constant 0 : i32
    %swap3A_1317 = arith.index_cast %swap3A_1315 : i32 to index
    %swap3A_1318 = arith.index_cast %swap3A_1316 : i32 to index
    %swap3A_1319 = arith.constant 80 : index
    %swap3A_1320 = tpu.vector_load %arg6[%swap3A_1317, %swap3A_1318, %swap3A_1319] {strides = array<i32>} : memref<2x2x96xi32, #tpu.memory_space<vmem>>, vector<1x1x16xi32>,
    %swap3A_1321 = vector.shape_cast %swap3A_1320 : vector<1x1x16xi32> to vector<16xi32>
    %swap3A_1322 = vector.shape_cast %add3A_1314 : vector<16xi32> to vector<1x1x16xi32>
    tpu.vector_store %arg6[%swap3A_1317, %swap3A_1318, %swap3A_1319], %swap3A_1322 {strides = array<i32>} : memref<2x2x96xi32, #tpu.memory_space<vmem>>, vector<1x1x16xi32>,
    %run_scoped3A_1323 = arith.constant 0 : i32
    %run_scoped3A_1324 = arith.constant 0 : i32
    "tpu.region"() ({
      %run_scoped3A_1525 = tpu.sem_alloc : memref<!tpu.dma_semaphore, #tpu.memory_space<semaphore_mem>>
      %dma_start3A_1526 = arith.constant 0 : i32
      %dma_start3A_1527 = tpu.memref_slice %arg6[%run_scoped3A_1323, %run_scoped3A_1324, %dma_start3A_1526] : memref<2x2x96xi32, #tpu.memory_space<vmem>> -> memref<1x1x96xi32, #tpu.memory_space<vmem>>
      %dma_start3A_1528 = tpu.memref_squeeze %dma_start3A_1527 : memref<1x1x96xi32, #tpu.memory_space<vmem>> -> memref<96xi32, #tpu.memory_space<vmem>>
      %dma_start3A_1529 = arith.constant 0 : i32
      %dma_start3A_1530 = arith.constant 0 : i32
      %dma_start3A_1531 = tpu.memref_slice %arg12[%dma_start3A_1529, %dma_start3A_1530] : memref<10112x16xf32, #tpu.memory_space<vmem_shared>> -> memref<10112x16xf32, #tpu.memory_space<vmem_shared>>
      tpu.enqueue_indirect_dma source(%dma_start3A_1531 : memref<10112x16xf32, #tpu.memory_space<vmem_shared>>) target(%arg10 : memref<96x16xf32, #tpu.memory_space<vmem>>) offsets(%dma_start3A_1528 : memref<96xi32, #tpu.memory_space<vmem>>) semaphore(%run_scoped3A_1525 : memref<!tpu.dma_semaphore, #tpu.memory_space<semaphore_mem>>)
      %dma_wait3A_1532 = arith.constant 0 : i32
      %dma_wait3A_1533 = tpu.memref_slice %arg6[%run_scoped3A_1323, %run_scoped3A_1324, %dma_wait3A_1532] : memref<2x2x96xi32, #tpu.memory_space<vmem>> -> memref<1x1x96xi32, #tpu.memory_space<vmem>>
      %dma_wait3A_1534 = tpu.memref_squeeze %dma_wait3A_1533 : memref<1x1x96xi32, #tpu.memory_space<vmem>> -> memref<96xi32, #tpu.memory_space<vmem>>
      %dma_wait3A_1535 = arith.constant 0 : i32
      %dma_wait3A_1536 = arith.constant 0 : i32
      %dma_wait3A_1537 = tpu.memref_slice %arg12[%dma_wait3A_1535, %dma_wait3A_1536] : memref<10112x16xf32, #tpu.memory_space<vmem_shared>> -> memref<10112x16xf32, #tpu.memory_space<vmem_shared>>
      tpu.wait_indirect_dma semaphore(%run_scoped3A_1525 : memref<!tpu.dma_semaphore, #tpu.memory_space<semaphore_mem>>) src(%dma_wait3A_1537 : memref<10112x16xf32, #tpu.memory_space<vmem_shared>>) dst(%arg10 : memref<96x16xf32, #tpu.memory_space<vmem>>)
      tpu.yield
    }) : () -> ()
    "tpu.region"() ({
      %run_scoped3A_1525 = tpu.sem_alloc : memref<!tpu.dma_semaphore, #tpu.memory_space<semaphore_mem>>
      %dma_start3A_1526 = arith.constant 0 : i32
      %dma_start3A_1527 = arith.constant 0 : i32
      %dma_start3A_1528 = tpu.memref_slice %arg10[%dma_start3A_1526, %dma_start3A_1527] : memref<96x16xf32, #tpu.memory_space<vmem>> -> memref<96x16xf32, #tpu.memory_space<vmem>>
      %dma_start3A_1529 = arith.constant 0 : i32
      %dma_start3A_1530 = tpu.memref_slice %arg5[%add3A_1226, %dma_start3A_1529] : memref<10112x16xf32, #tpu.memory_space<hbm>> -> memref<96x16xf32, #tpu.memory_space<hbm>>
      %dma_start3A_1531 = arith.constant 0 : i32
      %dma_start3A_1532 = tpu.memref_slice %arg5[%add3A_1226, %dma_start3A_1531] : memref<10112x16xf32, #tpu.memory_space<hbm>> -> memref<96x16xf32, #tpu.memory_space<hbm>>
      %dma_start3A_1533 = arith.constant 0 : i32
      %dma_start3A_1534 = arith.constant 0 : i32
      %dma_start3A_1535 = tpu.memref_slice %arg10[%dma_start3A_1533, %dma_start3A_1534] : memref<96x16xf32, #tpu.memory_space<vmem>> -> memref<96x16xf32, #tpu.memory_space<vmem>>
      tpu.enqueue_dma source(%dma_start3A_1535 : memref<96x16xf32, #tpu.memory_space<vmem>>) target(%dma_start3A_1532 : memref<96x16xf32, #tpu.memory_space<hbm>>) target_semaphore(%run_scoped3A_1525 : memref<!tpu.dma_semaphore, #tpu.memory_space<semaphore_mem>>)
      %dma_wait3A_1536 = arith.constant 0 : i32
      %dma_wait3A_1537 = arith.constant 0 : i32
      %dma_wait3A_1538 = tpu.memref_slice %arg10[%dma_wait3A_1536, %dma_wait3A_1537] : memref<96x16xf32, #tpu.memory_space<vmem>> -> memref<96x16xf32, #tpu.memory_space<vmem>>
      %dma_wait3A_1539 = arith.constant 0 : i32
      %dma_wait3A_1540 = tpu.memref_slice %arg5[%add3A_1226, %dma_wait3A_1539] : memref<10112x16xf32, #tpu.memory_space<hbm>> -> memref<96x16xf32, #tpu.memory_space<hbm>>
      %dma_wait3A_1541 = arith.constant 0 : i32
      %dma_wait3A_1542 = tpu.memref_slice %arg5[%add3A_1226, %dma_wait3A_1541] : memref<10112x16xf32, #tpu.memory_space<hbm>> -> memref<96x16xf32, #tpu.memory_space<hbm>>
      %dma_wait3A_1543 = arith.constant 0 : i32
      %dma_wait3A_1544 = arith.constant 0 : i32
      %dma_wait3A_1545 = tpu.memref_slice %arg10[%dma_wait3A_1543, %dma_wait3A_1544] : memref<96x16xf32, #tpu.memory_space<vmem>> -> memref<96x16xf32, #tpu.memory_space<vmem>>
      tpu.wait_dma2 semaphore(%run_scoped3A_1525 : memref<!tpu.dma_semaphore, #tpu.memory_space<semaphore_mem>>) src(%dma_wait3A_1545 : memref<96x16xf32, #tpu.memory_space<vmem>>) dst(%dma_wait3A_1542 : memref<96x16xf32, #tpu.memory_space<hbm>>)
      tpu.yield
    }) : () -> ()
    %add3A_1325 = arith.constant 480 : i32
    %add3A_1326 = arith.addi %mul3A_0, %add3A_1325 : i32
    %add3A_1327 = arith.constant 480 : i32
    %add3A_1328 = vector.broadcast %add3A_1327 : i32 to vector<16xi32>
    %add3A_1329 = arith.addi %iota3A, %add3A_1328 : vector<16xi32>
    %min3A_1330 = arith.constant 631 : i32
    %min3A_1331 = vector.broadcast %min3A_1330 : i32 to vector<16xi32>
    %min3A_1332 = arith.minsi %add3A_1329, %min3A_1331 : vector<16xi32>
    %add3A_1333 = vector.broadcast %mul3A_0 : i32 to vector<16xi32>
    %add3A_1334 = arith.addi %min3A_1332, %add3A_1333 : vector<16xi32>
    %swap3A_1335 = arith.constant 0 : i32
    %swap3A_1336 = arith.constant 0 : i32
    %swap3A_1337 = arith.index_cast %swap3A_1335 : i32 to index
    %swap3A_1338 = arith.index_cast %swap3A_1336 : i32 to index
    %swap3A_1339 = arith.constant 0 : index
    %swap3A_1340 = tpu.vector_load %arg6[%swap3A_1337, %swap3A_1338, %swap3A_1339] {strides = array<i32>} : memref<2x2x96xi32, #tpu.memory_space<vmem>>, vector<1x1x16xi32>,
    %swap3A_1341 = vector.shape_cast %swap3A_1340 : vector<1x1x16xi32> to vector<16xi32>
    %swap3A_1342 = vector.shape_cast %add3A_1334 : vector<16xi32> to vector<1x1x16xi32>
    tpu.vector_store %arg6[%swap3A_1337, %swap3A_1338, %swap3A_1339], %swap3A_1342 {strides = array<i32>} : memref<2x2x96xi32, #tpu.memory_space<vmem>>, vector<1x1x16xi32>,
    %add3A_1343 = arith.constant 496 : i32
    %add3A_1344 = vector.broadcast %add3A_1343 : i32 to vector<16xi32>
    %add3A_1345 = arith.addi %iota3A, %add3A_1344 : vector<16xi32>
    %min3A_1346 = arith.constant 631 : i32
    %min3A_1347 = vector.broadcast %min3A_1346 : i32 to vector<16xi32>
    %min3A_1348 = arith.minsi %add3A_1345, %min3A_1347 : vector<16xi32>
    %add3A_1349 = vector.broadcast %mul3A_0 : i32 to vector<16xi32>
    %add3A_1350 = arith.addi %min3A_1348, %add3A_1349 : vector<16xi32>
    %swap3A_1351 = arith.constant 0 : i32
    %swap3A_1352 = arith.constant 0 : i32
    %swap3A_1353 = arith.index_cast %swap3A_1351 : i32 to index
    %swap3A_1354 = arith.index_cast %swap3A_1352 : i32 to index
    %swap3A_1355 = arith.constant 16 : index
    %swap3A_1356 = tpu.vector_load %arg6[%swap3A_1353, %swap3A_1354, %swap3A_1355] {strides = array<i32>} : memref<2x2x96xi32, #tpu.memory_space<vmem>>, vector<1x1x16xi32>,
    %swap3A_1357 = vector.shape_cast %swap3A_1356 : vector<1x1x16xi32> to vector<16xi32>
    %swap3A_1358 = vector.shape_cast %add3A_1350 : vector<16xi32> to vector<1x1x16xi32>
    tpu.vector_store %arg6[%swap3A_1353, %swap3A_1354, %swap3A_1355], %swap3A_1358 {strides = array<i32>} : memref<2x2x96xi32, #tpu.memory_space<vmem>>, vector<1x1x16xi32>,
    %add3A_1359 = arith.constant 512 : i32
    %add3A_1360 = vector.broadcast %add3A_1359 : i32 to vector<16xi32>
    %add3A_1361 = arith.addi %iota3A, %add3A_1360 : vector<16xi32>
    %min3A_1362 = arith.constant 631 : i32
    %min3A_1363 = vector.broadcast %min3A_1362 : i32 to vector<16xi32>
    %min3A_1364 = arith.minsi %add3A_1361, %min3A_1363 : vector<16xi32>
    %add3A_1365 = vector.broadcast %mul3A_0 : i32 to vector<16xi32>
    %add3A_1366 = arith.addi %min3A_1364, %add3A_1365 : vector<16xi32>
    %swap3A_1367 = arith.constant 0 : i32
    %swap3A_1368 = arith.constant 0 : i32
    %swap3A_1369 = arith.index_cast %swap3A_1367 : i32 to index
    %swap3A_1370 = arith.index_cast %swap3A_1368 : i32 to index
    %swap3A_1371 = arith.constant 32 : index
    %swap3A_1372 = tpu.vector_load %arg6[%swap3A_1369, %swap3A_1370, %swap3A_1371] {strides = array<i32>} : memref<2x2x96xi32, #tpu.memory_space<vmem>>, vector<1x1x16xi32>,
    %swap3A_1373 = vector.shape_cast %swap3A_1372 : vector<1x1x16xi32> to vector<16xi32>
    %swap3A_1374 = vector.shape_cast %add3A_1366 : vector<16xi32> to vector<1x1x16xi32>
    tpu.vector_store %arg6[%swap3A_1369, %swap3A_1370, %swap3A_1371], %swap3A_1374 {strides = array<i32>} : memref<2x2x96xi32, #tpu.memory_space<vmem>>, vector<1x1x16xi32>,
    %add3A_1375 = arith.constant 528 : i32
    %add3A_1376 = vector.broadcast %add3A_1375 : i32 to vector<16xi32>
    %add3A_1377 = arith.addi %iota3A, %add3A_1376 : vector<16xi32>
    %min3A_1378 = arith.constant 631 : i32
    %min3A_1379 = vector.broadcast %min3A_1378 : i32 to vector<16xi32>
    %min3A_1380 = arith.minsi %add3A_1377, %min3A_1379 : vector<16xi32>
    %add3A_1381 = vector.broadcast %mul3A_0 : i32 to vector<16xi32>
    %add3A_1382 = arith.addi %min3A_1380, %add3A_1381 : vector<16xi32>
    %swap3A_1383 = arith.constant 0 : i32
    %swap3A_1384 = arith.constant 0 : i32
    %swap3A_1385 = arith.index_cast %swap3A_1383 : i32 to index
    %swap3A_1386 = arith.index_cast %swap3A_1384 : i32 to index
    %swap3A_1387 = arith.constant 48 : index
    %swap3A_1388 = tpu.vector_load %arg6[%swap3A_1385, %swap3A_1386, %swap3A_1387] {strides = array<i32>} : memref<2x2x96xi32, #tpu.memory_space<vmem>>, vector<1x1x16xi32>,
    %swap3A_1389 = vector.shape_cast %swap3A_1388 : vector<1x1x16xi32> to vector<16xi32>
    %swap3A_1390 = vector.shape_cast %add3A_1382 : vector<16xi32> to vector<1x1x16xi32>
    tpu.vector_store %arg6[%swap3A_1385, %swap3A_1386, %swap3A_1387], %swap3A_1390 {strides = array<i32>} : memref<2x2x96xi32, #tpu.memory_space<vmem>>, vector<1x1x16xi32>,
    %add3A_1391 = arith.constant 544 : i32
    %add3A_1392 = vector.broadcast %add3A_1391 : i32 to vector<16xi32>
    %add3A_1393 = arith.addi %iota3A, %add3A_1392 : vector<16xi32>
    %min3A_1394 = arith.constant 631 : i32
    %min3A_1395 = vector.broadcast %min3A_1394 : i32 to vector<16xi32>
    %min3A_1396 = arith.minsi %add3A_1393, %min3A_1395 : vector<16xi32>
    %add3A_1397 = vector.broadcast %mul3A_0 : i32 to vector<16xi32>
    %add3A_1398 = arith.addi %min3A_1396, %add3A_1397 : vector<16xi32>
    %swap3A_1399 = arith.constant 0 : i32
    %swap3A_1400 = arith.constant 0 : i32
    %swap3A_1401 = arith.index_cast %swap3A_1399 : i32 to index
    %swap3A_1402 = arith.index_cast %swap3A_1400 : i32 to index
    %swap3A_1403 = arith.constant 64 : index
    %swap3A_1404 = tpu.vector_load %arg6[%swap3A_1401, %swap3A_1402, %swap3A_1403] {strides = array<i32>} : memref<2x2x96xi32, #tpu.memory_space<vmem>>, vector<1x1x16xi32>,
    %swap3A_1405 = vector.shape_cast %swap3A_1404 : vector<1x1x16xi32> to vector<16xi32>
    %swap3A_1406 = vector.shape_cast %add3A_1398 : vector<16xi32> to vector<1x1x16xi32>
    tpu.vector_store %arg6[%swap3A_1401, %swap3A_1402, %swap3A_1403], %swap3A_1406 {strides = array<i32>} : memref<2x2x96xi32, #tpu.memory_space<vmem>>, vector<1x1x16xi32>,
    %add3A_1407 = arith.constant 560 : i32
    %add3A_1408 = vector.broadcast %add3A_1407 : i32 to vector<16xi32>
    %add3A_1409 = arith.addi %iota3A, %add3A_1408 : vector<16xi32>
    %min3A_1410 = arith.constant 631 : i32
    %min3A_1411 = vector.broadcast %min3A_1410 : i32 to vector<16xi32>
    %min3A_1412 = arith.minsi %add3A_1409, %min3A_1411 : vector<16xi32>
    %add3A_1413 = vector.broadcast %mul3A_0 : i32 to vector<16xi32>
    %add3A_1414 = arith.addi %min3A_1412, %add3A_1413 : vector<16xi32>
    %swap3A_1415 = arith.constant 0 : i32
    %swap3A_1416 = arith.constant 0 : i32
    %swap3A_1417 = arith.index_cast %swap3A_1415 : i32 to index
    %swap3A_1418 = arith.index_cast %swap3A_1416 : i32 to index
    %swap3A_1419 = arith.constant 80 : index
    %swap3A_1420 = tpu.vector_load %arg6[%swap3A_1417, %swap3A_1418, %swap3A_1419] {strides = array<i32>} : memref<2x2x96xi32, #tpu.memory_space<vmem>>, vector<1x1x16xi32>,
    %swap3A_1421 = vector.shape_cast %swap3A_1420 : vector<1x1x16xi32> to vector<16xi32>
    %swap3A_1422 = vector.shape_cast %add3A_1414 : vector<16xi32> to vector<1x1x16xi32>
    tpu.vector_store %arg6[%swap3A_1417, %swap3A_1418, %swap3A_1419], %swap3A_1422 {strides = array<i32>} : memref<2x2x96xi32, #tpu.memory_space<vmem>>, vector<1x1x16xi32>,
    %run_scoped3A_1423 = arith.constant 0 : i32
    %run_scoped3A_1424 = arith.constant 0 : i32
    "tpu.region"() ({
      %run_scoped3A_1525 = tpu.sem_alloc : memref<!tpu.dma_semaphore, #tpu.memory_space<semaphore_mem>>
      %dma_start3A_1526 = arith.constant 0 : i32
      %dma_start3A_1527 = tpu.memref_slice %arg6[%run_scoped3A_1423, %run_scoped3A_1424, %dma_start3A_1526] : memref<2x2x96xi32, #tpu.memory_space<vmem>> -> memref<1x1x96xi32, #tpu.memory_space<vmem>>
      %dma_start3A_1528 = tpu.memref_squeeze %dma_start3A_1527 : memref<1x1x96xi32, #tpu.memory_space<vmem>> -> memref<96xi32, #tpu.memory_space<vmem>>
      %dma_start3A_1529 = arith.constant 0 : i32
      %dma_start3A_1530 = arith.constant 0 : i32
      %dma_start3A_1531 = tpu.memref_slice %arg12[%dma_start3A_1529, %dma_start3A_1530] : memref<10112x16xf32, #tpu.memory_space<vmem_shared>> -> memref<10112x16xf32, #tpu.memory_space<vmem_shared>>
      tpu.enqueue_indirect_dma source(%dma_start3A_1531 : memref<10112x16xf32, #tpu.memory_space<vmem_shared>>) target(%arg10 : memref<96x16xf32, #tpu.memory_space<vmem>>) offsets(%dma_start3A_1528 : memref<96xi32, #tpu.memory_space<vmem>>) semaphore(%run_scoped3A_1525 : memref<!tpu.dma_semaphore, #tpu.memory_space<semaphore_mem>>)
      %dma_wait3A_1532 = arith.constant 0 : i32
      %dma_wait3A_1533 = tpu.memref_slice %arg6[%run_scoped3A_1423, %run_scoped3A_1424, %dma_wait3A_1532] : memref<2x2x96xi32, #tpu.memory_space<vmem>> -> memref<1x1x96xi32, #tpu.memory_space<vmem>>
      %dma_wait3A_1534 = tpu.memref_squeeze %dma_wait3A_1533 : memref<1x1x96xi32, #tpu.memory_space<vmem>> -> memref<96xi32, #tpu.memory_space<vmem>>
      %dma_wait3A_1535 = arith.constant 0 : i32
      %dma_wait3A_1536 = arith.constant 0 : i32
      %dma_wait3A_1537 = tpu.memref_slice %arg12[%dma_wait3A_1535, %dma_wait3A_1536] : memref<10112x16xf32, #tpu.memory_space<vmem_shared>> -> memref<10112x16xf32, #tpu.memory_space<vmem_shared>>
      tpu.wait_indirect_dma semaphore(%run_scoped3A_1525 : memref<!tpu.dma_semaphore, #tpu.memory_space<semaphore_mem>>) src(%dma_wait3A_1537 : memref<10112x16xf32, #tpu.memory_space<vmem_shared>>) dst(%arg10 : memref<96x16xf32, #tpu.memory_space<vmem>>)
      tpu.yield
    }) : () -> ()
    "tpu.region"() ({
      %run_scoped3A_1525 = tpu.sem_alloc : memref<!tpu.dma_semaphore, #tpu.memory_space<semaphore_mem>>
      %dma_start3A_1526 = arith.constant 0 : i32
      %dma_start3A_1527 = arith.constant 0 : i32
      %dma_start3A_1528 = tpu.memref_slice %arg10[%dma_start3A_1526, %dma_start3A_1527] : memref<96x16xf32, #tpu.memory_space<vmem>> -> memref<96x16xf32, #tpu.memory_space<vmem>>
      %dma_start3A_1529 = arith.constant 0 : i32
      %dma_start3A_1530 = tpu.memref_slice %arg5[%add3A_1326, %dma_start3A_1529] : memref<10112x16xf32, #tpu.memory_space<hbm>> -> memref<96x16xf32, #tpu.memory_space<hbm>>
      %dma_start3A_1531 = arith.constant 0 : i32
      %dma_start3A_1532 = tpu.memref_slice %arg5[%add3A_1326, %dma_start3A_1531] : memref<10112x16xf32, #tpu.memory_space<hbm>> -> memref<96x16xf32, #tpu.memory_space<hbm>>
      %dma_start3A_1533 = arith.constant 0 : i32
      %dma_start3A_1534 = arith.constant 0 : i32
      %dma_start3A_1535 = tpu.memref_slice %arg10[%dma_start3A_1533, %dma_start3A_1534] : memref<96x16xf32, #tpu.memory_space<vmem>> -> memref<96x16xf32, #tpu.memory_space<vmem>>
      tpu.enqueue_dma source(%dma_start3A_1535 : memref<96x16xf32, #tpu.memory_space<vmem>>) target(%dma_start3A_1532 : memref<96x16xf32, #tpu.memory_space<hbm>>) target_semaphore(%run_scoped3A_1525 : memref<!tpu.dma_semaphore, #tpu.memory_space<semaphore_mem>>)
      %dma_wait3A_1536 = arith.constant 0 : i32
      %dma_wait3A_1537 = arith.constant 0 : i32
      %dma_wait3A_1538 = tpu.memref_slice %arg10[%dma_wait3A_1536, %dma_wait3A_1537] : memref<96x16xf32, #tpu.memory_space<vmem>> -> memref<96x16xf32, #tpu.memory_space<vmem>>
      %dma_wait3A_1539 = arith.constant 0 : i32
      %dma_wait3A_1540 = tpu.memref_slice %arg5[%add3A_1326, %dma_wait3A_1539] : memref<10112x16xf32, #tpu.memory_space<hbm>> -> memref<96x16xf32, #tpu.memory_space<hbm>>
      %dma_wait3A_1541 = arith.constant 0 : i32
      %dma_wait3A_1542 = tpu.memref_slice %arg5[%add3A_1326, %dma_wait3A_1541] : memref<10112x16xf32, #tpu.memory_space<hbm>> -> memref<96x16xf32, #tpu.memory_space<hbm>>
      %dma_wait3A_1543 = arith.constant 0 : i32
      %dma_wait3A_1544 = arith.constant 0 : i32
      %dma_wait3A_1545 = tpu.memref_slice %arg10[%dma_wait3A_1543, %dma_wait3A_1544] : memref<96x16xf32, #tpu.memory_space<vmem>> -> memref<96x16xf32, #tpu.memory_space<vmem>>
      tpu.wait_dma2 semaphore(%run_scoped3A_1525 : memref<!tpu.dma_semaphore, #tpu.memory_space<semaphore_mem>>) src(%dma_wait3A_1545 : memref<96x16xf32, #tpu.memory_space<vmem>>) dst(%dma_wait3A_1542 : memref<96x16xf32, #tpu.memory_space<hbm>>)
      tpu.yield
    }) : () -> ()
    %add3A_1425 = arith.constant 576 : i32
    %add3A_1426 = arith.addi %mul3A_0, %add3A_1425 : i32
    %add3A_1427 = arith.constant 576 : i32
    %add3A_1428 = vector.broadcast %add3A_1427 : i32 to vector<16xi32>
    %add3A_1429 = arith.addi %iota3A, %add3A_1428 : vector<16xi32>
    %min3A_1430 = arith.constant 631 : i32
    %min3A_1431 = vector.broadcast %min3A_1430 : i32 to vector<16xi32>
    %min3A_1432 = arith.minsi %add3A_1429, %min3A_1431 : vector<16xi32>
    %add3A_1433 = vector.broadcast %mul3A_0 : i32 to vector<16xi32>
    %add3A_1434 = arith.addi %min3A_1432, %add3A_1433 : vector<16xi32>
    %swap3A_1435 = arith.constant 0 : i32
    %swap3A_1436 = arith.constant 0 : i32
    %swap3A_1437 = arith.index_cast %swap3A_1435 : i32 to index
    %swap3A_1438 = arith.index_cast %swap3A_1436 : i32 to index
    %swap3A_1439 = arith.constant 0 : index
    %swap3A_1440 = tpu.vector_load %arg6[%swap3A_1437, %swap3A_1438, %swap3A_1439] {strides = array<i32>} : memref<2x2x96xi32, #tpu.memory_space<vmem>>, vector<1x1x16xi32>,
    %swap3A_1441 = vector.shape_cast %swap3A_1440 : vector<1x1x16xi32> to vector<16xi32>
    %swap3A_1442 = vector.shape_cast %add3A_1434 : vector<16xi32> to vector<1x1x16xi32>
    tpu.vector_store %arg6[%swap3A_1437, %swap3A_1438, %swap3A_1439], %swap3A_1442 {strides = array<i32>} : memref<2x2x96xi32, #tpu.memory_space<vmem>>, vector<1x1x16xi32>,
    %add3A_1443 = arith.constant 592 : i32
    %add3A_1444 = vector.broadcast %add3A_1443 : i32 to vector<16xi32>
    %add3A_1445 = arith.addi %iota3A, %add3A_1444 : vector<16xi32>
    %min3A_1446 = arith.constant 631 : i32
    %min3A_1447 = vector.broadcast %min3A_1446 : i32 to vector<16xi32>
    %min3A_1448 = arith.minsi %add3A_1445, %min3A_1447 : vector<16xi32>
    %add3A_1449 = vector.broadcast %mul3A_0 : i32 to vector<16xi32>
    %add3A_1450 = arith.addi %min3A_1448, %add3A_1449 : vector<16xi32>
    %swap3A_1451 = arith.constant 0 : i32
    %swap3A_1452 = arith.constant 0 : i32
    %swap3A_1453 = arith.index_cast %swap3A_1451 : i32 to index
    %swap3A_1454 = arith.index_cast %swap3A_1452 : i32 to index
    %swap3A_1455 = arith.constant 16 : index
    %swap3A_1456 = tpu.vector_load %arg6[%swap3A_1453, %swap3A_1454, %swap3A_1455] {strides = array<i32>} : memref<2x2x96xi32, #tpu.memory_space<vmem>>, vector<1x1x16xi32>,
    %swap3A_1457 = vector.shape_cast %swap3A_1456 : vector<1x1x16xi32> to vector<16xi32>
    %swap3A_1458 = vector.shape_cast %add3A_1450 : vector<16xi32> to vector<1x1x16xi32>
    tpu.vector_store %arg6[%swap3A_1453, %swap3A_1454, %swap3A_1455], %swap3A_1458 {strides = array<i32>} : memref<2x2x96xi32, #tpu.memory_space<vmem>>, vector<1x1x16xi32>,
    %add3A_1459 = arith.constant 608 : i32
    %add3A_1460 = vector.broadcast %add3A_1459 : i32 to vector<16xi32>
    %add3A_1461 = arith.addi %iota3A, %add3A_1460 : vector<16xi32>
    %min3A_1462 = arith.constant 631 : i32
    %min3A_1463 = vector.broadcast %min3A_1462 : i32 to vector<16xi32>
    %min3A_1464 = arith.minsi %add3A_1461, %min3A_1463 : vector<16xi32>
    %add3A_1465 = vector.broadcast %mul3A_0 : i32 to vector<16xi32>
    %add3A_1466 = arith.addi %min3A_1464, %add3A_1465 : vector<16xi32>
    %swap3A_1467 = arith.constant 0 : i32
    %swap3A_1468 = arith.constant 0 : i32
    %swap3A_1469 = arith.index_cast %swap3A_1467 : i32 to index
    %swap3A_1470 = arith.index_cast %swap3A_1468 : i32 to index
    %swap3A_1471 = arith.constant 32 : index
    %swap3A_1472 = tpu.vector_load %arg6[%swap3A_1469, %swap3A_1470, %swap3A_1471] {strides = array<i32>} : memref<2x2x96xi32, #tpu.memory_space<vmem>>, vector<1x1x16xi32>,
    %swap3A_1473 = vector.shape_cast %swap3A_1472 : vector<1x1x16xi32> to vector<16xi32>
    %swap3A_1474 = vector.shape_cast %add3A_1466 : vector<16xi32> to vector<1x1x16xi32>
    tpu.vector_store %arg6[%swap3A_1469, %swap3A_1470, %swap3A_1471], %swap3A_1474 {strides = array<i32>} : memref<2x2x96xi32, #tpu.memory_space<vmem>>, vector<1x1x16xi32>,
    %add3A_1475 = arith.constant 624 : i32
    %add3A_1476 = vector.broadcast %add3A_1475 : i32 to vector<16xi32>
    %add3A_1477 = arith.addi %iota3A, %add3A_1476 : vector<16xi32>
    %min3A_1478 = arith.constant 631 : i32
    %min3A_1479 = vector.broadcast %min3A_1478 : i32 to vector<16xi32>
    %min3A_1480 = arith.minsi %add3A_1477, %min3A_1479 : vector<16xi32>
    %add3A_1481 = vector.broadcast %mul3A_0 : i32 to vector<16xi32>
    %add3A_1482 = arith.addi %min3A_1480, %add3A_1481 : vector<16xi32>
    %swap3A_1483 = arith.constant 0 : i32
    %swap3A_1484 = arith.constant 0 : i32
    %swap3A_1485 = arith.index_cast %swap3A_1483 : i32 to index
    %swap3A_1486 = arith.index_cast %swap3A_1484 : i32 to index
    %swap3A_1487 = arith.constant 48 : index
    %swap3A_1488 = tpu.vector_load %arg6[%swap3A_1485, %swap3A_1486, %swap3A_1487] {strides = array<i32>} : memref<2x2x96xi32, #tpu.memory_space<vmem>>, vector<1x1x16xi32>,
    %swap3A_1489 = vector.shape_cast %swap3A_1488 : vector<1x1x16xi32> to vector<16xi32>
    %swap3A_1490 = vector.shape_cast %add3A_1482 : vector<16xi32> to vector<1x1x16xi32>
    tpu.vector_store %arg6[%swap3A_1485, %swap3A_1486, %swap3A_1487], %swap3A_1490 {strides = array<i32>} : memref<2x2x96xi32, #tpu.memory_space<vmem>>, vector<1x1x16xi32>,
    %add3A_1491 = arith.constant 640 : i32
    %add3A_1492 = vector.broadcast %add3A_1491 : i32 to vector<16xi32>
    %add3A_1493 = arith.addi %iota3A, %add3A_1492 : vector<16xi32>
    %min3A_1494 = arith.constant 631 : i32
    %min3A_1495 = vector.broadcast %min3A_1494 : i32 to vector<16xi32>
    %min3A_1496 = arith.minsi %add3A_1493, %min3A_1495 : vector<16xi32>
    %add3A_1497 = vector.broadcast %mul3A_0 : i32 to vector<16xi32>
    %add3A_1498 = arith.addi %min3A_1496, %add3A_1497 : vector<16xi32>
    %swap3A_1499 = arith.constant 0 : i32
    %swap3A_1500 = arith.constant 0 : i32
    %swap3A_1501 = arith.index_cast %swap3A_1499 : i32 to index
    %swap3A_1502 = arith.index_cast %swap3A_1500 : i32 to index
    %swap3A_1503 = arith.constant 64 : index
    %swap3A_1504 = tpu.vector_load %arg6[%swap3A_1501, %swap3A_1502, %swap3A_1503] {strides = array<i32>} : memref<2x2x96xi32, #tpu.memory_space<vmem>>, vector<1x1x16xi32>,
    %swap3A_1505 = vector.shape_cast %swap3A_1504 : vector<1x1x16xi32> to vector<16xi32>
    %swap3A_1506 = vector.shape_cast %add3A_1498 : vector<16xi32> to vector<1x1x16xi32>
    tpu.vector_store %arg6[%swap3A_1501, %swap3A_1502, %swap3A_1503], %swap3A_1506 {strides = array<i32>} : memref<2x2x96xi32, #tpu.memory_space<vmem>>, vector<1x1x16xi32>,
    %add3A_1507 = arith.constant 656 : i32
    %add3A_1508 = vector.broadcast %add3A_1507 : i32 to vector<16xi32>
    %add3A_1509 = arith.addi %iota3A, %add3A_1508 : vector<16xi32>
    %min3A_1510 = arith.constant 631 : i32
    %min3A_1511 = vector.broadcast %min3A_1510 : i32 to vector<16xi32>
    %min3A_1512 = arith.minsi %add3A_1509, %min3A_1511 : vector<16xi32>
    %add3A_1513 = vector.broadcast %mul3A_0 : i32 to vector<16xi32>
    %add3A_1514 = arith.addi %min3A_1512, %add3A_1513 : vector<16xi32>
    %swap3A_1515 = arith.constant 0 : i32
    %swap3A_1516 = arith.constant 0 : i32
    %swap3A_1517 = arith.index_cast %swap3A_1515 : i32 to index
    %swap3A_1518 = arith.index_cast %swap3A_1516 : i32 to index
    %swap3A_1519 = arith.constant 80 : index
    %swap3A_1520 = tpu.vector_load %arg6[%swap3A_1517, %swap3A_1518, %swap3A_1519] {strides = array<i32>} : memref<2x2x96xi32, #tpu.memory_space<vmem>>, vector<1x1x16xi32>,
    %swap3A_1521 = vector.shape_cast %swap3A_1520 : vector<1x1x16xi32> to vector<16xi32>
    %swap3A_1522 = vector.shape_cast %add3A_1514 : vector<16xi32> to vector<1x1x16xi32>
    tpu.vector_store %arg6[%swap3A_1517, %swap3A_1518, %swap3A_1519], %swap3A_1522 {strides = array<i32>} : memref<2x2x96xi32, #tpu.memory_space<vmem>>, vector<1x1x16xi32>,
    %run_scoped3A_1523 = arith.constant 0 : i32
    %run_scoped3A_1524 = arith.constant 0 : i32
    "tpu.region"() ({
      %run_scoped3A_1525 = tpu.sem_alloc : memref<!tpu.dma_semaphore, #tpu.memory_space<semaphore_mem>>
      %dma_start3A_1526 = arith.constant 0 : i32
      %dma_start3A_1527 = tpu.memref_slice %arg6[%run_scoped3A_1523, %run_scoped3A_1524, %dma_start3A_1526] : memref<2x2x96xi32, #tpu.memory_space<vmem>> -> memref<1x1x96xi32, #tpu.memory_space<vmem>>
      %dma_start3A_1528 = tpu.memref_squeeze %dma_start3A_1527 : memref<1x1x96xi32, #tpu.memory_space<vmem>> -> memref<96xi32, #tpu.memory_space<vmem>>
      %dma_start3A_1529 = arith.constant 0 : i32
      %dma_start3A_1530 = arith.constant 0 : i32
      %dma_start3A_1531 = tpu.memref_slice %arg12[%dma_start3A_1529, %dma_start3A_1530] : memref<10112x16xf32, #tpu.memory_space<vmem_shared>> -> memref<10112x16xf32, #tpu.memory_space<vmem_shared>>
      tpu.enqueue_indirect_dma source(%dma_start3A_1531 : memref<10112x16xf32, #tpu.memory_space<vmem_shared>>) target(%arg10 : memref<96x16xf32, #tpu.memory_space<vmem>>) offsets(%dma_start3A_1528 : memref<96xi32, #tpu.memory_space<vmem>>) semaphore(%run_scoped3A_1525 : memref<!tpu.dma_semaphore, #tpu.memory_space<semaphore_mem>>)
      %dma_wait3A_1532 = arith.constant 0 : i32
      %dma_wait3A_1533 = tpu.memref_slice %arg6[%run_scoped3A_1523, %run_scoped3A_1524, %dma_wait3A_1532] : memref<2x2x96xi32, #tpu.memory_space<vmem>> -> memref<1x1x96xi32, #tpu.memory_space<vmem>>
      %dma_wait3A_1534 = tpu.memref_squeeze %dma_wait3A_1533 : memref<1x1x96xi32, #tpu.memory_space<vmem>> -> memref<96xi32, #tpu.memory_space<vmem>>
      %dma_wait3A_1535 = arith.constant 0 : i32
      %dma_wait3A_1536 = arith.constant 0 : i32
      %dma_wait3A_1537 = tpu.memref_slice %arg12[%dma_wait3A_1535, %dma_wait3A_1536] : memref<10112x16xf32, #tpu.memory_space<vmem_shared>> -> memref<10112x16xf32, #tpu.memory_space<vmem_shared>>
      tpu.wait_indirect_dma semaphore(%run_scoped3A_1525 : memref<!tpu.dma_semaphore, #tpu.memory_space<semaphore_mem>>) src(%dma_wait3A_1537 : memref<10112x16xf32, #tpu.memory_space<vmem_shared>>) dst(%arg10 : memref<96x16xf32, #tpu.memory_space<vmem>>)
      tpu.yield
    }) : () -> ()
    "tpu.region"() ({
      %run_scoped3A_1525 = tpu.sem_alloc : memref<!tpu.dma_semaphore, #tpu.memory_space<semaphore_mem>>
      %dma_start3A_1526 = arith.constant 0 : i32
      %dma_start3A_1527 = arith.constant 0 : i32
      %dma_start3A_1528 = tpu.memref_slice %arg10[%dma_start3A_1526, %dma_start3A_1527] : memref<96x16xf32, #tpu.memory_space<vmem>> -> memref<56x16xf32, #tpu.memory_space<vmem>>
      %dma_start3A_1529 = arith.constant 0 : i32
      %dma_start3A_1530 = tpu.memref_slice %arg5[%add3A_1426, %dma_start3A_1529] : memref<10112x16xf32, #tpu.memory_space<hbm>> -> memref<56x16xf32, #tpu.memory_space<hbm>>
      %dma_start3A_1531 = arith.constant 0 : i32
      %dma_start3A_1532 = tpu.memref_slice %arg5[%add3A_1426, %dma_start3A_1531] : memref<10112x16xf32, #tpu.memory_space<hbm>> -> memref<56x16xf32, #tpu.memory_space<hbm>>
      %dma_start3A_1533 = arith.constant 0 : i32
      %dma_start3A_1534 = arith.constant 0 : i32
      %dma_start3A_1535 = tpu.memref_slice %arg10[%dma_start3A_1533, %dma_start3A_1534] : memref<96x16xf32, #tpu.memory_space<vmem>> -> memref<56x16xf32, #tpu.memory_space<vmem>>
      tpu.enqueue_dma source(%dma_start3A_1535 : memref<56x16xf32, #tpu.memory_space<vmem>>) target(%dma_start3A_1532 : memref<56x16xf32, #tpu.memory_space<hbm>>) target_semaphore(%run_scoped3A_1525 : memref<!tpu.dma_semaphore, #tpu.memory_space<semaphore_mem>>)
      %dma_wait3A_1536 = arith.constant 0 : i32
      %dma_wait3A_1537 = arith.constant 0 : i32
      %dma_wait3A_1538 = tpu.memref_slice %arg10[%dma_wait3A_1536, %dma_wait3A_1537] : memref<96x16xf32, #tpu.memory_space<vmem>> -> memref<56x16xf32, #tpu.memory_space<vmem>>
      %dma_wait3A_1539 = arith.constant 0 : i32
      %dma_wait3A_1540 = tpu.memref_slice %arg5[%add3A_1426, %dma_wait3A_1539] : memref<10112x16xf32, #tpu.memory_space<hbm>> -> memref<56x16xf32, #tpu.memory_space<hbm>>
      %dma_wait3A_1541 = arith.constant 0 : i32
      %dma_wait3A_1542 = tpu.memref_slice %arg5[%add3A_1426, %dma_wait3A_1541] : memref<10112x16xf32, #tpu.memory_space<hbm>> -> memref<56x16xf32, #tpu.memory_space<hbm>>
      %dma_wait3A_1543 = arith.constant 0 : i32
      %dma_wait3A_1544 = arith.constant 0 : i32
      %dma_wait3A_1545 = tpu.memref_slice %arg10[%dma_wait3A_1543, %dma_wait3A_1544] : memref<96x16xf32, #tpu.memory_space<vmem>> -> memref<56x16xf32, #tpu.memory_space<vmem>>
      tpu.wait_dma2 semaphore(%run_scoped3A_1525 : memref<!tpu.dma_semaphore, #tpu.memory_space<semaphore_mem>>) src(%dma_wait3A_1545 : memref<56x16xf32, #tpu.memory_space<vmem>>) dst(%dma_wait3A_1542 : memref<56x16xf32, #tpu.memory_space<hbm>>)
      tpu.yield
    }) : () -> ()
    return
  }
}

module attributes {stable_mosaic.version = 14 : i64} {
  func.func @_matmul_body(%arg0: i32, %arg1: i32, %arg2: memref<1000x128xf32, #tpu.memory_space<vmem>>, %arg3: memref<1x128x128xf32, #tpu.memory_space<vmem>>, %arg4: memref<1000x128xf32, #tpu.memory_space<vmem>>) attributes {dimension_semantics = [#tpu.dimension_semantics<arbitrary>, #tpu.dimension_semantics<arbitrary>], iteration_bounds = array<i64: 10, 9>, scalar_prefetch = 0 : i64, scratch_operands = 0 : i64, tpu.core_type = #tpu.core_type<tc>, window_params = [{transform_indices = @transform_0, window_bounds = array<i64: 1000, 128>}, {transform_indices = @transform_1, window_bounds = array<i64: 1, 128, 128>}, {transform_indices = @transform_2, window_bounds = array<i64: 1000, 128>}]} {
    %get3A = arith.constant 0 : index
    %get3A_0 = arith.constant 0 : index
    %get3A_1 = vector.load %arg2[%get3A, %get3A_0] : memref<1000x128xf32, #tpu.memory_space<vmem>>, vector<1000x128xf32>
    %get3A_2 = arith.constant 0 : index
    %get3A_3 = arith.constant 0 : index
    %get3A_4 = arith.constant 0 : index
    %get3A_5 = vector.load %arg3[%get3A_2, %get3A_3, %get3A_4] : memref<1x128x128xf32, #tpu.memory_space<vmem>>, vector<1x128x128xf32>
    %get3A_6 = vector.shape_cast %get3A_5 : vector<1x128x128xf32> to vector<128x128xf32>
    %dot_general3A = arith.constant dense<0.000000e+00> : vector<1000x128xf32>
    %dot_general3A_7 = tpu.matmul %get3A_1, %get3A_6, %dot_general3A {dimension_numbers = #tpu.dot_dimension_numbers<[1], [0], [0], [1], [0, 0, 1, 1], [], []>, transpose_lhs_hint = false} : vector<1000x128xf32>, vector<128x128xf32>, vector<1000x128xf32> -> vector<1000x128xf32>
    %swap3A = arith.constant 0 : index
    %swap3A_8 = arith.constant 0 : index
    %swap3A_9 = vector.load %arg4[%swap3A, %swap3A_8] : memref<1000x128xf32, #tpu.memory_space<vmem>>, vector<1000x128xf32>
    tpu.vector_store %arg4[%swap3A, %swap3A_8], %dot_general3A_7 {strides = array<i32>} : memref<1000x128xf32, #tpu.memory_space<vmem>>, vector<1000x128xf32>,
    return
  }
  func.func @transform_0(%arg0: i32, %arg1: i32) -> (i32, i32) {
    %c0_i32 = arith.constant 0 : i32
    %c0_i32_0 = arith.constant 0 : i32
    return %arg0, %c0_i32 : i32, i32
  }
  func.func @transform_1(%arg0: i32, %arg1: i32) -> (i32, i32, i32) {
    %c0_i32 = arith.constant 0 : i32
    %c0_i32_0 = arith.constant 0 : i32
    %c0_i32_1 = arith.constant 0 : i32
    return %arg1, %c0_i32, %c0_i32_0 : i32, i32, i32
  }
  func.func @transform_2(%arg0: i32, %arg1: i32) -> (i32, i32) {
    %mul3A = arith.constant 10 : i32
    %mul3A_0 = arith.muli %arg1, %mul3A : i32
    %add3A = arith.addi %mul3A_0, %arg0 : i32
    %c0_i32 = arith.constant 0 : i32
    %c0_i32_1 = arith.constant 0 : i32
    return %add3A, %c0_i32 : i32, i32
  }
}

module attributes {stable_mosaic.version = 14 : i64} {
  func.func @_combine_body(%arg0: i32, %arg1: memref<1000x128xf32, #tpu.memory_space<vmem>>, %arg2: memref<1000x128xf32, #tpu.memory_space<vmem>>, %arg3: memref<1000x16xf32, #tpu.memory_space<vmem>>, %arg4: memref<1x128xf32, #tpu.memory_space<vmem>>, %arg5: memref<1000x128xf32, #tpu.memory_space<vmem>>) attributes {dimension_semantics = [#tpu.dimension_semantics<arbitrary>], iteration_bounds = array<i64: 10>, scalar_prefetch = 0 : i64, scratch_operands = 0 : i64, tpu.core_type = #tpu.core_type<tc>, window_params = [{transform_indices = @transform_0, window_bounds = array<i64: 1000, 128>}, {transform_indices = @transform_1, window_bounds = array<i64: 1000, 128>}, {transform_indices = @transform_2, window_bounds = array<i64: 1000, 16>}, {pipeline_mode = #tpu.pipeline_mode<synchronous>, transform_indices = @transform_3, window_bounds = array<i64: 1, 128>}, {transform_indices = @transform_4, window_bounds = array<i64: 1000, 128>}]} {
    %get3A = arith.constant 0 : index
    %get3A_0 = arith.constant 0 : index
    %get3A_1 = vector.load %arg3[%get3A, %get3A_0] : memref<1000x16xf32, #tpu.memory_space<vmem>>, vector<1000x1xf32>
    %get3A_2 = vector.shape_cast %get3A_1 : vector<1000x1xf32> to vector<1000xf32>
    %max3A = arith.constant 1.000000e+00 : f32
    %max3A_3 = vector.broadcast %max3A : f32 to vector<1000xf32>
    %max3A_4 = arith.maximumf %get3A_2, %max3A_3 : vector<1000xf32>
    %div3A = arith.constant 1.000000e+00 : f32
    %div3A_5 = vector.broadcast %div3A : f32 to vector<1000xf32>
    %div3A_6 = arith.divf %div3A_5, %max3A_4 : vector<1000xf32>
    %broadcast_in_dim3A = vector.shape_cast %div3A_6 : vector<1000xf32> to vector<1000x1xf32>
    %get3A_7 = arith.constant 0 : index
    %get3A_8 = arith.constant 0 : index
    %get3A_9 = vector.load %arg1[%get3A_7, %get3A_8] : memref<1000x128xf32, #tpu.memory_space<vmem>>, vector<1000x128xf32>
    %get3A_10 = arith.constant 0 : index
    %get3A_11 = arith.constant 0 : index
    %get3A_12 = vector.load %arg4[%get3A_10, %get3A_11] : memref<1x128xf32, #tpu.memory_space<vmem>>, vector<1x128xf32>
    %get3A_13 = vector.shape_cast %get3A_12 : vector<1x128xf32> to vector<128xf32>
    %broadcast_in_dim3A_14 = vector.shape_cast %get3A_13 : vector<128xf32> to vector<1x128xf32>
    %add3A = vector.broadcast %broadcast_in_dim3A_14 : vector<1x128xf32> to vector<1000x128xf32>
    %add3A_15 = arith.addf %get3A_9, %add3A : vector<1000x128xf32>
    %get3A_16 = arith.constant 0 : index
    %get3A_17 = arith.constant 0 : index
    %get3A_18 = vector.load %arg2[%get3A_16, %get3A_17] : memref<1000x128xf32, #tpu.memory_space<vmem>>, vector<1000x128xf32>
    %mul3A = vector.broadcast %broadcast_in_dim3A : vector<1000x1xf32> to vector<1000x128xf32>
    %mul3A_19 = arith.mulf %get3A_18, %mul3A : vector<1000x128xf32>
    %add3A_20 = arith.addf %add3A_15, %mul3A_19 : vector<1000x128xf32>
    %swap3A = arith.constant 0 : index
    %swap3A_21 = arith.constant 0 : index
    %swap3A_22 = vector.load %arg5[%swap3A, %swap3A_21] : memref<1000x128xf32, #tpu.memory_space<vmem>>, vector<1000x128xf32>
    tpu.vector_store %arg5[%swap3A, %swap3A_21], %add3A_20 {strides = array<i32>} : memref<1000x128xf32, #tpu.memory_space<vmem>>, vector<1000x128xf32>,
    return
  }
  func.func @transform_0(%arg0: i32) -> (i32, i32) {
    %add3A = arith.constant 80 : i32
    %add3A_0 = arith.addi %add3A, %arg0 : i32
    %c0_i32 = arith.constant 0 : i32
    %c0_i32_1 = arith.constant 0 : i32
    return %add3A_0, %c0_i32 : i32, i32
  }
  func.func @transform_1(%arg0: i32) -> (i32, i32) {
    %c0_i32 = arith.constant 0 : i32
    %c0_i32_0 = arith.constant 0 : i32
    return %arg0, %c0_i32 : i32, i32
  }
  func.func @transform_2(%arg0: i32) -> (i32, i32) {
    %c0_i32 = arith.constant 0 : i32
    %c0_i32_0 = arith.constant 0 : i32
    return %arg0, %c0_i32 : i32, i32
  }
  func.func @transform_3(%arg0: i32) -> (i32, i32) {
    %c0_i32 = arith.constant 0 : i32
    %c0_i32_0 = arith.constant 0 : i32
    %c0_i32_1 = arith.constant 0 : i32
    return %c0_i32, %c0_i32_0 : i32, i32
  }
  func.func @transform_4(%arg0: i32) -> (i32, i32) {
    %c0_i32 = arith.constant 0 : i32
    %c0_i32_0 = arith.constant 0 : i32
    return %arg0, %c0_i32 : i32, i32
  }
}

</mosaic_0001>

<sc_bundles>
// kernel: kernel.5.cloned.1.call-start
scs
__scs_entry_jumppad:
0x0: {  	(pc) =	sbr.rel $0x88, $3  }
0x1: {  	(tag) =	ssettag $0x0;
	lr =	simm.s32 $0x1  }
0x2: {  	[smem:$0x3F9B] =	sst lr;
	_ =	strace $0xD0000000  }
0x3: {  	_ = 	snop  }
0x4: {  	_ = 	snop  }
0x5: {  	_ = 	snop  }
0x6: {  	_ = 	snop  }
0x7: {  	_ = 	snop  }
__scs_overlays_trampoline_lowered:
0x8: {  	[smem:$0x3FAA] =	sst s0  }
0x9: {  	[smem:$0x3FAB] =	sst s1  }
0xa: {  	[smem:$0x3FAC] =	sst s2  }
0xb: {  	[smem:$0x3FAD] =	sst s3  }
0xc: {  	[smem:$0x3FAE] =	sst s4  }
0xd: {  	[smem:$0x3FAF] =	sst s5  }
0xe: {  	[smem:$0x3FB0] =	sst s6  }
0xf: {  	[smem:$0x3FB1] =	sst s7  }
0x10: {  	[smem:$0x3FB2] =	sst s8  }
0x11: {  	[smem:$0x3FB3] =	sst s9;
	s0 =	simm.s32 @!p0 $0x0  }
0x12: {  	s1 =	sld [smem:$0x3F99];
	s0 =	simm.s32 @p0 $0x1  }
0x13: {  	[smem:$0x3FB4] =	sst s0;
	s0 =	simm.s32 @!p1 $0x0  }
0x14: {  	s2 =	sld [smem:$0x3F98];
	s0 =	simm.s32 @p1 $0x1  }
0x15: {  	[smem:$0x3FB5] =	sst s0;
	s0 =	simm.s32 @!p2 $0x0  }
0x16: {  	s3 =	sld [smem:$0x3FDB];
	s0 =	simm.s32 @p2 $0x1  }
0x17: {  	s4 =	simm.s32 $0x1BF5;
	[smem:$0x3FB7] =	sst s0  }
0x18: {  	s0 =	sld [smem:$0x3F9A];
	_ =	swait.ge [sflag:s4], $0x0  }
0x19: {  	s7 =	sld [smem:$0x3F9B]  }
0x1a: {  	s8 =	sadd.s32 $0xFFFFE003, lr  }
0x1b: {  	s9 =	sadd.s32 $0xFFFFFEF7, lr;
	s5 =	simm.s32 $0xFFFFFFFF;
	p2 =	slt.u32 s8, $0xFFFFF086  }
0x1c: {  	p1 =	slt.u32 s9, $0xF7A;
	s5 =	simm.s32 @!p2 $0x0  }
0x1d: {  	s5 =	simm.s32 @p1 $0x1;
	p0 =	seq.s32 s7, s2  }
0x1e: {  	s7 =	smul.u32 @!p0 $0xF7A, s2;
	p2 =	seq.s32 @!p0 s5, $0x0  }
0x1f: {  	s9 =	smul.u32 $0xF7A, s1;
	s8 =	simm.s32 @!p0 $0x1BF5;
	p2 =	por !p2, p0  }
0x20: {  	[sflag:s8] =	ssyncset.s32 @!p0 $0xFFFFF086;
	s6 =	sadd.s32 @!p0 s3, s7;
	s7 =	simm.s32 @!p0 $0x108  }
0x21: {  	s3 =	sadd.s32 s3, s9;
	s6 =	sadd.s32 @!p0 $0x88, s6;
	s7 =	simm.s32 @p2 $0x1082  }
0x22: {  	[simem:s7], [sflag:s8] =	dma.local @!p0 [hbm:s6], $0xF7A  }
0x23: {  	s9 =	sor.u32 $0xD0000000, s2;
	s6 =	simm.s32 $0x108;
	_ =	swait.ge @!p0 [sflag:s8], $0x0  }
0x24: {  	s3 =	sadd.s32 $0x88, s3;
	s6 =	simm.s32 @!p1 $0x1082;
	[sflag:s4] =	ssyncset.s32 $0xFFFFF086  }
0x25: {  	[simem:s6], [sflag:s4] =	dma.local [hbm:s3], $0xF7A  }
0x26: {  	[smem:$0x3F9B] =	sst s1;
	(tag) =	ssettag s2;
	_ =	strace s9  }
0x27: {  	s1 =	sld [smem:$0x3FAB]  }
0x28: {  	s2 =	sld [smem:$0x3FAC]  }
0x29: {  	s4 =	sld [smem:$0x3FAE]  }
0x2a: {  	p0 =	seq.s32 s5, $0x0;
	s5 =	sld [smem:$0x3FAF]  }
0x2b: {  	s6 =	sld [smem:$0x3FB0]  }
0x2c: {  	s7 =	sld [smem:$0x3FB1]  }
0x2d: {  	s3 =	simm.s32 $0x108;
	s8 =	sld [smem:$0x3FB2]  }
0x2e: {  	s3 =	simm.s32 @!p0 $0x1082;
	s9 =	sld [smem:$0x3FB3]  }
0x2f: {  	lr =	sadd.s32 s0, s3;
	s0 =	sld [smem:$0x3FAA]  }
0x30: {  	s3 =	sld [smem:$0x3FAD]  }
0x31: {  	[smem:$0x3FB6] =	sst s10  }
0x32: {  	s10 =	sld [smem:$0x3FB4];
	_ =	sdelay $0x3  }
0x33: {  	p0 =	seq.s32 s10, $0x1;
	s10 =	sld [smem:$0x3FB6];
	_ =	sdelay $0x3  }
0x34: {  	[smem:$0x3FB6] =	sst s10  }
0x35: {  	s10 =	sld [smem:$0x3FB5];
	_ =	sdelay $0x3  }
0x36: {  	p1 =	seq.s32 s10, $0x1;
	s10 =	sld [smem:$0x3FB6];
	_ =	sdelay $0x3  }
0x37: {  	[smem:$0x3FB6] =	sst s10  }
0x38: {  	s10 =	sld [smem:$0x3FB7]  }
0x39: {  	_ = 	snop;
	(pc) =	sbr.ind lr, $3  }
0x3a: {  	_ = 	snop  }
0x3b: {  	_ = 	snop  }
0x3c: {  	p2 =	seq.s32 s10, $0x1;
	s10 =	sld [smem:$0x3FB6]  }
0x3d: {  	_ =	shalt  }
0x3e: {  	_ =	shalt  }
0x3f: {  	_ =	shalt  }
0x40: {  	_ =	shalt  }
0x41: {  	_ =	shalt  }
0x42: {  	_ =	shalt  }
0x43: {  	_ =	shalt  }
0x44: {  	_ =	shalt  }
0x45: {  	_ =	shalt  }
0x46: {  	_ =	shalt  }
0x47: {  	_ =	shalt  }
0x48: {  	_ =	shalt  }
0x49: {  	_ =	shalt  }
0x4a: {  	_ =	shalt  }
0x4b: {  	_ =	shalt  }
0x4c: {  	_ =	shalt  }
0x4d: {  	_ =	shalt  }
0x4e: {  	_ =	shalt  }
0x4f: {  	_ =	shalt  }
0x50: {  	_ =	shalt  }
0x51: {  	_ =	shalt  }
0x52: {  	_ =	shalt  }
0x53: {  	_ =	shalt  }
0x54: {  	_ =	shalt  }
0x55: {  	_ =	shalt  }
0x56: {  	_ =	shalt  }
0x57: {  	_ =	shalt  }
0x58: {  	_ =	shalt  }
0x59: {  	_ =	shalt  }
0x5a: {  	_ =	shalt  }
0x5b: {  	_ =	shalt  }
0x5c: {  	_ =	shalt  }
0x5d: {  	_ =	shalt  }
0x5e: {  	_ =	shalt  }
0x5f: {  	_ =	shalt  }
0x60: {  	_ =	shalt  }
0x61: {  	_ =	shalt  }
0x62: {  	_ =	shalt  }
0x63: {  	_ =	shalt  }
0x64: {  	_ =	shalt  }
0x65: {  	_ =	shalt  }
0x66: {  	_ =	shalt  }
0x67: {  	_ =	shalt  }
0x68: {  	_ =	shalt  }
0x69: {  	_ =	shalt  }
0x6a: {  	_ =	shalt  }
0x6b: {  	_ =	shalt  }
0x6c: {  	_ =	shalt  }
0x6d: {  	_ =	shalt  }
0x6e: {  	_ =	shalt  }
0x6f: {  	_ =	shalt  }
0x70: {  	_ =	shalt  }
0x71: {  	_ =	shalt  }
0x72: {  	_ =	shalt  }
0x73: {  	_ =	shalt  }
0x74: {  	_ =	shalt  }
0x75: {  	_ =	shalt  }
0x76: {  	_ =	shalt  }
0x77: {  	_ =	shalt  }
0x78: {  	_ =	shalt  }
0x79: {  	_ =	shalt  }
0x7a: {  	_ =	shalt  }
0x7b: {  	_ =	shalt  }
0x7c: {  	_ =	shalt  }
0x7d: {  	_ =	shalt  }
0x7e: {  	_ =	shalt  }
0x7f: {  	_ =	shalt  }
0x80: {  	_ =	shalt  }
0x81: {  	_ =	shalt  }
0x82: {  	_ =	shalt  }
0x83: {  	_ =	shalt  }
0x84: {  	_ =	shalt  }
0x85: {  	_ =	shalt  }
0x86: {  	_ =	shalt  }
0x87: {  	_ =	shalt  }
.Lfunc_end0:
.L_simem_size_0:
called_computation_lowered:
.L_overlay_start_0:
0x88: {  	s0 =	sld [smem:$0x3FD9]  }
0x89: {  	s1 =	sld [smem:$0x3FFE];
	_ =	sdelay $0x3  }
0x8a: {  	s0 =	sadd.s32 s1, s0  }
0x8b: {  	[smem:$0x3FC2] =	sst s0  }
0x8c: {  	_ = 	snop  }
0x8d: {  	s0 =	sld [smem:$0x3FD0];
	(tm) =	ssettm $0x1  }
0x8e: {  	s16 =	sld [smem:$0x3FFB];
	_ =	sdelay $0x3  }
0x8f: {  	_ =	strace s16  }
0x90: {  	s1 =	sld [smem:$0x3FFC];
	_ =	sdelay $0x3  }
0x91: {  	_ =	strace s1  }
0x92: {  	s1 =	sld [smem:$0x3FFD];
	_ =	sdelay $0x3  }
0x93: {  	_ =	strace s1  }
0x94: {  	_ =	strace $0x8FFFFFFF  }
0x95: {  	s17 =	sld [smem:$0x3FDB];
	_ =	sdelay $0x1  }
0x96: {  	s2 =	simm.s32 $_scs_section_size  }
0x97: {  	s3 =	simm.s32 $_size__tile_overlayer_lowered;
	s4 =	simm.s32 $_tile_overlayer_lowered  }
0x98: {  	s20 =	simm.s32 $0x1BFF;
	s19 =	sshll.u32 s4, $0x1;
	s1 =	sadd.s32 s2, s17  }
0x99: {  	s5 =	simm.s32 $0x0;
	s18 =	sshll.u32 s3, $0x1;
	s3 =	sadd.s32 s19, s1  }
0x9a: {  	[timem:s5], [sflag:s20] =	dma.local [hbm:s3], s18  }
0x9b: {  	_ =	swait.ge [sflag:s20], s18  }
0x9c: {  	s2 =	ssub.s32 $0x0, s18;
	[sflag:s20] =	ssyncset.done $0x0  }
0x9d: {  	[sflag:s20] =	ssyncadd.s32 s2;
	_ =	sdelay $0x1  }
0x9e: {  	s21 =	simm.s32 $0x1B8B  }
0x9f: {  	_ =	swait.ge [sflag:s21], $0x1  }
0xa0: {  	[sflag:s21] =	ssyncset.done $0x0  }
0xa1: {  	s23 =	simm.s32 $0x1B8E;
	s22 =	sld [smem:$0x3FFE];
	[sflag:s21] =	ssyncadd.s32 $0xFFFFFFFF  }
0xa2: {  	s24 =	simm.s32 $execute0_lowered;
	[smem:$0x3FD2] =	sst s23  }
0xa3: {  	s3 =	sshll.u32 s24, $0x1;
	_ =	strace $0x80000046;
	[dreg:$0x1] =	wrdreg $0xFFFFFFFF  }
0xa4: {  	s25 =	simm.s32 $_size_execute0_lowered;
	s1 =	sadd.s32 s1, s3;
	[dreg:$0x0] =	wrdreg $0x0  }
0xa5: {  	s3 =	sshll.u32 s25, $0x1;
	[dreg:$0x2] =	wrdreg s1  }
0xa6: {  	[dreg:$0x3] =	wrdreg s3  }
0xa7: {  	[dreg:$0x4] =	wrdreg $0xC0  }
0xa8: {  	_ =	task [dreg:s5], $0x5FFFF  }
0xa9: {  	[dreg:$0x1] =	wrdreg $0xFFFFFFFF  }
0xaa: {  	[dreg:$0x0] =	wrdreg $0x60  }
0xab: {  	[dreg:$0x2] =	wrdreg s22  }
0xac: {  	[dreg:$0x3] =	wrdreg s0  }
0xad: {  	[dreg:$0x4] =	wrdreg $0x69000  }
0xae: {  	[dreg:$0x5] =	wrdreg $0x1A5000  }
0xaf: {  	[dreg:$0x6] =	wrdreg $0x9  }
0xb0: {  	_ =	task.clear_ibuf [dreg:s5], $0x7FFFF;
	_ =	strace $0x90000046  }
0xb1: {  	s26 =	simm.s32 $0x9;
	_ =	strace $0x80000048  }
0xb2: {  	_ =	swait.ge [sflag:s26], $0x1  }
0xb3: {  	[sflag:s26] =	ssyncadd.s32 $0xFFFFFFFF  }
0xb4: {  	_ =	strace $0x90000048  }
0xb5: {  	_ =	sfence  }
0xb6: {  	s28 =	sld [smem:$0x0];
	_ =	sdelay $0x1  }
0xb7: {  	s29 =	srdreg.scid  }
0xb8: {  	s30 =	sshll.u32 s29, $0xD;
	s31 =	sshrl.u32 s29, $0x2  }
0xb9: {  	s2 =	sand.u32 $0x4000, s30;
	s1 =	sand.u32 $0x1, s29;
	s0 =	sadd.s32 s31, s28  }
0xba: {  	s1 =	sor.u32 s2, s1;
	s0 =	sshll.u32 s0, $0x11  }
0xbb: {  	s0 =	sor.u32 s0, s1  }
0xbc: {  	s0 =	sadd.s32 $0x8F2B, s0  }
0xbd: {  	[sflag:s0] =	ssyncadd.remote.s32 $0x1  }
0xbe: {  	_ =	sfence.sel $0xFFFF  }
0xbf: {  	[dreg:$0x0] =	wrdreg $0xFFFFFFFF;
	(pc) =	sbr.abs _section_cstart, $3  }
0xc0: {  	[dreg:$0x1] =	wrdreg $0xFFFFFFFF  }
0xc1: {  	_ =	task.clear_ibuf [dreg:s5], $0x2FFFF;
	_ =	strace $0x9FFFFFFF  }
0xc2: {  	(tm) =	ssettm $0x7FFFFFFF  }
0xc3: {  	_ =	shalt  }
tec
execute0_lowered:
.L_overlay_start_1:
0x0: {  	(tag) =	ssettag $0x1  }
0x1: {  	s0 =	rddreg [dreg:$0x0]  }
0x2: {  	s23 =	rddreg [dreg:$0x1]  }
0x3: {  	s11 =	rddreg [dreg:$0x2]  }
0x4: {  	s2 =	rddreg [dreg:$0x3];
	s1 =	simm.s32 $0x0  }
0x5: {  	[smem:$0x7FF] =	sst s1;
	s12 =	sadd.s32 $0x1200, s0  }
0x6: {  	s5 =	stileid.u32;
	s10 =	sadd.s32 $0x165C00, s0;
	s3 =	sadd.s32 $0x160C00, s0  }
0x7: {  	v0 =	vimm.f32 $0.0e+00;
	s0 =	simm.s32 $0x0;
	s1 =	simm.s32 $0x200;
	_ =	strace $0x80000047  }
.LBB2_1:
0x8: {  	p0 =	sne.s32 s1, $0xBE00;
	[tilespmem:s0+$0x370] =	vst v0  }
0x9: {  	[tilespmem:s0+$0x300] =	vst v0  }
0xa: {  	[tilespmem:s0+$0x310] =	vst v0  }
.Ltmp0:
0xb: {  	[tilespmem:s0+$0x320] =	vst v0;
	(pc) =	sbr.rel @p0 .LBB2_1-.Ltmp0, $4  }
0xc: {  	[tilespmem:s0+$0x330] =	vst v0  }
0xd: {  	[tilespmem:s0+$0x340] =	vst v0  }
0xe: {  	[tilespmem:s0+$0x350] =	vst v0  }
0xf: {  	[tilespmem:s0+$0x360] =	vst v0;
	s0 =	sshra.s32 s1, $0x2;
	s1 =	sadd.s32 $0x200, s1  }
0x10: {  	[tilespmem:s0+$0x370] =	vst v0  }
0x11: {  	[tilespmem:s0+$0x300] =	vst v0  }
0x12: {  	[tilespmem:s0+$0x310] =	vst v0  }
0x13: {  	[tilespmem:s0+$0x320] =	vst v0  }
0x14: {  	[tilespmem:s0+$0x330] =	vst v0  }
0x15: {  	[tilespmem:s0+$0x340] =	vst v0  }
0x16: {  	[tilespmem:s0+$0x350] =	vst v0  }
0x17: {  	[tilespmem:s0+$0x360] =	vst v0;
	v0 =	vimm.f32 $0.0e+00;
	s0 =	simm.s32 $0x40;
	s1 =	simm.s32 $0x0  }
.LBB2_3:
0x18: {  	p0 =	sne.s32 s0, $0x17C0;
	[tilespmem:s1+$0x6300] =	vst v0;
	s1 =	smov.u32 s0;
	s0 =	sadd.s32 $0x40, s0  }
.Ltmp1:
0x19: {  	(pc) =	sbr.rel @p0 .LBB2_3-.Ltmp1, $2  }
0x1a: {  	_ =	sdelay $0x2  }
0x1b: {  	s1 =	sshra.s32 s1, $0x2  }
0x1c: {  	s18 =	smul.u32 $0x13C00, s5  }
0x1d: {  	s26 =	smul.u32 $0x278, s5  }
0x1e: {  	[tilespmem:s1+$0x6300] =	vst v0;
	s21 =	simm.s32 $0x300;
	s22 =	simm.s32 $0x5;
	s20 =	sadd.s32 s18, s11  }
0x1f: {  	[spmem:s20] =	stream.linear.scatter [tilespmem:s21], [sflag:$0x5], $0x3000, $0x38;
	[tilespmem:$0x1CC80] =	vst v63  }
0x20: {  	s0 =	sadd.s32 $0x60, s26;
	_ =	swait.ge [sflag:s22], $0x3000  }
0x21: {  	[dreg:$0xa] =	wrdreg s0;
	s0 =	sshll.u32 s0, $0x7;
	[sflag:s22] =	ssyncset.done $0x0  }
0x22: {  	s19 =	sadd.s32 s0, s11;
	[sflag:s22] =	ssyncadd.s32 $0xFFFFD000  }
0x23: {  	[spmem:s19] =	stream.linear.scatter [tilespmem:s21], [sflag:$0x5], $0x3000, $0x38;
	[tilespmem:$0x1CC80] =	vst v63  }
0x24: {  	s6 =	sadd.s32 $0xC0, s26;
	_ =	swait.ge [sflag:s22], $0x3000  }
0x25: {  	s0 =	sshll.u32 s6, $0x7;
	[sflag:s22] =	ssyncset.done $0x0  }
0x26: {  	s17 =	sadd.s32 s0, s11;
	[dreg:$0x9] =	wrdreg s6;
	[sflag:s22] =	ssyncadd.s32 $0xFFFFD000  }
0x27: {  	[spmem:s17] =	stream.linear.scatter [tilespmem:s21], [sflag:$0x5], $0x3000, $0x38;
	[tilespmem:$0x1CC80] =	vst v63  }
0x28: {  	s7 =	sadd.s32 $0x120, s26;
	_ =	swait.ge [sflag:s22], $0x3000  }
0x29: {  	s8 =	sadd.s32 $0x180, s26;
	s0 =	sshll.u32 s7, $0x7;
	[sflag:s22] =	ssyncset.done $0x0  }
0x2a: {  	s16 =	sadd.s32 s0, s11;
	[dreg:$0x8] =	wrdreg s7;
	[sflag:s22] =	ssyncadd.s32 $0xFFFFD000  }
0x2b: {  	[spmem:s16] =	stream.linear.scatter [tilespmem:s21], [sflag:$0x5], $0x3000, $0x38;
	[tilespmem:$0x1CC80] =	vst v63  }
0x2c: {  	s0 =	sshll.u32 s8, $0x7;
	_ =	swait.ge [sflag:s22], $0x3000  }
0x2d: {  	s0 =	sadd.s32 s0, s11;
	[dreg:$0x7] =	wrdreg s8;
	[sflag:s22] =	ssyncset.done $0x0  }
0x2e: {  	s9 =	sadd.s32 $0x1E0, s26;
	[dreg:$0xd] =	wrdreg s0;
	[sflag:s22] =	ssyncadd.s32 $0xFFFFD000  }
0x2f: {  	[spmem:s0] =	stream.linear.scatter [tilespmem:s21], [sflag:$0x5], $0x3000, $0x38;
	[tilespmem:$0x1CC80] =	vst v63  }
0x30: {  	s0 =	sshll.u32 s9, $0x7;
	_ =	swait.ge [sflag:s22], $0x3000  }
0x31: {  	[dreg:$0x6] =	wrdreg s9;
	s0 =	sadd.s32 s0, s11;
	[sflag:s22] =	ssyncset.done $0x0  }
0x32: {  	s13 =	sadd.s32 $0x240, s26;
	[dreg:$0xc] =	wrdreg s0;
	[sflag:s22] =	ssyncadd.s32 $0xFFFFD000  }
0x33: {  	[spmem:s0] =	stream.linear.scatter [tilespmem:s21], [sflag:$0x5], $0x3000, $0x38;
	[tilespmem:$0x1CC80] =	vst v63  }
0x34: {  	s0 =	sshll.u32 s13, $0x7;
	_ =	swait.ge [sflag:s22], $0x3000  }
0x35: {  	[dreg:$0x5] =	wrdreg s13;
	s0 =	sadd.s32 s0, s11;
	[sflag:s22] =	ssyncset.done $0x0  }
0x36: {  	[dreg:$0xb] =	wrdreg s0;
	[sflag:s22] =	ssyncadd.s32 $0xFFFFD000  }
0x37: {  	[spmem:s0] =	stream.linear.scatter [tilespmem:s21], [sflag:$0x5], $0x1C00, $0x38;
	[tilespmem:$0x1CC80] =	vst v63  }
0x38: {  	_ =	swait.ge [sflag:s22], $0x1C00  }
0x39: {  	v38 =	vlaneseq.u32;
	[sflag:s22] =	ssyncset.done $0x0  }
0x3a: {  	v1 =	vor.u32 $0x10, v38;
	v0 =	vadd.s32 s26, v38;
	[sflag:s22] =	ssyncadd.s32 $0xFFFFE400  }
0x3b: {  	v2 =	vor.u32 $0x20, v38;
	v1 =	vadd.s32 s26, v1;
	[tilespmem:$0x0] =	vst v0  }
0x3c: {  	v3 =	vor.u32 $0x30, v38;
	v2 =	vadd.s32 s26, v2;
	[tilespmem:$0x10] =	vst v1  }
0x3d: {  	v4 =	vadd.s32 s26, v3;
	v3 =	vor.u32 $0x40, v38;
	[tilespmem:$0x20] =	vst v2  }
0x3e: {  	v6 =	vadd.s32 s26, v3;
	v3 =	vor.u32 $0x50, v38;
	[tilespmem:$0x30] =	vst v4  }
0x3f: {  	v8 =	vadd.s32 s26, v3;
	[tilespmem:$0x40] =	vst v6  }
0x40: {  	s25 =	simm.s32 $0x60;
	s24 =	simm.s32 $0x0;
	s28 =	simm.s32 $0x6300;
	[tilespmem:$0x50] =	vst v8  }
0x41: {  	[spmem:s2] =	stream.indirect.scatter [tilespmem:s28], [sflag:$0x5], $0x10, s24, s25, $0xb8;
	[tilespmem:$0x1CC80] =	vst v63  }
0x42: {  	_ =	swait.ge [sflag:s22], $0x600  }
0x43: {  	v3 =	vor.u32 $0x60, v38;
	[sflag:s22] =	ssyncset.done $0x0  }
0x44: {  	v5 =	vor.u32 $0x70, v38;
	v3 =	vadd.s32 s26, v3;
	[sflag:s22] =	ssyncadd.s32 $0xFFFFFA00  }
0x45: {  	v7 =	vor.u32 $0x80, v38;
	v5 =	vadd.s32 s26, v5;
	[tilespmem:$0x0] =	vst v3  }
0x46: {  	v9 =	vor.u32 $0x90, v38;
	v7 =	vadd.s32 s26, v7;
	[tilespmem:$0x10] =	vst v5  }
0x47: {  	v10 =	vor.u32 $0xA0, v38;
	v9 =	vadd.s32 s26, v9;
	[tilespmem:$0x20] =	vst v7  }
0x48: {  	v11 =	vadd.s32 s26, v10;
	v10 =	vor.u32 $0xB0, v38;
	[tilespmem:$0x30] =	vst v9  }
0x49: {  	v13 =	vadd.s32 s26, v10;
	[tilespmem:$0x40] =	vst v11  }
0x4a: {  	[tilespmem:$0x50] =	vst v13  }
0x4b: {  	[spmem:s2] =	stream.indirect.scatter [tilespmem:s28], [sflag:$0x5], $0x10, s24, s25, $0xb8;
	[tilespmem:$0x1CC80] =	vst v63  }
0x4c: {  	_ =	swait.ge [sflag:s22], $0x600  }
0x4d: {  	v10 =	vor.u32 $0xC0, v38;
	[sflag:s22] =	ssyncset.done $0x0  }
0x4e: {  	v12 =	vor.u32 $0xD0, v38;
	v10 =	vadd.s32 s26, v10;
	[sflag:s22] =	ssyncadd.s32 $0xFFFFFA00  }
0x4f: {  	v14 =	vor.u32 $0xE0, v38;
	v12 =	vadd.s32 s26, v12;
	[tilespmem:$0x0] =	vst v10  }
0x50: {  	v15 =	vor.u32 $0xF0, v38;
	v14 =	vadd.s32 s26, v14;
	[tilespmem:$0x10] =	vst v12  }
0x51: {  	v16 =	vor.u32 $0x100, v38;
	v15 =	vadd.s32 s26, v15;
	[tilespmem:$0x20] =	vst v14  }
0x52: {  	v17 =	vadd.s32 s26, v16;
	v16 =	vor.u32 $0x110, v38;
	[tilespmem:$0x30] =	vst v15  }
0x53: {  	v19 =	vadd.s32 s26, v16;
	[tilespmem:$0x40] =	vst v17  }
0x54: {  	[tilespmem:$0x50] =	vst v19  }
0x55: {  	[spmem:s2] =	stream.indirect.scatter [tilespmem:s28], [sflag:$0x5], $0x10, s24, s25, $0xb8;
	[tilespmem:$0x1CC80] =	vst v63  }
0x56: {  	_ =	swait.ge [sflag:s22], $0x600  }
0x57: {  	v16 =	vor.u32 $0x120, v38;
	[sflag:s22] =	ssyncset.done $0x0  }
0x58: {  	v18 =	vor.u32 $0x130, v38;
	v16 =	vadd.s32 s26, v16;
	[sflag:s22] =	ssyncadd.s32 $0xFFFFFA00  }
0x59: {  	v20 =	vor.u32 $0x140, v38;
	v18 =	vadd.s32 s26, v18;
	[tilespmem:$0x0] =	vst v16  }
0x5a: {  	v21 =	vor.u32 $0x150, v38;
	v20 =	vadd.s32 s26, v20;
	[tilespmem:$0x10] =	vst v18  }
0x5b: {  	v22 =	vor.u32 $0x160, v38;
	v21 =	vadd.s32 s26, v21;
	[tilespmem:$0x20] =	vst v20  }
0x5c: {  	v23 =	vadd.s32 s26, v22;
	v22 =	vor.u32 $0x170, v38;
	[tilespmem:$0x30] =	vst v21  }
0x5d: {  	v25 =	vadd.s32 s26, v22;
	[tilespmem:$0x40] =	vst v23  }
0x5e: {  	[tilespmem:$0x50] =	vst v25  }
0x5f: {  	[spmem:s2] =	stream.indirect.scatter [tilespmem:s28], [sflag:$0x5], $0x10, s24, s25, $0xb8;
	[tilespmem:$0x1CC80] =	vst v63  }
0x60: {  	_ =	swait.ge [sflag:s22], $0x600  }
0x61: {  	v22 =	vor.u32 $0x180, v38;
	[sflag:s22] =	ssyncset.done $0x0  }
0x62: {  	v24 =	vor.u32 $0x190, v38;
	v22 =	vadd.s32 s26, v22;
	[sflag:s22] =	ssyncadd.s32 $0xFFFFFA00  }
0x63: {  	v26 =	vor.u32 $0x1A0, v38;
	v24 =	vadd.s32 s26, v24;
	[tilespmem:$0x0] =	vst v22  }
0x64: {  	v27 =	vor.u32 $0x1B0, v38;
	v26 =	vadd.s32 s26, v26;
	[tilespmem:$0x10] =	vst v24  }
0x65: {  	v28 =	vor.u32 $0x1C0, v38;
	v27 =	vadd.s32 s26, v27;
	[tilespmem:$0x20] =	vst v26  }
0x66: {  	v29 =	vadd.s32 s26, v28;
	v28 =	vor.u32 $0x1D0, v38;
	[tilespmem:$0x30] =	vst v27  }
0x67: {  	v31 =	vadd.s32 s26, v28;
	[tilespmem:$0x40] =	vst v29  }
0x68: {  	[tilespmem:$0x50] =	vst v31  }
0x69: {  	[spmem:s2] =	stream.indirect.scatter [tilespmem:s28], [sflag:$0x5], $0x10, s24, s25, $0xb8;
	[tilespmem:$0x1CC80] =	vst v63  }
0x6a: {  	_ =	swait.ge [sflag:s22], $0x600  }
0x6b: {  	v28 =	vor.u32 $0x1E0, v38;
	[sflag:s22] =	ssyncset.done $0x0  }
0x6c: {  	v30 =	vor.u32 $0x1F0, v38;
	v28 =	vadd.s32 s26, v28;
	[sflag:s22] =	ssyncadd.s32 $0xFFFFFA00  }
0x6d: {  	v32 =	vor.u32 $0x200, v38;
	v30 =	vadd.s32 s26, v30;
	[tilespmem:$0x0] =	vst v28  }
0x6e: {  	v33 =	vor.u32 $0x210, v38;
	v32 =	vadd.s32 s26, v32;
	[tilespmem:$0x10] =	vst v30  }
0x6f: {  	v34 =	vor.u32 $0x220, v38;
	v33 =	vadd.s32 s26, v33;
	[tilespmem:$0x20] =	vst v32  }
0x70: {  	v35 =	vor.u32 $0x230, v38;
	v34 =	vadd.s32 s26, v34;
	[tilespmem:$0x30] =	vst v33  }
0x71: {  	vm0 =	vcmask $0x300;
	v36 =	vimm.s32 $0x277;
	v35 =	vadd.s32 s26, v35;
	[tilespmem:$0x40] =	vst v34  }
0x72: {  	vm10 =	vcmask $0x704;
	v36 =	vsel vm0, $0x270, v36;
	[tilespmem:$0x50] =	vst v35  }
0x73: {  	vm11 =	vcmask $0xB08;
	vm12 =	vcmask $0xF0C;
	v39 =	vsel vm10, $0x271, v36;
	[spmem:s2] =	stream.indirect.scatter [tilespmem:s28], [sflag:$0x5], $0x10, s24, s25, $0xb8;
	[tilespmem:$0x1CC80] =	vst v63  }
0x74: {  	vm13 =	vcmask $0x1310;
	vm14 =	vcmask $0x1714;
	v60 =	vsel vm11, $0x272, v39;
	_ =	swait.ge [sflag:s22], $0x600  }
0x75: {  	vm15 =	vcmask $0x1B18;
	v37 =	vor.u32 $0x240, v38;
	v40 =	vsel vm12, $0x273, v60;
	[sflag:s22] =	ssyncset.done $0x0  }
0x76: {  	v61 =	vor.u32 $0x250, v38;
	v36 =	vadd.s32 s26, v37;
	v62 =	vsel vm13, $0x274, v40;
	[sflag:s22] =	ssyncadd.s32 $0xFFFFFA00  }
0x77: {  	v37 =	vadd.s32 s26, v61;
	v38 =	vor.u32 $0x260, v38;
	v39 =	vsel vm14, $0x275, v62;
	[tilespmem:$0x0] =	vst v36  }
0x78: {  	v38 =	vadd.s32 s26, v38;
	v39 =	vsel vm15, $0x276, v39;
	[tilespmem:$0x10] =	vst v37  }
0x79: {  	v63 =	vmov s26;
	v39 =	vadd.s32 s26, v39;
	[tilespmem:$0x20] =	vst v38  }
0x7a: {  	v40 =	vadd.s32 $0x277, v63;
	[tilespmem:$0x30] =	vst v39  }
0x7b: {  	[tilespmem:$0x40] =	vst v40  }
0x7c: {  	[tilespmem:$0x50] =	vst v40  }
0x7d: {  	[spmem:s2] =	stream.indirect.scatter [tilespmem:s28], [sflag:$0x5], $0x10, s24, s25, $0xb8;
	[tilespmem:$0x1CC80] =	vst v63  }
0x7e: {  	s14 =	smul.u32 $0xA200, s5;
	_ =	swait.ge [sflag:s22], $0x600  }
0x7f: {  	[sflag:s22] =	ssyncset.done $0x0  }
0x80: {  	s0 =	sshrl.u32 s14, $0x3;
	[sflag:s22] =	ssyncadd.s32 $0xFFFFFA00  }
0x81: {  	s26 =	sadd.s32 s23, s0;
	[bflag:$0x0] =	sbarrier.arrive $0xFFFF  }
0x82: {  	[tilespmem:s24], [sflag:$0x3] =	stream.linear.gather [hbm4b:s26+s24], $0x180, $0x38;
	[tilespmem:$0x1CC80] =	vst v63  }
0x83: {  	s29 =	simm.s32 $0x180;
	s30 =	simm.s32 $0x3;
	s28 =	sadd.s32 $0x30, s26  }
0x84: {  	[tilespmem:s29], [sflag:$0x4] =	stream.linear.gather [hbm4b:s28+s24], $0x180, $0x38;
	[tilespmem:$0x1CC80] =	vst v63  }
0x85: {  	_ =	swait.ge [sflag:s30], $0x180  }
0x86: {  	[sflag:s30] =	ssyncset.done $0x0  }
0x87: {  	[sflag:s30] =	ssyncadd.s32 $0xFFFFFE80  }
0x88: {  	[tilespmem:s21], [sflag:$0x1] =	stream.indirect.gather [hbm4b:s12+s25], $0x80, s24, s25, $0xb8;
	[tilespmem:$0x1CC80] =	vst v63  }
0x89: {  	s31 =	simm.s32 $0xC0;
	s1 =	simm.s32 $0x1;
	s0 =	simm.s32 $0x3300  }
0x8a: {  	[tilespmem:s0], [sflag:$0x2] =	stream.indirect.gather [hbm4b:s12+s25], $0x80, s31, s25, $0xb8;
	[tilespmem:$0x1CC80] =	vst v63  }
0x8b: {  	_ =	swait.ge [sflag:s1], $0x3000  }
0x8c: {  	[sflag:s1] =	ssyncset.done $0x0  }
0x8d: {  	[sflag:s1] =	ssyncadd.s32 $0xFFFFD000  }
0x8e: {  	[spmem:s11] =	stream.indirect.scatter.add.f32 [tilespmem:s21], [sflag:$0x5], $0x80, s25, s25, $0xb8;
	[tilespmem:$0x1CC80] =	vst v63  }
0x8f: {  	_ =	swait.ge [sflag:s22], $0x3000  }
0x90: {  	[sflag:s22] =	ssyncset.done $0x0  }
0x91: {  	s4 =	simm.s32 $0x2;
	[sflag:s22] =	ssyncadd.s32 $0xFFFFD000  }
0x92: {  	_ =	swait.ge [sflag:s4], $0x3000  }
0x93: {  	[sflag:s4] =	ssyncset.done $0x0  }
0x94: {  	s6 =	smul.u32 $0x1440, s5;
	s5 =	simm.s32 $0x120;
	[sflag:s4] =	ssyncadd.s32 $0xFFFFD000  }
0x95: {  	[spmem:s11] =	stream.indirect.scatter.add.f32 [tilespmem:s0], [sflag:$0x5], $0x80, s5, s25, $0xb8;
	[tilespmem:$0x1CC80] =	vst v63  }
0x96: {  	s23 =	sadd.s32 s6, s23;
	_ =	swait.ge [sflag:s22], $0x3000  }
0x97: {  	s13 =	sadd.s32 $0xFFFFEC20, s23;
	[sflag:s22] =	ssyncset.done $0x0  }
0x98: {  	s6 =	simm.s32 $0x4;
	s15 =	sadd.s32 $0x1440, s13;
	[sflag:s22] =	ssyncadd.s32 $0xFFFFD000  }
0x99: {  	[tilespmem:s24], [sflag:$0x3] =	stream.linear.gather [hbm4b:s15+s24], $0x180, $0x38;
	[tilespmem:$0x1CC80] =	vst v63  }
0x9a: {  	_ =	swait.ge [sflag:s6], $0x180  }
0x9b: {  	[sflag:s6] =	ssyncset.done $0x0  }
0x9c: {  	[sflag:s6] =	ssyncadd.s32 $0xFFFFFE80  }
0x9d: {  	[tilespmem:s21], [sflag:$0x1] =	stream.indirect.gather [hbm4b:s12+s25], $0x80, s29, s25, $0xb8;
	[tilespmem:$0x1CC80] =	vst v63  }
0x9e: {  	s7 =	simm.s32 $0x240  }
0x9f: {  	[tilespmem:s0], [sflag:$0x2] =	stream.indirect.gather [hbm4b:s12+s25], $0x80, s7, s25, $0xb8;
	[tilespmem:$0x1CC80] =	vst v63  }
0xa0: {  	_ =	swait.ge [sflag:s1], $0x3000  }
0xa1: {  	[sflag:s1] =	ssyncset.done $0x0  }
0xa2: {  	s8 =	simm.s32 $0x1E0;
	[sflag:s1] =	ssyncadd.s32 $0xFFFFD000  }
0xa3: {  	[spmem:s11] =	stream.indirect.scatter.add.f32 [tilespmem:s21], [sflag:$0x5], $0x80, s8, s25, $0xb8;
	[tilespmem:$0x1CC80] =	vst v63  }
0xa4: {  	_ =	swait.ge [sflag:s22], $0x3000  }
0xa5: {  	[sflag:s22] =	ssyncset.done $0x0  }
0xa6: {  	[sflag:s22] =	ssyncadd.s32 $0xFFFFD000  }
0xa7: {  	_ =	swait.ge [sflag:s4], $0x3000  }
0xa8: {  	[sflag:s4] =	ssyncset.done $0x0  }
0xa9: {  	s9 =	simm.s32 $0x2A0;
	[sflag:s4] =	ssyncadd.s32 $0xFFFFD000  }
0xaa: {  	[spmem:s11] =	stream.indirect.scatter.add.f32 [tilespmem:s0], [sflag:$0x5], $0x80, s9, s25, $0xb8;
	[tilespmem:$0x1CC80] =	vst v63  }
0xab: {  	_ =	swait.ge [sflag:s22], $0x3000  }
0xac: {  	[sflag:s22] =	ssyncset.done $0x0  }
0xad: {  	s14 =	sadd.s32 $0x1470, s13;
	s13 =	simm.s32 $0xFFFFEC80;
	[sflag:s22] =	ssyncadd.s32 $0xFFFFD000  }
.LBB2_5:
0xae: {  	[tilespmem:s29], [sflag:$0x4] =	stream.linear.gather [hbm4b:s14+s24], $0x180, $0x38;
	[tilespmem:$0x1CC80] =	vst v63  }
0xaf: {  	s14 =	smov.u32 s13  }
0xb0: {  	p0 =	sne.s32 s13, $0xFFFFFFA0;
	s13 =	sadd.s32 $0x60, s13;
	_ =	swait.ge [sflag:s30], $0x180  }
0xb1: {  	[sflag:s30] =	ssyncset.done $0x0  }
0xb2: {  	[sflag:s30] =	ssyncadd.s32 $0xFFFFFE80  }
0xb3: {  	[tilespmem:s21], [sflag:$0x1] =	stream.indirect.gather [hbm4b:s12+s25], $0x80, s24, s25, $0xb8;
	[tilespmem:$0x1CC80] =	vst v63  }
0xb4: {  	_ = 	snop  }
0xb5: {  	[tilespmem:s0], [sflag:$0x2] =	stream.indirect.gather [hbm4b:s12+s25], $0x80, s31, s25, $0xb8;
	[tilespmem:$0x1CC80] =	vst v63  }
0xb6: {  	_ =	swait.ge [sflag:s1], $0x3000  }
0xb7: {  	[sflag:s1] =	ssyncset.done $0x0  }
0xb8: {  	[sflag:s1] =	ssyncadd.s32 $0xFFFFD000  }
0xb9: {  	[spmem:s11] =	stream.indirect.scatter.add.f32 [tilespmem:s21], [sflag:$0x5], $0x80, s25, s25, $0xb8;
	[tilespmem:$0x1CC80] =	vst v63  }
0xba: {  	_ =	swait.ge [sflag:s22], $0x3000  }
0xbb: {  	[sflag:s22] =	ssyncset.done $0x0  }
0xbc: {  	[sflag:s22] =	ssyncadd.s32 $0xFFFFD000  }
0xbd: {  	_ =	swait.ge [sflag:s4], $0x3000  }
0xbe: {  	[sflag:s4] =	ssyncset.done $0x0  }
0xbf: {  	[sflag:s4] =	ssyncadd.s32 $0xFFFFD000  }
0xc0: {  	[spmem:s11] =	stream.indirect.scatter.add.f32 [tilespmem:s0], [sflag:$0x5], $0x80, s5, s25, $0xb8;
	[tilespmem:$0x1CC80] =	vst v63  }
0xc1: {  	_ =	swait.ge [sflag:s22], $0x3000  }
0xc2: {  	s14 =	sadd.s32 s14, s23;
	[sflag:s22] =	ssyncset.done $0x0  }
0xc3: {  	s15 =	sadd.s32 $0x1440, s14;
	[sflag:s22] =	ssyncadd.s32 $0xFFFFD000  }
0xc4: {  	[tilespmem:s24], [sflag:$0x3] =	stream.linear.gather [hbm4b:s15+s24], $0x180, $0x38;
	[tilespmem:$0x1CC80] =	vst v63  }
0xc5: {  	_ =	swait.ge [sflag:s6], $0x180  }
0xc6: {  	[sflag:s6] =	ssyncset.done $0x0  }
0xc7: {  	[sflag:s6] =	ssyncadd.s32 $0xFFFFFE80  }
0xc8: {  	[tilespmem:s21], [sflag:$0x1] =	stream.indirect.gather [hbm4b:s12+s25], $0x80, s29, s25, $0xb8;
	[tilespmem:$0x1CC80] =	vst v63  }
0xc9: {  	_ = 	snop  }
0xca: {  	[tilespmem:s0], [sflag:$0x2] =	stream.indirect.gather [hbm4b:s12+s25], $0x80, s7, s25, $0xb8;
	[tilespmem:$0x1CC80] =	vst v63  }
0xcb: {  	_ =	swait.ge [sflag:s1], $0x3000  }
0xcc: {  	[sflag:s1] =	ssyncset.done $0x0  }
0xcd: {  	[sflag:s1] =	ssyncadd.s32 $0xFFFFD000  }
0xce: {  	[spmem:s11] =	stream.indirect.scatter.add.f32 [tilespmem:s21], [sflag:$0x5], $0x80, s8, s25, $0xb8;
	[tilespmem:$0x1CC80] =	vst v63  }
0xcf: {  	_ =	swait.ge [sflag:s22], $0x3000  }
0xd0: {  	[sflag:s22] =	ssyncset.done $0x0  }
0xd1: {  	[sflag:s22] =	ssyncadd.s32 $0xFFFFD000  }
0xd2: {  	_ =	swait.ge [sflag:s4], $0x3000  }
0xd3: {  	[sflag:s4] =	ssyncset.done $0x0  }
.Ltmp2:
0xd4: {  	[sflag:s4] =	ssyncadd.s32 $0xFFFFD000;
	(pc) =	sbr.rel @p0 .LBB2_5-.Ltmp2, $4  }
0xd5: {  	[spmem:s11] =	stream.indirect.scatter.add.f32 [tilespmem:s0], [sflag:$0x5], $0x80, s9, s25, $0xb8;
	[tilespmem:$0x1CC80] =	vst v63  }
0xd6: {  	_ =	swait.ge [sflag:s22], $0x3000  }
0xd7: {  	[sflag:s22] =	ssyncset.done $0x0  }
0xd8: {  	s14 =	sadd.s32 $0x1470, s14;
	[sflag:s22] =	ssyncadd.s32 $0xFFFFD000  }
0xd9: {  	[tilespmem:s29], [sflag:$0x4] =	stream.linear.gather [hbm4b:s14+s24], $0x180, $0x38;
	[tilespmem:$0x1CC80] =	vst v63  }
0xda: {  	s0 =	simm.s32 $0x3  }
0xdb: {  	_ =	swait.ge [sflag:s0], $0x180  }
0xdc: {  	[sflag:s0] =	ssyncset.done $0x0  }
0xdd: {  	s13 =	simm.s32 $0x4;
	[sflag:s0] =	ssyncadd.s32 $0xFFFFFE80  }
0xde: {  	_ =	swait.ge [sflag:s13], $0x180  }
0xdf: {  	[sflag:s13] =	ssyncset.done $0x0  }
0xe0: {  	[sflag:s13] =	ssyncadd.s32 $0xFFFFFE80  }
0xe1: {  	s1 =	simm.s32 $0x300;
	s14 =	simm.s32 $0x5;
	[bflag:$0x0] =	sbarrier.arrive $0xFFFF  }
0xe2: {  	[tilespmem:s1], [sflag:$0x5] =	stream.linear.gather [spmem:s20], $0x3000, $0x38;
	[tilespmem:$0x1CC80] =	vst v63  }
0xe3: {  	_ =	swait.ge [sflag:s14], $0x3000  }
0xe4: {  	s4 =	sshrl.u32 s18, $0x3;
	[sflag:s14] =	ssyncset.done $0x0  }
0xe5: {  	s5 =	simm.s32 $0x0;
	s4 =	sadd.s32 s10, s4;
	[sflag:s14] =	ssyncadd.s32 $0xFFFFD000  }
0xe6: {  	[hbm4b:s4+s5] =	stream.linear.scatter [tilespmem:s1], [sflag:$0x5], $0x3000, $0x38;
	[tilespmem:$0x1CC80] =	vst v63  }
0xe7: {  	_ =	swait.ge [sflag:s14], $0x3000  }
0xe8: {  	[sflag:s14] =	ssyncset.done $0x0  }
0xe9: {  	[sflag:s14] =	ssyncadd.s32 $0xFFFFD000  }
0xea: {  	[tilespmem:s1], [sflag:$0x5] =	stream.linear.gather [spmem:s19], $0x3000, $0x38;
	[tilespmem:$0x1CC80] =	vst v63  }
0xeb: {  	_ =	swait.ge [sflag:s14], $0x3000  }
0xec: {  	s20 =	rddreg [dreg:$0xa]  }
0xed: {  	[sflag:s14] =	ssyncset.done $0x0;
	s15 =	sshll.u32 s20, $0x4  }
0xee: {  	[sflag:s14] =	ssyncadd.s32 $0xFFFFD000;
	s4 =	sadd.s32 s10, s15  }
0xef: {  	[hbm4b:s4+s5] =	stream.linear.scatter [tilespmem:s1], [sflag:$0x5], $0x3000, $0x38;
	[tilespmem:$0x1CC80] =	vst v63  }
0xf0: {  	_ =	swait.ge [sflag:s14], $0x3000  }
0xf1: {  	[sflag:s14] =	ssyncset.done $0x0  }
0xf2: {  	[sflag:s14] =	ssyncadd.s32 $0xFFFFD000  }
0xf3: {  	[tilespmem:s1], [sflag:$0x5] =	stream.linear.gather [spmem:s17], $0x3000, $0x38;
	[tilespmem:$0x1CC80] =	vst v63  }
0xf4: {  	_ =	swait.ge [sflag:s14], $0x3000  }
0xf5: {  	s19 =	rddreg [dreg:$0x9]  }
0xf6: {  	[sflag:s14] =	ssyncset.done $0x0;
	s18 =	sshll.u32 s19, $0x4  }
0xf7: {  	[sflag:s14] =	ssyncadd.s32 $0xFFFFD000;
	s4 =	sadd.s32 s10, s18  }
0xf8: {  	[hbm4b:s4+s5] =	stream.linear.scatter [tilespmem:s1], [sflag:$0x5], $0x3000, $0x38;
	[tilespmem:$0x1CC80] =	vst v63  }
0xf9: {  	_ =	swait.ge [sflag:s14], $0x3000  }
0xfa: {  	[sflag:s14] =	ssyncset.done $0x0  }
0xfb: {  	[sflag:s14] =	ssyncadd.s32 $0xFFFFD000  }
0xfc: {  	[tilespmem:s1], [sflag:$0x5] =	stream.linear.gather [spmem:s16], $0x3000, $0x38;
	[tilespmem:$0x1CC80] =	vst v63  }
0xfd: {  	_ =	swait.ge [sflag:s14], $0x3000  }
0xfe: {  	s18 =	rddreg [dreg:$0x8]  }
0xff: {  	[sflag:s14] =	ssyncset.done $0x0;
	s21 =	sshll.u32 s18, $0x4  }
0x100: {  	[sflag:s14] =	ssyncadd.s32 $0xFFFFD000;
	s4 =	sadd.s32 s10, s21  }
0x101: {  	[hbm4b:s4+s5] =	stream.linear.scatter [tilespmem:s1], [sflag:$0x5], $0x3000, $0x38;
	[tilespmem:$0x1CC80] =	vst v63  }
0x102: {  	_ =	swait.ge [sflag:s14], $0x3000  }
0x103: {  	[sflag:s14] =	ssyncset.done $0x0  }
0x104: {  	s22 =	rddreg [dreg:$0xd];
	[sflag:s14] =	ssyncadd.s32 $0xFFFFD000  }
0x105: {  	[tilespmem:s1], [sflag:$0x5] =	stream.linear.gather [spmem:s22], $0x3000, $0x38;
	[tilespmem:$0x1CC80] =	vst v63  }
0x106: {  	_ =	swait.ge [sflag:s14], $0x3000  }
0x107: {  	s17 =	rddreg [dreg:$0x7]  }
0x108: {  	[sflag:s14] =	ssyncset.done $0x0;
	s24 =	sshll.u32 s17, $0x4  }
0x109: {  	[sflag:s14] =	ssyncadd.s32 $0xFFFFD000;
	s4 =	sadd.s32 s10, s24  }
0x10a: {  	[hbm4b:s4+s5] =	stream.linear.scatter [tilespmem:s1], [sflag:$0x5], $0x3000, $0x38;
	[tilespmem:$0x1CC80] =	vst v63  }
0x10b: {  	_ =	swait.ge [sflag:s14], $0x3000  }
0x10c: {  	[sflag:s14] =	ssyncset.done $0x0  }
0x10d: {  	s25 =	rddreg [dreg:$0xc];
	[sflag:s14] =	ssyncadd.s32 $0xFFFFD000  }
0x10e: {  	[tilespmem:s1], [sflag:$0x5] =	stream.linear.gather [spmem:s25], $0x3000, $0x38;
	[tilespmem:$0x1CC80] =	vst v63  }
0x10f: {  	_ =	swait.ge [sflag:s14], $0x3000  }
0x110: {  	s16 =	rddreg [dreg:$0x6]  }
0x111: {  	[sflag:s14] =	ssyncset.done $0x0;
	s29 =	sshll.u32 s16, $0x4  }
0x112: {  	[sflag:s14] =	ssyncadd.s32 $0xFFFFD000;
	s4 =	sadd.s32 s10, s29  }
0x113: {  	[hbm4b:s4+s5] =	stream.linear.scatter [tilespmem:s1], [sflag:$0x5], $0x3000, $0x38;
	[tilespmem:$0x1CC80] =	vst v63  }
0x114: {  	_ =	swait.ge [sflag:s14], $0x3000  }
0x115: {  	[sflag:s14] =	ssyncset.done $0x0  }
0x116: {  	s30 =	rddreg [dreg:$0xb];
	[sflag:s14] =	ssyncadd.s32 $0xFFFFD000  }
0x117: {  	[tilespmem:s1], [sflag:$0x5] =	stream.linear.gather [spmem:s30], $0x1C00, $0x38;
	[tilespmem:$0x1CC80] =	vst v63  }
0x118: {  	_ =	swait.ge [sflag:s14], $0x1C00  }
0x119: {  	s15 =	rddreg [dreg:$0x5]  }
0x11a: {  	[sflag:s14] =	ssyncset.done $0x0;
	s31 =	sshll.u32 s15, $0x4  }
0x11b: {  	[sflag:s14] =	ssyncadd.s32 $0xFFFFE400;
	s4 =	sadd.s32 s10, s31  }
0x11c: {  	[hbm4b:s4+s5] =	stream.linear.scatter [tilespmem:s1], [sflag:$0x5], $0x1C00, $0x38;
	[tilespmem:$0x1CC80] =	vst v63  }
0x11d: {  	_ =	swait.ge [sflag:s14], $0x1C00  }
0x11e: {  	[sflag:s14] =	ssyncset.done $0x0  }
0x11f: {  	[sflag:s14] =	ssyncadd.s32 $0xFFFFE400  }
0x120: {  	v41 =	vimm.f32 $1.000000000e+00;
	s0 =	simm.s32 $0x40;
	s1 =	simm.s32 $0x0;
	[bflag:$0x0] =	sbarrier.arrive $0xFFFF  }
.LBB2_7:
0x121: {  	p0 =	sne.s32 s0, $0x17C0;
	[tilespmem:s1+$0x6300] =	vst v41;
	s1 =	smov.u32 s0;
	s0 =	sadd.s32 $0x40, s0  }
.Ltmp3:
0x122: {  	(pc) =	sbr.rel @p0 .LBB2_7-.Ltmp3, $2  }
0x123: {  	_ =	sdelay $0x2  }
0x124: {  	s1 =	sshra.s32 s1, $0x2  }
0x125: {  	[tilespmem:s1+$0x6300] =	vst v41  }
0x126: {  	s0 =	simm.s32 $0x0;
	[bflag:$0x0] =	sbarrier.arrive $0xFFFF  }
0x127: {  	[tilespmem:s0], [sflag:$0x3] =	stream.linear.gather [hbm4b:s26+s0], $0x180, $0x38;
	[tilespmem:$0x1CC80] =	vst v63  }
0x128: {  	s1 =	simm.s32 $0x180;
	s4 =	simm.s32 $0x3  }
0x129: {  	[tilespmem:s1], [sflag:$0x4] =	stream.linear.gather [hbm4b:s28+s0], $0x180, $0x38;
	[tilespmem:$0x1CC80] =	vst v63  }
0x12a: {  	_ =	swait.ge [sflag:s4], $0x180  }
0x12b: {  	s5 =	simm.s32 $0x60;
	[sflag:s4] =	ssyncset.done $0x0  }
0x12c: {  	s6 =	simm.s32 $0x6300;
	s7 =	simm.s32 $0x5;
	[sflag:s4] =	ssyncadd.s32 $0xFFFFFE80  }
0x12d: {  	[spmem:s2] =	stream.indirect.scatter.add.f32 [tilespmem:s6], [sflag:$0x5], $0x10, s5, s5, $0xb8;
	[tilespmem:$0x1CC80] =	vst v63  }
0x12e: {  	_ =	swait.ge [sflag:s7], $0x600  }
0x12f: {  	[sflag:s7] =	ssyncset.done $0x0  }
0x130: {  	s8 =	simm.s32 $0x120;
	[sflag:s7] =	ssyncadd.s32 $0xFFFFFA00  }
0x131: {  	[spmem:s2] =	stream.indirect.scatter.add.f32 [tilespmem:s6], [sflag:$0x5], $0x10, s8, s5, $0xb8;
	[tilespmem:$0x1CC80] =	vst v63  }
0x132: {  	_ =	swait.ge [sflag:s7], $0x600  }
0x133: {  	s13 =	sadd.s32 $0xFFFFEC20, s23;
	[sflag:s7] =	ssyncset.done $0x0  }
0x134: {  	s9 =	simm.s32 $0x4;
	s10 =	sadd.s32 $0x1440, s13;
	[sflag:s7] =	ssyncadd.s32 $0xFFFFFA00  }
0x135: {  	[tilespmem:s0], [sflag:$0x3] =	stream.linear.gather [hbm4b:s10+s0], $0x180, $0x38;
	[tilespmem:$0x1CC80] =	vst v63  }
0x136: {  	_ =	swait.ge [sflag:s9], $0x180  }
0x137: {  	[sflag:s9] =	ssyncset.done $0x0  }
0x138: {  	s10 =	simm.s32 $0x1E0;
	[sflag:s9] =	ssyncadd.s32 $0xFFFFFE80  }
0x139: {  	[spmem:s2] =	stream.indirect.scatter.add.f32 [tilespmem:s6], [sflag:$0x5], $0x10, s10, s5, $0xb8;
	[tilespmem:$0x1CC80] =	vst v63  }
0x13a: {  	_ =	swait.ge [sflag:s7], $0x600  }
0x13b: {  	[sflag:s7] =	ssyncset.done $0x0  }
0x13c: {  	s11 =	simm.s32 $0x2A0;
	[sflag:s7] =	ssyncadd.s32 $0xFFFFFA00  }
0x13d: {  	[spmem:s2] =	stream.indirect.scatter.add.f32 [tilespmem:s6], [sflag:$0x5], $0x10, s11, s5, $0xb8;
	[tilespmem:$0x1CC80] =	vst v63  }
0x13e: {  	_ =	swait.ge [sflag:s7], $0x600  }
0x13f: {  	[sflag:s7] =	ssyncset.done $0x0  }
0x140: {  	s12 =	simm.s32 $0xFFFFEC80;
	s13 =	sadd.s32 $0x1470, s13;
	[sflag:s7] =	ssyncadd.s32 $0xFFFFFA00  }
.LBB2_9:
0x141: {  	[tilespmem:s1], [sflag:$0x4] =	stream.linear.gather [hbm4b:s13+s0], $0x180, $0x38;
	[tilespmem:$0x1CC80] =	vst v63  }
0x142: {  	s13 =	smov.u32 s12  }
0x143: {  	p0 =	sne.s32 s12, $0xFFFFFFA0;
	s12 =	sadd.s32 $0x60, s12;
	_ =	swait.ge [sflag:s4], $0x180  }
0x144: {  	[sflag:s4] =	ssyncset.done $0x0  }
0x145: {  	[sflag:s4] =	ssyncadd.s32 $0xFFFFFE80  }
0x146: {  	[spmem:s2] =	stream.indirect.scatter.add.f32 [tilespmem:s6], [sflag:$0x5], $0x10, s5, s5, $0xb8;
	[tilespmem:$0x1CC80] =	vst v63  }
0x147: {  	_ =	swait.ge [sflag:s7], $0x600  }
0x148: {  	[sflag:s7] =	ssyncset.done $0x0  }
0x149: {  	[sflag:s7] =	ssyncadd.s32 $0xFFFFFA00  }
0x14a: {  	[spmem:s2] =	stream.indirect.scatter.add.f32 [tilespmem:s6], [sflag:$0x5], $0x10, s8, s5, $0xb8;
	[tilespmem:$0x1CC80] =	vst v63  }
0x14b: {  	_ =	swait.ge [sflag:s7], $0x600  }
0x14c: {  	s13 =	sadd.s32 s13, s23;
	[sflag:s7] =	ssyncset.done $0x0  }
0x14d: {  	s14 =	sadd.s32 $0x1440, s13;
	[sflag:s7] =	ssyncadd.s32 $0xFFFFFA00  }
0x14e: {  	[tilespmem:s0], [sflag:$0x3] =	stream.linear.gather [hbm4b:s14+s0], $0x180, $0x38;
	[tilespmem:$0x1CC80] =	vst v63  }
0x14f: {  	_ =	swait.ge [sflag:s9], $0x180  }
0x150: {  	[sflag:s9] =	ssyncset.done $0x0  }
0x151: {  	[sflag:s9] =	ssyncadd.s32 $0xFFFFFE80  }
0x152: {  	[spmem:s2] =	stream.indirect.scatter.add.f32 [tilespmem:s6], [sflag:$0x5], $0x10, s10, s5, $0xb8;
	[tilespmem:$0x1CC80] =	vst v63  }
0x153: {  	_ =	swait.ge [sflag:s7], $0x600  }
0x154: {  	[sflag:s7] =	ssyncset.done $0x0  }
.Ltmp4:
0x155: {  	[sflag:s7] =	ssyncadd.s32 $0xFFFFFA00;
	(pc) =	sbr.rel @p0 .LBB2_9-.Ltmp4, $4  }
0x156: {  	[spmem:s2] =	stream.indirect.scatter.add.f32 [tilespmem:s6], [sflag:$0x5], $0x10, s11, s5, $0xb8;
	[tilespmem:$0x1CC80] =	vst v63  }
0x157: {  	_ =	swait.ge [sflag:s7], $0x600  }
0x158: {  	[sflag:s7] =	ssyncset.done $0x0  }
0x159: {  	s13 =	sadd.s32 $0x1470, s13;
	[sflag:s7] =	ssyncadd.s32 $0xFFFFFA00  }
0x15a: {  	[tilespmem:s1], [sflag:$0x4] =	stream.linear.gather [hbm4b:s13+s0], $0x180, $0x38;
	[tilespmem:$0x1CC80] =	vst v63  }
0x15b: {  	s21 =	simm.s32 $0x3  }
0x15c: {  	_ =	swait.ge [sflag:s21], $0x180  }
0x15d: {  	[sflag:s21] =	ssyncset.done $0x0  }
0x15e: {  	s22 =	simm.s32 $0x4;
	[sflag:s21] =	ssyncadd.s32 $0xFFFFFE80  }
0x15f: {  	_ =	swait.ge [sflag:s22], $0x180  }
0x160: {  	[sflag:s22] =	ssyncset.done $0x0  }
0x161: {  	[sflag:s22] =	ssyncadd.s32 $0xFFFFFE80  }
0x162: {  	[bflag:$0x0] =	sbarrier.arrive $0xFFFF  }
0x163: {  	[tilespmem:$0x0] =	vst v0  }
0x164: {  	[tilespmem:$0x10] =	vst v1  }
0x165: {  	[tilespmem:$0x20] =	vst v2  }
0x166: {  	[tilespmem:$0x30] =	vst v4  }
0x167: {  	s5 =	simm.s32 $0x60;
	s23 =	simm.s32 $0x0;
	[tilespmem:$0x40] =	vst v6  }
0x168: {  	s4 =	simm.s32 $0x6300;
	s24 =	simm.s32 $0x5;
	s7 =	stileid.u32;
	[tilespmem:$0x50] =	vst v8  }
0x169: {  	[tilespmem:s4], [sflag:$0x5] =	stream.indirect.gather [spmem:s2], $0x10, s23, s5, $0xb8;
	[tilespmem:$0x1CC80] =	vst v63  }
0x16a: {  	s6 =	smul.u32 $0x4F0, s7;
	_ =	swait.ge [sflag:s24], $0x600  }
0x16b: {  	[sflag:s24] =	ssyncset.done $0x0  }
0x16c: {  	s6 =	sadd.s32 s3, s6;
	[sflag:s24] =	ssyncadd.s32 $0xFFFFFA00  }
0x16d: {  	[hbm4b:s6+s23] =	stream.linear.scatter [tilespmem:s4], [sflag:$0x5], $0x600, $0x38;
	[tilespmem:$0x1CC80] =	vst v63  }
0x16e: {  	_ =	swait.ge [sflag:s24], $0x600  }
0x16f: {  	[sflag:s24] =	ssyncset.done $0x0  }
0x170: {  	[sflag:s24] =	ssyncadd.s32 $0xFFFFFA00  }
0x171: {  	[tilespmem:$0x0] =	vst v3  }
0x172: {  	[tilespmem:$0x10] =	vst v5  }
0x173: {  	[tilespmem:$0x20] =	vst v7  }
0x174: {  	[tilespmem:$0x30] =	vst v9  }
0x175: {  	[tilespmem:$0x40] =	vst v11  }
0x176: {  	[tilespmem:$0x50] =	vst v13  }
0x177: {  	[tilespmem:s4], [sflag:$0x5] =	stream.indirect.gather [spmem:s2], $0x10, s23, s5, $0xb8;
	[tilespmem:$0x1CC80] =	vst v63  }
0x178: {  	_ =	swait.ge [sflag:s24], $0x600  }
0x179: {  	s25 =	sshll.u32 s20, $0x1;
	[sflag:s24] =	ssyncset.done $0x0  }
0x17a: {  	s6 =	sadd.s32 s3, s25;
	[sflag:s24] =	ssyncadd.s32 $0xFFFFFA00  }
0x17b: {  	[hbm4b:s6+s23] =	stream.linear.scatter [tilespmem:s4], [sflag:$0x5], $0x600, $0x38;
	[tilespmem:$0x1CC80] =	vst v63  }
0x17c: {  	_ =	swait.ge [sflag:s24], $0x600  }
0x17d: {  	[sflag:s24] =	ssyncset.done $0x0  }
0x17e: {  	[sflag:s24] =	ssyncadd.s32 $0xFFFFFA00  }
0x17f: {  	[tilespmem:$0x0] =	vst v10  }
0x180: {  	[tilespmem:$0x10] =	vst v12  }
0x181: {  	[tilespmem:$0x20] =	vst v14  }
0x182: {  	[tilespmem:$0x30] =	vst v15  }
0x183: {  	[tilespmem:$0x40] =	vst v17  }
0x184: {  	[tilespmem:$0x50] =	vst v19  }
0x185: {  	[tilespmem:s4], [sflag:$0x5] =	stream.indirect.gather [spmem:s2], $0x10, s23, s5, $0xb8;
	[tilespmem:$0x1CC80] =	vst v63  }
0x186: {  	_ =	swait.ge [sflag:s24], $0x600  }
0x187: {  	s26 =	sshll.u32 s19, $0x1;
	[sflag:s24] =	ssyncset.done $0x0  }
0x188: {  	s6 =	sadd.s32 s3, s26;
	[sflag:s24] =	ssyncadd.s32 $0xFFFFFA00  }
0x189: {  	[hbm4b:s6+s23] =	stream.linear.scatter [tilespmem:s4], [sflag:$0x5], $0x600, $0x38;
	[tilespmem:$0x1CC80] =	vst v63  }
0x18a: {  	_ =	swait.ge [sflag:s24], $0x600  }
0x18b: {  	[sflag:s24] =	ssyncset.done $0x0  }
0x18c: {  	[sflag:s24] =	ssyncadd.s32 $0xFFFFFA00  }
0x18d: {  	[tilespmem:$0x0] =	vst v16  }
0x18e: {  	[tilespmem:$0x10] =	vst v18  }
0x18f: {  	[tilespmem:$0x20] =	vst v20  }
0x190: {  	[tilespmem:$0x30] =	vst v21  }
0x191: {  	[tilespmem:$0x40] =	vst v23  }
0x192: {  	[tilespmem:$0x50] =	vst v25  }
0x193: {  	[tilespmem:s4], [sflag:$0x5] =	stream.indirect.gather [spmem:s2], $0x10, s23, s5, $0xb8;
	[tilespmem:$0x1CC80] =	vst v63  }
0x194: {  	_ =	swait.ge [sflag:s24], $0x600  }
0x195: {  	s28 =	sshll.u32 s18, $0x1;
	[sflag:s24] =	ssyncset.done $0x0  }
0x196: {  	s6 =	sadd.s32 s3, s28;
	[sflag:s24] =	ssyncadd.s32 $0xFFFFFA00  }
0x197: {  	[hbm4b:s6+s23] =	stream.linear.scatter [tilespmem:s4], [sflag:$0x5], $0x600, $0x38;
	[tilespmem:$0x1CC80] =	vst v63  }
0x198: {  	_ =	swait.ge [sflag:s24], $0x600  }
0x199: {  	[sflag:s24] =	ssyncset.done $0x0  }
0x19a: {  	[sflag:s24] =	ssyncadd.s32 $0xFFFFFA00  }
0x19b: {  	[tilespmem:$0x0] =	vst v22  }
0x19c: {  	[tilespmem:$0x10] =	vst v24  }
0x19d: {  	[tilespmem:$0x20] =	vst v26  }
0x19e: {  	[tilespmem:$0x30] =	vst v27  }
0x19f: {  	[tilespmem:$0x40] =	vst v29  }
0x1a0: {  	[tilespmem:$0x50] =	vst v31  }
0x1a1: {  	[tilespmem:s4], [sflag:$0x5] =	stream.indirect.gather [spmem:s2], $0x10, s23, s5, $0xb8;
	[tilespmem:$0x1CC80] =	vst v63  }
0x1a2: {  	_ =	swait.ge [sflag:s24], $0x600  }
0x1a3: {  	s29 =	sshll.u32 s17, $0x1;
	[sflag:s24] =	ssyncset.done $0x0  }
0x1a4: {  	s6 =	sadd.s32 s3, s29;
	[sflag:s24] =	ssyncadd.s32 $0xFFFFFA00  }
0x1a5: {  	[hbm4b:s6+s23] =	stream.linear.scatter [tilespmem:s4], [sflag:$0x5], $0x600, $0x38;
	[tilespmem:$0x1CC80] =	vst v63  }
0x1a6: {  	_ =	swait.ge [sflag:s24], $0x600  }
0x1a7: {  	[sflag:s24] =	ssyncset.done $0x0  }
0x1a8: {  	[sflag:s24] =	ssyncadd.s32 $0xFFFFFA00  }
0x1a9: {  	[tilespmem:$0x0] =	vst v28  }
0x1aa: {  	[tilespmem:$0x10] =	vst v30  }
0x1ab: {  	[tilespmem:$0x20] =	vst v32  }
0x1ac: {  	[tilespmem:$0x30] =	vst v33  }
0x1ad: {  	[tilespmem:$0x40] =	vst v34  }
0x1ae: {  	[tilespmem:$0x50] =	vst v35  }
0x1af: {  	[tilespmem:s4], [sflag:$0x5] =	stream.indirect.gather [spmem:s2], $0x10, s23, s5, $0xb8;
	[tilespmem:$0x1CC80] =	vst v63  }
0x1b0: {  	_ =	swait.ge [sflag:s24], $0x600  }
0x1b1: {  	s30 =	sshll.u32 s16, $0x1;
	[sflag:s24] =	ssyncset.done $0x0  }
0x1b2: {  	s6 =	sadd.s32 s3, s30;
	[sflag:s24] =	ssyncadd.s32 $0xFFFFFA00  }
0x1b3: {  	[hbm4b:s6+s23] =	stream.linear.scatter [tilespmem:s4], [sflag:$0x5], $0x600, $0x38;
	[tilespmem:$0x1CC80] =	vst v63  }
0x1b4: {  	_ =	swait.ge [sflag:s24], $0x600  }
0x1b5: {  	[sflag:s24] =	ssyncset.done $0x0  }
0x1b6: {  	[sflag:s24] =	ssyncadd.s32 $0xFFFFFA00  }
0x1b7: {  	[tilespmem:$0x0] =	vst v36  }
0x1b8: {  	[tilespmem:$0x10] =	vst v37  }
0x1b9: {  	[tilespmem:$0x20] =	vst v38  }
0x1ba: {  	[tilespmem:$0x30] =	vst v39  }
0x1bb: {  	[tilespmem:$0x40] =	vst v40  }
0x1bc: {  	[tilespmem:$0x50] =	vst v40  }
0x1bd: {  	[tilespmem:s4], [sflag:$0x5] =	stream.indirect.gather [spmem:s2], $0x10, s23, s5, $0xb8;
	[tilespmem:$0x1CC80] =	vst v63  }
0x1be: {  	_ =	swait.ge [sflag:s24], $0x600  }
0x1bf: {  	s31 =	sshll.u32 s15, $0x1;
	[sflag:s24] =	ssyncset.done $0x0  }
0x1c0: {  	s2 =	sadd.s32 s3, s31;
	[sflag:s24] =	ssyncadd.s32 $0xFFFFFA00  }
0x1c1: {  	[hbm4b:s2+s23] =	stream.linear.scatter [tilespmem:s4], [sflag:$0x5], $0x380, $0x38;
	[tilespmem:$0x1CC80] =	vst v63  }
0x1c2: {  	_ =	swait.ge [sflag:s24], $0x380  }
0x1c3: {  	[sflag:s24] =	ssyncset.done $0x0  }
0x1c4: {  	[sflag:s24] =	ssyncadd.s32 $0xFFFFFC80  }
0x1c5: {  	_ =	sfence.sel $0x180000  }
0x1c6: {  	[bflag:$0x0] =	sbarrier.arrive $0xFFFF  }
0x1c7: {  	_ =	strace $0x90000047  }
0x1c8: {  	[bflag:$0x2] =	sbarrier.arrive $0xFFFF  }
0x1c9: {  	p0 =	sne.s32 s7, $0x0;
	s0 =	rddreg [dreg:$0x4]  }
0x1ca: {  	s0 =	sadd.s32 @!p0 $0x100000, s0  }
0x1cb: {  	[sflag:s0] =	ssyncadd.tile.s32 @!p0 $0x1;
	_ =	shalt  }
.Lfunc_end2:
_tile_overlayer_lowered:
.L_overlay_start_2:
0x1cc: {  	(tag) =	ssettag $0x2  }
0x1cd: {  	s0 =	rddreg [dreg:$0x0];
	s2 =	stileid.u32  }
0x1ce: {  	s1 =	rddreg [dreg:$0x1];
	p0 =	sne.s32 s2, $0x0  }
0x1cf: {  	s3 =	rddreg [dreg:$0x2];
	[bflag:$0x3] =	sbarrier.arrive $0xFFFF;
	s2 =	simm.s32 @!p0 $0x1C05  }
0x1d0: {  	[timem:s3], [sflag:s2] =	dma.local @!p0 [hbm:s0], s1  }
0x1d1: {  	s0 =	simm.s32 @!p0 $0x5  }
0x1d2: {  	_ =	swait.ge @!p0 [sflag:s0], s1  }
0x1d3: {  	s1 =	ssub.s32 @!p0 $0x0, s1;
	[sflag:s0] =	ssyncset.done @!p0 $0x0  }
0x1d4: {  	[sflag:s0] =	ssyncadd.s32 @!p0 s1  }
0x1d5: {  	[bflag:$0x3] =	sbarrier.arrive $0xFFFF  }
0x1d6: {  	_ =	shalt  }

</sc_bundles>
